<compile_context>
chip_gen: v7x
topology: tpu7x:2x2x1
jax: 0.10.2.dev20260603
libtpu: 0.0.44.dev20260713+nightly
codegen_flags: <defaults>
</compile_context>

<pallas_src>
import jax
import jax.numpy as jnp
from jax import lax
from jax.experimental import pallas as pl
from jax.experimental.pallas import tpu as pltpu
from jax.experimental.pallas import tpu_sc as plsc

SEQ = 200
SEQP = 208
D = 64
BATCH = 4096
VEC = 16
NCORES = 2
NSUB = 16
NW = NCORES * NSUB
SPW = BATCH // NW
SPLIT = (128, 72)
NFULL = SEQ // VEC
TAIL = SEQ - NFULL * VEC


def _sc_body(inputs_hbm, base2_hbm, pos_hbm, out_hbm,
             idxr_v, pos_v, ih0, ih1, g0, g1, o0, o1,
             gs0, gs1, ss0, ss1):
    ihbuf = (ih0, ih1)
    gbuf = (g0, g1)
    obuf = (o0, o1)
    gsem = (gs0, gs1)
    ssem = (ss0, ss1)

    wid = lax.axis_index("c") * NSUB + lax.axis_index("s")
    s0 = pl.multiple_of(wid * SPW, SPW)

    pltpu.sync_copy(inputs_hbm.at[pl.ds(s0 * SEQP, SPW * SEQP)], idxr_v)
    pltpu.sync_copy(pos_hbm, pos_v)

    def build_pair_idx(i, v):
        for t in range(SEQP // VEC):
            ihbuf[v][pl.ds(t * VEC, VEC)] = lax.shift_right_logical(
                idxr_v[pl.ds(i * SEQP + t * VEC, VEC)], 1)

    def start_gather(v):
        off = 0
        for n in SPLIT:
            pltpu.async_copy(base2_hbm.at[ihbuf[v].at[pl.ds(off, n)]],
                             gbuf[v].at[pl.ds(off, n)], gsem[v])
            off += n

    def wait_gather(v):
        off = 0
        for n in SPLIT:
            pltpu.make_async_copy(base2_hbm.at[pl.ds(0, n)],
                                  gbuf[v].at[pl.ds(off, n)], gsem[v]).wait()
            off += n

    def wait_scatter(v):
        pltpu.make_async_copy(obuf[v], out_hbm.at[0], ssem[v]).wait()

    def chunk(i, u, r0, nrows):
        parv = jnp.bitwise_and(idxr_v[pl.ds(i * SEQP + r0, VEC)], 1)
        for j in range(nrows):
            r = r0 + j
            off = lax.shift_left(parv[j], 6)
            for c in range(D // VEC):
                v = gbuf[u][r, pl.ds(off + c * VEC, VEC)]
                p = pos_v[pl.ds(r * D + c * VEC, VEC)]
                obuf[u][pl.ds(r * D + c * VEC, VEC)] = v + p

    def compute(i, u):
        def k_body(k, carry):
            chunk(i, u, k * VEC, VEC)
            return carry
        lax.fori_loop(0, NFULL, k_body, 0)
        chunk(i, u, NFULL * VEC, TAIL)

    build_pair_idx(0, 0)
    start_gather(0)

    def t_body(t, carry):
        for u in range(2):
            i = t * 2 + u

            @pl.when(i + 1 < SPW)
            def _():
                build_pair_idx(i + 1, 1 - u)
                start_gather(1 - u)

            wait_gather(u)

            @pl.when(i >= 2)
            def _():
                wait_scatter(u)

            compute(i, u)
            pltpu.async_copy(obuf[u], out_hbm.at[s0 + i], ssem[u])
        return carry

    lax.fori_loop(0, SPW // 2, t_body, 0)

    for v in range(2):
        wait_scatter(v)


@jax.jit
def _run(inputs_p, base2, pos_f):
    mesh = plsc.VectorSubcoreMesh(core_axis_name="c", subcore_axis_name="s")
    f = pl.kernel(
        _sc_body,
        out_type=jax.ShapeDtypeStruct((BATCH, SEQ * D), jnp.float32),
        mesh=mesh,
        scratch_types=[
            pltpu.VMEM((SPW * SEQP,), jnp.int32),
            pltpu.VMEM((SEQ * D,), jnp.float32),
            *[pltpu.VMEM((SEQP,), jnp.int32) for _ in range(2)],
            *[pltpu.VMEM((SEQ, 2 * D), jnp.float32) for _ in range(2)],
            *[pltpu.VMEM((SEQ * D,), jnp.float32) for _ in range(2)],
            *[pltpu.SemaphoreType.DMA for _ in range(4)],
        ],
    )
    return f(inputs_p, base2, pos_f)


def kernel(inputs, base_table, pos_table):
    inputs_p = jnp.pad(inputs.astype(jnp.int32),
                       ((0, 0), (0, SEQP - SEQ))).reshape(-1)
    base2 = base_table.reshape(500000, 2 * D)
    out = _run(inputs_p, base2, pos_table.reshape(-1))
    return out.reshape(BATCH, SEQ, D)

# --- scband reference (transcript-rebuilt; emitter-appended) ---
"""Pipeline reference for scband-positional-embedding-90237262889005 (READ-ONLY COPY).

The authoritative reference and input builder live on the scoring server;
editing this copy changes nothing except your own understanding.
"""

import jax, jax.numpy as jnp
import numpy as np

SEQ_LEN = 200
VOCAB = 1000000
EMBED_DIM = 64
BATCH = 4096

def setup_inputs(seed: int = 0) -> dict:
    key = jax.random.key(seed)
    k1, k2, k3 = jax.random.split(key, 3)
    inputs = jax.random.randint(k1, (BATCH, SEQ_LEN), 0, VOCAB, dtype=jnp.int64 if jax.config.jax_enable_x64 else jnp.int32)
    base_table = jax.random.normal(k2, (VOCAB, EMBED_DIM), dtype=jnp.float32) * 0.02
    pos_table = jax.random.normal(k3, (SEQ_LEN, EMBED_DIM), dtype=jnp.float32) * 0.02
    return {"inputs": inputs, "base_table": base_table, "pos_table": pos_table}

def reference(inputs, base_table, pos_table):
    length = inputs.shape[-1]
    positions = jnp.arange(0, length)
    tokens = jnp.take(base_table, inputs, axis=0)           # [B, L, D] gather
    pos = jnp.take(pos_table, positions, axis=0)            # [L, D] gather
    return tokens + pos[None, :, :]

if __name__ == "__main__":
    import jax
    _d = setup_inputs()
    print(jax.jit(kernel)(*tuple(_d.values())))

</pallas_src>

<mosaic_0001>
#map = affine_map<(d0, d1) -> (0)>
#map1 = affine_map<(d0, d1) -> (0, 0)>
module attributes {stable_mosaic.version = 14 : i64} {
  func.func @_sc_body(%arg0: i32, %arg1: i32, %arg2: memref<851968xi32, #tpu.memory_space<hbm>>, %arg3: memref<500000x128xf32, #tpu.memory_space<hbm>>, %arg4: memref<12800xf32, #tpu.memory_space<hbm>>, %arg5: memref<4096x12800xf32, #tpu.memory_space<hbm>>, %arg6: memref<26624xi32, #tpu.memory_space<vmem>>, %arg7: memref<12800xf32, #tpu.memory_space<vmem>>, %arg8: memref<208xi32, #tpu.memory_space<vmem>>, %arg9: memref<208xi32, #tpu.memory_space<vmem>>, %arg10: memref<200x128xf32, #tpu.memory_space<vmem>>, %arg11: memref<200x128xf32, #tpu.memory_space<vmem>>, %arg12: memref<12800xf32, #tpu.memory_space<vmem>>, %arg13: memref<12800xf32, #tpu.memory_space<vmem>>, %arg14: memref<!tpu.dma_semaphore, #tpu.memory_space<semaphore_mem>>, %arg15: memref<!tpu.dma_semaphore, #tpu.memory_space<semaphore_mem>>, %arg16: memref<!tpu.dma_semaphore, #tpu.memory_space<semaphore_mem>>, %arg17: memref<!tpu.dma_semaphore, #tpu.memory_space<semaphore_mem>>) attributes {dimension_semantics = [#tpu.dimension_semantics<core_parallel>, #tpu.dimension_semantics<subcore_parallel>], iteration_bounds = array<i64: 2, 16>, scalar_prefetch = 0 : i64, scratch_operands = 12 : i64, tpu.core_type = #tpu.core_type<sc_vector_subcore>, window_params = [{transform_indices = #map}, {transform_indices = #map1}, {transform_indices = #map}, {transform_indices = #map1}]} {
    %mul3A = arith.constant 16 : i32
    %mul3A_0 = arith.muli %arg0, %mul3A : i32
    %add3A = arith.addi %mul3A_0, %arg1 : i32
    %mul3A_1 = arith.constant 128 : i32
    %mul3A_2 = arith.muli %add3A, %mul3A_1 : i32
    %multiple_of3A = tpu.assume_multiple %mul3A_2, 128 : i32
    %mul3A_3 = arith.constant 208 : i32
    %mul3A_4 = arith.muli %multiple_of3A, %mul3A_3 : i32
    "tpu.region"() ({
      %run_scoped3A = tpu.sem_alloc : memref<!tpu.dma_semaphore, #tpu.memory_space<semaphore_mem>>
      %dma_start3A_165 = tpu.memref_slice %arg2[%mul3A_4] : memref<851968xi32, #tpu.memory_space<hbm>> -> memref<26624xi32, #tpu.memory_space<hbm>>
      %dma_start3A_166 = tpu.memref_slice %arg2[%mul3A_4] : memref<851968xi32, #tpu.memory_space<hbm>> -> memref<26624xi32, #tpu.memory_space<hbm>>
      tpu.enqueue_dma source(%dma_start3A_166 : memref<26624xi32, #tpu.memory_space<hbm>>) target(%arg6 : memref<26624xi32, #tpu.memory_space<vmem>>) target_semaphore(%run_scoped3A : memref<!tpu.dma_semaphore, #tpu.memory_space<semaphore_mem>>)
      %dma_wait3A_167 = tpu.memref_slice %arg2[%mul3A_4] : memref<851968xi32, #tpu.memory_space<hbm>> -> memref<26624xi32, #tpu.memory_space<hbm>>
      %dma_wait3A_168 = tpu.memref_slice %arg2[%mul3A_4] : memref<851968xi32, #tpu.memory_space<hbm>> -> memref<26624xi32, #tpu.memory_space<hbm>>
      tpu.wait_dma2 semaphore(%run_scoped3A : memref<!tpu.dma_semaphore, #tpu.memory_space<semaphore_mem>>) src(%dma_wait3A_168 : memref<26624xi32, #tpu.memory_space<hbm>>) dst(%arg6 : memref<26624xi32, #tpu.memory_space<vmem>>)
      tpu.yield
    }) : () -> ()
    "tpu.region"() ({
      %run_scoped3A = tpu.sem_alloc : memref<!tpu.dma_semaphore, #tpu.memory_space<semaphore_mem>>
      tpu.enqueue_dma source(%arg4 : memref<12800xf32, #tpu.memory_space<hbm>>) target(%arg7 : memref<12800xf32, #tpu.memory_space<vmem>>) target_semaphore(%run_scoped3A : memref<!tpu.dma_semaphore, #tpu.memory_space<semaphore_mem>>)
      tpu.wait_dma2 semaphore(%run_scoped3A : memref<!tpu.dma_semaphore, #tpu.memory_space<semaphore_mem>>) src(%arg4 : memref<12800xf32, #tpu.memory_space<hbm>>) dst(%arg7 : memref<12800xf32, #tpu.memory_space<vmem>>)
      tpu.yield
    }) : () -> ()
    %get3A = arith.constant 0 : index
    %get3A_5 = tpu.vector_load %arg6[%get3A] {strides = array<i32>} : memref<26624xi32, #tpu.memory_space<vmem>>, vector<16xi32>,
    %get3A_6 = vector.shape_cast %get3A_5 : vector<16xi32> to vector<16xi32>
    %shift_right_logical3A = arith.constant 1 : i32
    %shift_right_logical3A_7 = vector.broadcast %shift_right_logical3A : i32 to vector<16xi32>
    %shift_right_logical3A_8 = arith.shrui %get3A_6, %shift_right_logical3A_7 : vector<16xi32>
    %swap3A = arith.constant 0 : index
    %swap3A_9 = tpu.vector_load %arg8[%swap3A] {strides = array<i32>} : memref<208xi32, #tpu.memory_space<vmem>>, vector<16xi32>,
    %swap3A_10 = vector.shape_cast %swap3A_9 : vector<16xi32> to vector<16xi32>
    %swap3A_11 = vector.shape_cast %shift_right_logical3A_8 : vector<16xi32> to vector<16xi32>
    tpu.vector_store %arg8[%swap3A], %swap3A_11 {strides = array<i32>} : memref<208xi32, #tpu.memory_space<vmem>>, vector<16xi32>,
    %get3A_12 = arith.constant 16 : index
    %get3A_13 = tpu.vector_load %arg6[%get3A_12] {strides = array<i32>} : memref<26624xi32, #tpu.memory_space<vmem>>, vector<16xi32>,
    %get3A_14 = vector.shape_cast %get3A_13 : vector<16xi32> to vector<16xi32>
    %shift_right_logical3A_15 = arith.constant 1 : i32
    %shift_right_logical3A_16 = vector.broadcast %shift_right_logical3A_15 : i32 to vector<16xi32>
    %shift_right_logical3A_17 = arith.shrui %get3A_14, %shift_right_logical3A_16 : vector<16xi32>
    %swap3A_18 = arith.constant 16 : index
    %swap3A_19 = tpu.vector_load %arg8[%swap3A_18] {strides = array<i32>} : memref<208xi32, #tpu.memory_space<vmem>>, vector<16xi32>,
    %swap3A_20 = vector.shape_cast %swap3A_19 : vector<16xi32> to vector<16xi32>
    %swap3A_21 = vector.shape_cast %shift_right_logical3A_17 : vector<16xi32> to vector<16xi32>
    tpu.vector_store %arg8[%swap3A_18], %swap3A_21 {strides = array<i32>} : memref<208xi32, #tpu.memory_space<vmem>>, vector<16xi32>,
    %get3A_22 = arith.constant 32 : index
    %get3A_23 = tpu.vector_load %arg6[%get3A_22] {strides = array<i32>} : memref<26624xi32, #tpu.memory_space<vmem>>, vector<16xi32>,
    %get3A_24 = vector.shape_cast %get3A_23 : vector<16xi32> to vector<16xi32>
    %shift_right_logical3A_25 = arith.constant 1 : i32
    %shift_right_logical3A_26 = vector.broadcast %shift_right_logical3A_25 : i32 to vector<16xi32>
    %shift_right_logical3A_27 = arith.shrui %get3A_24, %shift_right_logical3A_26 : vector<16xi32>
    %swap3A_28 = arith.constant 32 : index
    %swap3A_29 = tpu.vector_load %arg8[%swap3A_28] {strides = array<i32>} : memref<208xi32, #tpu.memory_space<vmem>>, vector<16xi32>,
    %swap3A_30 = vector.shape_cast %swap3A_29 : vector<16xi32> to vector<16xi32>
    %swap3A_31 = vector.shape_cast %shift_right_logical3A_27 : vector<16xi32> to vector<16xi32>
    tpu.vector_store %arg8[%swap3A_28], %swap3A_31 {strides = array<i32>} : memref<208xi32, #tpu.memory_space<vmem>>, vector<16xi32>,
    %get3A_32 = arith.constant 48 : index
    %get3A_33 = tpu.vector_load %arg6[%get3A_32] {strides = array<i32>} : memref<26624xi32, #tpu.memory_space<vmem>>, vector<16xi32>,
    %get3A_34 = vector.shape_cast %get3A_33 : vector<16xi32> to vector<16xi32>
    %shift_right_logical3A_35 = arith.constant 1 : i32
    %shift_right_logical3A_36 = vector.broadcast %shift_right_logical3A_35 : i32 to vector<16xi32>
    %shift_right_logical3A_37 = arith.shrui %get3A_34, %shift_right_logical3A_36 : vector<16xi32>
    %swap3A_38 = arith.constant 48 : index
    %swap3A_39 = tpu.vector_load %arg8[%swap3A_38] {strides = array<i32>} : memref<208xi32, #tpu.memory_space<vmem>>, vector<16xi32>,
    %swap3A_40 = vector.shape_cast %swap3A_39 : vector<16xi32> to vector<16xi32>
    %swap3A_41 = vector.shape_cast %shift_right_logical3A_37 : vector<16xi32> to vector<16xi32>
    tpu.vector_store %arg8[%swap3A_38], %swap3A_41 {strides = array<i32>} : memref<208xi32, #tpu.memory_space<vmem>>, vector<16xi32>,
    %get3A_42 = arith.constant 64 : index
    %get3A_43 = tpu.vector_load %arg6[%get3A_42] {strides = array<i32>} : memref<26624xi32, #tpu.memory_space<vmem>>, vector<16xi32>,
    %get3A_44 = vector.shape_cast %get3A_43 : vector<16xi32> to vector<16xi32>
    %shift_right_logical3A_45 = arith.constant 1 : i32
    %shift_right_logical3A_46 = vector.broadcast %shift_right_logical3A_45 : i32 to vector<16xi32>
    %shift_right_logical3A_47 = arith.shrui %get3A_44, %shift_right_logical3A_46 : vector<16xi32>
    %swap3A_48 = arith.constant 64 : index
    %swap3A_49 = tpu.vector_load %arg8[%swap3A_48] {strides = array<i32>} : memref<208xi32, #tpu.memory_space<vmem>>, vector<16xi32>,
    %swap3A_50 = vector.shape_cast %swap3A_49 : vector<16xi32> to vector<16xi32>
    %swap3A_51 = vector.shape_cast %shift_right_logical3A_47 : vector<16xi32> to vector<16xi32>
    tpu.vector_store %arg8[%swap3A_48], %swap3A_51 {strides = array<i32>} : memref<208xi32, #tpu.memory_space<vmem>>, vector<16xi32>,
    %get3A_52 = arith.constant 80 : index
    %get3A_53 = tpu.vector_load %arg6[%get3A_52] {strides = array<i32>} : memref<26624xi32, #tpu.memory_space<vmem>>, vector<16xi32>,
    %get3A_54 = vector.shape_cast %get3A_53 : vector<16xi32> to vector<16xi32>
    %shift_right_logical3A_55 = arith.constant 1 : i32
    %shift_right_logical3A_56 = vector.broadcast %shift_right_logical3A_55 : i32 to vector<16xi32>
    %shift_right_logical3A_57 = arith.shrui %get3A_54, %shift_right_logical3A_56 : vector<16xi32>
    %swap3A_58 = arith.constant 80 : index
    %swap3A_59 = tpu.vector_load %arg8[%swap3A_58] {strides = array<i32>} : memref<208xi32, #tpu.memory_space<vmem>>, vector<16xi32>,
    %swap3A_60 = vector.shape_cast %swap3A_59 : vector<16xi32> to vector<16xi32>
    %swap3A_61 = vector.shape_cast %shift_right_logical3A_57 : vector<16xi32> to vector<16xi32>
    tpu.vector_store %arg8[%swap3A_58], %swap3A_61 {strides = array<i32>} : memref<208xi32, #tpu.memory_space<vmem>>, vector<16xi32>,
    %get3A_62 = arith.constant 96 : index
    %get3A_63 = tpu.vector_load %arg6[%get3A_62] {strides = array<i32>} : memref<26624xi32, #tpu.memory_space<vmem>>, vector<16xi32>,
    %get3A_64 = vector.shape_cast %get3A_63 : vector<16xi32> to vector<16xi32>
    %shift_right_logical3A_65 = arith.constant 1 : i32
    %shift_right_logical3A_66 = vector.broadcast %shift_right_logical3A_65 : i32 to vector<16xi32>
    %shift_right_logical3A_67 = arith.shrui %get3A_64, %shift_right_logical3A_66 : vector<16xi32>
    %swap3A_68 = arith.constant 96 : index
    %swap3A_69 = tpu.vector_load %arg8[%swap3A_68] {strides = array<i32>} : memref<208xi32, #tpu.memory_space<vmem>>, vector<16xi32>,
    %swap3A_70 = vector.shape_cast %swap3A_69 : vector<16xi32> to vector<16xi32>
    %swap3A_71 = vector.shape_cast %shift_right_logical3A_67 : vector<16xi32> to vector<16xi32>
    tpu.vector_store %arg8[%swap3A_68], %swap3A_71 {strides = array<i32>} : memref<208xi32, #tpu.memory_space<vmem>>, vector<16xi32>,
    %get3A_72 = arith.constant 112 : index
    %get3A_73 = tpu.vector_load %arg6[%get3A_72] {strides = array<i32>} : memref<26624xi32, #tpu.memory_space<vmem>>, vector<16xi32>,
    %get3A_74 = vector.shape_cast %get3A_73 : vector<16xi32> to vector<16xi32>
    %shift_right_logical3A_75 = arith.constant 1 : i32
    %shift_right_logical3A_76 = vector.broadcast %shift_right_logical3A_75 : i32 to vector<16xi32>
    %shift_right_logical3A_77 = arith.shrui %get3A_74, %shift_right_logical3A_76 : vector<16xi32>
    %swap3A_78 = arith.constant 112 : index
    %swap3A_79 = tpu.vector_load %arg8[%swap3A_78] {strides = array<i32>} : memref<208xi32, #tpu.memory_space<vmem>>, vector<16xi32>,
    %swap3A_80 = vector.shape_cast %swap3A_79 : vector<16xi32> to vector<16xi32>
    %swap3A_81 = vector.shape_cast %shift_right_logical3A_77 : vector<16xi32> to vector<16xi32>
    tpu.vector_store %arg8[%swap3A_78], %swap3A_81 {strides = array<i32>} : memref<208xi32, #tpu.memory_space<vmem>>, vector<16xi32>,
    %get3A_82 = arith.constant 128 : index
    %get3A_83 = tpu.vector_load %arg6[%get3A_82] {strides = array<i32>} : memref<26624xi32, #tpu.memory_space<vmem>>, vector<16xi32>,
    %get3A_84 = vector.shape_cast %get3A_83 : vector<16xi32> to vector<16xi32>
    %shift_right_logical3A_85 = arith.constant 1 : i32
    %shift_right_logical3A_86 = vector.broadcast %shift_right_logical3A_85 : i32 to vector<16xi32>
    %shift_right_logical3A_87 = arith.shrui %get3A_84, %shift_right_logical3A_86 : vector<16xi32>
    %swap3A_88 = arith.constant 128 : index
    %swap3A_89 = tpu.vector_load %arg8[%swap3A_88] {strides = array<i32>} : memref<208xi32, #tpu.memory_space<vmem>>, vector<16xi32>,
    %swap3A_90 = vector.shape_cast %swap3A_89 : vector<16xi32> to vector<16xi32>
    %swap3A_91 = vector.shape_cast %shift_right_logical3A_87 : vector<16xi32> to vector<16xi32>
    tpu.vector_store %arg8[%swap3A_88], %swap3A_91 {strides = array<i32>} : memref<208xi32, #tpu.memory_space<vmem>>, vector<16xi32>,
    %get3A_92 = arith.constant 144 : index
    %get3A_93 = tpu.vector_load %arg6[%get3A_92] {strides = array<i32>} : memref<26624xi32, #tpu.memory_space<vmem>>, vector<16xi32>,
    %get3A_94 = vector.shape_cast %get3A_93 : vector<16xi32> to vector<16xi32>
    %shift_right_logical3A_95 = arith.constant 1 : i32
    %shift_right_logical3A_96 = vector.broadcast %shift_right_logical3A_95 : i32 to vector<16xi32>
    %shift_right_logical3A_97 = arith.shrui %get3A_94, %shift_right_logical3A_96 : vector<16xi32>
    %swap3A_98 = arith.constant 144 : index
    %swap3A_99 = tpu.vector_load %arg8[%swap3A_98] {strides = array<i32>} : memref<208xi32, #tpu.memory_space<vmem>>, vector<16xi32>,
    %swap3A_100 = vector.shape_cast %swap3A_99 : vector<16xi32> to vector<16xi32>
    %swap3A_101 = vector.shape_cast %shift_right_logical3A_97 : vector<16xi32> to vector<16xi32>
    tpu.vector_store %arg8[%swap3A_98], %swap3A_101 {strides = array<i32>} : memref<208xi32, #tpu.memory_space<vmem>>, vector<16xi32>,
    %get3A_102 = arith.constant 160 : index
    %get3A_103 = tpu.vector_load %arg6[%get3A_102] {strides = array<i32>} : memref<26624xi32, #tpu.memory_space<vmem>>, vector<16xi32>,
    %get3A_104 = vector.shape_cast %get3A_103 : vector<16xi32> to vector<16xi32>
    %shift_right_logical3A_105 = arith.constant 1 : i32
    %shift_right_logical3A_106 = vector.broadcast %shift_right_logical3A_105 : i32 to vector<16xi32>
    %shift_right_logical3A_107 = arith.shrui %get3A_104, %shift_right_logical3A_106 : vector<16xi32>
    %swap3A_108 = arith.constant 160 : index
    %swap3A_109 = tpu.vector_load %arg8[%swap3A_108] {strides = array<i32>} : memref<208xi32, #tpu.memory_space<vmem>>, vector<16xi32>,
    %swap3A_110 = vector.shape_cast %swap3A_109 : vector<16xi32> to vector<16xi32>
    %swap3A_111 = vector.shape_cast %shift_right_logical3A_107 : vector<16xi32> to vector<16xi32>
    tpu.vector_store %arg8[%swap3A_108], %swap3A_111 {strides = array<i32>} : memref<208xi32, #tpu.memory_space<vmem>>, vector<16xi32>,
    %get3A_112 = arith.constant 176 : index
    %get3A_113 = tpu.vector_load %arg6[%get3A_112] {strides = array<i32>} : memref<26624xi32, #tpu.memory_space<vmem>>, vector<16xi32>,
    %get3A_114 = vector.shape_cast %get3A_113 : vector<16xi32> to vector<16xi32>
    %shift_right_logical3A_115 = arith.constant 1 : i32
    %shift_right_logical3A_116 = vector.broadcast %shift_right_logical3A_115 : i32 to vector<16xi32>
    %shift_right_logical3A_117 = arith.shrui %get3A_114, %shift_right_logical3A_116 : vector<16xi32>
    %swap3A_118 = arith.constant 176 : index
    %swap3A_119 = tpu.vector_load %arg8[%swap3A_118] {strides = array<i32>} : memref<208xi32, #tpu.memory_space<vmem>>, vector<16xi32>,
    %swap3A_120 = vector.shape_cast %swap3A_119 : vector<16xi32> to vector<16xi32>
    %swap3A_121 = vector.shape_cast %shift_right_logical3A_117 : vector<16xi32> to vector<16xi32>
    tpu.vector_store %arg8[%swap3A_118], %swap3A_121 {strides = array<i32>} : memref<208xi32, #tpu.memory_space<vmem>>, vector<16xi32>,
    %get3A_122 = arith.constant 192 : index
    %get3A_123 = tpu.vector_load %arg6[%get3A_122] {strides = array<i32>} : memref<26624xi32, #tpu.memory_space<vmem>>, vector<16xi32>,
    %get3A_124 = vector.shape_cast %get3A_123 : vector<16xi32> to vector<16xi32>
    %shift_right_logical3A_125 = arith.constant 1 : i32
    %shift_right_logical3A_126 = vector.broadcast %shift_right_logical3A_125 : i32 to vector<16xi32>
    %shift_right_logical3A_127 = arith.shrui %get3A_124, %shift_right_logical3A_126 : vector<16xi32>
    %swap3A_128 = arith.constant 192 : index
    %swap3A_129 = tpu.vector_load %arg8[%swap3A_128] {strides = array<i32>} : memref<208xi32, #tpu.memory_space<vmem>>, vector<16xi32>,
    %swap3A_130 = vector.shape_cast %swap3A_129 : vector<16xi32> to vector<16xi32>
    %swap3A_131 = vector.shape_cast %shift_right_logical3A_127 : vector<16xi32> to vector<16xi32>
    tpu.vector_store %arg8[%swap3A_128], %swap3A_131 {strides = array<i32>} : memref<208xi32, #tpu.memory_space<vmem>>, vector<16xi32>,
    %dma_start3A = arith.constant 0 : i32
    %dma_start3A_132 = arith.constant 0 : i32
    %dma_start3A_133 = tpu.memref_slice %arg10[%dma_start3A, %dma_start3A_132] : memref<200x128xf32, #tpu.memory_space<vmem>> -> memref<128x128xf32, #tpu.memory_space<vmem>>
    %dma_start3A_134 = arith.constant 0 : i32
    %dma_start3A_135 = tpu.memref_slice %arg8[%dma_start3A_134] : memref<208xi32, #tpu.memory_space<vmem>> -> memref<128xi32, #tpu.memory_space<vmem>>
    %dma_start3A_136 = arith.constant 0 : i32
    %dma_start3A_137 = arith.constant 0 : i32
    %dma_start3A_138 = tpu.memref_slice %arg3[%dma_start3A_136, %dma_start3A_137] : memref<500000x128xf32, #tpu.memory_space<hbm>> -> memref<500000x128xf32, #tpu.memory_space<hbm>>
    tpu.enqueue_indirect_dma source(%dma_start3A_138 : memref<500000x128xf32, #tpu.memory_space<hbm>>) target(%dma_start3A_133 : memref<128x128xf32, #tpu.memory_space<vmem>>) offsets(%dma_start3A_135 : memref<128xi32, #tpu.memory_space<vmem>>) semaphore(%arg14 : memref<!tpu.dma_semaphore, #tpu.memory_space<semaphore_mem>>)
    %dma_start3A_139 = arith.constant 128 : i32
    %dma_start3A_140 = arith.constant 0 : i32
    %dma_start3A_141 = tpu.memref_slice %arg10[%dma_start3A_139, %dma_start3A_140] : memref<200x128xf32, #tpu.memory_space<vmem>> -> memref<72x128xf32, #tpu.memory_space<vmem>>
    %dma_start3A_142 = arith.constant 128 : i32
    %dma_start3A_143 = tpu.memref_slice %arg8[%dma_start3A_142] : memref<208xi32, #tpu.memory_space<vmem>> -> memref<72xi32, #tpu.memory_space<vmem>>
    %dma_start3A_144 = arith.constant 0 : i32
    %dma_start3A_145 = arith.constant 0 : i32
    %dma_start3A_146 = tpu.memref_slice %arg3[%dma_start3A_144, %dma_start3A_145] : memref<500000x128xf32, #tpu.memory_space<hbm>> -> memref<500000x128xf32, #tpu.memory_space<hbm>>
    tpu.enqueue_indirect_dma source(%dma_start3A_146 : memref<500000x128xf32, #tpu.memory_space<hbm>>) target(%dma_start3A_141 : memref<72x128xf32, #tpu.memory_space<vmem>>) offsets(%dma_start3A_143 : memref<72xi32, #tpu.memory_space<vmem>>) semaphore(%arg14 : memref<!tpu.dma_semaphore, #tpu.memory_space<semaphore_mem>>)
    %scan3A = arith.constant 0 : i32
    %scan3A_147 = arith.constant 0 : i32
    %scan3A_148 = arith.constant 64 : i32
    %scan3A_149 = arith.addi %scan3A_147, %scan3A_148 : i32
    %scan3A_150 = arith.constant 1 : i32
    scf.for %scan3A_165 = %scan3A_147 to %scan3A_149 step %scan3A_150  : i32 {
      %mul3A_166 = arith.constant 2 : i32
      %mul3A_167 = arith.muli %scan3A_165, %mul3A_166 : i32
      %add3A_168 = arith.constant 0 : i32
      %add3A_169 = arith.addi %mul3A_167, %add3A_168 : i32
      %add3A_170 = arith.constant 1 : i32
      %add3A_171 = arith.addi %add3A_169, %add3A_170 : i32
      %lt3A = arith.constant 128 : i32
      %lt3A_172 = arith.cmpi slt, %add3A_171, %lt3A : i32
      %convert_element_type3A = arith.extui %lt3A_172 : i1 to i32
      %cond3A = arith.constant 0 : i32
      %cond3A_173 = arith.cmpi ne, %convert_element_type3A, %cond3A : i32
      scf.if %cond3A_173 {
        %add3A_1308 = arith.constant 1 : i32
        %add3A_1309 = arith.addi %add3A_169, %add3A_1308 : i32
        %mul3A_1310 = arith.constant 208 : i32
        %mul3A_1311 = arith.muli %add3A_1309, %mul3A_1310 : i32
        %add3A_1312 = arith.constant 0 : i32
        %add3A_1313 = arith.addi %mul3A_1311, %add3A_1312 : i32
        %get3A_1314 = arith.index_cast %add3A_1313 : i32 to index
        %get3A_1315 = tpu.vector_load %arg6[%get3A_1314] {strides = array<i32>} : memref<26624xi32, #tpu.memory_space<vmem>>, vector<16xi32>,
        %get3A_1316 = vector.shape_cast %get3A_1315 : vector<16xi32> to vector<16xi32>
        %shift_right_logical3A_1317 = arith.constant 1 : i32
        %shift_right_logical3A_1318 = vector.broadcast %shift_right_logical3A_1317 : i32 to vector<16xi32>
        %shift_right_logical3A_1319 = arith.shrui %get3A_1316, %shift_right_logical3A_1318 : vector<16xi32>
        %swap3A_1320 = arith.constant 0 : index
        %swap3A_1321 = tpu.vector_load %arg9[%swap3A_1320] {strides = array<i32>} : memref<208xi32, #tpu.memory_space<vmem>>, vector<16xi32>,
        %swap3A_1322 = vector.shape_cast %swap3A_1321 : vector<16xi32> to vector<16xi32>
        %swap3A_1323 = vector.shape_cast %shift_right_logical3A_1319 : vector<16xi32> to vector<16xi32>
        tpu.vector_store %arg9[%swap3A_1320], %swap3A_1323 {strides = array<i32>} : memref<208xi32, #tpu.memory_space<vmem>>, vector<16xi32>,
        %mul3A_1324 = arith.constant 208 : i32
        %mul3A_1325 = arith.muli %add3A_1309, %mul3A_1324 : i32
        %add3A_1326 = arith.constant 16 : i32
        %add3A_1327 = arith.addi %mul3A_1325, %add3A_1326 : i32
        %get3A_1328 = arith.index_cast %add3A_1327 : i32 to index
        %get3A_1329 = tpu.vector_load %arg6[%get3A_1328] {strides = array<i32>} : memref<26624xi32, #tpu.memory_space<vmem>>, vector<16xi32>,
        %get3A_1330 = vector.shape_cast %get3A_1329 : vector<16xi32> to vector<16xi32>
        %shift_right_logical3A_1331 = arith.constant 1 : i32
        %shift_right_logical3A_1332 = vector.broadcast %shift_right_logical3A_1331 : i32 to vector<16xi32>
        %shift_right_logical3A_1333 = arith.shrui %get3A_1330, %shift_right_logical3A_1332 : vector<16xi32>
        %swap3A_1334 = arith.constant 16 : index
        %swap3A_1335 = tpu.vector_load %arg9[%swap3A_1334] {strides = array<i32>} : memref<208xi32, #tpu.memory_space<vmem>>, vector<16xi32>,
        %swap3A_1336 = vector.shape_cast %swap3A_1335 : vector<16xi32> to vector<16xi32>
        %swap3A_1337 = vector.shape_cast %shift_right_logical3A_1333 : vector<16xi32> to vector<16xi32>
        tpu.vector_store %arg9[%swap3A_1334], %swap3A_1337 {strides = array<i32>} : memref<208xi32, #tpu.memory_space<vmem>>, vector<16xi32>,
        %mul3A_1338 = arith.constant 208 : i32
        %mul3A_1339 = arith.muli %add3A_1309, %mul3A_1338 : i32
        %add3A_1340 = arith.constant 32 : i32
        %add3A_1341 = arith.addi %mul3A_1339, %add3A_1340 : i32
        %get3A_1342 = arith.index_cast %add3A_1341 : i32 to index
        %get3A_1343 = tpu.vector_load %arg6[%get3A_1342] {strides = array<i32>} : memref<26624xi32, #tpu.memory_space<vmem>>, vector<16xi32>,
        %get3A_1344 = vector.shape_cast %get3A_1343 : vector<16xi32> to vector<16xi32>
        %shift_right_logical3A_1345 = arith.constant 1 : i32
        %shift_right_logical3A_1346 = vector.broadcast %shift_right_logical3A_1345 : i32 to vector<16xi32>
        %shift_right_logical3A_1347 = arith.shrui %get3A_1344, %shift_right_logical3A_1346 : vector<16xi32>
        %swap3A_1348 = arith.constant 32 : index
        %swap3A_1349 = tpu.vector_load %arg9[%swap3A_1348] {strides = array<i32>} : memref<208xi32, #tpu.memory_space<vmem>>, vector<16xi32>,
        %swap3A_1350 = vector.shape_cast %swap3A_1349 : vector<16xi32> to vector<16xi32>
        %swap3A_1351 = vector.shape_cast %shift_right_logical3A_1347 : vector<16xi32> to vector<16xi32>
        tpu.vector_store %arg9[%swap3A_1348], %swap3A_1351 {strides = array<i32>} : memref<208xi32, #tpu.memory_space<vmem>>, vector<16xi32>,
        %mul3A_1352 = arith.constant 208 : i32
        %mul3A_1353 = arith.muli %add3A_1309, %mul3A_1352 : i32
        %add3A_1354 = arith.constant 48 : i32
        %add3A_1355 = arith.addi %mul3A_1353, %add3A_1354 : i32
        %get3A_1356 = arith.index_cast %add3A_1355 : i32 to index
        %get3A_1357 = tpu.vector_load %arg6[%get3A_1356] {strides = array<i32>} : memref<26624xi32, #tpu.memory_space<vmem>>, vector<16xi32>,
        %get3A_1358 = vector.shape_cast %get3A_1357 : vector<16xi32> to vector<16xi32>
        %shift_right_logical3A_1359 = arith.constant 1 : i32
        %shift_right_logical3A_1360 = vector.broadcast %shift_right_logical3A_1359 : i32 to vector<16xi32>
        %shift_right_logical3A_1361 = arith.shrui %get3A_1358, %shift_right_logical3A_1360 : vector<16xi32>
        %swap3A_1362 = arith.constant 48 : index
        %swap3A_1363 = tpu.vector_load %arg9[%swap3A_1362] {strides = array<i32>} : memref<208xi32, #tpu.memory_space<vmem>>, vector<16xi32>,
        %swap3A_1364 = vector.shape_cast %swap3A_1363 : vector<16xi32> to vector<16xi32>
        %swap3A_1365 = vector.shape_cast %shift_right_logical3A_1361 : vector<16xi32> to vector<16xi32>
        tpu.vector_store %arg9[%swap3A_1362], %swap3A_1365 {strides = array<i32>} : memref<208xi32, #tpu.memory_space<vmem>>, vector<16xi32>,
        %mul3A_1366 = arith.constant 208 : i32
        %mul3A_1367 = arith.muli %add3A_1309, %mul3A_1366 : i32
        %add3A_1368 = arith.constant 64 : i32
        %add3A_1369 = arith.addi %mul3A_1367, %add3A_1368 : i32
        %get3A_1370 = arith.index_cast %add3A_1369 : i32 to index
        %get3A_1371 = tpu.vector_load %arg6[%get3A_1370] {strides = array<i32>} : memref<26624xi32, #tpu.memory_space<vmem>>, vector<16xi32>,
        %get3A_1372 = vector.shape_cast %get3A_1371 : vector<16xi32> to vector<16xi32>
        %shift_right_logical3A_1373 = arith.constant 1 : i32
        %shift_right_logical3A_1374 = vector.broadcast %shift_right_logical3A_1373 : i32 to vector<16xi32>
        %shift_right_logical3A_1375 = arith.shrui %get3A_1372, %shift_right_logical3A_1374 : vector<16xi32>
        %swap3A_1376 = arith.constant 64 : index
        %swap3A_1377 = tpu.vector_load %arg9[%swap3A_1376] {strides = array<i32>} : memref<208xi32, #tpu.memory_space<vmem>>, vector<16xi32>,
        %swap3A_1378 = vector.shape_cast %swap3A_1377 : vector<16xi32> to vector<16xi32>
        %swap3A_1379 = vector.shape_cast %shift_right_logical3A_1375 : vector<16xi32> to vector<16xi32>
        tpu.vector_store %arg9[%swap3A_1376], %swap3A_1379 {strides = array<i32>} : memref<208xi32, #tpu.memory_space<vmem>>, vector<16xi32>,
        %mul3A_1380 = arith.constant 208 : i32
        %mul3A_1381 = arith.muli %add3A_1309, %mul3A_1380 : i32
        %add3A_1382 = arith.constant 80 : i32
        %add3A_1383 = arith.addi %mul3A_1381, %add3A_1382 : i32
        %get3A_1384 = arith.index_cast %add3A_1383 : i32 to index
        %get3A_1385 = tpu.vector_load %arg6[%get3A_1384] {strides = array<i32>} : memref<26624xi32, #tpu.memory_space<vmem>>, vector<16xi32>,
        %get3A_1386 = vector.shape_cast %get3A_1385 : vector<16xi32> to vector<16xi32>
        %shift_right_logical3A_1387 = arith.constant 1 : i32
        %shift_right_logical3A_1388 = vector.broadcast %shift_right_logical3A_1387 : i32 to vector<16xi32>
        %shift_right_logical3A_1389 = arith.shrui %get3A_1386, %shift_right_logical3A_1388 : vector<16xi32>
        %swap3A_1390 = arith.constant 80 : index
        %swap3A_1391 = tpu.vector_load %arg9[%swap3A_1390] {strides = array<i32>} : memref<208xi32, #tpu.memory_space<vmem>>, vector<16xi32>,
        %swap3A_1392 = vector.shape_cast %swap3A_1391 : vector<16xi32> to vector<16xi32>
        %swap3A_1393 = vector.shape_cast %shift_right_logical3A_1389 : vector<16xi32> to vector<16xi32>
        tpu.vector_store %arg9[%swap3A_1390], %swap3A_1393 {strides = array<i32>} : memref<208xi32, #tpu.memory_space<vmem>>, vector<16xi32>,
        %mul3A_1394 = arith.constant 208 : i32
        %mul3A_1395 = arith.muli %add3A_1309, %mul3A_1394 : i32
        %add3A_1396 = arith.constant 96 : i32
        %add3A_1397 = arith.addi %mul3A_1395, %add3A_1396 : i32
        %get3A_1398 = arith.index_cast %add3A_1397 : i32 to index
        %get3A_1399 = tpu.vector_load %arg6[%get3A_1398] {strides = array<i32>} : memref<26624xi32, #tpu.memory_space<vmem>>, vector<16xi32>,
        %get3A_1400 = vector.shape_cast %get3A_1399 : vector<16xi32> to vector<16xi32>
        %shift_right_logical3A_1401 = arith.constant 1 : i32
        %shift_right_logical3A_1402 = vector.broadcast %shift_right_logical3A_1401 : i32 to vector<16xi32>
        %shift_right_logical3A_1403 = arith.shrui %get3A_1400, %shift_right_logical3A_1402 : vector<16xi32>
        %swap3A_1404 = arith.constant 96 : index
        %swap3A_1405 = tpu.vector_load %arg9[%swap3A_1404] {strides = array<i32>} : memref<208xi32, #tpu.memory_space<vmem>>, vector<16xi32>,
        %swap3A_1406 = vector.shape_cast %swap3A_1405 : vector<16xi32> to vector<16xi32>
        %swap3A_1407 = vector.shape_cast %shift_right_logical3A_1403 : vector<16xi32> to vector<16xi32>
        tpu.vector_store %arg9[%swap3A_1404], %swap3A_1407 {strides = array<i32>} : memref<208xi32, #tpu.memory_space<vmem>>, vector<16xi32>,
        %mul3A_1408 = arith.constant 208 : i32
        %mul3A_1409 = arith.muli %add3A_1309, %mul3A_1408 : i32
        %add3A_1410 = arith.constant 112 : i32
        %add3A_1411 = arith.addi %mul3A_1409, %add3A_1410 : i32
        %get3A_1412 = arith.index_cast %add3A_1411 : i32 to index
        %get3A_1413 = tpu.vector_load %arg6[%get3A_1412] {strides = array<i32>} : memref<26624xi32, #tpu.memory_space<vmem>>, vector<16xi32>,
        %get3A_1414 = vector.shape_cast %get3A_1413 : vector<16xi32> to vector<16xi32>
        %shift_right_logical3A_1415 = arith.constant 1 : i32
        %shift_right_logical3A_1416 = vector.broadcast %shift_right_logical3A_1415 : i32 to vector<16xi32>
        %shift_right_logical3A_1417 = arith.shrui %get3A_1414, %shift_right_logical3A_1416 : vector<16xi32>
        %swap3A_1418 = arith.constant 112 : index
        %swap3A_1419 = tpu.vector_load %arg9[%swap3A_1418] {strides = array<i32>} : memref<208xi32, #tpu.memory_space<vmem>>, vector<16xi32>,
        %swap3A_1420 = vector.shape_cast %swap3A_1419 : vector<16xi32> to vector<16xi32>
        %swap3A_1421 = vector.shape_cast %shift_right_logical3A_1417 : vector<16xi32> to vector<16xi32>
        tpu.vector_store %arg9[%swap3A_1418], %swap3A_1421 {strides = array<i32>} : memref<208xi32, #tpu.memory_space<vmem>>, vector<16xi32>,
        %mul3A_1422 = arith.constant 208 : i32
        %mul3A_1423 = arith.muli %add3A_1309, %mul3A_1422 : i32
        %add3A_1424 = arith.constant 128 : i32
        %add3A_1425 = arith.addi %mul3A_1423, %add3A_1424 : i32
        %get3A_1426 = arith.index_cast %add3A_1425 : i32 to index
        %get3A_1427 = tpu.vector_load %arg6[%get3A_1426] {strides = array<i32>} : memref<26624xi32, #tpu.memory_space<vmem>>, vector<16xi32>,
        %get3A_1428 = vector.shape_cast %get3A_1427 : vector<16xi32> to vector<16xi32>
        %shift_right_logical3A_1429 = arith.constant 1 : i32
        %shift_right_logical3A_1430 = vector.broadcast %shift_right_logical3A_1429 : i32 to vector<16xi32>
        %shift_right_logical3A_1431 = arith.shrui %get3A_1428, %shift_right_logical3A_1430 : vector<16xi32>
        %swap3A_1432 = arith.constant 128 : index
        %swap3A_1433 = tpu.vector_load %arg9[%swap3A_1432] {strides = array<i32>} : memref<208xi32, #tpu.memory_space<vmem>>, vector<16xi32>,
        %swap3A_1434 = vector.shape_cast %swap3A_1433 : vector<16xi32> to vector<16xi32>
        %swap3A_1435 = vector.shape_cast %shift_right_logical3A_1431 : vector<16xi32> to vector<16xi32>
        tpu.vector_store %arg9[%swap3A_1432], %swap3A_1435 {strides = array<i32>} : memref<208xi32, #tpu.memory_space<vmem>>, vector<16xi32>,
        %mul3A_1436 = arith.constant 208 : i32
        %mul3A_1437 = arith.muli %add3A_1309, %mul3A_1436 : i32
        %add3A_1438 = arith.constant 144 : i32
        %add3A_1439 = arith.addi %mul3A_1437, %add3A_1438 : i32
        %get3A_1440 = arith.index_cast %add3A_1439 : i32 to index
        %get3A_1441 = tpu.vector_load %arg6[%get3A_1440] {strides = array<i32>} : memref<26624xi32, #tpu.memory_space<vmem>>, vector<16xi32>,
        %get3A_1442 = vector.shape_cast %get3A_1441 : vector<16xi32> to vector<16xi32>
        %shift_right_logical3A_1443 = arith.constant 1 : i32
        %shift_right_logical3A_1444 = vector.broadcast %shift_right_logical3A_1443 : i32 to vector<16xi32>
        %shift_right_logical3A_1445 = arith.shrui %get3A_1442, %shift_right_logical3A_1444 : vector<16xi32>
        %swap3A_1446 = arith.constant 144 : index
        %swap3A_1447 = tpu.vector_load %arg9[%swap3A_1446] {strides = array<i32>} : memref<208xi32, #tpu.memory_space<vmem>>, vector<16xi32>,
        %swap3A_1448 = vector.shape_cast %swap3A_1447 : vector<16xi32> to vector<16xi32>
        %swap3A_1449 = vector.shape_cast %shift_right_logical3A_1445 : vector<16xi32> to vector<16xi32>
        tpu.vector_store %arg9[%swap3A_1446], %swap3A_1449 {strides = array<i32>} : memref<208xi32, #tpu.memory_space<vmem>>, vector<16xi32>,
        %mul3A_1450 = arith.constant 208 : i32
        %mul3A_1451 = arith.muli %add3A_1309, %mul3A_1450 : i32
        %add3A_1452 = arith.constant 160 : i32
        %add3A_1453 = arith.addi %mul3A_1451, %add3A_1452 : i32
        %get3A_1454 = arith.index_cast %add3A_1453 : i32 to index
        %get3A_1455 = tpu.vector_load %arg6[%get3A_1454] {strides = array<i32>} : memref<26624xi32, #tpu.memory_space<vmem>>, vector<16xi32>,
        %get3A_1456 = vector.shape_cast %get3A_1455 : vector<16xi32> to vector<16xi32>
        %shift_right_logical3A_1457 = arith.constant 1 : i32
        %shift_right_logical3A_1458 = vector.broadcast %shift_right_logical3A_1457 : i32 to vector<16xi32>
        %shift_right_logical3A_1459 = arith.shrui %get3A_1456, %shift_right_logical3A_1458 : vector<16xi32>
        %swap3A_1460 = arith.constant 160 : index
        %swap3A_1461 = tpu.vector_load %arg9[%swap3A_1460] {strides = array<i32>} : memref<208xi32, #tpu.memory_space<vmem>>, vector<16xi32>,
        %swap3A_1462 = vector.shape_cast %swap3A_1461 : vector<16xi32> to vector<16xi32>
        %swap3A_1463 = vector.shape_cast %shift_right_logical3A_1459 : vector<16xi32> to vector<16xi32>
        tpu.vector_store %arg9[%swap3A_1460], %swap3A_1463 {strides = array<i32>} : memref<208xi32, #tpu.memory_space<vmem>>, vector<16xi32>,
        %mul3A_1464 = arith.constant 208 : i32
        %mul3A_1465 = arith.muli %add3A_1309, %mul3A_1464 : i32
        %add3A_1466 = arith.constant 176 : i32
        %add3A_1467 = arith.addi %mul3A_1465, %add3A_1466 : i32
        %get3A_1468 = arith.index_cast %add3A_1467 : i32 to index
        %get3A_1469 = tpu.vector_load %arg6[%get3A_1468] {strides = array<i32>} : memref<26624xi32, #tpu.memory_space<vmem>>, vector<16xi32>,
        %get3A_1470 = vector.shape_cast %get3A_1469 : vector<16xi32> to vector<16xi32>
        %shift_right_logical3A_1471 = arith.constant 1 : i32
        %shift_right_logical3A_1472 = vector.broadcast %shift_right_logical3A_1471 : i32 to vector<16xi32>
        %shift_right_logical3A_1473 = arith.shrui %get3A_1470, %shift_right_logical3A_1472 : vector<16xi32>
        %swap3A_1474 = arith.constant 176 : index
        %swap3A_1475 = tpu.vector_load %arg9[%swap3A_1474] {strides = array<i32>} : memref<208xi32, #tpu.memory_space<vmem>>, vector<16xi32>,
        %swap3A_1476 = vector.shape_cast %swap3A_1475 : vector<16xi32> to vector<16xi32>
        %swap3A_1477 = vector.shape_cast %shift_right_logical3A_1473 : vector<16xi32> to vector<16xi32>
        tpu.vector_store %arg9[%swap3A_1474], %swap3A_1477 {strides = array<i32>} : memref<208xi32, #tpu.memory_space<vmem>>, vector<16xi32>,
        %mul3A_1478 = arith.constant 208 : i32
        %mul3A_1479 = arith.muli %add3A_1309, %mul3A_1478 : i32
        %add3A_1480 = arith.constant 192 : i32
        %add3A_1481 = arith.addi %mul3A_1479, %add3A_1480 : i32
        %get3A_1482 = arith.index_cast %add3A_1481 : i32 to index
        %get3A_1483 = tpu.vector_load %arg6[%get3A_1482] {strides = array<i32>} : memref<26624xi32, #tpu.memory_space<vmem>>, vector<16xi32>,
        %get3A_1484 = vector.shape_cast %get3A_1483 : vector<16xi32> to vector<16xi32>
        %shift_right_logical3A_1485 = arith.constant 1 : i32
        %shift_right_logical3A_1486 = vector.broadcast %shift_right_logical3A_1485 : i32 to vector<16xi32>
        %shift_right_logical3A_1487 = arith.shrui %get3A_1484, %shift_right_logical3A_1486 : vector<16xi32>
        %swap3A_1488 = arith.constant 192 : index
        %swap3A_1489 = tpu.vector_load %arg9[%swap3A_1488] {strides = array<i32>} : memref<208xi32, #tpu.memory_space<vmem>>, vector<16xi32>,
        %swap3A_1490 = vector.shape_cast %swap3A_1489 : vector<16xi32> to vector<16xi32>
        %swap3A_1491 = vector.shape_cast %shift_right_logical3A_1487 : vector<16xi32> to vector<16xi32>
        tpu.vector_store %arg9[%swap3A_1488], %swap3A_1491 {strides = array<i32>} : memref<208xi32, #tpu.memory_space<vmem>>, vector<16xi32>,
        %dma_start3A_1492 = arith.constant 0 : i32
        %dma_start3A_1493 = arith.constant 0 : i32
        %dma_start3A_1494 = tpu.memref_slice %arg11[%dma_start3A_1492, %dma_start3A_1493] : memref<200x128xf32, #tpu.memory_space<vmem>> -> memref<128x128xf32, #tpu.memory_space<vmem>>
        %dma_start3A_1495 = arith.constant 0 : i32
        %dma_start3A_1496 = tpu.memref_slice %arg9[%dma_start3A_1495] : memref<208xi32, #tpu.memory_space<vmem>> -> memref<128xi32, #tpu.memory_space<vmem>>
        %dma_start3A_1497 = arith.constant 0 : i32
        %dma_start3A_1498 = arith.constant 0 : i32
        %dma_start3A_1499 = tpu.memref_slice %arg3[%dma_start3A_1497, %dma_start3A_1498] : memref<500000x128xf32, #tpu.memory_space<hbm>> -> memref<500000x128xf32, #tpu.memory_space<hbm>>
        tpu.enqueue_indirect_dma source(%dma_start3A_1499 : memref<500000x128xf32, #tpu.memory_space<hbm>>) target(%dma_start3A_1494 : memref<128x128xf32, #tpu.memory_space<vmem>>) offsets(%dma_start3A_1496 : memref<128xi32, #tpu.memory_space<vmem>>) semaphore(%arg15 : memref<!tpu.dma_semaphore, #tpu.memory_space<semaphore_mem>>)
        %dma_start3A_1500 = arith.constant 128 : i32
        %dma_start3A_1501 = arith.constant 0 : i32
        %dma_start3A_1502 = tpu.memref_slice %arg11[%dma_start3A_1500, %dma_start3A_1501] : memref<200x128xf32, #tpu.memory_space<vmem>> -> memref<72x128xf32, #tpu.memory_space<vmem>>
        %dma_start3A_1503 = arith.constant 128 : i32
        %dma_start3A_1504 = tpu.memref_slice %arg9[%dma_start3A_1503] : memref<208xi32, #tpu.memory_space<vmem>> -> memref<72xi32, #tpu.memory_space<vmem>>
        %dma_start3A_1505 = arith.constant 0 : i32
        %dma_start3A_1506 = arith.constant 0 : i32
        %dma_start3A_1507 = tpu.memref_slice %arg3[%dma_start3A_1505, %dma_start3A_1506] : memref<500000x128xf32, #tpu.memory_space<hbm>> -> memref<500000x128xf32, #tpu.memory_space<hbm>>
        tpu.enqueue_indirect_dma source(%dma_start3A_1507 : memref<500000x128xf32, #tpu.memory_space<hbm>>) target(%dma_start3A_1502 : memref<72x128xf32, #tpu.memory_space<vmem>>) offsets(%dma_start3A_1504 : memref<72xi32, #tpu.memory_space<vmem>>) semaphore(%arg15 : memref<!tpu.dma_semaphore, #tpu.memory_space<semaphore_mem>>)
      } else {
      }
      %dma_wait3A_174 = arith.constant 0 : i32
      %dma_wait3A_175 = arith.constant 0 : i32
      %dma_wait3A_176 = tpu.memref_slice %arg10[%dma_wait3A_174, %dma_wait3A_175] : memref<200x128xf32, #tpu.memory_space<vmem>> -> memref<128x128xf32, #tpu.memory_space<vmem>>
      %dma_wait3A_177 = arith.constant 0 : i32
      %dma_wait3A_178 = arith.constant 0 : i32
      %dma_wait3A_179 = tpu.memref_slice %arg3[%dma_wait3A_177, %dma_wait3A_178] : memref<500000x128xf32, #tpu.memory_space<hbm>> -> memref<128x128xf32, #tpu.memory_space<hbm>>
      %dma_wait3A_180 = arith.constant 0 : i32
      %dma_wait3A_181 = arith.constant 0 : i32
      %dma_wait3A_182 = tpu.memref_slice %arg10[%dma_wait3A_180, %dma_wait3A_181] : memref<200x128xf32, #tpu.memory_space<vmem>> -> memref<128x128xf32, #tpu.memory_space<vmem>>
      %dma_wait3A_183 = arith.constant 0 : i32
      %dma_wait3A_184 = arith.constant 0 : i32
      %dma_wait3A_185 = tpu.memref_slice %arg3[%dma_wait3A_183, %dma_wait3A_184] : memref<500000x128xf32, #tpu.memory_space<hbm>> -> memref<128x128xf32, #tpu.memory_space<hbm>>
      tpu.wait_dma2 semaphore(%arg14 : memref<!tpu.dma_semaphore, #tpu.memory_space<semaphore_mem>>) src(%dma_wait3A_185 : memref<128x128xf32, #tpu.memory_space<hbm>>) dst(%dma_wait3A_182 : memref<128x128xf32, #tpu.memory_space<vmem>>)
      %dma_wait3A_186 = arith.constant 128 : i32
      %dma_wait3A_187 = arith.constant 0 : i32
      %dma_wait3A_188 = tpu.memref_slice %arg10[%dma_wait3A_186, %dma_wait3A_187] : memref<200x128xf32, #tpu.memory_space<vmem>> -> memref<72x128xf32, #tpu.memory_space<vmem>>
      %dma_wait3A_189 = arith.constant 0 : i32
      %dma_wait3A_190 = arith.constant 0 : i32
      %dma_wait3A_191 = tpu.memref_slice %arg3[%dma_wait3A_189, %dma_wait3A_190] : memref<500000x128xf32, #tpu.memory_space<hbm>> -> memref<72x128xf32, #tpu.memory_space<hbm>>
      %dma_wait3A_192 = arith.constant 128 : i32
      %dma_wait3A_193 = arith.constant 0 : i32
      %dma_wait3A_194 = tpu.memref_slice %arg10[%dma_wait3A_192, %dma_wait3A_193] : memref<200x128xf32, #tpu.memory_space<vmem>> -> memref<72x128xf32, #tpu.memory_space<vmem>>
      %dma_wait3A_195 = arith.constant 0 : i32
      %dma_wait3A_196 = arith.constant 0 : i32
      %dma_wait3A_197 = tpu.memref_slice %arg3[%dma_wait3A_195, %dma_wait3A_196] : memref<500000x128xf32, #tpu.memory_space<hbm>> -> memref<72x128xf32, #tpu.memory_space<hbm>>
      tpu.wait_dma2 semaphore(%arg14 : memref<!tpu.dma_semaphore, #tpu.memory_space<semaphore_mem>>) src(%dma_wait3A_197 : memref<72x128xf32, #tpu.memory_space<hbm>>) dst(%dma_wait3A_194 : memref<72x128xf32, #tpu.memory_space<vmem>>)
      %ge3A = arith.constant 2 : i32
      %ge3A_198 = arith.cmpi sge, %add3A_169, %ge3A : i32
      %convert_element_type3A_199 = arith.extui %ge3A_198 : i1 to i32
      %cond3A_200 = arith.constant 0 : i32
      %cond3A_201 = arith.cmpi ne, %convert_element_type3A_199, %cond3A_200 : i32
      scf.if %cond3A_201 {
        %dma_wait3A_1308 = arith.constant 0 : i32
        %dma_wait3A_1309 = arith.constant 0 : i32
        %dma_wait3A_1310 = tpu.memref_slice %arg5[%dma_wait3A_1308, %dma_wait3A_1309] : memref<4096x12800xf32, #tpu.memory_space<hbm>> -> memref<1x12800xf32, #tpu.memory_space<hbm>>
        %dma_wait3A_1311 = tpu.memref_squeeze %dma_wait3A_1310 : memref<1x12800xf32, #tpu.memory_space<hbm>> -> memref<12800xf32, #tpu.memory_space<hbm>>
        %dma_wait3A_1312 = arith.constant 0 : i32
        %dma_wait3A_1313 = tpu.memref_slice %arg5[%dma_wait3A_1308, %dma_wait3A_1312] : memref<4096x12800xf32, #tpu.memory_space<hbm>> -> memref<1x12800xf32, #tpu.memory_space<hbm>>
        %dma_wait3A_1314 = tpu.memref_squeeze %dma_wait3A_1313 : memref<1x12800xf32, #tpu.memory_space<hbm>> -> memref<12800xf32, #tpu.memory_space<hbm>>
        tpu.wait_dma2 semaphore(%arg16 : memref<!tpu.dma_semaphore, #tpu.memory_space<semaphore_mem>>) src(%arg12 : memref<12800xf32, #tpu.memory_space<vmem>>) dst(%dma_wait3A_1314 : memref<12800xf32, #tpu.memory_space<hbm>>)
      } else {
      }
      %scan3A_202 = arith.constant 0 : i32
      %scan3A_203 = arith.constant 0 : i32
      %scan3A_204 = arith.constant 12 : i32
      %scan3A_205 = arith.addi %scan3A_203, %scan3A_204 : i32
      %scan3A_206 = arith.constant 1 : i32
      scf.for %scan3A_1308 = %scan3A_203 to %scan3A_205 step %scan3A_206  : i32 {
        %mul3A_1309 = arith.constant 16 : i32
        %mul3A_1310 = arith.muli %scan3A_1308, %mul3A_1309 : i32
        %mul3A_1311 = arith.constant 208 : i32
        %mul3A_1312 = arith.muli %add3A_169, %mul3A_1311 : i32
        %add3A_1313 = arith.addi %mul3A_1312, %mul3A_1310 : i32
        %get3A_1314 = arith.index_cast %add3A_1313 : i32 to index
        %get3A_1315 = tpu.vector_load %arg6[%get3A_1314] {strides = array<i32>} : memref<26624xi32, #tpu.memory_space<vmem>>, vector<16xi32>,
        %get3A_1316 = vector.shape_cast %get3A_1315 : vector<16xi32> to vector<16xi32>
        %and3A_1317 = arith.constant 1 : i32
        %and3A_1318 = vector.broadcast %and3A_1317 : i32 to vector<16xi32>
        %and3A_1319 = arith.andi %get3A_1316, %and3A_1318 : vector<16xi32>
        %add3A_1320 = arith.constant 0 : i32
        %add3A_1321 = arith.addi %mul3A_1310, %add3A_1320 : i32
        %slice3A_1322 = vector.extract_strided_slice %and3A_1319 {offsets = [0], sizes = [1], strides = [1]} : vector<16xi32> to vector<1xi32>
        %squeeze3A_1323 = vector.extract %slice3A_1322[0] : i32 from vector<1xi32>
        %shift_left3A_1324 = arith.constant 6 : i32
        %shift_left3A_1325 = arith.shli %squeeze3A_1323, %shift_left3A_1324 : i32
        %add3A_1326 = arith.constant 0 : i32
        %add3A_1327 = arith.addi %shift_left3A_1325, %add3A_1326 : i32
        %get3A_1328 = arith.index_cast %add3A_1321 : i32 to index
        %get3A_1329 = arith.index_cast %add3A_1327 : i32 to index
        %get3A_1330 = tpu.vector_load %arg10[%get3A_1328, %get3A_1329] {strides = array<i32>} : memref<200x128xf32, #tpu.memory_space<vmem>>, vector<1x16xf32>,
        %get3A_1331 = vector.shape_cast %get3A_1330 : vector<1x16xf32> to vector<16xf32>
        %mul3A_1332 = arith.constant 64 : i32
        %mul3A_1333 = arith.muli %add3A_1321, %mul3A_1332 : i32
        %add3A_1334 = arith.constant 0 : i32
        %add3A_1335 = arith.addi %mul3A_1333, %add3A_1334 : i32
        %get3A_1336 = arith.index_cast %add3A_1335 : i32 to index
        %get3A_1337 = tpu.vector_load %arg7[%get3A_1336] {strides = array<i32>} : memref<12800xf32, #tpu.memory_space<vmem>>, vector<16xf32>,
        %get3A_1338 = vector.shape_cast %get3A_1337 : vector<16xf32> to vector<16xf32>
        %add3A_1339 = arith.addf %get3A_1331, %get3A_1338 : vector<16xf32>
        %mul3A_1340 = arith.constant 64 : i32
        %mul3A_1341 = arith.muli %add3A_1321, %mul3A_1340 : i32
        %add3A_1342 = arith.constant 0 : i32
        %add3A_1343 = arith.addi %mul3A_1341, %add3A_1342 : i32
        %swap3A_1344 = arith.index_cast %add3A_1343 : i32 to index
        %swap3A_1345 = tpu.vector_load %arg12[%swap3A_1344] {strides = array<i32>} : memref<12800xf32, #tpu.memory_space<vmem>>, vector<16xf32>,
        %swap3A_1346 = vector.shape_cast %swap3A_1345 : vector<16xf32> to vector<16xf32>
        %swap3A_1347 = vector.shape_cast %add3A_1339 : vector<16xf32> to vector<16xf32>
        tpu.vector_store %arg12[%swap3A_1344], %swap3A_1347 {strides = array<i32>} : memref<12800xf32, #tpu.memory_space<vmem>>, vector<16xf32>,
        %add3A_1348 = arith.constant 16 : i32
        %add3A_1349 = arith.addi %shift_left3A_1325, %add3A_1348 : i32
        %get3A_1350 = arith.index_cast %add3A_1321 : i32 to index
        %get3A_1351 = arith.index_cast %add3A_1349 : i32 to index
        %get3A_1352 = tpu.vector_load %arg10[%get3A_1350, %get3A_1351] {strides = array<i32>} : memref<200x128xf32, #tpu.memory_space<vmem>>, vector<1x16xf32>,
        %get3A_1353 = vector.shape_cast %get3A_1352 : vector<1x16xf32> to vector<16xf32>
        %mul3A_1354 = arith.constant 64 : i32
        %mul3A_1355 = arith.muli %add3A_1321, %mul3A_1354 : i32
        %add3A_1356 = arith.constant 16 : i32
        %add3A_1357 = arith.addi %mul3A_1355, %add3A_1356 : i32
        %get3A_1358 = arith.index_cast %add3A_1357 : i32 to index
        %get3A_1359 = tpu.vector_load %arg7[%get3A_1358] {strides = array<i32>} : memref<12800xf32, #tpu.memory_space<vmem>>, vector<16xf32>,
        %get3A_1360 = vector.shape_cast %get3A_1359 : vector<16xf32> to vector<16xf32>
        %add3A_1361 = arith.addf %get3A_1353, %get3A_1360 : vector<16xf32>
        %mul3A_1362 = arith.constant 64 : i32
        %mul3A_1363 = arith.muli %add3A_1321, %mul3A_1362 : i32
        %add3A_1364 = arith.constant 16 : i32
        %add3A_1365 = arith.addi %mul3A_1363, %add3A_1364 : i32
        %swap3A_1366 = arith.index_cast %add3A_1365 : i32 to index
        %swap3A_1367 = tpu.vector_load %arg12[%swap3A_1366] {strides = array<i32>} : memref<12800xf32, #tpu.memory_space<vmem>>, vector<16xf32>,
        %swap3A_1368 = vector.shape_cast %swap3A_1367 : vector<16xf32> to vector<16xf32>
        %swap3A_1369 = vector.shape_cast %add3A_1361 : vector<16xf32> to vector<16xf32>
        tpu.vector_store %arg12[%swap3A_1366], %swap3A_1369 {strides = array<i32>} : memref<12800xf32, #tpu.memory_space<vmem>>, vector<16xf32>,
        %add3A_1370 = arith.constant 32 : i32
        %add3A_1371 = arith.addi %shift_left3A_1325, %add3A_1370 : i32
        %get3A_1372 = arith.index_cast %add3A_1321 : i32 to index
        %get3A_1373 = arith.index_cast %add3A_1371 : i32 to index
        %get3A_1374 = tpu.vector_load %arg10[%get3A_1372, %get3A_1373] {strides = array<i32>} : memref<200x128xf32, #tpu.memory_space<vmem>>, vector<1x16xf32>,
        %get3A_1375 = vector.shape_cast %get3A_1374 : vector<1x16xf32> to vector<16xf32>
        %mul3A_1376 = arith.constant 64 : i32
        %mul3A_1377 = arith.muli %add3A_1321, %mul3A_1376 : i32
        %add3A_1378 = arith.constant 32 : i32
        %add3A_1379 = arith.addi %mul3A_1377, %add3A_1378 : i32
        %get3A_1380 = arith.index_cast %add3A_1379 : i32 to index
        %get3A_1381 = tpu.vector_load %arg7[%get3A_1380] {strides = array<i32>} : memref<12800xf32, #tpu.memory_space<vmem>>, vector<16xf32>,
        %get3A_1382 = vector.shape_cast %get3A_1381 : vector<16xf32> to vector<16xf32>
        %add3A_1383 = arith.addf %get3A_1375, %get3A_1382 : vector<16xf32>
        %mul3A_1384 = arith.constant 64 : i32
        %mul3A_1385 = arith.muli %add3A_1321, %mul3A_1384 : i32
        %add3A_1386 = arith.constant 32 : i32
        %add3A_1387 = arith.addi %mul3A_1385, %add3A_1386 : i32
        %swap3A_1388 = arith.index_cast %add3A_1387 : i32 to index
        %swap3A_1389 = tpu.vector_load %arg12[%swap3A_1388] {strides = array<i32>} : memref<12800xf32, #tpu.memory_space<vmem>>, vector<16xf32>,
        %swap3A_1390 = vector.shape_cast %swap3A_1389 : vector<16xf32> to vector<16xf32>
        %swap3A_1391 = vector.shape_cast %add3A_1383 : vector<16xf32> to vector<16xf32>
        tpu.vector_store %arg12[%swap3A_1388], %swap3A_1391 {strides = array<i32>} : memref<12800xf32, #tpu.memory_space<vmem>>, vector<16xf32>,
        %add3A_1392 = arith.constant 48 : i32
        %add3A_1393 = arith.addi %shift_left3A_1325, %add3A_1392 : i32
        %get3A_1394 = arith.index_cast %add3A_1321 : i32 to index
        %get3A_1395 = arith.index_cast %add3A_1393 : i32 to index
        %get3A_1396 = tpu.vector_load %arg10[%get3A_1394, %get3A_1395] {strides = array<i32>} : memref<200x128xf32, #tpu.memory_space<vmem>>, vector<1x16xf32>,
        %get3A_1397 = vector.shape_cast %get3A_1396 : vector<1x16xf32> to vector<16xf32>
        %mul3A_1398 = arith.constant 64 : i32
        %mul3A_1399 = arith.muli %add3A_1321, %mul3A_1398 : i32
        %add3A_1400 = arith.constant 48 : i32
        %add3A_1401 = arith.addi %mul3A_1399, %add3A_1400 : i32
        %get3A_1402 = arith.index_cast %add3A_1401 : i32 to index
        %get3A_1403 = tpu.vector_load %arg7[%get3A_1402] {strides = array<i32>} : memref<12800xf32, #tpu.memory_space<vmem>>, vector<16xf32>,
        %get3A_1404 = vector.shape_cast %get3A_1403 : vector<16xf32> to vector<16xf32>
        %add3A_1405 = arith.addf %get3A_1397, %get3A_1404 : vector<16xf32>
        %mul3A_1406 = arith.constant 64 : i32
        %mul3A_1407 = arith.muli %add3A_1321, %mul3A_1406 : i32
        %add3A_1408 = arith.constant 48 : i32
        %add3A_1409 = arith.addi %mul3A_1407, %add3A_1408 : i32
        %swap3A_1410 = arith.index_cast %add3A_1409 : i32 to index
        %swap3A_1411 = tpu.vector_load %arg12[%swap3A_1410] {strides = array<i32>} : memref<12800xf32, #tpu.memory_space<vmem>>, vector<16xf32>,
        %swap3A_1412 = vector.shape_cast %swap3A_1411 : vector<16xf32> to vector<16xf32>
        %swap3A_1413 = vector.shape_cast %add3A_1405 : vector<16xf32> to vector<16xf32>
        tpu.vector_store %arg12[%swap3A_1410], %swap3A_1413 {strides = array<i32>} : memref<12800xf32, #tpu.memory_space<vmem>>, vector<16xf32>,
        %add3A_1414 = arith.constant 1 : i32
        %add3A_1415 = arith.addi %mul3A_1310, %add3A_1414 : i32
        %slice3A_1416 = vector.extract_strided_slice %and3A_1319 {offsets = [1], sizes = [1], strides = [1]} : vector<16xi32> to vector<1xi32>
        %squeeze3A_1417 = vector.extract %slice3A_1416[0] : i32 from vector<1xi32>
        %shift_left3A_1418 = arith.constant 6 : i32
        %shift_left3A_1419 = arith.shli %squeeze3A_1417, %shift_left3A_1418 : i32
        %add3A_1420 = arith.constant 0 : i32
        %add3A_1421 = arith.addi %shift_left3A_1419, %add3A_1420 : i32
        %get3A_1422 = arith.index_cast %add3A_1415 : i32 to index
        %get3A_1423 = arith.index_cast %add3A_1421 : i32 to index
        %get3A_1424 = tpu.vector_load %arg10[%get3A_1422, %get3A_1423] {strides = array<i32>} : memref<200x128xf32, #tpu.memory_space<vmem>>, vector<1x16xf32>,
        %get3A_1425 = vector.shape_cast %get3A_1424 : vector<1x16xf32> to vector<16xf32>
        %mul3A_1426 = arith.constant 64 : i32
        %mul3A_1427 = arith.muli %add3A_1415, %mul3A_1426 : i32
        %add3A_1428 = arith.constant 0 : i32
        %add3A_1429 = arith.addi %mul3A_1427, %add3A_1428 : i32
        %get3A_1430 = arith.index_cast %add3A_1429 : i32 to index
        %get3A_1431 = tpu.vector_load %arg7[%get3A_1430] {strides = array<i32>} : memref<12800xf32, #tpu.memory_space<vmem>>, vector<16xf32>,
        %get3A_1432 = vector.shape_cast %get3A_1431 : vector<16xf32> to vector<16xf32>
        %add3A_1433 = arith.addf %get3A_1425, %get3A_1432 : vector<16xf32>
        %mul3A_1434 = arith.constant 64 : i32
        %mul3A_1435 = arith.muli %add3A_1415, %mul3A_1434 : i32
        %add3A_1436 = arith.constant 0 : i32
        %add3A_1437 = arith.addi %mul3A_1435, %add3A_1436 : i32
        %swap3A_1438 = arith.index_cast %add3A_1437 : i32 to index
        %swap3A_1439 = tpu.vector_load %arg12[%swap3A_1438] {strides = array<i32>} : memref<12800xf32, #tpu.memory_space<vmem>>, vector<16xf32>,
        %swap3A_1440 = vector.shape_cast %swap3A_1439 : vector<16xf32> to vector<16xf32>
        %swap3A_1441 = vector.shape_cast %add3A_1433 : vector<16xf32> to vector<16xf32>
        tpu.vector_store %arg12[%swap3A_1438], %swap3A_1441 {strides = array<i32>} : memref<12800xf32, #tpu.memory_space<vmem>>, vector<16xf32>,
        %add3A_1442 = arith.constant 16 : i32
        %add3A_1443 = arith.addi %shift_left3A_1419, %add3A_1442 : i32
        %get3A_1444 = arith.index_cast %add3A_1415 : i32 to index
        %get3A_1445 = arith.index_cast %add3A_1443 : i32 to index
        %get3A_1446 = tpu.vector_load %arg10[%get3A_1444, %get3A_1445] {strides = array<i32>} : memref<200x128xf32, #tpu.memory_space<vmem>>, vector<1x16xf32>,
        %get3A_1447 = vector.shape_cast %get3A_1446 : vector<1x16xf32> to vector<16xf32>
        %mul3A_1448 = arith.constant 64 : i32
        %mul3A_1449 = arith.muli %add3A_1415, %mul3A_1448 : i32
        %add3A_1450 = arith.constant 16 : i32
        %add3A_1451 = arith.addi %mul3A_1449, %add3A_1450 : i32
        %get3A_1452 = arith.index_cast %add3A_1451 : i32 to index
        %get3A_1453 = tpu.vector_load %arg7[%get3A_1452] {strides = array<i32>} : memref<12800xf32, #tpu.memory_space<vmem>>, vector<16xf32>,
        %get3A_1454 = vector.shape_cast %get3A_1453 : vector<16xf32> to vector<16xf32>
        %add3A_1455 = arith.addf %get3A_1447, %get3A_1454 : vector<16xf32>
        %mul3A_1456 = arith.constant 64 : i32
        %mul3A_1457 = arith.muli %add3A_1415, %mul3A_1456 : i32
        %add3A_1458 = arith.constant 16 : i32
        %add3A_1459 = arith.addi %mul3A_1457, %add3A_1458 : i32
        %swap3A_1460 = arith.index_cast %add3A_1459 : i32 to index
        %swap3A_1461 = tpu.vector_load %arg12[%swap3A_1460] {strides = array<i32>} : memref<12800xf32, #tpu.memory_space<vmem>>, vector<16xf32>,
        %swap3A_1462 = vector.shape_cast %swap3A_1461 : vector<16xf32> to vector<16xf32>
        %swap3A_1463 = vector.shape_cast %add3A_1455 : vector<16xf32> to vector<16xf32>
        tpu.vector_store %arg12[%swap3A_1460], %swap3A_1463 {strides = array<i32>} : memref<12800xf32, #tpu.memory_space<vmem>>, vector<16xf32>,
        %add3A_1464 = arith.constant 32 : i32
        %add3A_1465 = arith.addi %shift_left3A_1419, %add3A_1464 : i32
        %get3A_1466 = arith.index_cast %add3A_1415 : i32 to index
        %get3A_1467 = arith.index_cast %add3A_1465 : i32 to index
        %get3A_1468 = tpu.vector_load %arg10[%get3A_1466, %get3A_1467] {strides = array<i32>} : memref<200x128xf32, #tpu.memory_space<vmem>>, vector<1x16xf32>,
        %get3A_1469 = vector.shape_cast %get3A_1468 : vector<1x16xf32> to vector<16xf32>
        %mul3A_1470 = arith.constant 64 : i32
        %mul3A_1471 = arith.muli %add3A_1415, %mul3A_1470 : i32
        %add3A_1472 = arith.constant 32 : i32
        %add3A_1473 = arith.addi %mul3A_1471, %add3A_1472 : i32
        %get3A_1474 = arith.index_cast %add3A_1473 : i32 to index
        %get3A_1475 = tpu.vector_load %arg7[%get3A_1474] {strides = array<i32>} : memref<12800xf32, #tpu.memory_space<vmem>>, vector<16xf32>,
        %get3A_1476 = vector.shape_cast %get3A_1475 : vector<16xf32> to vector<16xf32>
        %add3A_1477 = arith.addf %get3A_1469, %get3A_1476 : vector<16xf32>
        %mul3A_1478 = arith.constant 64 : i32
        %mul3A_1479 = arith.muli %add3A_1415, %mul3A_1478 : i32
        %add3A_1480 = arith.constant 32 : i32
        %add3A_1481 = arith.addi %mul3A_1479, %add3A_1480 : i32
        %swap3A_1482 = arith.index_cast %add3A_1481 : i32 to index
        %swap3A_1483 = tpu.vector_load %arg12[%swap3A_1482] {strides = array<i32>} : memref<12800xf32, #tpu.memory_space<vmem>>, vector<16xf32>,
        %swap3A_1484 = vector.shape_cast %swap3A_1483 : vector<16xf32> to vector<16xf32>
        %swap3A_1485 = vector.shape_cast %add3A_1477 : vector<16xf32> to vector<16xf32>
        tpu.vector_store %arg12[%swap3A_1482], %swap3A_1485 {strides = array<i32>} : memref<12800xf32, #tpu.memory_space<vmem>>, vector<16xf32>,
        %add3A_1486 = arith.constant 48 : i32
        %add3A_1487 = arith.addi %shift_left3A_1419, %add3A_1486 : i32
        %get3A_1488 = arith.index_cast %add3A_1415 : i32 to index
        %get3A_1489 = arith.index_cast %add3A_1487 : i32 to index
        %get3A_1490 = tpu.vector_load %arg10[%get3A_1488, %get3A_1489] {strides = array<i32>} : memref<200x128xf32, #tpu.memory_space<vmem>>, vector<1x16xf32>,
        %get3A_1491 = vector.shape_cast %get3A_1490 : vector<1x16xf32> to vector<16xf32>
        %mul3A_1492 = arith.constant 64 : i32
        %mul3A_1493 = arith.muli %add3A_1415, %mul3A_1492 : i32
        %add3A_1494 = arith.constant 48 : i32
        %add3A_1495 = arith.addi %mul3A_1493, %add3A_1494 : i32
        %get3A_1496 = arith.index_cast %add3A_1495 : i32 to index
        %get3A_1497 = tpu.vector_load %arg7[%get3A_1496] {strides = array<i32>} : memref<12800xf32, #tpu.memory_space<vmem>>, vector<16xf32>,
        %get3A_1498 = vector.shape_cast %get3A_1497 : vector<16xf32> to vector<16xf32>
        %add3A_1499 = arith.addf %get3A_1491, %get3A_1498 : vector<16xf32>
        %mul3A_1500 = arith.constant 64 : i32
        %mul3A_1501 = arith.muli %add3A_1415, %mul3A_1500 : i32
        %add3A_1502 = arith.constant 48 : i32
        %add3A_1503 = arith.addi %mul3A_1501, %add3A_1502 : i32
        %swap3A_1504 = arith.index_cast %add3A_1503 : i32 to index
        %swap3A_1505 = tpu.vector_load %arg12[%swap3A_1504] {strides = array<i32>} : memref<12800xf32, #tpu.memory_space<vmem>>, vector<16xf32>,
        %swap3A_1506 = vector.shape_cast %swap3A_1505 : vector<16xf32> to vector<16xf32>
        %swap3A_1507 = vector.shape_cast %add3A_1499 : vector<16xf32> to vector<16xf32>
        tpu.vector_store %arg12[%swap3A_1504], %swap3A_1507 {strides = array<i32>} : memref<12800xf32, #tpu.memory_space<vmem>>, vector<16xf32>,
        %add3A_1508 = arith.constant 2 : i32
        %add3A_1509 = arith.addi %mul3A_1310, %add3A_1508 : i32
        %slice3A_1510 = vector.extract_strided_slice %and3A_1319 {offsets = [2], sizes = [1], strides = [1]} : vector<16xi32> to vector<1xi32>
        %squeeze3A_1511 = vector.extract %slice3A_1510[0] : i32 from vector<1xi32>
        %shift_left3A_1512 = arith.constant 6 : i32
        %shift_left3A_1513 = arith.shli %squeeze3A_1511, %shift_left3A_1512 : i32
        %add3A_1514 = arith.constant 0 : i32
        %add3A_1515 = arith.addi %shift_left3A_1513, %add3A_1514 : i32
        %get3A_1516 = arith.index_cast %add3A_1509 : i32 to index
        %get3A_1517 = arith.index_cast %add3A_1515 : i32 to index
        %get3A_1518 = tpu.vector_load %arg10[%get3A_1516, %get3A_1517] {strides = array<i32>} : memref<200x128xf32, #tpu.memory_space<vmem>>, vector<1x16xf32>,
        %get3A_1519 = vector.shape_cast %get3A_1518 : vector<1x16xf32> to vector<16xf32>
        %mul3A_1520 = arith.constant 64 : i32
        %mul3A_1521 = arith.muli %add3A_1509, %mul3A_1520 : i32
        %add3A_1522 = arith.constant 0 : i32
        %add3A_1523 = arith.addi %mul3A_1521, %add3A_1522 : i32
        %get3A_1524 = arith.index_cast %add3A_1523 : i32 to index
        %get3A_1525 = tpu.vector_load %arg7[%get3A_1524] {strides = array<i32>} : memref<12800xf32, #tpu.memory_space<vmem>>, vector<16xf32>,
        %get3A_1526 = vector.shape_cast %get3A_1525 : vector<16xf32> to vector<16xf32>
        %add3A_1527 = arith.addf %get3A_1519, %get3A_1526 : vector<16xf32>
        %mul3A_1528 = arith.constant 64 : i32
        %mul3A_1529 = arith.muli %add3A_1509, %mul3A_1528 : i32
        %add3A_1530 = arith.constant 0 : i32
        %add3A_1531 = arith.addi %mul3A_1529, %add3A_1530 : i32
        %swap3A_1532 = arith.index_cast %add3A_1531 : i32 to index
        %swap3A_1533 = tpu.vector_load %arg12[%swap3A_1532] {strides = array<i32>} : memref<12800xf32, #tpu.memory_space<vmem>>, vector<16xf32>,
        %swap3A_1534 = vector.shape_cast %swap3A_1533 : vector<16xf32> to vector<16xf32>
        %swap3A_1535 = vector.shape_cast %add3A_1527 : vector<16xf32> to vector<16xf32>
        tpu.vector_store %arg12[%swap3A_1532], %swap3A_1535 {strides = array<i32>} : memref<12800xf32, #tpu.memory_space<vmem>>, vector<16xf32>,
        %add3A_1536 = arith.constant 16 : i32
        %add3A_1537 = arith.addi %shift_left3A_1513, %add3A_1536 : i32
        %get3A_1538 = arith.index_cast %add3A_1509 : i32 to index
        %get3A_1539 = arith.index_cast %add3A_1537 : i32 to index
        %get3A_1540 = tpu.vector_load %arg10[%get3A_1538, %get3A_1539] {strides = array<i32>} : memref<200x128xf32, #tpu.memory_space<vmem>>, vector<1x16xf32>,
        %get3A_1541 = vector.shape_cast %get3A_1540 : vector<1x16xf32> to vector<16xf32>
        %mul3A_1542 = arith.constant 64 : i32
        %mul3A_1543 = arith.muli %add3A_1509, %mul3A_1542 : i32
        %add3A_1544 = arith.constant 16 : i32
        %add3A_1545 = arith.addi %mul3A_1543, %add3A_1544 : i32
        %get3A_1546 = arith.index_cast %add3A_1545 : i32 to index
        %get3A_1547 = tpu.vector_load %arg7[%get3A_1546] {strides = array<i32>} : memref<12800xf32, #tpu.memory_space<vmem>>, vector<16xf32>,
        %get3A_1548 = vector.shape_cast %get3A_1547 : vector<16xf32> to vector<16xf32>
        %add3A_1549 = arith.addf %get3A_1541, %get3A_1548 : vector<16xf32>
        %mul3A_1550 = arith.constant 64 : i32
        %mul3A_1551 = arith.muli %add3A_1509, %mul3A_1550 : i32
        %add3A_1552 = arith.constant 16 : i32
        %add3A_1553 = arith.addi %mul3A_1551, %add3A_1552 : i32
        %swap3A_1554 = arith.index_cast %add3A_1553 : i32 to index
        %swap3A_1555 = tpu.vector_load %arg12[%swap3A_1554] {strides = array<i32>} : memref<12800xf32, #tpu.memory_space<vmem>>, vector<16xf32>,
        %swap3A_1556 = vector.shape_cast %swap3A_1555 : vector<16xf32> to vector<16xf32>
        %swap3A_1557 = vector.shape_cast %add3A_1549 : vector<16xf32> to vector<16xf32>
        tpu.vector_store %arg12[%swap3A_1554], %swap3A_1557 {strides = array<i32>} : memref<12800xf32, #tpu.memory_space<vmem>>, vector<16xf32>,
        %add3A_1558 = arith.constant 32 : i32
        %add3A_1559 = arith.addi %shift_left3A_1513, %add3A_1558 : i32
        %get3A_1560 = arith.index_cast %add3A_1509 : i32 to index
        %get3A_1561 = arith.index_cast %add3A_1559 : i32 to index
        %get3A_1562 = tpu.vector_load %arg10[%get3A_1560, %get3A_1561] {strides = array<i32>} : memref<200x128xf32, #tpu.memory_space<vmem>>, vector<1x16xf32>,
        %get3A_1563 = vector.shape_cast %get3A_1562 : vector<1x16xf32> to vector<16xf32>
        %mul3A_1564 = arith.constant 64 : i32
        %mul3A_1565 = arith.muli %add3A_1509, %mul3A_1564 : i32
        %add3A_1566 = arith.constant 32 : i32
        %add3A_1567 = arith.addi %mul3A_1565, %add3A_1566 : i32
        %get3A_1568 = arith.index_cast %add3A_1567 : i32 to index
        %get3A_1569 = tpu.vector_load %arg7[%get3A_1568] {strides = array<i32>} : memref<12800xf32, #tpu.memory_space<vmem>>, vector<16xf32>,
        %get3A_1570 = vector.shape_cast %get3A_1569 : vector<16xf32> to vector<16xf32>
        %add3A_1571 = arith.addf %get3A_1563, %get3A_1570 : vector<16xf32>
        %mul3A_1572 = arith.constant 64 : i32
        %mul3A_1573 = arith.muli %add3A_1509, %mul3A_1572 : i32
        %add3A_1574 = arith.constant 32 : i32
        %add3A_1575 = arith.addi %mul3A_1573, %add3A_1574 : i32
        %swap3A_1576 = arith.index_cast %add3A_1575 : i32 to index
        %swap3A_1577 = tpu.vector_load %arg12[%swap3A_1576] {strides = array<i32>} : memref<12800xf32, #tpu.memory_space<vmem>>, vector<16xf32>,
        %swap3A_1578 = vector.shape_cast %swap3A_1577 : vector<16xf32> to vector<16xf32>
        %swap3A_1579 = vector.shape_cast %add3A_1571 : vector<16xf32> to vector<16xf32>
        tpu.vector_store %arg12[%swap3A_1576], %swap3A_1579 {strides = array<i32>} : memref<12800xf32, #tpu.memory_space<vmem>>, vector<16xf32>,
        %add3A_1580 = arith.constant 48 : i32
        %add3A_1581 = arith.addi %shift_left3A_1513, %add3A_1580 : i32
        %get3A_1582 = arith.index_cast %add3A_1509 : i32 to index
        %get3A_1583 = arith.index_cast %add3A_1581 : i32 to index
        %get3A_1584 = tpu.vector_load %arg10[%get3A_1582, %get3A_1583] {strides = array<i32>} : memref<200x128xf32, #tpu.memory_space<vmem>>, vector<1x16xf32>,
        %get3A_1585 = vector.shape_cast %get3A_1584 : vector<1x16xf32> to vector<16xf32>
        %mul3A_1586 = arith.constant 64 : i32
        %mul3A_1587 = arith.muli %add3A_1509, %mul3A_1586 : i32
        %add3A_1588 = arith.constant 48 : i32
        %add3A_1589 = arith.addi %mul3A_1587, %add3A_1588 : i32
        %get3A_1590 = arith.index_cast %add3A_1589 : i32 to index
        %get3A_1591 = tpu.vector_load %arg7[%get3A_1590] {strides = array<i32>} : memref<12800xf32, #tpu.memory_space<vmem>>, vector<16xf32>,
        %get3A_1592 = vector.shape_cast %get3A_1591 : vector<16xf32> to vector<16xf32>
        %add3A_1593 = arith.addf %get3A_1585, %get3A_1592 : vector<16xf32>
        %mul3A_1594 = arith.constant 64 : i32
        %mul3A_1595 = arith.muli %add3A_1509, %mul3A_1594 : i32
        %add3A_1596 = arith.constant 48 : i32
        %add3A_1597 = arith.addi %mul3A_1595, %add3A_1596 : i32
        %swap3A_1598 = arith.index_cast %add3A_1597 : i32 to index
        %swap3A_1599 = tpu.vector_load %arg12[%swap3A_1598] {strides = array<i32>} : memref<12800xf32, #tpu.memory_space<vmem>>, vector<16xf32>,
        %swap3A_1600 = vector.shape_cast %swap3A_1599 : vector<16xf32> to vector<16xf32>
        %swap3A_1601 = vector.shape_cast %add3A_1593 : vector<16xf32> to vector<16xf32>
        tpu.vector_store %arg12[%swap3A_1598], %swap3A_1601 {strides = array<i32>} : memref<12800xf32, #tpu.memory_space<vmem>>, vector<16xf32>,
        %add3A_1602 = arith.constant 3 : i32
        %add3A_1603 = arith.addi %mul3A_1310, %add3A_1602 : i32
        %slice3A_1604 = vector.extract_strided_slice %and3A_1319 {offsets = [3], sizes = [1], strides = [1]} : vector<16xi32> to vector<1xi32>
        %squeeze3A_1605 = vector.extract %slice3A_1604[0] : i32 from vector<1xi32>
        %shift_left3A_1606 = arith.constant 6 : i32
        %shift_left3A_1607 = arith.shli %squeeze3A_1605, %shift_left3A_1606 : i32
        %add3A_1608 = arith.constant 0 : i32
        %add3A_1609 = arith.addi %shift_left3A_1607, %add3A_1608 : i32
        %get3A_1610 = arith.index_cast %add3A_1603 : i32 to index
        %get3A_1611 = arith.index_cast %add3A_1609 : i32 to index
        %get3A_1612 = tpu.vector_load %arg10[%get3A_1610, %get3A_1611] {strides = array<i32>} : memref<200x128xf32, #tpu.memory_space<vmem>>, vector<1x16xf32>,
        %get3A_1613 = vector.shape_cast %get3A_1612 : vector<1x16xf32> to vector<16xf32>
        %mul3A_1614 = arith.constant 64 : i32
        %mul3A_1615 = arith.muli %add3A_1603, %mul3A_1614 : i32
        %add3A_1616 = arith.constant 0 : i32
        %add3A_1617 = arith.addi %mul3A_1615, %add3A_1616 : i32
        %get3A_1618 = arith.index_cast %add3A_1617 : i32 to index
        %get3A_1619 = tpu.vector_load %arg7[%get3A_1618] {strides = array<i32>} : memref<12800xf32, #tpu.memory_space<vmem>>, vector<16xf32>,
        %get3A_1620 = vector.shape_cast %get3A_1619 : vector<16xf32> to vector<16xf32>
        %add3A_1621 = arith.addf %get3A_1613, %get3A_1620 : vector<16xf32>
        %mul3A_1622 = arith.constant 64 : i32
        %mul3A_1623 = arith.muli %add3A_1603, %mul3A_1622 : i32
        %add3A_1624 = arith.constant 0 : i32
        %add3A_1625 = arith.addi %mul3A_1623, %add3A_1624 : i32
        %swap3A_1626 = arith.index_cast %add3A_1625 : i32 to index
        %swap3A_1627 = tpu.vector_load %arg12[%swap3A_1626] {strides = array<i32>} : memref<12800xf32, #tpu.memory_space<vmem>>, vector<16xf32>,
        %swap3A_1628 = vector.shape_cast %swap3A_1627 : vector<16xf32> to vector<16xf32>
        %swap3A_1629 = vector.shape_cast %add3A_1621 : vector<16xf32> to vector<16xf32>
        tpu.vector_store %arg12[%swap3A_1626], %swap3A_1629 {strides = array<i32>} : memref<12800xf32, #tpu.memory_space<vmem>>, vector<16xf32>,
        %add3A_1630 = arith.constant 16 : i32
        %add3A_1631 = arith.addi %shift_left3A_1607, %add3A_1630 : i32
        %get3A_1632 = arith.index_cast %add3A_1603 : i32 to index
        %get3A_1633 = arith.index_cast %add3A_1631 : i32 to index
        %get3A_1634 = tpu.vector_load %arg10[%get3A_1632, %get3A_1633] {strides = array<i32>} : memref<200x128xf32, #tpu.memory_space<vmem>>, vector<1x16xf32>,
        %get3A_1635 = vector.shape_cast %get3A_1634 : vector<1x16xf32> to vector<16xf32>
        %mul3A_1636 = arith.constant 64 : i32
        %mul3A_1637 = arith.muli %add3A_1603, %mul3A_1636 : i32
        %add3A_1638 = arith.constant 16 : i32
        %add3A_1639 = arith.addi %mul3A_1637, %add3A_1638 : i32
        %get3A_1640 = arith.index_cast %add3A_1639 : i32 to index
        %get3A_1641 = tpu.vector_load %arg7[%get3A_1640] {strides = array<i32>} : memref<12800xf32, #tpu.memory_space<vmem>>, vector<16xf32>,
        %get3A_1642 = vector.shape_cast %get3A_1641 : vector<16xf32> to vector<16xf32>
        %add3A_1643 = arith.addf %get3A_1635, %get3A_1642 : vector<16xf32>
        %mul3A_1644 = arith.constant 64 : i32
        %mul3A_1645 = arith.muli %add3A_1603, %mul3A_1644 : i32
        %add3A_1646 = arith.constant 16 : i32
        %add3A_1647 = arith.addi %mul3A_1645, %add3A_1646 : i32
        %swap3A_1648 = arith.index_cast %add3A_1647 : i32 to index
        %swap3A_1649 = tpu.vector_load %arg12[%swap3A_1648] {strides = array<i32>} : memref<12800xf32, #tpu.memory_space<vmem>>, vector<16xf32>,
        %swap3A_1650 = vector.shape_cast %swap3A_1649 : vector<16xf32> to vector<16xf32>
        %swap3A_1651 = vector.shape_cast %add3A_1643 : vector<16xf32> to vector<16xf32>
        tpu.vector_store %arg12[%swap3A_1648], %swap3A_1651 {strides = array<i32>} : memref<12800xf32, #tpu.memory_space<vmem>>, vector<16xf32>,
        %add3A_1652 = arith.constant 32 : i32
        %add3A_1653 = arith.addi %shift_left3A_1607, %add3A_1652 : i32
        %get3A_1654 = arith.index_cast %add3A_1603 : i32 to index
        %get3A_1655 = arith.index_cast %add3A_1653 : i32 to index
        %get3A_1656 = tpu.vector_load %arg10[%get3A_1654, %get3A_1655] {strides = array<i32>} : memref<200x128xf32, #tpu.memory_space<vmem>>, vector<1x16xf32>,
        %get3A_1657 = vector.shape_cast %get3A_1656 : vector<1x16xf32> to vector<16xf32>
        %mul3A_1658 = arith.constant 64 : i32
        %mul3A_1659 = arith.muli %add3A_1603, %mul3A_1658 : i32
        %add3A_1660 = arith.constant 32 : i32
        %add3A_1661 = arith.addi %mul3A_1659, %add3A_1660 : i32
        %get3A_1662 = arith.index_cast %add3A_1661 : i32 to index
        %get3A_1663 = tpu.vector_load %arg7[%get3A_1662] {strides = array<i32>} : memref<12800xf32, #tpu.memory_space<vmem>>, vector<16xf32>,
        %get3A_1664 = vector.shape_cast %get3A_1663 : vector<16xf32> to vector<16xf32>
        %add3A_1665 = arith.addf %get3A_1657, %get3A_1664 : vector<16xf32>
        %mul3A_1666 = arith.constant 64 : i32
        %mul3A_1667 = arith.muli %add3A_1603, %mul3A_1666 : i32
        %add3A_1668 = arith.constant 32 : i32
        %add3A_1669 = arith.addi %mul3A_1667, %add3A_1668 : i32
        %swap3A_1670 = arith.index_cast %add3A_1669 : i32 to index
        %swap3A_1671 = tpu.vector_load %arg12[%swap3A_1670] {strides = array<i32>} : memref<12800xf32, #tpu.memory_space<vmem>>, vector<16xf32>,
        %swap3A_1672 = vector.shape_cast %swap3A_1671 : vector<16xf32> to vector<16xf32>
        %swap3A_1673 = vector.shape_cast %add3A_1665 : vector<16xf32> to vector<16xf32>
        tpu.vector_store %arg12[%swap3A_1670], %swap3A_1673 {strides = array<i32>} : memref<12800xf32, #tpu.memory_space<vmem>>, vector<16xf32>,
        %add3A_1674 = arith.constant 48 : i32
        %add3A_1675 = arith.addi %shift_left3A_1607, %add3A_1674 : i32
        %get3A_1676 = arith.index_cast %add3A_1603 : i32 to index
        %get3A_1677 = arith.index_cast %add3A_1675 : i32 to index
        %get3A_1678 = tpu.vector_load %arg10[%get3A_1676, %get3A_1677] {strides = array<i32>} : memref<200x128xf32, #tpu.memory_space<vmem>>, vector<1x16xf32>,
        %get3A_1679 = vector.shape_cast %get3A_1678 : vector<1x16xf32> to vector<16xf32>
        %mul3A_1680 = arith.constant 64 : i32
        %mul3A_1681 = arith.muli %add3A_1603, %mul3A_1680 : i32
        %add3A_1682 = arith.constant 48 : i32
        %add3A_1683 = arith.addi %mul3A_1681, %add3A_1682 : i32
        %get3A_1684 = arith.index_cast %add3A_1683 : i32 to index
        %get3A_1685 = tpu.vector_load %arg7[%get3A_1684] {strides = array<i32>} : memref<12800xf32, #tpu.memory_space<vmem>>, vector<16xf32>,
        %get3A_1686 = vector.shape_cast %get3A_1685 : vector<16xf32> to vector<16xf32>
        %add3A_1687 = arith.addf %get3A_1679, %get3A_1686 : vector<16xf32>
        %mul3A_1688 = arith.constant 64 : i32
        %mul3A_1689 = arith.muli %add3A_1603, %mul3A_1688 : i32
        %add3A_1690 = arith.constant 48 : i32
        %add3A_1691 = arith.addi %mul3A_1689, %add3A_1690 : i32
        %swap3A_1692 = arith.index_cast %add3A_1691 : i32 to index
        %swap3A_1693 = tpu.vector_load %arg12[%swap3A_1692] {strides = array<i32>} : memref<12800xf32, #tpu.memory_space<vmem>>, vector<16xf32>,
        %swap3A_1694 = vector.shape_cast %swap3A_1693 : vector<16xf32> to vector<16xf32>
        %swap3A_1695 = vector.shape_cast %add3A_1687 : vector<16xf32> to vector<16xf32>
        tpu.vector_store %arg12[%swap3A_1692], %swap3A_1695 {strides = array<i32>} : memref<12800xf32, #tpu.memory_space<vmem>>, vector<16xf32>,
        %add3A_1696 = arith.constant 4 : i32
        %add3A_1697 = arith.addi %mul3A_1310, %add3A_1696 : i32
        %slice3A_1698 = vector.extract_strided_slice %and3A_1319 {offsets = [4], sizes = [1], strides = [1]} : vector<16xi32> to vector<1xi32>
        %squeeze3A_1699 = vector.extract %slice3A_1698[0] : i32 from vector<1xi32>
        %shift_left3A_1700 = arith.constant 6 : i32
        %shift_left3A_1701 = arith.shli %squeeze3A_1699, %shift_left3A_1700 : i32
        %add3A_1702 = arith.constant 0 : i32
        %add3A_1703 = arith.addi %shift_left3A_1701, %add3A_1702 : i32
        %get3A_1704 = arith.index_cast %add3A_1697 : i32 to index
        %get3A_1705 = arith.index_cast %add3A_1703 : i32 to index
        %get3A_1706 = tpu.vector_load %arg10[%get3A_1704, %get3A_1705] {strides = array<i32>} : memref<200x128xf32, #tpu.memory_space<vmem>>, vector<1x16xf32>,
        %get3A_1707 = vector.shape_cast %get3A_1706 : vector<1x16xf32> to vector<16xf32>
        %mul3A_1708 = arith.constant 64 : i32
        %mul3A_1709 = arith.muli %add3A_1697, %mul3A_1708 : i32
        %add3A_1710 = arith.constant 0 : i32
        %add3A_1711 = arith.addi %mul3A_1709, %add3A_1710 : i32
        %get3A_1712 = arith.index_cast %add3A_1711 : i32 to index
        %get3A_1713 = tpu.vector_load %arg7[%get3A_1712] {strides = array<i32>} : memref<12800xf32, #tpu.memory_space<vmem>>, vector<16xf32>,
        %get3A_1714 = vector.shape_cast %get3A_1713 : vector<16xf32> to vector<16xf32>
        %add3A_1715 = arith.addf %get3A_1707, %get3A_1714 : vector<16xf32>
        %mul3A_1716 = arith.constant 64 : i32
        %mul3A_1717 = arith.muli %add3A_1697, %mul3A_1716 : i32
        %add3A_1718 = arith.constant 0 : i32
        %add3A_1719 = arith.addi %mul3A_1717, %add3A_1718 : i32
        %swap3A_1720 = arith.index_cast %add3A_1719 : i32 to index
        %swap3A_1721 = tpu.vector_load %arg12[%swap3A_1720] {strides = array<i32>} : memref<12800xf32, #tpu.memory_space<vmem>>, vector<16xf32>,
        %swap3A_1722 = vector.shape_cast %swap3A_1721 : vector<16xf32> to vector<16xf32>
        %swap3A_1723 = vector.shape_cast %add3A_1715 : vector<16xf32> to vector<16xf32>
        tpu.vector_store %arg12[%swap3A_1720], %swap3A_1723 {strides = array<i32>} : memref<12800xf32, #tpu.memory_space<vmem>>, vector<16xf32>,
        %add3A_1724 = arith.constant 16 : i32
        %add3A_1725 = arith.addi %shift_left3A_1701, %add3A_1724 : i32
        %get3A_1726 = arith.index_cast %add3A_1697 : i32 to index
        %get3A_1727 = arith.index_cast %add3A_1725 : i32 to index
        %get3A_1728 = tpu.vector_load %arg10[%get3A_1726, %get3A_1727] {strides = array<i32>} : memref<200x128xf32, #tpu.memory_space<vmem>>, vector<1x16xf32>,
        %get3A_1729 = vector.shape_cast %get3A_1728 : vector<1x16xf32> to vector<16xf32>
        %mul3A_1730 = arith.constant 64 : i32
        %mul3A_1731 = arith.muli %add3A_1697, %mul3A_1730 : i32
        %add3A_1732 = arith.constant 16 : i32
        %add3A_1733 = arith.addi %mul3A_1731, %add3A_1732 : i32
        %get3A_1734 = arith.index_cast %add3A_1733 : i32 to index
        %get3A_1735 = tpu.vector_load %arg7[%get3A_1734] {strides = array<i32>} : memref<12800xf32, #tpu.memory_space<vmem>>, vector<16xf32>,
        %get3A_1736 = vector.shape_cast %get3A_1735 : vector<16xf32> to vector<16xf32>
        %add3A_1737 = arith.addf %get3A_1729, %get3A_1736 : vector<16xf32>
        %mul3A_1738 = arith.constant 64 : i32
        %mul3A_1739 = arith.muli %add3A_1697, %mul3A_1738 : i32
        %add3A_1740 = arith.constant 16 : i32
        %add3A_1741 = arith.addi %mul3A_1739, %add3A_1740 : i32
        %swap3A_1742 = arith.index_cast %add3A_1741 : i32 to index
        %swap3A_1743 = tpu.vector_load %arg12[%swap3A_1742] {strides = array<i32>} : memref<12800xf32, #tpu.memory_space<vmem>>, vector<16xf32>,
        %swap3A_1744 = vector.shape_cast %swap3A_1743 : vector<16xf32> to vector<16xf32>
        %swap3A_1745 = vector.shape_cast %add3A_1737 : vector<16xf32> to vector<16xf32>
        tpu.vector_store %arg12[%swap3A_1742], %swap3A_1745 {strides = array<i32>} : memref<12800xf32, #tpu.memory_space<vmem>>, vector<16xf32>,
        %add3A_1746 = arith.constant 32 : i32
        %add3A_1747 = arith.addi %shift_left3A_1701, %add3A_1746 : i32
        %get3A_1748 = arith.index_cast %add3A_1697 : i32 to index
        %get3A_1749 = arith.index_cast %add3A_1747 : i32 to index
        %get3A_1750 = tpu.vector_load %arg10[%get3A_1748, %get3A_1749] {strides = array<i32>} : memref<200x128xf32, #tpu.memory_space<vmem>>, vector<1x16xf32>,
        %get3A_1751 = vector.shape_cast %get3A_1750 : vector<1x16xf32> to vector<16xf32>
        %mul3A_1752 = arith.constant 64 : i32
        %mul3A_1753 = arith.muli %add3A_1697, %mul3A_1752 : i32
        %add3A_1754 = arith.constant 32 : i32
        %add3A_1755 = arith.addi %mul3A_1753, %add3A_1754 : i32
        %get3A_1756 = arith.index_cast %add3A_1755 : i32 to index
        %get3A_1757 = tpu.vector_load %arg7[%get3A_1756] {strides = array<i32>} : memref<12800xf32, #tpu.memory_space<vmem>>, vector<16xf32>,
        %get3A_1758 = vector.shape_cast %get3A_1757 : vector<16xf32> to vector<16xf32>
        %add3A_1759 = arith.addf %get3A_1751, %get3A_1758 : vector<16xf32>
        %mul3A_1760 = arith.constant 64 : i32
        %mul3A_1761 = arith.muli %add3A_1697, %mul3A_1760 : i32
        %add3A_1762 = arith.constant 32 : i32
        %add3A_1763 = arith.addi %mul3A_1761, %add3A_1762 : i32
        %swap3A_1764 = arith.index_cast %add3A_1763 : i32 to index
        %swap3A_1765 = tpu.vector_load %arg12[%swap3A_1764] {strides = array<i32>} : memref<12800xf32, #tpu.memory_space<vmem>>, vector<16xf32>,
        %swap3A_1766 = vector.shape_cast %swap3A_1765 : vector<16xf32> to vector<16xf32>
        %swap3A_1767 = vector.shape_cast %add3A_1759 : vector<16xf32> to vector<16xf32>
        tpu.vector_store %arg12[%swap3A_1764], %swap3A_1767 {strides = array<i32>} : memref<12800xf32, #tpu.memory_space<vmem>>, vector<16xf32>,
        %add3A_1768 = arith.constant 48 : i32
        %add3A_1769 = arith.addi %shift_left3A_1701, %add3A_1768 : i32
        %get3A_1770 = arith.index_cast %add3A_1697 : i32 to index
        %get3A_1771 = arith.index_cast %add3A_1769 : i32 to index
        %get3A_1772 = tpu.vector_load %arg10[%get3A_1770, %get3A_1771] {strides = array<i32>} : memref<200x128xf32, #tpu.memory_space<vmem>>, vector<1x16xf32>,
        %get3A_1773 = vector.shape_cast %get3A_1772 : vector<1x16xf32> to vector<16xf32>
        %mul3A_1774 = arith.constant 64 : i32
        %mul3A_1775 = arith.muli %add3A_1697, %mul3A_1774 : i32
        %add3A_1776 = arith.constant 48 : i32
        %add3A_1777 = arith.addi %mul3A_1775, %add3A_1776 : i32
        %get3A_1778 = arith.index_cast %add3A_1777 : i32 to index
        %get3A_1779 = tpu.vector_load %arg7[%get3A_1778] {strides = array<i32>} : memref<12800xf32, #tpu.memory_space<vmem>>, vector<16xf32>,
        %get3A_1780 = vector.shape_cast %get3A_1779 : vector<16xf32> to vector<16xf32>
        %add3A_1781 = arith.addf %get3A_1773, %get3A_1780 : vector<16xf32>
        %mul3A_1782 = arith.constant 64 : i32
        %mul3A_1783 = arith.muli %add3A_1697, %mul3A_1782 : i32
        %add3A_1784 = arith.constant 48 : i32
        %add3A_1785 = arith.addi %mul3A_1783, %add3A_1784 : i32
        %swap3A_1786 = arith.index_cast %add3A_1785 : i32 to index
        %swap3A_1787 = tpu.vector_load %arg12[%swap3A_1786] {strides = array<i32>} : memref<12800xf32, #tpu.memory_space<vmem>>, vector<16xf32>,
        %swap3A_1788 = vector.shape_cast %swap3A_1787 : vector<16xf32> to vector<16xf32>
        %swap3A_1789 = vector.shape_cast %add3A_1781 : vector<16xf32> to vector<16xf32>
        tpu.vector_store %arg12[%swap3A_1786], %swap3A_1789 {strides = array<i32>} : memref<12800xf32, #tpu.memory_space<vmem>>, vector<16xf32>,
        %add3A_1790 = arith.constant 5 : i32
        %add3A_1791 = arith.addi %mul3A_1310, %add3A_1790 : i32
        %slice3A_1792 = vector.extract_strided_slice %and3A_1319 {offsets = [5], sizes = [1], strides = [1]} : vector<16xi32> to vector<1xi32>
        %squeeze3A_1793 = vector.extract %slice3A_1792[0] : i32 from vector<1xi32>
        %shift_left3A_1794 = arith.constant 6 : i32
        %shift_left3A_1795 = arith.shli %squeeze3A_1793, %shift_left3A_1794 : i32
        %add3A_1796 = arith.constant 0 : i32
        %add3A_1797 = arith.addi %shift_left3A_1795, %add3A_1796 : i32
        %get3A_1798 = arith.index_cast %add3A_1791 : i32 to index
        %get3A_1799 = arith.index_cast %add3A_1797 : i32 to index
        %get3A_1800 = tpu.vector_load %arg10[%get3A_1798, %get3A_1799] {strides = array<i32>} : memref<200x128xf32, #tpu.memory_space<vmem>>, vector<1x16xf32>,
        %get3A_1801 = vector.shape_cast %get3A_1800 : vector<1x16xf32> to vector<16xf32>
        %mul3A_1802 = arith.constant 64 : i32
        %mul3A_1803 = arith.muli %add3A_1791, %mul3A_1802 : i32
        %add3A_1804 = arith.constant 0 : i32
        %add3A_1805 = arith.addi %mul3A_1803, %add3A_1804 : i32
        %get3A_1806 = arith.index_cast %add3A_1805 : i32 to index
        %get3A_1807 = tpu.vector_load %arg7[%get3A_1806] {strides = array<i32>} : memref<12800xf32, #tpu.memory_space<vmem>>, vector<16xf32>,
        %get3A_1808 = vector.shape_cast %get3A_1807 : vector<16xf32> to vector<16xf32>
        %add3A_1809 = arith.addf %get3A_1801, %get3A_1808 : vector<16xf32>
        %mul3A_1810 = arith.constant 64 : i32
        %mul3A_1811 = arith.muli %add3A_1791, %mul3A_1810 : i32
        %add3A_1812 = arith.constant 0 : i32
        %add3A_1813 = arith.addi %mul3A_1811, %add3A_1812 : i32
        %swap3A_1814 = arith.index_cast %add3A_1813 : i32 to index
        %swap3A_1815 = tpu.vector_load %arg12[%swap3A_1814] {strides = array<i32>} : memref<12800xf32, #tpu.memory_space<vmem>>, vector<16xf32>,
        %swap3A_1816 = vector.shape_cast %swap3A_1815 : vector<16xf32> to vector<16xf32>
        %swap3A_1817 = vector.shape_cast %add3A_1809 : vector<16xf32> to vector<16xf32>
        tpu.vector_store %arg12[%swap3A_1814], %swap3A_1817 {strides = array<i32>} : memref<12800xf32, #tpu.memory_space<vmem>>, vector<16xf32>,
        %add3A_1818 = arith.constant 16 : i32
        %add3A_1819 = arith.addi %shift_left3A_1795, %add3A_1818 : i32
        %get3A_1820 = arith.index_cast %add3A_1791 : i32 to index
        %get3A_1821 = arith.index_cast %add3A_1819 : i32 to index
        %get3A_1822 = tpu.vector_load %arg10[%get3A_1820, %get3A_1821] {strides = array<i32>} : memref<200x128xf32, #tpu.memory_space<vmem>>, vector<1x16xf32>,
        %get3A_1823 = vector.shape_cast %get3A_1822 : vector<1x16xf32> to vector<16xf32>
        %mul3A_1824 = arith.constant 64 : i32
        %mul3A_1825 = arith.muli %add3A_1791, %mul3A_1824 : i32
        %add3A_1826 = arith.constant 16 : i32
        %add3A_1827 = arith.addi %mul3A_1825, %add3A_1826 : i32
        %get3A_1828 = arith.index_cast %add3A_1827 : i32 to index
        %get3A_1829 = tpu.vector_load %arg7[%get3A_1828] {strides = array<i32>} : memref<12800xf32, #tpu.memory_space<vmem>>, vector<16xf32>,
        %get3A_1830 = vector.shape_cast %get3A_1829 : vector<16xf32> to vector<16xf32>
        %add3A_1831 = arith.addf %get3A_1823, %get3A_1830 : vector<16xf32>
        %mul3A_1832 = arith.constant 64 : i32
        %mul3A_1833 = arith.muli %add3A_1791, %mul3A_1832 : i32
        %add3A_1834 = arith.constant 16 : i32
        %add3A_1835 = arith.addi %mul3A_1833, %add3A_1834 : i32
        %swap3A_1836 = arith.index_cast %add3A_1835 : i32 to index
        %swap3A_1837 = tpu.vector_load %arg12[%swap3A_1836] {strides = array<i32>} : memref<12800xf32, #tpu.memory_space<vmem>>, vector<16xf32>,
        %swap3A_1838 = vector.shape_cast %swap3A_1837 : vector<16xf32> to vector<16xf32>
        %swap3A_1839 = vector.shape_cast %add3A_1831 : vector<16xf32> to vector<16xf32>
        tpu.vector_store %arg12[%swap3A_1836], %swap3A_1839 {strides = array<i32>} : memref<12800xf32, #tpu.memory_space<vmem>>, vector<16xf32>,
        %add3A_1840 = arith.constant 32 : i32
        %add3A_1841 = arith.addi %shift_left3A_1795, %add3A_1840 : i32
        %get3A_1842 = arith.index_cast %add3A_1791 : i32 to index
        %get3A_1843 = arith.index_cast %add3A_1841 : i32 to index
        %get3A_1844 = tpu.vector_load %arg10[%get3A_1842, %get3A_1843] {strides = array<i32>} : memref<200x128xf32, #tpu.memory_space<vmem>>, vector<1x16xf32>,
        %get3A_1845 = vector.shape_cast %get3A_1844 : vector<1x16xf32> to vector<16xf32>
        %mul3A_1846 = arith.constant 64 : i32
        %mul3A_1847 = arith.muli %add3A_1791, %mul3A_1846 : i32
        %add3A_1848 = arith.constant 32 : i32
        %add3A_1849 = arith.addi %mul3A_1847, %add3A_1848 : i32
        %get3A_1850 = arith.index_cast %add3A_1849 : i32 to index
        %get3A_1851 = tpu.vector_load %arg7[%get3A_1850] {strides = array<i32>} : memref<12800xf32, #tpu.memory_space<vmem>>, vector<16xf32>,
        %get3A_1852 = vector.shape_cast %get3A_1851 : vector<16xf32> to vector<16xf32>
        %add3A_1853 = arith.addf %get3A_1845, %get3A_1852 : vector<16xf32>
        %mul3A_1854 = arith.constant 64 : i32
        %mul3A_1855 = arith.muli %add3A_1791, %mul3A_1854 : i32
        %add3A_1856 = arith.constant 32 : i32
        %add3A_1857 = arith.addi %mul3A_1855, %add3A_1856 : i32
        %swap3A_1858 = arith.index_cast %add3A_1857 : i32 to index
        %swap3A_1859 = tpu.vector_load %arg12[%swap3A_1858] {strides = array<i32>} : memref<12800xf32, #tpu.memory_space<vmem>>, vector<16xf32>,
        %swap3A_1860 = vector.shape_cast %swap3A_1859 : vector<16xf32> to vector<16xf32>
        %swap3A_1861 = vector.shape_cast %add3A_1853 : vector<16xf32> to vector<16xf32>
        tpu.vector_store %arg12[%swap3A_1858], %swap3A_1861 {strides = array<i32>} : memref<12800xf32, #tpu.memory_space<vmem>>, vector<16xf32>,
        %add3A_1862 = arith.constant 48 : i32
        %add3A_1863 = arith.addi %shift_left3A_1795, %add3A_1862 : i32
        %get3A_1864 = arith.index_cast %add3A_1791 : i32 to index
        %get3A_1865 = arith.index_cast %add3A_1863 : i32 to index
        %get3A_1866 = tpu.vector_load %arg10[%get3A_1864, %get3A_1865] {strides = array<i32>} : memref<200x128xf32, #tpu.memory_space<vmem>>, vector<1x16xf32>,
        %get3A_1867 = vector.shape_cast %get3A_1866 : vector<1x16xf32> to vector<16xf32>
        %mul3A_1868 = arith.constant 64 : i32
        %mul3A_1869 = arith.muli %add3A_1791, %mul3A_1868 : i32
        %add3A_1870 = arith.constant 48 : i32
        %add3A_1871 = arith.addi %mul3A_1869, %add3A_1870 : i32
        %get3A_1872 = arith.index_cast %add3A_1871 : i32 to index
        %get3A_1873 = tpu.vector_load %arg7[%get3A_1872] {strides = array<i32>} : memref<12800xf32, #tpu.memory_space<vmem>>, vector<16xf32>,
        %get3A_1874 = vector.shape_cast %get3A_1873 : vector<16xf32> to vector<16xf32>
        %add3A_1875 = arith.addf %get3A_1867, %get3A_1874 : vector<16xf32>
        %mul3A_1876 = arith.constant 64 : i32
        %mul3A_1877 = arith.muli %add3A_1791, %mul3A_1876 : i32
        %add3A_1878 = arith.constant 48 : i32
        %add3A_1879 = arith.addi %mul3A_1877, %add3A_1878 : i32
        %swap3A_1880 = arith.index_cast %add3A_1879 : i32 to index
        %swap3A_1881 = tpu.vector_load %arg12[%swap3A_1880] {strides = array<i32>} : memref<12800xf32, #tpu.memory_space<vmem>>, vector<16xf32>,
        %swap3A_1882 = vector.shape_cast %swap3A_1881 : vector<16xf32> to vector<16xf32>
        %swap3A_1883 = vector.shape_cast %add3A_1875 : vector<16xf32> to vector<16xf32>
        tpu.vector_store %arg12[%swap3A_1880], %swap3A_1883 {strides = array<i32>} : memref<12800xf32, #tpu.memory_space<vmem>>, vector<16xf32>,
        %add3A_1884 = arith.constant 6 : i32
        %add3A_1885 = arith.addi %mul3A_1310, %add3A_1884 : i32
        %slice3A_1886 = vector.extract_strided_slice %and3A_1319 {offsets = [6], sizes = [1], strides = [1]} : vector<16xi32> to vector<1xi32>
        %squeeze3A_1887 = vector.extract %slice3A_1886[0] : i32 from vector<1xi32>
        %shift_left3A_1888 = arith.constant 6 : i32
        %shift_left3A_1889 = arith.shli %squeeze3A_1887, %shift_left3A_1888 : i32
        %add3A_1890 = arith.constant 0 : i32
        %add3A_1891 = arith.addi %shift_left3A_1889, %add3A_1890 : i32
        %get3A_1892 = arith.index_cast %add3A_1885 : i32 to index
        %get3A_1893 = arith.index_cast %add3A_1891 : i32 to index
        %get3A_1894 = tpu.vector_load %arg10[%get3A_1892, %get3A_1893] {strides = array<i32>} : memref<200x128xf32, #tpu.memory_space<vmem>>, vector<1x16xf32>,
        %get3A_1895 = vector.shape_cast %get3A_1894 : vector<1x16xf32> to vector<16xf32>
        %mul3A_1896 = arith.constant 64 : i32
        %mul3A_1897 = arith.muli %add3A_1885, %mul3A_1896 : i32
        %add3A_1898 = arith.constant 0 : i32
        %add3A_1899 = arith.addi %mul3A_1897, %add3A_1898 : i32
        %get3A_1900 = arith.index_cast %add3A_1899 : i32 to index
        %get3A_1901 = tpu.vector_load %arg7[%get3A_1900] {strides = array<i32>} : memref<12800xf32, #tpu.memory_space<vmem>>, vector<16xf32>,
        %get3A_1902 = vector.shape_cast %get3A_1901 : vector<16xf32> to vector<16xf32>
        %add3A_1903 = arith.addf %get3A_1895, %get3A_1902 : vector<16xf32>
        %mul3A_1904 = arith.constant 64 : i32
        %mul3A_1905 = arith.muli %add3A_1885, %mul3A_1904 : i32
        %add3A_1906 = arith.constant 0 : i32
        %add3A_1907 = arith.addi %mul3A_1905, %add3A_1906 : i32
        %swap3A_1908 = arith.index_cast %add3A_1907 : i32 to index
        %swap3A_1909 = tpu.vector_load %arg12[%swap3A_1908] {strides = array<i32>} : memref<12800xf32, #tpu.memory_space<vmem>>, vector<16xf32>,
        %swap3A_1910 = vector.shape_cast %swap3A_1909 : vector<16xf32> to vector<16xf32>
        %swap3A_1911 = vector.shape_cast %add3A_1903 : vector<16xf32> to vector<16xf32>
        tpu.vector_store %arg12[%swap3A_1908], %swap3A_1911 {strides = array<i32>} : memref<12800xf32, #tpu.memory_space<vmem>>, vector<16xf32>,
        %add3A_1912 = arith.constant 16 : i32
        %add3A_1913 = arith.addi %shift_left3A_1889, %add3A_1912 : i32
        %get3A_1914 = arith.index_cast %add3A_1885 : i32 to index
        %get3A_1915 = arith.index_cast %add3A_1913 : i32 to index
        %get3A_1916 = tpu.vector_load %arg10[%get3A_1914, %get3A_1915] {strides = array<i32>} : memref<200x128xf32, #tpu.memory_space<vmem>>, vector<1x16xf32>,
        %get3A_1917 = vector.shape_cast %get3A_1916 : vector<1x16xf32> to vector<16xf32>
        %mul3A_1918 = arith.constant 64 : i32
        %mul3A_1919 = arith.muli %add3A_1885, %mul3A_1918 : i32
        %add3A_1920 = arith.constant 16 : i32
        %add3A_1921 = arith.addi %mul3A_1919, %add3A_1920 : i32
        %get3A_1922 = arith.index_cast %add3A_1921 : i32 to index
        %get3A_1923 = tpu.vector_load %arg7[%get3A_1922] {strides = array<i32>} : memref<12800xf32, #tpu.memory_space<vmem>>, vector<16xf32>,
        %get3A_1924 = vector.shape_cast %get3A_1923 : vector<16xf32> to vector<16xf32>
        %add3A_1925 = arith.addf %get3A_1917, %get3A_1924 : vector<16xf32>
        %mul3A_1926 = arith.constant 64 : i32
        %mul3A_1927 = arith.muli %add3A_1885, %mul3A_1926 : i32
        %add3A_1928 = arith.constant 16 : i32
        %add3A_1929 = arith.addi %mul3A_1927, %add3A_1928 : i32
        %swap3A_1930 = arith.index_cast %add3A_1929 : i32 to index
        %swap3A_1931 = tpu.vector_load %arg12[%swap3A_1930] {strides = array<i32>} : memref<12800xf32, #tpu.memory_space<vmem>>, vector<16xf32>,
        %swap3A_1932 = vector.shape_cast %swap3A_1931 : vector<16xf32> to vector<16xf32>
        %swap3A_1933 = vector.shape_cast %add3A_1925 : vector<16xf32> to vector<16xf32>
        tpu.vector_store %arg12[%swap3A_1930], %swap3A_1933 {strides = array<i32>} : memref<12800xf32, #tpu.memory_space<vmem>>, vector<16xf32>,
        %add3A_1934 = arith.constant 32 : i32
        %add3A_1935 = arith.addi %shift_left3A_1889, %add3A_1934 : i32
        %get3A_1936 = arith.index_cast %add3A_1885 : i32 to index
        %get3A_1937 = arith.index_cast %add3A_1935 : i32 to index
        %get3A_1938 = tpu.vector_load %arg10[%get3A_1936, %get3A_1937] {strides = array<i32>} : memref<200x128xf32, #tpu.memory_space<vmem>>, vector<1x16xf32>,
        %get3A_1939 = vector.shape_cast %get3A_1938 : vector<1x16xf32> to vector<16xf32>
        %mul3A_1940 = arith.constant 64 : i32
        %mul3A_1941 = arith.muli %add3A_1885, %mul3A_1940 : i32
        %add3A_1942 = arith.constant 32 : i32
        %add3A_1943 = arith.addi %mul3A_1941, %add3A_1942 : i32
        %get3A_1944 = arith.index_cast %add3A_1943 : i32 to index
        %get3A_1945 = tpu.vector_load %arg7[%get3A_1944] {strides = array<i32>} : memref<12800xf32, #tpu.memory_space<vmem>>, vector<16xf32>,
        %get3A_1946 = vector.shape_cast %get3A_1945 : vector<16xf32> to vector<16xf32>
        %add3A_1947 = arith.addf %get3A_1939, %get3A_1946 : vector<16xf32>
        %mul3A_1948 = arith.constant 64 : i32
        %mul3A_1949 = arith.muli %add3A_1885, %mul3A_1948 : i32
        %add3A_1950 = arith.constant 32 : i32
        %add3A_1951 = arith.addi %mul3A_1949, %add3A_1950 : i32
        %swap3A_1952 = arith.index_cast %add3A_1951 : i32 to index
        %swap3A_1953 = tpu.vector_load %arg12[%swap3A_1952] {strides = array<i32>} : memref<12800xf32, #tpu.memory_space<vmem>>, vector<16xf32>,
        %swap3A_1954 = vector.shape_cast %swap3A_1953 : vector<16xf32> to vector<16xf32>
        %swap3A_1955 = vector.shape_cast %add3A_1947 : vector<16xf32> to vector<16xf32>
        tpu.vector_store %arg12[%swap3A_1952], %swap3A_1955 {strides = array<i32>} : memref<12800xf32, #tpu.memory_space<vmem>>, vector<16xf32>,
        %add3A_1956 = arith.constant 48 : i32
        %add3A_1957 = arith.addi %shift_left3A_1889, %add3A_1956 : i32
        %get3A_1958 = arith.index_cast %add3A_1885 : i32 to index
        %get3A_1959 = arith.index_cast %add3A_1957 : i32 to index
        %get3A_1960 = tpu.vector_load %arg10[%get3A_1958, %get3A_1959] {strides = array<i32>} : memref<200x128xf32, #tpu.memory_space<vmem>>, vector<1x16xf32>,
        %get3A_1961 = vector.shape_cast %get3A_1960 : vector<1x16xf32> to vector<16xf32>
        %mul3A_1962 = arith.constant 64 : i32
        %mul3A_1963 = arith.muli %add3A_1885, %mul3A_1962 : i32
        %add3A_1964 = arith.constant 48 : i32
        %add3A_1965 = arith.addi %mul3A_1963, %add3A_1964 : i32
        %get3A_1966 = arith.index_cast %add3A_1965 : i32 to index
        %get3A_1967 = tpu.vector_load %arg7[%get3A_1966] {strides = array<i32>} : memref<12800xf32, #tpu.memory_space<vmem>>, vector<16xf32>,
        %get3A_1968 = vector.shape_cast %get3A_1967 : vector<16xf32> to vector<16xf32>
        %add3A_1969 = arith.addf %get3A_1961, %get3A_1968 : vector<16xf32>
        %mul3A_1970 = arith.constant 64 : i32
        %mul3A_1971 = arith.muli %add3A_1885, %mul3A_1970 : i32
        %add3A_1972 = arith.constant 48 : i32
        %add3A_1973 = arith.addi %mul3A_1971, %add3A_1972 : i32
        %swap3A_1974 = arith.index_cast %add3A_1973 : i32 to index
        %swap3A_1975 = tpu.vector_load %arg12[%swap3A_1974] {strides = array<i32>} : memref<12800xf32, #tpu.memory_space<vmem>>, vector<16xf32>,
        %swap3A_1976 = vector.shape_cast %swap3A_1975 : vector<16xf32> to vector<16xf32>
        %swap3A_1977 = vector.shape_cast %add3A_1969 : vector<16xf32> to vector<16xf32>
        tpu.vector_store %arg12[%swap3A_1974], %swap3A_1977 {strides = array<i32>} : memref<12800xf32, #tpu.memory_space<vmem>>, vector<16xf32>,
        %add3A_1978 = arith.constant 7 : i32
        %add3A_1979 = arith.addi %mul3A_1310, %add3A_1978 : i32
        %slice3A_1980 = vector.extract_strided_slice %and3A_1319 {offsets = [7], sizes = [1], strides = [1]} : vector<16xi32> to vector<1xi32>
        %squeeze3A_1981 = vector.extract %slice3A_1980[0] : i32 from vector<1xi32>
        %shift_left3A_1982 = arith.constant 6 : i32
        %shift_left3A_1983 = arith.shli %squeeze3A_1981, %shift_left3A_1982 : i32
        %add3A_1984 = arith.constant 0 : i32
        %add3A_1985 = arith.addi %shift_left3A_1983, %add3A_1984 : i32
        %get3A_1986 = arith.index_cast %add3A_1979 : i32 to index
        %get3A_1987 = arith.index_cast %add3A_1985 : i32 to index
        %get3A_1988 = tpu.vector_load %arg10[%get3A_1986, %get3A_1987] {strides = array<i32>} : memref<200x128xf32, #tpu.memory_space<vmem>>, vector<1x16xf32>,
        %get3A_1989 = vector.shape_cast %get3A_1988 : vector<1x16xf32> to vector<16xf32>
        %mul3A_1990 = arith.constant 64 : i32
        %mul3A_1991 = arith.muli %add3A_1979, %mul3A_1990 : i32
        %add3A_1992 = arith.constant 0 : i32
        %add3A_1993 = arith.addi %mul3A_1991, %add3A_1992 : i32
        %get3A_1994 = arith.index_cast %add3A_1993 : i32 to index
        %get3A_1995 = tpu.vector_load %arg7[%get3A_1994] {strides = array<i32>} : memref<12800xf32, #tpu.memory_space<vmem>>, vector<16xf32>,
        %get3A_1996 = vector.shape_cast %get3A_1995 : vector<16xf32> to vector<16xf32>
        %add3A_1997 = arith.addf %get3A_1989, %get3A_1996 : vector<16xf32>
        %mul3A_1998 = arith.constant 64 : i32
        %mul3A_1999 = arith.muli %add3A_1979, %mul3A_1998 : i32
        %add3A_2000 = arith.constant 0 : i32
        %add3A_2001 = arith.addi %mul3A_1999, %add3A_2000 : i32
        %swap3A_2002 = arith.index_cast %add3A_2001 : i32 to index
        %swap3A_2003 = tpu.vector_load %arg12[%swap3A_2002] {strides = array<i32>} : memref<12800xf32, #tpu.memory_space<vmem>>, vector<16xf32>,
        %swap3A_2004 = vector.shape_cast %swap3A_2003 : vector<16xf32> to vector<16xf32>
        %swap3A_2005 = vector.shape_cast %add3A_1997 : vector<16xf32> to vector<16xf32>
        tpu.vector_store %arg12[%swap3A_2002], %swap3A_2005 {strides = array<i32>} : memref<12800xf32, #tpu.memory_space<vmem>>, vector<16xf32>,
        %add3A_2006 = arith.constant 16 : i32
        %add3A_2007 = arith.addi %shift_left3A_1983, %add3A_2006 : i32
        %get3A_2008 = arith.index_cast %add3A_1979 : i32 to index
        %get3A_2009 = arith.index_cast %add3A_2007 : i32 to index
        %get3A_2010 = tpu.vector_load %arg10[%get3A_2008, %get3A_2009] {strides = array<i32>} : memref<200x128xf32, #tpu.memory_space<vmem>>, vector<1x16xf32>,
        %get3A_2011 = vector.shape_cast %get3A_2010 : vector<1x16xf32> to vector<16xf32>
        %mul3A_2012 = arith.constant 64 : i32
        %mul3A_2013 = arith.muli %add3A_1979, %mul3A_2012 : i32
        %add3A_2014 = arith.constant 16 : i32
        %add3A_2015 = arith.addi %mul3A_2013, %add3A_2014 : i32
        %get3A_2016 = arith.index_cast %add3A_2015 : i32 to index
        %get3A_2017 = tpu.vector_load %arg7[%get3A_2016] {strides = array<i32>} : memref<12800xf32, #tpu.memory_space<vmem>>, vector<16xf32>,
        %get3A_2018 = vector.shape_cast %get3A_2017 : vector<16xf32> to vector<16xf32>
        %add3A_2019 = arith.addf %get3A_2011, %get3A_2018 : vector<16xf32>
        %mul3A_2020 = arith.constant 64 : i32
        %mul3A_2021 = arith.muli %add3A_1979, %mul3A_2020 : i32
        %add3A_2022 = arith.constant 16 : i32
        %add3A_2023 = arith.addi %mul3A_2021, %add3A_2022 : i32
        %swap3A_2024 = arith.index_cast %add3A_2023 : i32 to index
        %swap3A_2025 = tpu.vector_load %arg12[%swap3A_2024] {strides = array<i32>} : memref<12800xf32, #tpu.memory_space<vmem>>, vector<16xf32>,
        %swap3A_2026 = vector.shape_cast %swap3A_2025 : vector<16xf32> to vector<16xf32>
        %swap3A_2027 = vector.shape_cast %add3A_2019 : vector<16xf32> to vector<16xf32>
        tpu.vector_store %arg12[%swap3A_2024], %swap3A_2027 {strides = array<i32>} : memref<12800xf32, #tpu.memory_space<vmem>>, vector<16xf32>,
        %add3A_2028 = arith.constant 32 : i32
        %add3A_2029 = arith.addi %shift_left3A_1983, %add3A_2028 : i32
        %get3A_2030 = arith.index_cast %add3A_1979 : i32 to index
        %get3A_2031 = arith.index_cast %add3A_2029 : i32 to index
        %get3A_2032 = tpu.vector_load %arg10[%get3A_2030, %get3A_2031] {strides = array<i32>} : memref<200x128xf32, #tpu.memory_space<vmem>>, vector<1x16xf32>,
        %get3A_2033 = vector.shape_cast %get3A_2032 : vector<1x16xf32> to vector<16xf32>
        %mul3A_2034 = arith.constant 64 : i32
        %mul3A_2035 = arith.muli %add3A_1979, %mul3A_2034 : i32
        %add3A_2036 = arith.constant 32 : i32
        %add3A_2037 = arith.addi %mul3A_2035, %add3A_2036 : i32
        %get3A_2038 = arith.index_cast %add3A_2037 : i32 to index
        %get3A_2039 = tpu.vector_load %arg7[%get3A_2038] {strides = array<i32>} : memref<12800xf32, #tpu.memory_space<vmem>>, vector<16xf32>,
        %get3A_2040 = vector.shape_cast %get3A_2039 : vector<16xf32> to vector<16xf32>
        %add3A_2041 = arith.addf %get3A_2033, %get3A_2040 : vector<16xf32>
        %mul3A_2042 = arith.constant 64 : i32
        %mul3A_2043 = arith.muli %add3A_1979, %mul3A_2042 : i32
        %add3A_2044 = arith.constant 32 : i32
        %add3A_2045 = arith.addi %mul3A_2043, %add3A_2044 : i32
        %swap3A_2046 = arith.index_cast %add3A_2045 : i32 to index
        %swap3A_2047 = tpu.vector_load %arg12[%swap3A_2046] {strides = array<i32>} : memref<12800xf32, #tpu.memory_space<vmem>>, vector<16xf32>,
        %swap3A_2048 = vector.shape_cast %swap3A_2047 : vector<16xf32> to vector<16xf32>
        %swap3A_2049 = vector.shape_cast %add3A_2041 : vector<16xf32> to vector<16xf32>
        tpu.vector_store %arg12[%swap3A_2046], %swap3A_2049 {strides = array<i32>} : memref<12800xf32, #tpu.memory_space<vmem>>, vector<16xf32>,
        %add3A_2050 = arith.constant 48 : i32
        %add3A_2051 = arith.addi %shift_left3A_1983, %add3A_2050 : i32
        %get3A_2052 = arith.index_cast %add3A_1979 : i32 to index
        %get3A_2053 = arith.index_cast %add3A_2051 : i32 to index
        %get3A_2054 = tpu.vector_load %arg10[%get3A_2052, %get3A_2053] {strides = array<i32>} : memref<200x128xf32, #tpu.memory_space<vmem>>, vector<1x16xf32>,
        %get3A_2055 = vector.shape_cast %get3A_2054 : vector<1x16xf32> to vector<16xf32>
        %mul3A_2056 = arith.constant 64 : i32
        %mul3A_2057 = arith.muli %add3A_1979, %mul3A_2056 : i32
        %add3A_2058 = arith.constant 48 : i32
        %add3A_2059 = arith.addi %mul3A_2057, %add3A_2058 : i32
        %get3A_2060 = arith.index_cast %add3A_2059 : i32 to index
        %get3A_2061 = tpu.vector_load %arg7[%get3A_2060] {strides = array<i32>} : memref<12800xf32, #tpu.memory_space<vmem>>, vector<16xf32>,
        %get3A_2062 = vector.shape_cast %get3A_2061 : vector<16xf32> to vector<16xf32>
        %add3A_2063 = arith.addf %get3A_2055, %get3A_2062 : vector<16xf32>
        %mul3A_2064 = arith.constant 64 : i32
        %mul3A_2065 = arith.muli %add3A_1979, %mul3A_2064 : i32
        %add3A_2066 = arith.constant 48 : i32
        %add3A_2067 = arith.addi %mul3A_2065, %add3A_2066 : i32
        %swap3A_2068 = arith.index_cast %add3A_2067 : i32 to index
        %swap3A_2069 = tpu.vector_load %arg12[%swap3A_2068] {strides = array<i32>} : memref<12800xf32, #tpu.memory_space<vmem>>, vector<16xf32>,
        %swap3A_2070 = vector.shape_cast %swap3A_2069 : vector<16xf32> to vector<16xf32>
        %swap3A_2071 = vector.shape_cast %add3A_2063 : vector<16xf32> to vector<16xf32>
        tpu.vector_store %arg12[%swap3A_2068], %swap3A_2071 {strides = array<i32>} : memref<12800xf32, #tpu.memory_space<vmem>>, vector<16xf32>,
        %add3A_2072 = arith.constant 8 : i32
        %add3A_2073 = arith.addi %mul3A_1310, %add3A_2072 : i32
        %slice3A_2074 = vector.extract_strided_slice %and3A_1319 {offsets = [8], sizes = [1], strides = [1]} : vector<16xi32> to vector<1xi32>
        %squeeze3A_2075 = vector.extract %slice3A_2074[0] : i32 from vector<1xi32>
        %shift_left3A_2076 = arith.constant 6 : i32
        %shift_left3A_2077 = arith.shli %squeeze3A_2075, %shift_left3A_2076 : i32
        %add3A_2078 = arith.constant 0 : i32
        %add3A_2079 = arith.addi %shift_left3A_2077, %add3A_2078 : i32
        %get3A_2080 = arith.index_cast %add3A_2073 : i32 to index
        %get3A_2081 = arith.index_cast %add3A_2079 : i32 to index
        %get3A_2082 = tpu.vector_load %arg10[%get3A_2080, %get3A_2081] {strides = array<i32>} : memref<200x128xf32, #tpu.memory_space<vmem>>, vector<1x16xf32>,
        %get3A_2083 = vector.shape_cast %get3A_2082 : vector<1x16xf32> to vector<16xf32>
        %mul3A_2084 = arith.constant 64 : i32
        %mul3A_2085 = arith.muli %add3A_2073, %mul3A_2084 : i32
        %add3A_2086 = arith.constant 0 : i32
        %add3A_2087 = arith.addi %mul3A_2085, %add3A_2086 : i32
        %get3A_2088 = arith.index_cast %add3A_2087 : i32 to index
        %get3A_2089 = tpu.vector_load %arg7[%get3A_2088] {strides = array<i32>} : memref<12800xf32, #tpu.memory_space<vmem>>, vector<16xf32>,
        %get3A_2090 = vector.shape_cast %get3A_2089 : vector<16xf32> to vector<16xf32>
        %add3A_2091 = arith.addf %get3A_2083, %get3A_2090 : vector<16xf32>
        %mul3A_2092 = arith.constant 64 : i32
        %mul3A_2093 = arith.muli %add3A_2073, %mul3A_2092 : i32
        %add3A_2094 = arith.constant 0 : i32
        %add3A_2095 = arith.addi %mul3A_2093, %add3A_2094 : i32
        %swap3A_2096 = arith.index_cast %add3A_2095 : i32 to index
        %swap3A_2097 = tpu.vector_load %arg12[%swap3A_2096] {strides = array<i32>} : memref<12800xf32, #tpu.memory_space<vmem>>, vector<16xf32>,
        %swap3A_2098 = vector.shape_cast %swap3A_2097 : vector<16xf32> to vector<16xf32>
        %swap3A_2099 = vector.shape_cast %add3A_2091 : vector<16xf32> to vector<16xf32>
        tpu.vector_store %arg12[%swap3A_2096], %swap3A_2099 {strides = array<i32>} : memref<12800xf32, #tpu.memory_space<vmem>>, vector<16xf32>,
        %add3A_2100 = arith.constant 16 : i32
        %add3A_2101 = arith.addi %shift_left3A_2077, %add3A_2100 : i32
        %get3A_2102 = arith.index_cast %add3A_2073 : i32 to index
        %get3A_2103 = arith.index_cast %add3A_2101 : i32 to index
        %get3A_2104 = tpu.vector_load %arg10[%get3A_2102, %get3A_2103] {strides = array<i32>} : memref<200x128xf32, #tpu.memory_space<vmem>>, vector<1x16xf32>,
        %get3A_2105 = vector.shape_cast %get3A_2104 : vector<1x16xf32> to vector<16xf32>
        %mul3A_2106 = arith.constant 64 : i32
        %mul3A_2107 = arith.muli %add3A_2073, %mul3A_2106 : i32
        %add3A_2108 = arith.constant 16 : i32
        %add3A_2109 = arith.addi %mul3A_2107, %add3A_2108 : i32
        %get3A_2110 = arith.index_cast %add3A_2109 : i32 to index
        %get3A_2111 = tpu.vector_load %arg7[%get3A_2110] {strides = array<i32>} : memref<12800xf32, #tpu.memory_space<vmem>>, vector<16xf32>,
        %get3A_2112 = vector.shape_cast %get3A_2111 : vector<16xf32> to vector<16xf32>
        %add3A_2113 = arith.addf %get3A_2105, %get3A_2112 : vector<16xf32>
        %mul3A_2114 = arith.constant 64 : i32
        %mul3A_2115 = arith.muli %add3A_2073, %mul3A_2114 : i32
        %add3A_2116 = arith.constant 16 : i32
        %add3A_2117 = arith.addi %mul3A_2115, %add3A_2116 : i32
        %swap3A_2118 = arith.index_cast %add3A_2117 : i32 to index
        %swap3A_2119 = tpu.vector_load %arg12[%swap3A_2118] {strides = array<i32>} : memref<12800xf32, #tpu.memory_space<vmem>>, vector<16xf32>,
        %swap3A_2120 = vector.shape_cast %swap3A_2119 : vector<16xf32> to vector<16xf32>
        %swap3A_2121 = vector.shape_cast %add3A_2113 : vector<16xf32> to vector<16xf32>
        tpu.vector_store %arg12[%swap3A_2118], %swap3A_2121 {strides = array<i32>} : memref<12800xf32, #tpu.memory_space<vmem>>, vector<16xf32>,
        %add3A_2122 = arith.constant 32 : i32
        %add3A_2123 = arith.addi %shift_left3A_2077, %add3A_2122 : i32
        %get3A_2124 = arith.index_cast %add3A_2073 : i32 to index
        %get3A_2125 = arith.index_cast %add3A_2123 : i32 to index
        %get3A_2126 = tpu.vector_load %arg10[%get3A_2124, %get3A_2125] {strides = array<i32>} : memref<200x128xf32, #tpu.memory_space<vmem>>, vector<1x16xf32>,
        %get3A_2127 = vector.shape_cast %get3A_2126 : vector<1x16xf32> to vector<16xf32>
        %mul3A_2128 = arith.constant 64 : i32
        %mul3A_2129 = arith.muli %add3A_2073, %mul3A_2128 : i32
        %add3A_2130 = arith.constant 32 : i32
        %add3A_2131 = arith.addi %mul3A_2129, %add3A_2130 : i32
        %get3A_2132 = arith.index_cast %add3A_2131 : i32 to index
        %get3A_2133 = tpu.vector_load %arg7[%get3A_2132] {strides = array<i32>} : memref<12800xf32, #tpu.memory_space<vmem>>, vector<16xf32>,
        %get3A_2134 = vector.shape_cast %get3A_2133 : vector<16xf32> to vector<16xf32>
        %add3A_2135 = arith.addf %get3A_2127, %get3A_2134 : vector<16xf32>
        %mul3A_2136 = arith.constant 64 : i32
        %mul3A_2137 = arith.muli %add3A_2073, %mul3A_2136 : i32
        %add3A_2138 = arith.constant 32 : i32
        %add3A_2139 = arith.addi %mul3A_2137, %add3A_2138 : i32
        %swap3A_2140 = arith.index_cast %add3A_2139 : i32 to index
        %swap3A_2141 = tpu.vector_load %arg12[%swap3A_2140] {strides = array<i32>} : memref<12800xf32, #tpu.memory_space<vmem>>, vector<16xf32>,
        %swap3A_2142 = vector.shape_cast %swap3A_2141 : vector<16xf32> to vector<16xf32>
        %swap3A_2143 = vector.shape_cast %add3A_2135 : vector<16xf32> to vector<16xf32>
        tpu.vector_store %arg12[%swap3A_2140], %swap3A_2143 {strides = array<i32>} : memref<12800xf32, #tpu.memory_space<vmem>>, vector<16xf32>,
        %add3A_2144 = arith.constant 48 : i32
        %add3A_2145 = arith.addi %shift_left3A_2077, %add3A_2144 : i32
        %get3A_2146 = arith.index_cast %add3A_2073 : i32 to index
        %get3A_2147 = arith.index_cast %add3A_2145 : i32 to index
        %get3A_2148 = tpu.vector_load %arg10[%get3A_2146, %get3A_2147] {strides = array<i32>} : memref<200x128xf32, #tpu.memory_space<vmem>>, vector<1x16xf32>,
        %get3A_2149 = vector.shape_cast %get3A_2148 : vector<1x16xf32> to vector<16xf32>
        %mul3A_2150 = arith.constant 64 : i32
        %mul3A_2151 = arith.muli %add3A_2073, %mul3A_2150 : i32
        %add3A_2152 = arith.constant 48 : i32
        %add3A_2153 = arith.addi %mul3A_2151, %add3A_2152 : i32
        %get3A_2154 = arith.index_cast %add3A_2153 : i32 to index
        %get3A_2155 = tpu.vector_load %arg7[%get3A_2154] {strides = array<i32>} : memref<12800xf32, #tpu.memory_space<vmem>>, vector<16xf32>,
        %get3A_2156 = vector.shape_cast %get3A_2155 : vector<16xf32> to vector<16xf32>
        %add3A_2157 = arith.addf %get3A_2149, %get3A_2156 : vector<16xf32>
        %mul3A_2158 = arith.constant 64 : i32
        %mul3A_2159 = arith.muli %add3A_2073, %mul3A_2158 : i32
        %add3A_2160 = arith.constant 48 : i32
        %add3A_2161 = arith.addi %mul3A_2159, %add3A_2160 : i32
        %swap3A_2162 = arith.index_cast %add3A_2161 : i32 to index
        %swap3A_2163 = tpu.vector_load %arg12[%swap3A_2162] {strides = array<i32>} : memref<12800xf32, #tpu.memory_space<vmem>>, vector<16xf32>,
        %swap3A_2164 = vector.shape_cast %swap3A_2163 : vector<16xf32> to vector<16xf32>
        %swap3A_2165 = vector.shape_cast %add3A_2157 : vector<16xf32> to vector<16xf32>
        tpu.vector_store %arg12[%swap3A_2162], %swap3A_2165 {strides = array<i32>} : memref<12800xf32, #tpu.memory_space<vmem>>, vector<16xf32>,
        %add3A_2166 = arith.constant 9 : i32
        %add3A_2167 = arith.addi %mul3A_1310, %add3A_2166 : i32
        %slice3A_2168 = vector.extract_strided_slice %and3A_1319 {offsets = [9], sizes = [1], strides = [1]} : vector<16xi32> to vector<1xi32>
        %squeeze3A_2169 = vector.extract %slice3A_2168[0] : i32 from vector<1xi32>
        %shift_left3A_2170 = arith.constant 6 : i32
        %shift_left3A_2171 = arith.shli %squeeze3A_2169, %shift_left3A_2170 : i32
        %add3A_2172 = arith.constant 0 : i32
        %add3A_2173 = arith.addi %shift_left3A_2171, %add3A_2172 : i32
        %get3A_2174 = arith.index_cast %add3A_2167 : i32 to index
        %get3A_2175 = arith.index_cast %add3A_2173 : i32 to index
        %get3A_2176 = tpu.vector_load %arg10[%get3A_2174, %get3A_2175] {strides = array<i32>} : memref<200x128xf32, #tpu.memory_space<vmem>>, vector<1x16xf32>,
        %get3A_2177 = vector.shape_cast %get3A_2176 : vector<1x16xf32> to vector<16xf32>
        %mul3A_2178 = arith.constant 64 : i32
        %mul3A_2179 = arith.muli %add3A_2167, %mul3A_2178 : i32
        %add3A_2180 = arith.constant 0 : i32
        %add3A_2181 = arith.addi %mul3A_2179, %add3A_2180 : i32
        %get3A_2182 = arith.index_cast %add3A_2181 : i32 to index
        %get3A_2183 = tpu.vector_load %arg7[%get3A_2182] {strides = array<i32>} : memref<12800xf32, #tpu.memory_space<vmem>>, vector<16xf32>,
        %get3A_2184 = vector.shape_cast %get3A_2183 : vector<16xf32> to vector<16xf32>
        %add3A_2185 = arith.addf %get3A_2177, %get3A_2184 : vector<16xf32>
        %mul3A_2186 = arith.constant 64 : i32
        %mul3A_2187 = arith.muli %add3A_2167, %mul3A_2186 : i32
        %add3A_2188 = arith.constant 0 : i32
        %add3A_2189 = arith.addi %mul3A_2187, %add3A_2188 : i32
        %swap3A_2190 = arith.index_cast %add3A_2189 : i32 to index
        %swap3A_2191 = tpu.vector_load %arg12[%swap3A_2190] {strides = array<i32>} : memref<12800xf32, #tpu.memory_space<vmem>>, vector<16xf32>,
        %swap3A_2192 = vector.shape_cast %swap3A_2191 : vector<16xf32> to vector<16xf32>
        %swap3A_2193 = vector.shape_cast %add3A_2185 : vector<16xf32> to vector<16xf32>
        tpu.vector_store %arg12[%swap3A_2190], %swap3A_2193 {strides = array<i32>} : memref<12800xf32, #tpu.memory_space<vmem>>, vector<16xf32>,
        %add3A_2194 = arith.constant 16 : i32
        %add3A_2195 = arith.addi %shift_left3A_2171, %add3A_2194 : i32
        %get3A_2196 = arith.index_cast %add3A_2167 : i32 to index
        %get3A_2197 = arith.index_cast %add3A_2195 : i32 to index
        %get3A_2198 = tpu.vector_load %arg10[%get3A_2196, %get3A_2197] {strides = array<i32>} : memref<200x128xf32, #tpu.memory_space<vmem>>, vector<1x16xf32>,
        %get3A_2199 = vector.shape_cast %get3A_2198 : vector<1x16xf32> to vector<16xf32>
        %mul3A_2200 = arith.constant 64 : i32
        %mul3A_2201 = arith.muli %add3A_2167, %mul3A_2200 : i32
        %add3A_2202 = arith.constant 16 : i32
        %add3A_2203 = arith.addi %mul3A_2201, %add3A_2202 : i32
        %get3A_2204 = arith.index_cast %add3A_2203 : i32 to index
        %get3A_2205 = tpu.vector_load %arg7[%get3A_2204] {strides = array<i32>} : memref<12800xf32, #tpu.memory_space<vmem>>, vector<16xf32>,
        %get3A_2206 = vector.shape_cast %get3A_2205 : vector<16xf32> to vector<16xf32>
        %add3A_2207 = arith.addf %get3A_2199, %get3A_2206 : vector<16xf32>
        %mul3A_2208 = arith.constant 64 : i32
        %mul3A_2209 = arith.muli %add3A_2167, %mul3A_2208 : i32
        %add3A_2210 = arith.constant 16 : i32
        %add3A_2211 = arith.addi %mul3A_2209, %add3A_2210 : i32
        %swap3A_2212 = arith.index_cast %add3A_2211 : i32 to index
        %swap3A_2213 = tpu.vector_load %arg12[%swap3A_2212] {strides = array<i32>} : memref<12800xf32, #tpu.memory_space<vmem>>, vector<16xf32>,
        %swap3A_2214 = vector.shape_cast %swap3A_2213 : vector<16xf32> to vector<16xf32>
        %swap3A_2215 = vector.shape_cast %add3A_2207 : vector<16xf32> to vector<16xf32>
        tpu.vector_store %arg12[%swap3A_2212], %swap3A_2215 {strides = array<i32>} : memref<12800xf32, #tpu.memory_space<vmem>>, vector<16xf32>,
        %add3A_2216 = arith.constant 32 : i32
        %add3A_2217 = arith.addi %shift_left3A_2171, %add3A_2216 : i32
        %get3A_2218 = arith.index_cast %add3A_2167 : i32 to index
        %get3A_2219 = arith.index_cast %add3A_2217 : i32 to index
        %get3A_2220 = tpu.vector_load %arg10[%get3A_2218, %get3A_2219] {strides = array<i32>} : memref<200x128xf32, #tpu.memory_space<vmem>>, vector<1x16xf32>,
        %get3A_2221 = vector.shape_cast %get3A_2220 : vector<1x16xf32> to vector<16xf32>
        %mul3A_2222 = arith.constant 64 : i32
        %mul3A_2223 = arith.muli %add3A_2167, %mul3A_2222 : i32
        %add3A_2224 = arith.constant 32 : i32
        %add3A_2225 = arith.addi %mul3A_2223, %add3A_2224 : i32
        %get3A_2226 = arith.index_cast %add3A_2225 : i32 to index
        %get3A_2227 = tpu.vector_load %arg7[%get3A_2226] {strides = array<i32>} : memref<12800xf32, #tpu.memory_space<vmem>>, vector<16xf32>,
        %get3A_2228 = vector.shape_cast %get3A_2227 : vector<16xf32> to vector<16xf32>
        %add3A_2229 = arith.addf %get3A_2221, %get3A_2228 : vector<16xf32>
        %mul3A_2230 = arith.constant 64 : i32
        %mul3A_2231 = arith.muli %add3A_2167, %mul3A_2230 : i32
        %add3A_2232 = arith.constant 32 : i32
        %add3A_2233 = arith.addi %mul3A_2231, %add3A_2232 : i32
        %swap3A_2234 = arith.index_cast %add3A_2233 : i32 to index
        %swap3A_2235 = tpu.vector_load %arg12[%swap3A_2234] {strides = array<i32>} : memref<12800xf32, #tpu.memory_space<vmem>>, vector<16xf32>,
        %swap3A_2236 = vector.shape_cast %swap3A_2235 : vector<16xf32> to vector<16xf32>
        %swap3A_2237 = vector.shape_cast %add3A_2229 : vector<16xf32> to vector<16xf32>
        tpu.vector_store %arg12[%swap3A_2234], %swap3A_2237 {strides = array<i32>} : memref<12800xf32, #tpu.memory_space<vmem>>, vector<16xf32>,
        %add3A_2238 = arith.constant 48 : i32
        %add3A_2239 = arith.addi %shift_left3A_2171, %add3A_2238 : i32
        %get3A_2240 = arith.index_cast %add3A_2167 : i32 to index
        %get3A_2241 = arith.index_cast %add3A_2239 : i32 to index
        %get3A_2242 = tpu.vector_load %arg10[%get3A_2240, %get3A_2241] {strides = array<i32>} : memref<200x128xf32, #tpu.memory_space<vmem>>, vector<1x16xf32>,
        %get3A_2243 = vector.shape_cast %get3A_2242 : vector<1x16xf32> to vector<16xf32>
        %mul3A_2244 = arith.constant 64 : i32
        %mul3A_2245 = arith.muli %add3A_2167, %mul3A_2244 : i32
        %add3A_2246 = arith.constant 48 : i32
        %add3A_2247 = arith.addi %mul3A_2245, %add3A_2246 : i32
        %get3A_2248 = arith.index_cast %add3A_2247 : i32 to index
        %get3A_2249 = tpu.vector_load %arg7[%get3A_2248] {strides = array<i32>} : memref<12800xf32, #tpu.memory_space<vmem>>, vector<16xf32>,
        %get3A_2250 = vector.shape_cast %get3A_2249 : vector<16xf32> to vector<16xf32>
        %add3A_2251 = arith.addf %get3A_2243, %get3A_2250 : vector<16xf32>
        %mul3A_2252 = arith.constant 64 : i32
        %mul3A_2253 = arith.muli %add3A_2167, %mul3A_2252 : i32
        %add3A_2254 = arith.constant 48 : i32
        %add3A_2255 = arith.addi %mul3A_2253, %add3A_2254 : i32
        %swap3A_2256 = arith.index_cast %add3A_2255 : i32 to index
        %swap3A_2257 = tpu.vector_load %arg12[%swap3A_2256] {strides = array<i32>} : memref<12800xf32, #tpu.memory_space<vmem>>, vector<16xf32>,
        %swap3A_2258 = vector.shape_cast %swap3A_2257 : vector<16xf32> to vector<16xf32>
        %swap3A_2259 = vector.shape_cast %add3A_2251 : vector<16xf32> to vector<16xf32>
        tpu.vector_store %arg12[%swap3A_2256], %swap3A_2259 {strides = array<i32>} : memref<12800xf32, #tpu.memory_space<vmem>>, vector<16xf32>,
        %add3A_2260 = arith.constant 10 : i32
        %add3A_2261 = arith.addi %mul3A_1310, %add3A_2260 : i32
        %slice3A_2262 = vector.extract_strided_slice %and3A_1319 {offsets = [10], sizes = [1], strides = [1]} : vector<16xi32> to vector<1xi32>
        %squeeze3A_2263 = vector.extract %slice3A_2262[0] : i32 from vector<1xi32>
        %shift_left3A_2264 = arith.constant 6 : i32
        %shift_left3A_2265 = arith.shli %squeeze3A_2263, %shift_left3A_2264 : i32
        %add3A_2266 = arith.constant 0 : i32
        %add3A_2267 = arith.addi %shift_left3A_2265, %add3A_2266 : i32
        %get3A_2268 = arith.index_cast %add3A_2261 : i32 to index
        %get3A_2269 = arith.index_cast %add3A_2267 : i32 to index
        %get3A_2270 = tpu.vector_load %arg10[%get3A_2268, %get3A_2269] {strides = array<i32>} : memref<200x128xf32, #tpu.memory_space<vmem>>, vector<1x16xf32>,
        %get3A_2271 = vector.shape_cast %get3A_2270 : vector<1x16xf32> to vector<16xf32>
        %mul3A_2272 = arith.constant 64 : i32
        %mul3A_2273 = arith.muli %add3A_2261, %mul3A_2272 : i32
        %add3A_2274 = arith.constant 0 : i32
        %add3A_2275 = arith.addi %mul3A_2273, %add3A_2274 : i32
        %get3A_2276 = arith.index_cast %add3A_2275 : i32 to index
        %get3A_2277 = tpu.vector_load %arg7[%get3A_2276] {strides = array<i32>} : memref<12800xf32, #tpu.memory_space<vmem>>, vector<16xf32>,
        %get3A_2278 = vector.shape_cast %get3A_2277 : vector<16xf32> to vector<16xf32>
        %add3A_2279 = arith.addf %get3A_2271, %get3A_2278 : vector<16xf32>
        %mul3A_2280 = arith.constant 64 : i32
        %mul3A_2281 = arith.muli %add3A_2261, %mul3A_2280 : i32
        %add3A_2282 = arith.constant 0 : i32
        %add3A_2283 = arith.addi %mul3A_2281, %add3A_2282 : i32
        %swap3A_2284 = arith.index_cast %add3A_2283 : i32 to index
        %swap3A_2285 = tpu.vector_load %arg12[%swap3A_2284] {strides = array<i32>} : memref<12800xf32, #tpu.memory_space<vmem>>, vector<16xf32>,
        %swap3A_2286 = vector.shape_cast %swap3A_2285 : vector<16xf32> to vector<16xf32>
        %swap3A_2287 = vector.shape_cast %add3A_2279 : vector<16xf32> to vector<16xf32>
        tpu.vector_store %arg12[%swap3A_2284], %swap3A_2287 {strides = array<i32>} : memref<12800xf32, #tpu.memory_space<vmem>>, vector<16xf32>,
        %add3A_2288 = arith.constant 16 : i32
        %add3A_2289 = arith.addi %shift_left3A_2265, %add3A_2288 : i32
        %get3A_2290 = arith.index_cast %add3A_2261 : i32 to index
        %get3A_2291 = arith.index_cast %add3A_2289 : i32 to index
        %get3A_2292 = tpu.vector_load %arg10[%get3A_2290, %get3A_2291] {strides = array<i32>} : memref<200x128xf32, #tpu.memory_space<vmem>>, vector<1x16xf32>,
        %get3A_2293 = vector.shape_cast %get3A_2292 : vector<1x16xf32> to vector<16xf32>
        %mul3A_2294 = arith.constant 64 : i32
        %mul3A_2295 = arith.muli %add3A_2261, %mul3A_2294 : i32
        %add3A_2296 = arith.constant 16 : i32
        %add3A_2297 = arith.addi %mul3A_2295, %add3A_2296 : i32
        %get3A_2298 = arith.index_cast %add3A_2297 : i32 to index
        %get3A_2299 = tpu.vector_load %arg7[%get3A_2298] {strides = array<i32>} : memref<12800xf32, #tpu.memory_space<vmem>>, vector<16xf32>,
        %get3A_2300 = vector.shape_cast %get3A_2299 : vector<16xf32> to vector<16xf32>
        %add3A_2301 = arith.addf %get3A_2293, %get3A_2300 : vector<16xf32>
        %mul3A_2302 = arith.constant 64 : i32
        %mul3A_2303 = arith.muli %add3A_2261, %mul3A_2302 : i32
        %add3A_2304 = arith.constant 16 : i32
        %add3A_2305 = arith.addi %mul3A_2303, %add3A_2304 : i32
        %swap3A_2306 = arith.index_cast %add3A_2305 : i32 to index
        %swap3A_2307 = tpu.vector_load %arg12[%swap3A_2306] {strides = array<i32>} : memref<12800xf32, #tpu.memory_space<vmem>>, vector<16xf32>,
        %swap3A_2308 = vector.shape_cast %swap3A_2307 : vector<16xf32> to vector<16xf32>
        %swap3A_2309 = vector.shape_cast %add3A_2301 : vector<16xf32> to vector<16xf32>
        tpu.vector_store %arg12[%swap3A_2306], %swap3A_2309 {strides = array<i32>} : memref<12800xf32, #tpu.memory_space<vmem>>, vector<16xf32>,
        %add3A_2310 = arith.constant 32 : i32
        %add3A_2311 = arith.addi %shift_left3A_2265, %add3A_2310 : i32
        %get3A_2312 = arith.index_cast %add3A_2261 : i32 to index
        %get3A_2313 = arith.index_cast %add3A_2311 : i32 to index
        %get3A_2314 = tpu.vector_load %arg10[%get3A_2312, %get3A_2313] {strides = array<i32>} : memref<200x128xf32, #tpu.memory_space<vmem>>, vector<1x16xf32>,
        %get3A_2315 = vector.shape_cast %get3A_2314 : vector<1x16xf32> to vector<16xf32>
        %mul3A_2316 = arith.constant 64 : i32
        %mul3A_2317 = arith.muli %add3A_2261, %mul3A_2316 : i32
        %add3A_2318 = arith.constant 32 : i32
        %add3A_2319 = arith.addi %mul3A_2317, %add3A_2318 : i32
        %get3A_2320 = arith.index_cast %add3A_2319 : i32 to index
        %get3A_2321 = tpu.vector_load %arg7[%get3A_2320] {strides = array<i32>} : memref<12800xf32, #tpu.memory_space<vmem>>, vector<16xf32>,
        %get3A_2322 = vector.shape_cast %get3A_2321 : vector<16xf32> to vector<16xf32>
        %add3A_2323 = arith.addf %get3A_2315, %get3A_2322 : vector<16xf32>
        %mul3A_2324 = arith.constant 64 : i32
        %mul3A_2325 = arith.muli %add3A_2261, %mul3A_2324 : i32
        %add3A_2326 = arith.constant 32 : i32
        %add3A_2327 = arith.addi %mul3A_2325, %add3A_2326 : i32
        %swap3A_2328 = arith.index_cast %add3A_2327 : i32 to index
        %swap3A_2329 = tpu.vector_load %arg12[%swap3A_2328] {strides = array<i32>} : memref<12800xf32, #tpu.memory_space<vmem>>, vector<16xf32>,
        %swap3A_2330 = vector.shape_cast %swap3A_2329 : vector<16xf32> to vector<16xf32>
        %swap3A_2331 = vector.shape_cast %add3A_2323 : vector<16xf32> to vector<16xf32>
        tpu.vector_store %arg12[%swap3A_2328], %swap3A_2331 {strides = array<i32>} : memref<12800xf32, #tpu.memory_space<vmem>>, vector<16xf32>,
        %add3A_2332 = arith.constant 48 : i32
        %add3A_2333 = arith.addi %shift_left3A_2265, %add3A_2332 : i32
        %get3A_2334 = arith.index_cast %add3A_2261 : i32 to index
        %get3A_2335 = arith.index_cast %add3A_2333 : i32 to index
        %get3A_2336 = tpu.vector_load %arg10[%get3A_2334, %get3A_2335] {strides = array<i32>} : memref<200x128xf32, #tpu.memory_space<vmem>>, vector<1x16xf32>,
        %get3A_2337 = vector.shape_cast %get3A_2336 : vector<1x16xf32> to vector<16xf32>
        %mul3A_2338 = arith.constant 64 : i32
        %mul3A_2339 = arith.muli %add3A_2261, %mul3A_2338 : i32
        %add3A_2340 = arith.constant 48 : i32
        %add3A_2341 = arith.addi %mul3A_2339, %add3A_2340 : i32
        %get3A_2342 = arith.index_cast %add3A_2341 : i32 to index
        %get3A_2343 = tpu.vector_load %arg7[%get3A_2342] {strides = array<i32>} : memref<12800xf32, #tpu.memory_space<vmem>>, vector<16xf32>,
        %get3A_2344 = vector.shape_cast %get3A_2343 : vector<16xf32> to vector<16xf32>
        %add3A_2345 = arith.addf %get3A_2337, %get3A_2344 : vector<16xf32>
        %mul3A_2346 = arith.constant 64 : i32
        %mul3A_2347 = arith.muli %add3A_2261, %mul3A_2346 : i32
        %add3A_2348 = arith.constant 48 : i32
        %add3A_2349 = arith.addi %mul3A_2347, %add3A_2348 : i32
        %swap3A_2350 = arith.index_cast %add3A_2349 : i32 to index
        %swap3A_2351 = tpu.vector_load %arg12[%swap3A_2350] {strides = array<i32>} : memref<12800xf32, #tpu.memory_space<vmem>>, vector<16xf32>,
        %swap3A_2352 = vector.shape_cast %swap3A_2351 : vector<16xf32> to vector<16xf32>
        %swap3A_2353 = vector.shape_cast %add3A_2345 : vector<16xf32> to vector<16xf32>
        tpu.vector_store %arg12[%swap3A_2350], %swap3A_2353 {strides = array<i32>} : memref<12800xf32, #tpu.memory_space<vmem>>, vector<16xf32>,
        %add3A_2354 = arith.constant 11 : i32
        %add3A_2355 = arith.addi %mul3A_1310, %add3A_2354 : i32
        %slice3A_2356 = vector.extract_strided_slice %and3A_1319 {offsets = [11], sizes = [1], strides = [1]} : vector<16xi32> to vector<1xi32>
        %squeeze3A_2357 = vector.extract %slice3A_2356[0] : i32 from vector<1xi32>
        %shift_left3A_2358 = arith.constant 6 : i32
        %shift_left3A_2359 = arith.shli %squeeze3A_2357, %shift_left3A_2358 : i32
        %add3A_2360 = arith.constant 0 : i32
        %add3A_2361 = arith.addi %shift_left3A_2359, %add3A_2360 : i32
        %get3A_2362 = arith.index_cast %add3A_2355 : i32 to index
        %get3A_2363 = arith.index_cast %add3A_2361 : i32 to index
        %get3A_2364 = tpu.vector_load %arg10[%get3A_2362, %get3A_2363] {strides = array<i32>} : memref<200x128xf32, #tpu.memory_space<vmem>>, vector<1x16xf32>,
        %get3A_2365 = vector.shape_cast %get3A_2364 : vector<1x16xf32> to vector<16xf32>
        %mul3A_2366 = arith.constant 64 : i32
        %mul3A_2367 = arith.muli %add3A_2355, %mul3A_2366 : i32
        %add3A_2368 = arith.constant 0 : i32
        %add3A_2369 = arith.addi %mul3A_2367, %add3A_2368 : i32
        %get3A_2370 = arith.index_cast %add3A_2369 : i32 to index
        %get3A_2371 = tpu.vector_load %arg7[%get3A_2370] {strides = array<i32>} : memref<12800xf32, #tpu.memory_space<vmem>>, vector<16xf32>,
        %get3A_2372 = vector.shape_cast %get3A_2371 : vector<16xf32> to vector<16xf32>
        %add3A_2373 = arith.addf %get3A_2365, %get3A_2372 : vector<16xf32>
        %mul3A_2374 = arith.constant 64 : i32
        %mul3A_2375 = arith.muli %add3A_2355, %mul3A_2374 : i32
        %add3A_2376 = arith.constant 0 : i32
        %add3A_2377 = arith.addi %mul3A_2375, %add3A_2376 : i32
        %swap3A_2378 = arith.index_cast %add3A_2377 : i32 to index
        %swap3A_2379 = tpu.vector_load %arg12[%swap3A_2378] {strides = array<i32>} : memref<12800xf32, #tpu.memory_space<vmem>>, vector<16xf32>,
        %swap3A_2380 = vector.shape_cast %swap3A_2379 : vector<16xf32> to vector<16xf32>
        %swap3A_2381 = vector.shape_cast %add3A_2373 : vector<16xf32> to vector<16xf32>
        tpu.vector_store %arg12[%swap3A_2378], %swap3A_2381 {strides = array<i32>} : memref<12800xf32, #tpu.memory_space<vmem>>, vector<16xf32>,
        %add3A_2382 = arith.constant 16 : i32
        %add3A_2383 = arith.addi %shift_left3A_2359, %add3A_2382 : i32
        %get3A_2384 = arith.index_cast %add3A_2355 : i32 to index
        %get3A_2385 = arith.index_cast %add3A_2383 : i32 to index
        %get3A_2386 = tpu.vector_load %arg10[%get3A_2384, %get3A_2385] {strides = array<i32>} : memref<200x128xf32, #tpu.memory_space<vmem>>, vector<1x16xf32>,
        %get3A_2387 = vector.shape_cast %get3A_2386 : vector<1x16xf32> to vector<16xf32>
        %mul3A_2388 = arith.constant 64 : i32
        %mul3A_2389 = arith.muli %add3A_2355, %mul3A_2388 : i32
        %add3A_2390 = arith.constant 16 : i32
        %add3A_2391 = arith.addi %mul3A_2389, %add3A_2390 : i32
        %get3A_2392 = arith.index_cast %add3A_2391 : i32 to index
        %get3A_2393 = tpu.vector_load %arg7[%get3A_2392] {strides = array<i32>} : memref<12800xf32, #tpu.memory_space<vmem>>, vector<16xf32>,
        %get3A_2394 = vector.shape_cast %get3A_2393 : vector<16xf32> to vector<16xf32>
        %add3A_2395 = arith.addf %get3A_2387, %get3A_2394 : vector<16xf32>
        %mul3A_2396 = arith.constant 64 : i32
        %mul3A_2397 = arith.muli %add3A_2355, %mul3A_2396 : i32
        %add3A_2398 = arith.constant 16 : i32
        %add3A_2399 = arith.addi %mul3A_2397, %add3A_2398 : i32
        %swap3A_2400 = arith.index_cast %add3A_2399 : i32 to index
        %swap3A_2401 = tpu.vector_load %arg12[%swap3A_2400] {strides = array<i32>} : memref<12800xf32, #tpu.memory_space<vmem>>, vector<16xf32>,
        %swap3A_2402 = vector.shape_cast %swap3A_2401 : vector<16xf32> to vector<16xf32>
        %swap3A_2403 = vector.shape_cast %add3A_2395 : vector<16xf32> to vector<16xf32>
        tpu.vector_store %arg12[%swap3A_2400], %swap3A_2403 {strides = array<i32>} : memref<12800xf32, #tpu.memory_space<vmem>>, vector<16xf32>,
        %add3A_2404 = arith.constant 32 : i32
        %add3A_2405 = arith.addi %shift_left3A_2359, %add3A_2404 : i32
        %get3A_2406 = arith.index_cast %add3A_2355 : i32 to index
        %get3A_2407 = arith.index_cast %add3A_2405 : i32 to index
        %get3A_2408 = tpu.vector_load %arg10[%get3A_2406, %get3A_2407] {strides = array<i32>} : memref<200x128xf32, #tpu.memory_space<vmem>>, vector<1x16xf32>,
        %get3A_2409 = vector.shape_cast %get3A_2408 : vector<1x16xf32> to vector<16xf32>
        %mul3A_2410 = arith.constant 64 : i32
        %mul3A_2411 = arith.muli %add3A_2355, %mul3A_2410 : i32
        %add3A_2412 = arith.constant 32 : i32
        %add3A_2413 = arith.addi %mul3A_2411, %add3A_2412 : i32
        %get3A_2414 = arith.index_cast %add3A_2413 : i32 to index
        %get3A_2415 = tpu.vector_load %arg7[%get3A_2414] {strides = array<i32>} : memref<12800xf32, #tpu.memory_space<vmem>>, vector<16xf32>,
        %get3A_2416 = vector.shape_cast %get3A_2415 : vector<16xf32> to vector<16xf32>
        %add3A_2417 = arith.addf %get3A_2409, %get3A_2416 : vector<16xf32>
        %mul3A_2418 = arith.constant 64 : i32
        %mul3A_2419 = arith.muli %add3A_2355, %mul3A_2418 : i32
        %add3A_2420 = arith.constant 32 : i32
        %add3A_2421 = arith.addi %mul3A_2419, %add3A_2420 : i32
        %swap3A_2422 = arith.index_cast %add3A_2421 : i32 to index
        %swap3A_2423 = tpu.vector_load %arg12[%swap3A_2422] {strides = array<i32>} : memref<12800xf32, #tpu.memory_space<vmem>>, vector<16xf32>,
        %swap3A_2424 = vector.shape_cast %swap3A_2423 : vector<16xf32> to vector<16xf32>
        %swap3A_2425 = vector.shape_cast %add3A_2417 : vector<16xf32> to vector<16xf32>
        tpu.vector_store %arg12[%swap3A_2422], %swap3A_2425 {strides = array<i32>} : memref<12800xf32, #tpu.memory_space<vmem>>, vector<16xf32>,
        %add3A_2426 = arith.constant 48 : i32
        %add3A_2427 = arith.addi %shift_left3A_2359, %add3A_2426 : i32
        %get3A_2428 = arith.index_cast %add3A_2355 : i32 to index
        %get3A_2429 = arith.index_cast %add3A_2427 : i32 to index
        %get3A_2430 = tpu.vector_load %arg10[%get3A_2428, %get3A_2429] {strides = array<i32>} : memref<200x128xf32, #tpu.memory_space<vmem>>, vector<1x16xf32>,
        %get3A_2431 = vector.shape_cast %get3A_2430 : vector<1x16xf32> to vector<16xf32>
        %mul3A_2432 = arith.constant 64 : i32
        %mul3A_2433 = arith.muli %add3A_2355, %mul3A_2432 : i32
        %add3A_2434 = arith.constant 48 : i32
        %add3A_2435 = arith.addi %mul3A_2433, %add3A_2434 : i32
        %get3A_2436 = arith.index_cast %add3A_2435 : i32 to index
        %get3A_2437 = tpu.vector_load %arg7[%get3A_2436] {strides = array<i32>} : memref<12800xf32, #tpu.memory_space<vmem>>, vector<16xf32>,
        %get3A_2438 = vector.shape_cast %get3A_2437 : vector<16xf32> to vector<16xf32>
        %add3A_2439 = arith.addf %get3A_2431, %get3A_2438 : vector<16xf32>
        %mul3A_2440 = arith.constant 64 : i32
        %mul3A_2441 = arith.muli %add3A_2355, %mul3A_2440 : i32
        %add3A_2442 = arith.constant 48 : i32
        %add3A_2443 = arith.addi %mul3A_2441, %add3A_2442 : i32
        %swap3A_2444 = arith.index_cast %add3A_2443 : i32 to index
        %swap3A_2445 = tpu.vector_load %arg12[%swap3A_2444] {strides = array<i32>} : memref<12800xf32, #tpu.memory_space<vmem>>, vector<16xf32>,
        %swap3A_2446 = vector.shape_cast %swap3A_2445 : vector<16xf32> to vector<16xf32>
        %swap3A_2447 = vector.shape_cast %add3A_2439 : vector<16xf32> to vector<16xf32>
        tpu.vector_store %arg12[%swap3A_2444], %swap3A_2447 {strides = array<i32>} : memref<12800xf32, #tpu.memory_space<vmem>>, vector<16xf32>,
        %add3A_2448 = arith.constant 12 : i32
        %add3A_2449 = arith.addi %mul3A_1310, %add3A_2448 : i32
        %slice3A_2450 = vector.extract_strided_slice %and3A_1319 {offsets = [12], sizes = [1], strides = [1]} : vector<16xi32> to vector<1xi32>
        %squeeze3A_2451 = vector.extract %slice3A_2450[0] : i32 from vector<1xi32>
        %shift_left3A_2452 = arith.constant 6 : i32
        %shift_left3A_2453 = arith.shli %squeeze3A_2451, %shift_left3A_2452 : i32
        %add3A_2454 = arith.constant 0 : i32
        %add3A_2455 = arith.addi %shift_left3A_2453, %add3A_2454 : i32
        %get3A_2456 = arith.index_cast %add3A_2449 : i32 to index
        %get3A_2457 = arith.index_cast %add3A_2455 : i32 to index
        %get3A_2458 = tpu.vector_load %arg10[%get3A_2456, %get3A_2457] {strides = array<i32>} : memref<200x128xf32, #tpu.memory_space<vmem>>, vector<1x16xf32>,
        %get3A_2459 = vector.shape_cast %get3A_2458 : vector<1x16xf32> to vector<16xf32>
        %mul3A_2460 = arith.constant 64 : i32
        %mul3A_2461 = arith.muli %add3A_2449, %mul3A_2460 : i32
        %add3A_2462 = arith.constant 0 : i32
        %add3A_2463 = arith.addi %mul3A_2461, %add3A_2462 : i32
        %get3A_2464 = arith.index_cast %add3A_2463 : i32 to index
        %get3A_2465 = tpu.vector_load %arg7[%get3A_2464] {strides = array<i32>} : memref<12800xf32, #tpu.memory_space<vmem>>, vector<16xf32>,
        %get3A_2466 = vector.shape_cast %get3A_2465 : vector<16xf32> to vector<16xf32>
        %add3A_2467 = arith.addf %get3A_2459, %get3A_2466 : vector<16xf32>
        %mul3A_2468 = arith.constant 64 : i32
        %mul3A_2469 = arith.muli %add3A_2449, %mul3A_2468 : i32
        %add3A_2470 = arith.constant 0 : i32
        %add3A_2471 = arith.addi %mul3A_2469, %add3A_2470 : i32
        %swap3A_2472 = arith.index_cast %add3A_2471 : i32 to index
        %swap3A_2473 = tpu.vector_load %arg12[%swap3A_2472] {strides = array<i32>} : memref<12800xf32, #tpu.memory_space<vmem>>, vector<16xf32>,
        %swap3A_2474 = vector.shape_cast %swap3A_2473 : vector<16xf32> to vector<16xf32>
        %swap3A_2475 = vector.shape_cast %add3A_2467 : vector<16xf32> to vector<16xf32>
        tpu.vector_store %arg12[%swap3A_2472], %swap3A_2475 {strides = array<i32>} : memref<12800xf32, #tpu.memory_space<vmem>>, vector<16xf32>,
        %add3A_2476 = arith.constant 16 : i32
        %add3A_2477 = arith.addi %shift_left3A_2453, %add3A_2476 : i32
        %get3A_2478 = arith.index_cast %add3A_2449 : i32 to index
        %get3A_2479 = arith.index_cast %add3A_2477 : i32 to index
        %get3A_2480 = tpu.vector_load %arg10[%get3A_2478, %get3A_2479] {strides = array<i32>} : memref<200x128xf32, #tpu.memory_space<vmem>>, vector<1x16xf32>,
        %get3A_2481 = vector.shape_cast %get3A_2480 : vector<1x16xf32> to vector<16xf32>
        %mul3A_2482 = arith.constant 64 : i32
        %mul3A_2483 = arith.muli %add3A_2449, %mul3A_2482 : i32
        %add3A_2484 = arith.constant 16 : i32
        %add3A_2485 = arith.addi %mul3A_2483, %add3A_2484 : i32
        %get3A_2486 = arith.index_cast %add3A_2485 : i32 to index
        %get3A_2487 = tpu.vector_load %arg7[%get3A_2486] {strides = array<i32>} : memref<12800xf32, #tpu.memory_space<vmem>>, vector<16xf32>,
        %get3A_2488 = vector.shape_cast %get3A_2487 : vector<16xf32> to vector<16xf32>
        %add3A_2489 = arith.addf %get3A_2481, %get3A_2488 : vector<16xf32>
        %mul3A_2490 = arith.constant 64 : i32
        %mul3A_2491 = arith.muli %add3A_2449, %mul3A_2490 : i32
        %add3A_2492 = arith.constant 16 : i32
        %add3A_2493 = arith.addi %mul3A_2491, %add3A_2492 : i32
        %swap3A_2494 = arith.index_cast %add3A_2493 : i32 to index
        %swap3A_2495 = tpu.vector_load %arg12[%swap3A_2494] {strides = array<i32>} : memref<12800xf32, #tpu.memory_space<vmem>>, vector<16xf32>,
        %swap3A_2496 = vector.shape_cast %swap3A_2495 : vector<16xf32> to vector<16xf32>
        %swap3A_2497 = vector.shape_cast %add3A_2489 : vector<16xf32> to vector<16xf32>
        tpu.vector_store %arg12[%swap3A_2494], %swap3A_2497 {strides = array<i32>} : memref<12800xf32, #tpu.memory_space<vmem>>, vector<16xf32>,
        %add3A_2498 = arith.constant 32 : i32
        %add3A_2499 = arith.addi %shift_left3A_2453, %add3A_2498 : i32
        %get3A_2500 = arith.index_cast %add3A_2449 : i32 to index
        %get3A_2501 = arith.index_cast %add3A_2499 : i32 to index
        %get3A_2502 = tpu.vector_load %arg10[%get3A_2500, %get3A_2501] {strides = array<i32>} : memref<200x128xf32, #tpu.memory_space<vmem>>, vector<1x16xf32>,
        %get3A_2503 = vector.shape_cast %get3A_2502 : vector<1x16xf32> to vector<16xf32>
        %mul3A_2504 = arith.constant 64 : i32
        %mul3A_2505 = arith.muli %add3A_2449, %mul3A_2504 : i32
        %add3A_2506 = arith.constant 32 : i32
        %add3A_2507 = arith.addi %mul3A_2505, %add3A_2506 : i32
        %get3A_2508 = arith.index_cast %add3A_2507 : i32 to index
        %get3A_2509 = tpu.vector_load %arg7[%get3A_2508] {strides = array<i32>} : memref<12800xf32, #tpu.memory_space<vmem>>, vector<16xf32>,
        %get3A_2510 = vector.shape_cast %get3A_2509 : vector<16xf32> to vector<16xf32>
        %add3A_2511 = arith.addf %get3A_2503, %get3A_2510 : vector<16xf32>
        %mul3A_2512 = arith.constant 64 : i32
        %mul3A_2513 = arith.muli %add3A_2449, %mul3A_2512 : i32
        %add3A_2514 = arith.constant 32 : i32
        %add3A_2515 = arith.addi %mul3A_2513, %add3A_2514 : i32
        %swap3A_2516 = arith.index_cast %add3A_2515 : i32 to index
        %swap3A_2517 = tpu.vector_load %arg12[%swap3A_2516] {strides = array<i32>} : memref<12800xf32, #tpu.memory_space<vmem>>, vector<16xf32>,
        %swap3A_2518 = vector.shape_cast %swap3A_2517 : vector<16xf32> to vector<16xf32>
        %swap3A_2519 = vector.shape_cast %add3A_2511 : vector<16xf32> to vector<16xf32>
        tpu.vector_store %arg12[%swap3A_2516], %swap3A_2519 {strides = array<i32>} : memref<12800xf32, #tpu.memory_space<vmem>>, vector<16xf32>,
        %add3A_2520 = arith.constant 48 : i32
        %add3A_2521 = arith.addi %shift_left3A_2453, %add3A_2520 : i32
        %get3A_2522 = arith.index_cast %add3A_2449 : i32 to index
        %get3A_2523 = arith.index_cast %add3A_2521 : i32 to index
        %get3A_2524 = tpu.vector_load %arg10[%get3A_2522, %get3A_2523] {strides = array<i32>} : memref<200x128xf32, #tpu.memory_space<vmem>>, vector<1x16xf32>,
        %get3A_2525 = vector.shape_cast %get3A_2524 : vector<1x16xf32> to vector<16xf32>
        %mul3A_2526 = arith.constant 64 : i32
        %mul3A_2527 = arith.muli %add3A_2449, %mul3A_2526 : i32
        %add3A_2528 = arith.constant 48 : i32
        %add3A_2529 = arith.addi %mul3A_2527, %add3A_2528 : i32
        %get3A_2530 = arith.index_cast %add3A_2529 : i32 to index
        %get3A_2531 = tpu.vector_load %arg7[%get3A_2530] {strides = array<i32>} : memref<12800xf32, #tpu.memory_space<vmem>>, vector<16xf32>,
        %get3A_2532 = vector.shape_cast %get3A_2531 : vector<16xf32> to vector<16xf32>
        %add3A_2533 = arith.addf %get3A_2525, %get3A_2532 : vector<16xf32>
        %mul3A_2534 = arith.constant 64 : i32
        %mul3A_2535 = arith.muli %add3A_2449, %mul3A_2534 : i32
        %add3A_2536 = arith.constant 48 : i32
        %add3A_2537 = arith.addi %mul3A_2535, %add3A_2536 : i32
        %swap3A_2538 = arith.index_cast %add3A_2537 : i32 to index
        %swap3A_2539 = tpu.vector_load %arg12[%swap3A_2538] {strides = array<i32>} : memref<12800xf32, #tpu.memory_space<vmem>>, vector<16xf32>,
        %swap3A_2540 = vector.shape_cast %swap3A_2539 : vector<16xf32> to vector<16xf32>
        %swap3A_2541 = vector.shape_cast %add3A_2533 : vector<16xf32> to vector<16xf32>
        tpu.vector_store %arg12[%swap3A_2538], %swap3A_2541 {strides = array<i32>} : memref<12800xf32, #tpu.memory_space<vmem>>, vector<16xf32>,
        %add3A_2542 = arith.constant 13 : i32
        %add3A_2543 = arith.addi %mul3A_1310, %add3A_2542 : i32
        %slice3A_2544 = vector.extract_strided_slice %and3A_1319 {offsets = [13], sizes = [1], strides = [1]} : vector<16xi32> to vector<1xi32>
        %squeeze3A_2545 = vector.extract %slice3A_2544[0] : i32 from vector<1xi32>
        %shift_left3A_2546 = arith.constant 6 : i32
        %shift_left3A_2547 = arith.shli %squeeze3A_2545, %shift_left3A_2546 : i32
        %add3A_2548 = arith.constant 0 : i32
        %add3A_2549 = arith.addi %shift_left3A_2547, %add3A_2548 : i32
        %get3A_2550 = arith.index_cast %add3A_2543 : i32 to index
        %get3A_2551 = arith.index_cast %add3A_2549 : i32 to index
        %get3A_2552 = tpu.vector_load %arg10[%get3A_2550, %get3A_2551] {strides = array<i32>} : memref<200x128xf32, #tpu.memory_space<vmem>>, vector<1x16xf32>,
        %get3A_2553 = vector.shape_cast %get3A_2552 : vector<1x16xf32> to vector<16xf32>
        %mul3A_2554 = arith.constant 64 : i32
        %mul3A_2555 = arith.muli %add3A_2543, %mul3A_2554 : i32
        %add3A_2556 = arith.constant 0 : i32
        %add3A_2557 = arith.addi %mul3A_2555, %add3A_2556 : i32
        %get3A_2558 = arith.index_cast %add3A_2557 : i32 to index
        %get3A_2559 = tpu.vector_load %arg7[%get3A_2558] {strides = array<i32>} : memref<12800xf32, #tpu.memory_space<vmem>>, vector<16xf32>,
        %get3A_2560 = vector.shape_cast %get3A_2559 : vector<16xf32> to vector<16xf32>
        %add3A_2561 = arith.addf %get3A_2553, %get3A_2560 : vector<16xf32>
        %mul3A_2562 = arith.constant 64 : i32
        %mul3A_2563 = arith.muli %add3A_2543, %mul3A_2562 : i32
        %add3A_2564 = arith.constant 0 : i32
        %add3A_2565 = arith.addi %mul3A_2563, %add3A_2564 : i32
        %swap3A_2566 = arith.index_cast %add3A_2565 : i32 to index
        %swap3A_2567 = tpu.vector_load %arg12[%swap3A_2566] {strides = array<i32>} : memref<12800xf32, #tpu.memory_space<vmem>>, vector<16xf32>,
        %swap3A_2568 = vector.shape_cast %swap3A_2567 : vector<16xf32> to vector<16xf32>
        %swap3A_2569 = vector.shape_cast %add3A_2561 : vector<16xf32> to vector<16xf32>
        tpu.vector_store %arg12[%swap3A_2566], %swap3A_2569 {strides = array<i32>} : memref<12800xf32, #tpu.memory_space<vmem>>, vector<16xf32>,
        %add3A_2570 = arith.constant 16 : i32
        %add3A_2571 = arith.addi %shift_left3A_2547, %add3A_2570 : i32
        %get3A_2572 = arith.index_cast %add3A_2543 : i32 to index
        %get3A_2573 = arith.index_cast %add3A_2571 : i32 to index
        %get3A_2574 = tpu.vector_load %arg10[%get3A_2572, %get3A_2573] {strides = array<i32>} : memref<200x128xf32, #tpu.memory_space<vmem>>, vector<1x16xf32>,
        %get3A_2575 = vector.shape_cast %get3A_2574 : vector<1x16xf32> to vector<16xf32>
        %mul3A_2576 = arith.constant 64 : i32
        %mul3A_2577 = arith.muli %add3A_2543, %mul3A_2576 : i32
        %add3A_2578 = arith.constant 16 : i32
        %add3A_2579 = arith.addi %mul3A_2577, %add3A_2578 : i32
        %get3A_2580 = arith.index_cast %add3A_2579 : i32 to index
        %get3A_2581 = tpu.vector_load %arg7[%get3A_2580] {strides = array<i32>} : memref<12800xf32, #tpu.memory_space<vmem>>, vector<16xf32>,
        %get3A_2582 = vector.shape_cast %get3A_2581 : vector<16xf32> to vector<16xf32>
        %add3A_2583 = arith.addf %get3A_2575, %get3A_2582 : vector<16xf32>
        %mul3A_2584 = arith.constant 64 : i32
        %mul3A_2585 = arith.muli %add3A_2543, %mul3A_2584 : i32
        %add3A_2586 = arith.constant 16 : i32
        %add3A_2587 = arith.addi %mul3A_2585, %add3A_2586 : i32
        %swap3A_2588 = arith.index_cast %add3A_2587 : i32 to index
        %swap3A_2589 = tpu.vector_load %arg12[%swap3A_2588] {strides = array<i32>} : memref<12800xf32, #tpu.memory_space<vmem>>, vector<16xf32>,
        %swap3A_2590 = vector.shape_cast %swap3A_2589 : vector<16xf32> to vector<16xf32>
        %swap3A_2591 = vector.shape_cast %add3A_2583 : vector<16xf32> to vector<16xf32>
        tpu.vector_store %arg12[%swap3A_2588], %swap3A_2591 {strides = array<i32>} : memref<12800xf32, #tpu.memory_space<vmem>>, vector<16xf32>,
        %add3A_2592 = arith.constant 32 : i32
        %add3A_2593 = arith.addi %shift_left3A_2547, %add3A_2592 : i32
        %get3A_2594 = arith.index_cast %add3A_2543 : i32 to index
        %get3A_2595 = arith.index_cast %add3A_2593 : i32 to index
        %get3A_2596 = tpu.vector_load %arg10[%get3A_2594, %get3A_2595] {strides = array<i32>} : memref<200x128xf32, #tpu.memory_space<vmem>>, vector<1x16xf32>,
        %get3A_2597 = vector.shape_cast %get3A_2596 : vector<1x16xf32> to vector<16xf32>
        %mul3A_2598 = arith.constant 64 : i32
        %mul3A_2599 = arith.muli %add3A_2543, %mul3A_2598 : i32
        %add3A_2600 = arith.constant 32 : i32
        %add3A_2601 = arith.addi %mul3A_2599, %add3A_2600 : i32
        %get3A_2602 = arith.index_cast %add3A_2601 : i32 to index
        %get3A_2603 = tpu.vector_load %arg7[%get3A_2602] {strides = array<i32>} : memref<12800xf32, #tpu.memory_space<vmem>>, vector<16xf32>,
        %get3A_2604 = vector.shape_cast %get3A_2603 : vector<16xf32> to vector<16xf32>
        %add3A_2605 = arith.addf %get3A_2597, %get3A_2604 : vector<16xf32>
        %mul3A_2606 = arith.constant 64 : i32
        %mul3A_2607 = arith.muli %add3A_2543, %mul3A_2606 : i32
        %add3A_2608 = arith.constant 32 : i32
        %add3A_2609 = arith.addi %mul3A_2607, %add3A_2608 : i32
        %swap3A_2610 = arith.index_cast %add3A_2609 : i32 to index
        %swap3A_2611 = tpu.vector_load %arg12[%swap3A_2610] {strides = array<i32>} : memref<12800xf32, #tpu.memory_space<vmem>>, vector<16xf32>,
        %swap3A_2612 = vector.shape_cast %swap3A_2611 : vector<16xf32> to vector<16xf32>
        %swap3A_2613 = vector.shape_cast %add3A_2605 : vector<16xf32> to vector<16xf32>
        tpu.vector_store %arg12[%swap3A_2610], %swap3A_2613 {strides = array<i32>} : memref<12800xf32, #tpu.memory_space<vmem>>, vector<16xf32>,
        %add3A_2614 = arith.constant 48 : i32
        %add3A_2615 = arith.addi %shift_left3A_2547, %add3A_2614 : i32
        %get3A_2616 = arith.index_cast %add3A_2543 : i32 to index
        %get3A_2617 = arith.index_cast %add3A_2615 : i32 to index
        %get3A_2618 = tpu.vector_load %arg10[%get3A_2616, %get3A_2617] {strides = array<i32>} : memref<200x128xf32, #tpu.memory_space<vmem>>, vector<1x16xf32>,
        %get3A_2619 = vector.shape_cast %get3A_2618 : vector<1x16xf32> to vector<16xf32>
        %mul3A_2620 = arith.constant 64 : i32
        %mul3A_2621 = arith.muli %add3A_2543, %mul3A_2620 : i32
        %add3A_2622 = arith.constant 48 : i32
        %add3A_2623 = arith.addi %mul3A_2621, %add3A_2622 : i32
        %get3A_2624 = arith.index_cast %add3A_2623 : i32 to index
        %get3A_2625 = tpu.vector_load %arg7[%get3A_2624] {strides = array<i32>} : memref<12800xf32, #tpu.memory_space<vmem>>, vector<16xf32>,
        %get3A_2626 = vector.shape_cast %get3A_2625 : vector<16xf32> to vector<16xf32>
        %add3A_2627 = arith.addf %get3A_2619, %get3A_2626 : vector<16xf32>
        %mul3A_2628 = arith.constant 64 : i32
        %mul3A_2629 = arith.muli %add3A_2543, %mul3A_2628 : i32
        %add3A_2630 = arith.constant 48 : i32
        %add3A_2631 = arith.addi %mul3A_2629, %add3A_2630 : i32
        %swap3A_2632 = arith.index_cast %add3A_2631 : i32 to index
        %swap3A_2633 = tpu.vector_load %arg12[%swap3A_2632] {strides = array<i32>} : memref<12800xf32, #tpu.memory_space<vmem>>, vector<16xf32>,
        %swap3A_2634 = vector.shape_cast %swap3A_2633 : vector<16xf32> to vector<16xf32>
        %swap3A_2635 = vector.shape_cast %add3A_2627 : vector<16xf32> to vector<16xf32>
        tpu.vector_store %arg12[%swap3A_2632], %swap3A_2635 {strides = array<i32>} : memref<12800xf32, #tpu.memory_space<vmem>>, vector<16xf32>,
        %add3A_2636 = arith.constant 14 : i32
        %add3A_2637 = arith.addi %mul3A_1310, %add3A_2636 : i32
        %slice3A_2638 = vector.extract_strided_slice %and3A_1319 {offsets = [14], sizes = [1], strides = [1]} : vector<16xi32> to vector<1xi32>
        %squeeze3A_2639 = vector.extract %slice3A_2638[0] : i32 from vector<1xi32>
        %shift_left3A_2640 = arith.constant 6 : i32
        %shift_left3A_2641 = arith.shli %squeeze3A_2639, %shift_left3A_2640 : i32
        %add3A_2642 = arith.constant 0 : i32
        %add3A_2643 = arith.addi %shift_left3A_2641, %add3A_2642 : i32
        %get3A_2644 = arith.index_cast %add3A_2637 : i32 to index
        %get3A_2645 = arith.index_cast %add3A_2643 : i32 to index
        %get3A_2646 = tpu.vector_load %arg10[%get3A_2644, %get3A_2645] {strides = array<i32>} : memref<200x128xf32, #tpu.memory_space<vmem>>, vector<1x16xf32>,
        %get3A_2647 = vector.shape_cast %get3A_2646 : vector<1x16xf32> to vector<16xf32>
        %mul3A_2648 = arith.constant 64 : i32
        %mul3A_2649 = arith.muli %add3A_2637, %mul3A_2648 : i32
        %add3A_2650 = arith.constant 0 : i32
        %add3A_2651 = arith.addi %mul3A_2649, %add3A_2650 : i32
        %get3A_2652 = arith.index_cast %add3A_2651 : i32 to index
        %get3A_2653 = tpu.vector_load %arg7[%get3A_2652] {strides = array<i32>} : memref<12800xf32, #tpu.memory_space<vmem>>, vector<16xf32>,
        %get3A_2654 = vector.shape_cast %get3A_2653 : vector<16xf32> to vector<16xf32>
        %add3A_2655 = arith.addf %get3A_2647, %get3A_2654 : vector<16xf32>
        %mul3A_2656 = arith.constant 64 : i32
        %mul3A_2657 = arith.muli %add3A_2637, %mul3A_2656 : i32
        %add3A_2658 = arith.constant 0 : i32
        %add3A_2659 = arith.addi %mul3A_2657, %add3A_2658 : i32
        %swap3A_2660 = arith.index_cast %add3A_2659 : i32 to index
        %swap3A_2661 = tpu.vector_load %arg12[%swap3A_2660] {strides = array<i32>} : memref<12800xf32, #tpu.memory_space<vmem>>, vector<16xf32>,
        %swap3A_2662 = vector.shape_cast %swap3A_2661 : vector<16xf32> to vector<16xf32>
        %swap3A_2663 = vector.shape_cast %add3A_2655 : vector<16xf32> to vector<16xf32>
        tpu.vector_store %arg12[%swap3A_2660], %swap3A_2663 {strides = array<i32>} : memref<12800xf32, #tpu.memory_space<vmem>>, vector<16xf32>,
        %add3A_2664 = arith.constant 16 : i32
        %add3A_2665 = arith.addi %shift_left3A_2641, %add3A_2664 : i32
        %get3A_2666 = arith.index_cast %add3A_2637 : i32 to index
        %get3A_2667 = arith.index_cast %add3A_2665 : i32 to index
        %get3A_2668 = tpu.vector_load %arg10[%get3A_2666, %get3A_2667] {strides = array<i32>} : memref<200x128xf32, #tpu.memory_space<vmem>>, vector<1x16xf32>,
        %get3A_2669 = vector.shape_cast %get3A_2668 : vector<1x16xf32> to vector<16xf32>
        %mul3A_2670 = arith.constant 64 : i32
        %mul3A_2671 = arith.muli %add3A_2637, %mul3A_2670 : i32
        %add3A_2672 = arith.constant 16 : i32
        %add3A_2673 = arith.addi %mul3A_2671, %add3A_2672 : i32
        %get3A_2674 = arith.index_cast %add3A_2673 : i32 to index
        %get3A_2675 = tpu.vector_load %arg7[%get3A_2674] {strides = array<i32>} : memref<12800xf32, #tpu.memory_space<vmem>>, vector<16xf32>,
        %get3A_2676 = vector.shape_cast %get3A_2675 : vector<16xf32> to vector<16xf32>
        %add3A_2677 = arith.addf %get3A_2669, %get3A_2676 : vector<16xf32>
        %mul3A_2678 = arith.constant 64 : i32
        %mul3A_2679 = arith.muli %add3A_2637, %mul3A_2678 : i32
        %add3A_2680 = arith.constant 16 : i32
        %add3A_2681 = arith.addi %mul3A_2679, %add3A_2680 : i32
        %swap3A_2682 = arith.index_cast %add3A_2681 : i32 to index
        %swap3A_2683 = tpu.vector_load %arg12[%swap3A_2682] {strides = array<i32>} : memref<12800xf32, #tpu.memory_space<vmem>>, vector<16xf32>,
        %swap3A_2684 = vector.shape_cast %swap3A_2683 : vector<16xf32> to vector<16xf32>
        %swap3A_2685 = vector.shape_cast %add3A_2677 : vector<16xf32> to vector<16xf32>
        tpu.vector_store %arg12[%swap3A_2682], %swap3A_2685 {strides = array<i32>} : memref<12800xf32, #tpu.memory_space<vmem>>, vector<16xf32>,
        %add3A_2686 = arith.constant 32 : i32
        %add3A_2687 = arith.addi %shift_left3A_2641, %add3A_2686 : i32
        %get3A_2688 = arith.index_cast %add3A_2637 : i32 to index
        %get3A_2689 = arith.index_cast %add3A_2687 : i32 to index
        %get3A_2690 = tpu.vector_load %arg10[%get3A_2688, %get3A_2689] {strides = array<i32>} : memref<200x128xf32, #tpu.memory_space<vmem>>, vector<1x16xf32>,
        %get3A_2691 = vector.shape_cast %get3A_2690 : vector<1x16xf32> to vector<16xf32>
        %mul3A_2692 = arith.constant 64 : i32
        %mul3A_2693 = arith.muli %add3A_2637, %mul3A_2692 : i32
        %add3A_2694 = arith.constant 32 : i32
        %add3A_2695 = arith.addi %mul3A_2693, %add3A_2694 : i32
        %get3A_2696 = arith.index_cast %add3A_2695 : i32 to index
        %get3A_2697 = tpu.vector_load %arg7[%get3A_2696] {strides = array<i32>} : memref<12800xf32, #tpu.memory_space<vmem>>, vector<16xf32>,
        %get3A_2698 = vector.shape_cast %get3A_2697 : vector<16xf32> to vector<16xf32>
        %add3A_2699 = arith.addf %get3A_2691, %get3A_2698 : vector<16xf32>
        %mul3A_2700 = arith.constant 64 : i32
        %mul3A_2701 = arith.muli %add3A_2637, %mul3A_2700 : i32
        %add3A_2702 = arith.constant 32 : i32
        %add3A_2703 = arith.addi %mul3A_2701, %add3A_2702 : i32
        %swap3A_2704 = arith.index_cast %add3A_2703 : i32 to index
        %swap3A_2705 = tpu.vector_load %arg12[%swap3A_2704] {strides = array<i32>} : memref<12800xf32, #tpu.memory_space<vmem>>, vector<16xf32>,
        %swap3A_2706 = vector.shape_cast %swap3A_2705 : vector<16xf32> to vector<16xf32>
        %swap3A_2707 = vector.shape_cast %add3A_2699 : vector<16xf32> to vector<16xf32>
        tpu.vector_store %arg12[%swap3A_2704], %swap3A_2707 {strides = array<i32>} : memref<12800xf32, #tpu.memory_space<vmem>>, vector<16xf32>,
        %add3A_2708 = arith.constant 48 : i32
        %add3A_2709 = arith.addi %shift_left3A_2641, %add3A_2708 : i32
        %get3A_2710 = arith.index_cast %add3A_2637 : i32 to index
        %get3A_2711 = arith.index_cast %add3A_2709 : i32 to index
        %get3A_2712 = tpu.vector_load %arg10[%get3A_2710, %get3A_2711] {strides = array<i32>} : memref<200x128xf32, #tpu.memory_space<vmem>>, vector<1x16xf32>,
        %get3A_2713 = vector.shape_cast %get3A_2712 : vector<1x16xf32> to vector<16xf32>
        %mul3A_2714 = arith.constant 64 : i32
        %mul3A_2715 = arith.muli %add3A_2637, %mul3A_2714 : i32
        %add3A_2716 = arith.constant 48 : i32
        %add3A_2717 = arith.addi %mul3A_2715, %add3A_2716 : i32
        %get3A_2718 = arith.index_cast %add3A_2717 : i32 to index
        %get3A_2719 = tpu.vector_load %arg7[%get3A_2718] {strides = array<i32>} : memref<12800xf32, #tpu.memory_space<vmem>>, vector<16xf32>,
        %get3A_2720 = vector.shape_cast %get3A_2719 : vector<16xf32> to vector<16xf32>
        %add3A_2721 = arith.addf %get3A_2713, %get3A_2720 : vector<16xf32>
        %mul3A_2722 = arith.constant 64 : i32
        %mul3A_2723 = arith.muli %add3A_2637, %mul3A_2722 : i32
        %add3A_2724 = arith.constant 48 : i32
        %add3A_2725 = arith.addi %mul3A_2723, %add3A_2724 : i32
        %swap3A_2726 = arith.index_cast %add3A_2725 : i32 to index
        %swap3A_2727 = tpu.vector_load %arg12[%swap3A_2726] {strides = array<i32>} : memref<12800xf32, #tpu.memory_space<vmem>>, vector<16xf32>,
        %swap3A_2728 = vector.shape_cast %swap3A_2727 : vector<16xf32> to vector<16xf32>
        %swap3A_2729 = vector.shape_cast %add3A_2721 : vector<16xf32> to vector<16xf32>
        tpu.vector_store %arg12[%swap3A_2726], %swap3A_2729 {strides = array<i32>} : memref<12800xf32, #tpu.memory_space<vmem>>, vector<16xf32>,
        %add3A_2730 = arith.constant 15 : i32
        %add3A_2731 = arith.addi %mul3A_1310, %add3A_2730 : i32
        %slice3A_2732 = vector.extract_strided_slice %and3A_1319 {offsets = [15], sizes = [1], strides = [1]} : vector<16xi32> to vector<1xi32>
        %squeeze3A_2733 = vector.extract %slice3A_2732[0] : i32 from vector<1xi32>
        %shift_left3A_2734 = arith.constant 6 : i32
        %shift_left3A_2735 = arith.shli %squeeze3A_2733, %shift_left3A_2734 : i32
        %add3A_2736 = arith.constant 0 : i32
        %add3A_2737 = arith.addi %shift_left3A_2735, %add3A_2736 : i32
        %get3A_2738 = arith.index_cast %add3A_2731 : i32 to index
        %get3A_2739 = arith.index_cast %add3A_2737 : i32 to index
        %get3A_2740 = tpu.vector_load %arg10[%get3A_2738, %get3A_2739] {strides = array<i32>} : memref<200x128xf32, #tpu.memory_space<vmem>>, vector<1x16xf32>,
        %get3A_2741 = vector.shape_cast %get3A_2740 : vector<1x16xf32> to vector<16xf32>
        %mul3A_2742 = arith.constant 64 : i32
        %mul3A_2743 = arith.muli %add3A_2731, %mul3A_2742 : i32
        %add3A_2744 = arith.constant 0 : i32
        %add3A_2745 = arith.addi %mul3A_2743, %add3A_2744 : i32
        %get3A_2746 = arith.index_cast %add3A_2745 : i32 to index
        %get3A_2747 = tpu.vector_load %arg7[%get3A_2746] {strides = array<i32>} : memref<12800xf32, #tpu.memory_space<vmem>>, vector<16xf32>,
        %get3A_2748 = vector.shape_cast %get3A_2747 : vector<16xf32> to vector<16xf32>
        %add3A_2749 = arith.addf %get3A_2741, %get3A_2748 : vector<16xf32>
        %mul3A_2750 = arith.constant 64 : i32
        %mul3A_2751 = arith.muli %add3A_2731, %mul3A_2750 : i32
        %add3A_2752 = arith.constant 0 : i32
        %add3A_2753 = arith.addi %mul3A_2751, %add3A_2752 : i32
        %swap3A_2754 = arith.index_cast %add3A_2753 : i32 to index
        %swap3A_2755 = tpu.vector_load %arg12[%swap3A_2754] {strides = array<i32>} : memref<12800xf32, #tpu.memory_space<vmem>>, vector<16xf32>,
        %swap3A_2756 = vector.shape_cast %swap3A_2755 : vector<16xf32> to vector<16xf32>
        %swap3A_2757 = vector.shape_cast %add3A_2749 : vector<16xf32> to vector<16xf32>
        tpu.vector_store %arg12[%swap3A_2754], %swap3A_2757 {strides = array<i32>} : memref<12800xf32, #tpu.memory_space<vmem>>, vector<16xf32>,
        %add3A_2758 = arith.constant 16 : i32
        %add3A_2759 = arith.addi %shift_left3A_2735, %add3A_2758 : i32
        %get3A_2760 = arith.index_cast %add3A_2731 : i32 to index
        %get3A_2761 = arith.index_cast %add3A_2759 : i32 to index
        %get3A_2762 = tpu.vector_load %arg10[%get3A_2760, %get3A_2761] {strides = array<i32>} : memref<200x128xf32, #tpu.memory_space<vmem>>, vector<1x16xf32>,
        %get3A_2763 = vector.shape_cast %get3A_2762 : vector<1x16xf32> to vector<16xf32>
        %mul3A_2764 = arith.constant 64 : i32
        %mul3A_2765 = arith.muli %add3A_2731, %mul3A_2764 : i32
        %add3A_2766 = arith.constant 16 : i32
        %add3A_2767 = arith.addi %mul3A_2765, %add3A_2766 : i32
        %get3A_2768 = arith.index_cast %add3A_2767 : i32 to index
        %get3A_2769 = tpu.vector_load %arg7[%get3A_2768] {strides = array<i32>} : memref<12800xf32, #tpu.memory_space<vmem>>, vector<16xf32>,
        %get3A_2770 = vector.shape_cast %get3A_2769 : vector<16xf32> to vector<16xf32>
        %add3A_2771 = arith.addf %get3A_2763, %get3A_2770 : vector<16xf32>
        %mul3A_2772 = arith.constant 64 : i32
        %mul3A_2773 = arith.muli %add3A_2731, %mul3A_2772 : i32
        %add3A_2774 = arith.constant 16 : i32
        %add3A_2775 = arith.addi %mul3A_2773, %add3A_2774 : i32
        %swap3A_2776 = arith.index_cast %add3A_2775 : i32 to index
        %swap3A_2777 = tpu.vector_load %arg12[%swap3A_2776] {strides = array<i32>} : memref<12800xf32, #tpu.memory_space<vmem>>, vector<16xf32>,
        %swap3A_2778 = vector.shape_cast %swap3A_2777 : vector<16xf32> to vector<16xf32>
        %swap3A_2779 = vector.shape_cast %add3A_2771 : vector<16xf32> to vector<16xf32>
        tpu.vector_store %arg12[%swap3A_2776], %swap3A_2779 {strides = array<i32>} : memref<12800xf32, #tpu.memory_space<vmem>>, vector<16xf32>,
        %add3A_2780 = arith.constant 32 : i32
        %add3A_2781 = arith.addi %shift_left3A_2735, %add3A_2780 : i32
        %get3A_2782 = arith.index_cast %add3A_2731 : i32 to index
        %get3A_2783 = arith.index_cast %add3A_2781 : i32 to index
        %get3A_2784 = tpu.vector_load %arg10[%get3A_2782, %get3A_2783] {strides = array<i32>} : memref<200x128xf32, #tpu.memory_space<vmem>>, vector<1x16xf32>,
        %get3A_2785 = vector.shape_cast %get3A_2784 : vector<1x16xf32> to vector<16xf32>
        %mul3A_2786 = arith.constant 64 : i32
        %mul3A_2787 = arith.muli %add3A_2731, %mul3A_2786 : i32
        %add3A_2788 = arith.constant 32 : i32
        %add3A_2789 = arith.addi %mul3A_2787, %add3A_2788 : i32
        %get3A_2790 = arith.index_cast %add3A_2789 : i32 to index
        %get3A_2791 = tpu.vector_load %arg7[%get3A_2790] {strides = array<i32>} : memref<12800xf32, #tpu.memory_space<vmem>>, vector<16xf32>,
        %get3A_2792 = vector.shape_cast %get3A_2791 : vector<16xf32> to vector<16xf32>
        %add3A_2793 = arith.addf %get3A_2785, %get3A_2792 : vector<16xf32>
        %mul3A_2794 = arith.constant 64 : i32
        %mul3A_2795 = arith.muli %add3A_2731, %mul3A_2794 : i32
        %add3A_2796 = arith.constant 32 : i32
        %add3A_2797 = arith.addi %mul3A_2795, %add3A_2796 : i32
        %swap3A_2798 = arith.index_cast %add3A_2797 : i32 to index
        %swap3A_2799 = tpu.vector_load %arg12[%swap3A_2798] {strides = array<i32>} : memref<12800xf32, #tpu.memory_space<vmem>>, vector<16xf32>,
        %swap3A_2800 = vector.shape_cast %swap3A_2799 : vector<16xf32> to vector<16xf32>
        %swap3A_2801 = vector.shape_cast %add3A_2793 : vector<16xf32> to vector<16xf32>
        tpu.vector_store %arg12[%swap3A_2798], %swap3A_2801 {strides = array<i32>} : memref<12800xf32, #tpu.memory_space<vmem>>, vector<16xf32>,
        %add3A_2802 = arith.constant 48 : i32
        %add3A_2803 = arith.addi %shift_left3A_2735, %add3A_2802 : i32
        %get3A_2804 = arith.index_cast %add3A_2731 : i32 to index
        %get3A_2805 = arith.index_cast %add3A_2803 : i32 to index
        %get3A_2806 = tpu.vector_load %arg10[%get3A_2804, %get3A_2805] {strides = array<i32>} : memref<200x128xf32, #tpu.memory_space<vmem>>, vector<1x16xf32>,
        %get3A_2807 = vector.shape_cast %get3A_2806 : vector<1x16xf32> to vector<16xf32>
        %mul3A_2808 = arith.constant 64 : i32
        %mul3A_2809 = arith.muli %add3A_2731, %mul3A_2808 : i32
        %add3A_2810 = arith.constant 48 : i32
        %add3A_2811 = arith.addi %mul3A_2809, %add3A_2810 : i32
        %get3A_2812 = arith.index_cast %add3A_2811 : i32 to index
        %get3A_2813 = tpu.vector_load %arg7[%get3A_2812] {strides = array<i32>} : memref<12800xf32, #tpu.memory_space<vmem>>, vector<16xf32>,
        %get3A_2814 = vector.shape_cast %get3A_2813 : vector<16xf32> to vector<16xf32>
        %add3A_2815 = arith.addf %get3A_2807, %get3A_2814 : vector<16xf32>
        %mul3A_2816 = arith.constant 64 : i32
        %mul3A_2817 = arith.muli %add3A_2731, %mul3A_2816 : i32
        %add3A_2818 = arith.constant 48 : i32
        %add3A_2819 = arith.addi %mul3A_2817, %add3A_2818 : i32
        %swap3A_2820 = arith.index_cast %add3A_2819 : i32 to index
        %swap3A_2821 = tpu.vector_load %arg12[%swap3A_2820] {strides = array<i32>} : memref<12800xf32, #tpu.memory_space<vmem>>, vector<16xf32>,
        %swap3A_2822 = vector.shape_cast %swap3A_2821 : vector<16xf32> to vector<16xf32>
        %swap3A_2823 = vector.shape_cast %add3A_2815 : vector<16xf32> to vector<16xf32>
        tpu.vector_store %arg12[%swap3A_2820], %swap3A_2823 {strides = array<i32>} : memref<12800xf32, #tpu.memory_space<vmem>>, vector<16xf32>,
      }
      %scan3A_207 = arith.constant 12 : i32
      %mul3A_208 = arith.constant 208 : i32
      %mul3A_209 = arith.muli %add3A_169, %mul3A_208 : i32
      %add3A_210 = arith.constant 192 : i32
      %add3A_211 = arith.addi %mul3A_209, %add3A_210 : i32
      %get3A_212 = arith.index_cast %add3A_211 : i32 to index
      %get3A_213 = tpu.vector_load %arg6[%get3A_212] {strides = array<i32>} : memref<26624xi32, #tpu.memory_space<vmem>>, vector<16xi32>,
      %get3A_214 = vector.shape_cast %get3A_213 : vector<16xi32> to vector<16xi32>
      %and3A = arith.constant 1 : i32
      %and3A_215 = vector.broadcast %and3A : i32 to vector<16xi32>
      %and3A_216 = arith.andi %get3A_214, %and3A_215 : vector<16xi32>
      %slice3A = vector.extract_strided_slice %and3A_216 {offsets = [0], sizes = [1], strides = [1]} : vector<16xi32> to vector<1xi32>
      %squeeze3A = vector.extract %slice3A[0] : i32 from vector<1xi32>
      %shift_left3A = arith.constant 6 : i32
      %shift_left3A_217 = arith.shli %squeeze3A, %shift_left3A : i32
      %add3A_218 = arith.constant 0 : i32
      %add3A_219 = arith.addi %shift_left3A_217, %add3A_218 : i32
      %get3A_220 = arith.constant 192 : i32
      %get3A_221 = arith.index_cast %get3A_220 : i32 to index
      %get3A_222 = arith.index_cast %add3A_219 : i32 to index
      %get3A_223 = tpu.vector_load %arg10[%get3A_221, %get3A_222] {strides = array<i32>} : memref<200x128xf32, #tpu.memory_space<vmem>>, vector<1x16xf32>,
      %get3A_224 = vector.shape_cast %get3A_223 : vector<1x16xf32> to vector<16xf32>
      %get3A_225 = arith.constant 12288 : index
      %get3A_226 = tpu.vector_load %arg7[%get3A_225] {strides = array<i32>} : memref<12800xf32, #tpu.memory_space<vmem>>, vector<16xf32>,
      %get3A_227 = vector.shape_cast %get3A_226 : vector<16xf32> to vector<16xf32>
      %add3A_228 = arith.addf %get3A_224, %get3A_227 : vector<16xf32>
      %swap3A_229 = arith.constant 12288 : index
      %swap3A_230 = tpu.vector_load %arg12[%swap3A_229] {strides = array<i32>} : memref<12800xf32, #tpu.memory_space<vmem>>, vector<16xf32>,
      %swap3A_231 = vector.shape_cast %swap3A_230 : vector<16xf32> to vector<16xf32>
      %swap3A_232 = vector.shape_cast %add3A_228 : vector<16xf32> to vector<16xf32>
      tpu.vector_store %arg12[%swap3A_229], %swap3A_232 {strides = array<i32>} : memref<12800xf32, #tpu.memory_space<vmem>>, vector<16xf32>,
      %add3A_233 = arith.constant 16 : i32
      %add3A_234 = arith.addi %shift_left3A_217, %add3A_233 : i32
      %get3A_235 = arith.constant 192 : i32
      %get3A_236 = arith.index_cast %get3A_235 : i32 to index
      %get3A_237 = arith.index_cast %add3A_234 : i32 to index
      %get3A_238 = tpu.vector_load %arg10[%get3A_236, %get3A_237] {strides = array<i32>} : memref<200x128xf32, #tpu.memory_space<vmem>>, vector<1x16xf32>,
      %get3A_239 = vector.shape_cast %get3A_238 : vector<1x16xf32> to vector<16xf32>
      %get3A_240 = arith.constant 12304 : index
      %get3A_241 = tpu.vector_load %arg7[%get3A_240] {strides = array<i32>} : memref<12800xf32, #tpu.memory_space<vmem>>, vector<16xf32>,
      %get3A_242 = vector.shape_cast %get3A_241 : vector<16xf32> to vector<16xf32>
      %add3A_243 = arith.addf %get3A_239, %get3A_242 : vector<16xf32>
      %swap3A_244 = arith.constant 12304 : index
      %swap3A_245 = tpu.vector_load %arg12[%swap3A_244] {strides = array<i32>} : memref<12800xf32, #tpu.memory_space<vmem>>, vector<16xf32>,
      %swap3A_246 = vector.shape_cast %swap3A_245 : vector<16xf32> to vector<16xf32>
      %swap3A_247 = vector.shape_cast %add3A_243 : vector<16xf32> to vector<16xf32>
      tpu.vector_store %arg12[%swap3A_244], %swap3A_247 {strides = array<i32>} : memref<12800xf32, #tpu.memory_space<vmem>>, vector<16xf32>,
      %add3A_248 = arith.constant 32 : i32
      %add3A_249 = arith.addi %shift_left3A_217, %add3A_248 : i32
      %get3A_250 = arith.constant 192 : i32
      %get3A_251 = arith.index_cast %get3A_250 : i32 to index
      %get3A_252 = arith.index_cast %add3A_249 : i32 to index
      %get3A_253 = tpu.vector_load %arg10[%get3A_251, %get3A_252] {strides = array<i32>} : memref<200x128xf32, #tpu.memory_space<vmem>>, vector<1x16xf32>,
      %get3A_254 = vector.shape_cast %get3A_253 : vector<1x16xf32> to vector<16xf32>
      %get3A_255 = arith.constant 12320 : index
      %get3A_256 = tpu.vector_load %arg7[%get3A_255] {strides = array<i32>} : memref<12800xf32, #tpu.memory_space<vmem>>, vector<16xf32>,
      %get3A_257 = vector.shape_cast %get3A_256 : vector<16xf32> to vector<16xf32>
      %add3A_258 = arith.addf %get3A_254, %get3A_257 : vector<16xf32>
      %swap3A_259 = arith.constant 12320 : index
      %swap3A_260 = tpu.vector_load %arg12[%swap3A_259] {strides = array<i32>} : memref<12800xf32, #tpu.memory_space<vmem>>, vector<16xf32>,
      %swap3A_261 = vector.shape_cast %swap3A_260 : vector<16xf32> to vector<16xf32>
      %swap3A_262 = vector.shape_cast %add3A_258 : vector<16xf32> to vector<16xf32>
      tpu.vector_store %arg12[%swap3A_259], %swap3A_262 {strides = array<i32>} : memref<12800xf32, #tpu.memory_space<vmem>>, vector<16xf32>,
      %add3A_263 = arith.constant 48 : i32
      %add3A_264 = arith.addi %shift_left3A_217, %add3A_263 : i32
      %get3A_265 = arith.constant 192 : i32
      %get3A_266 = arith.index_cast %get3A_265 : i32 to index
      %get3A_267 = arith.index_cast %add3A_264 : i32 to index
      %get3A_268 = tpu.vector_load %arg10[%get3A_266, %get3A_267] {strides = array<i32>} : memref<200x128xf32, #tpu.memory_space<vmem>>, vector<1x16xf32>,
      %get3A_269 = vector.shape_cast %get3A_268 : vector<1x16xf32> to vector<16xf32>
      %get3A_270 = arith.constant 12336 : index
      %get3A_271 = tpu.vector_load %arg7[%get3A_270] {strides = array<i32>} : memref<12800xf32, #tpu.memory_space<vmem>>, vector<16xf32>,
      %get3A_272 = vector.shape_cast %get3A_271 : vector<16xf32> to vector<16xf32>
      %add3A_273 = arith.addf %get3A_269, %get3A_272 : vector<16xf32>
      %swap3A_274 = arith.constant 12336 : index
      %swap3A_275 = tpu.vector_load %arg12[%swap3A_274] {strides = array<i32>} : memref<12800xf32, #tpu.memory_space<vmem>>, vector<16xf32>,
      %swap3A_276 = vector.shape_cast %swap3A_275 : vector<16xf32> to vector<16xf32>
      %swap3A_277 = vector.shape_cast %add3A_273 : vector<16xf32> to vector<16xf32>
      tpu.vector_store %arg12[%swap3A_274], %swap3A_277 {strides = array<i32>} : memref<12800xf32, #tpu.memory_space<vmem>>, vector<16xf32>,
      %slice3A_278 = vector.extract_strided_slice %and3A_216 {offsets = [1], sizes = [1], strides = [1]} : vector<16xi32> to vector<1xi32>
      %squeeze3A_279 = vector.extract %slice3A_278[0] : i32 from vector<1xi32>
      %shift_left3A_280 = arith.constant 6 : i32
      %shift_left3A_281 = arith.shli %squeeze3A_279, %shift_left3A_280 : i32
      %add3A_282 = arith.constant 0 : i32
      %add3A_283 = arith.addi %shift_left3A_281, %add3A_282 : i32
      %get3A_284 = arith.constant 193 : i32
      %get3A_285 = arith.index_cast %get3A_284 : i32 to index
      %get3A_286 = arith.index_cast %add3A_283 : i32 to index
      %get3A_287 = tpu.vector_load %arg10[%get3A_285, %get3A_286] {strides = array<i32>} : memref<200x128xf32, #tpu.memory_space<vmem>>, vector<1x16xf32>,
      %get3A_288 = vector.shape_cast %get3A_287 : vector<1x16xf32> to vector<16xf32>
      %get3A_289 = arith.constant 12352 : index
      %get3A_290 = tpu.vector_load %arg7[%get3A_289] {strides = array<i32>} : memref<12800xf32, #tpu.memory_space<vmem>>, vector<16xf32>,
      %get3A_291 = vector.shape_cast %get3A_290 : vector<16xf32> to vector<16xf32>
      %add3A_292 = arith.addf %get3A_288, %get3A_291 : vector<16xf32>
      %swap3A_293 = arith.constant 12352 : index
      %swap3A_294 = tpu.vector_load %arg12[%swap3A_293] {strides = array<i32>} : memref<12800xf32, #tpu.memory_space<vmem>>, vector<16xf32>,
      %swap3A_295 = vector.shape_cast %swap3A_294 : vector<16xf32> to vector<16xf32>
      %swap3A_296 = vector.shape_cast %add3A_292 : vector<16xf32> to vector<16xf32>
      tpu.vector_store %arg12[%swap3A_293], %swap3A_296 {strides = array<i32>} : memref<12800xf32, #tpu.memory_space<vmem>>, vector<16xf32>,
      %add3A_297 = arith.constant 16 : i32
      %add3A_298 = arith.addi %shift_left3A_281, %add3A_297 : i32
      %get3A_299 = arith.constant 193 : i32
      %get3A_300 = arith.index_cast %get3A_299 : i32 to index
      %get3A_301 = arith.index_cast %add3A_298 : i32 to index
      %get3A_302 = tpu.vector_load %arg10[%get3A_300, %get3A_301] {strides = array<i32>} : memref<200x128xf32, #tpu.memory_space<vmem>>, vector<1x16xf32>,
      %get3A_303 = vector.shape_cast %get3A_302 : vector<1x16xf32> to vector<16xf32>
      %get3A_304 = arith.constant 12368 : index
      %get3A_305 = tpu.vector_load %arg7[%get3A_304] {strides = array<i32>} : memref<12800xf32, #tpu.memory_space<vmem>>, vector<16xf32>,
      %get3A_306 = vector.shape_cast %get3A_305 : vector<16xf32> to vector<16xf32>
      %add3A_307 = arith.addf %get3A_303, %get3A_306 : vector<16xf32>
      %swap3A_308 = arith.constant 12368 : index
      %swap3A_309 = tpu.vector_load %arg12[%swap3A_308] {strides = array<i32>} : memref<12800xf32, #tpu.memory_space<vmem>>, vector<16xf32>,
      %swap3A_310 = vector.shape_cast %swap3A_309 : vector<16xf32> to vector<16xf32>
      %swap3A_311 = vector.shape_cast %add3A_307 : vector<16xf32> to vector<16xf32>
      tpu.vector_store %arg12[%swap3A_308], %swap3A_311 {strides = array<i32>} : memref<12800xf32, #tpu.memory_space<vmem>>, vector<16xf32>,
      %add3A_312 = arith.constant 32 : i32
      %add3A_313 = arith.addi %shift_left3A_281, %add3A_312 : i32
      %get3A_314 = arith.constant 193 : i32
      %get3A_315 = arith.index_cast %get3A_314 : i32 to index
      %get3A_316 = arith.index_cast %add3A_313 : i32 to index
      %get3A_317 = tpu.vector_load %arg10[%get3A_315, %get3A_316] {strides = array<i32>} : memref<200x128xf32, #tpu.memory_space<vmem>>, vector<1x16xf32>,
      %get3A_318 = vector.shape_cast %get3A_317 : vector<1x16xf32> to vector<16xf32>
      %get3A_319 = arith.constant 12384 : index
      %get3A_320 = tpu.vector_load %arg7[%get3A_319] {strides = array<i32>} : memref<12800xf32, #tpu.memory_space<vmem>>, vector<16xf32>,
      %get3A_321 = vector.shape_cast %get3A_320 : vector<16xf32> to vector<16xf32>
      %add3A_322 = arith.addf %get3A_318, %get3A_321 : vector<16xf32>
      %swap3A_323 = arith.constant 12384 : index
      %swap3A_324 = tpu.vector_load %arg12[%swap3A_323] {strides = array<i32>} : memref<12800xf32, #tpu.memory_space<vmem>>, vector<16xf32>,
      %swap3A_325 = vector.shape_cast %swap3A_324 : vector<16xf32> to vector<16xf32>
      %swap3A_326 = vector.shape_cast %add3A_322 : vector<16xf32> to vector<16xf32>
      tpu.vector_store %arg12[%swap3A_323], %swap3A_326 {strides = array<i32>} : memref<12800xf32, #tpu.memory_space<vmem>>, vector<16xf32>,
      %add3A_327 = arith.constant 48 : i32
      %add3A_328 = arith.addi %shift_left3A_281, %add3A_327 : i32
      %get3A_329 = arith.constant 193 : i32
      %get3A_330 = arith.index_cast %get3A_329 : i32 to index
      %get3A_331 = arith.index_cast %add3A_328 : i32 to index
      %get3A_332 = tpu.vector_load %arg10[%get3A_330, %get3A_331] {strides = array<i32>} : memref<200x128xf32, #tpu.memory_space<vmem>>, vector<1x16xf32>,
      %get3A_333 = vector.shape_cast %get3A_332 : vector<1x16xf32> to vector<16xf32>
      %get3A_334 = arith.constant 12400 : index
      %get3A_335 = tpu.vector_load %arg7[%get3A_334] {strides = array<i32>} : memref<12800xf32, #tpu.memory_space<vmem>>, vector<16xf32>,
      %get3A_336 = vector.shape_cast %get3A_335 : vector<16xf32> to vector<16xf32>
      %add3A_337 = arith.addf %get3A_333, %get3A_336 : vector<16xf32>
      %swap3A_338 = arith.constant 12400 : index
      %swap3A_339 = tpu.vector_load %arg12[%swap3A_338] {strides = array<i32>} : memref<12800xf32, #tpu.memory_space<vmem>>, vector<16xf32>,
      %swap3A_340 = vector.shape_cast %swap3A_339 : vector<16xf32> to vector<16xf32>
      %swap3A_341 = vector.shape_cast %add3A_337 : vector<16xf32> to vector<16xf32>
      tpu.vector_store %arg12[%swap3A_338], %swap3A_341 {strides = array<i32>} : memref<12800xf32, #tpu.memory_space<vmem>>, vector<16xf32>,
      %slice3A_342 = vector.extract_strided_slice %and3A_216 {offsets = [2], sizes = [1], strides = [1]} : vector<16xi32> to vector<1xi32>
      %squeeze3A_343 = vector.extract %slice3A_342[0] : i32 from vector<1xi32>
      %shift_left3A_344 = arith.constant 6 : i32
      %shift_left3A_345 = arith.shli %squeeze3A_343, %shift_left3A_344 : i32
      %add3A_346 = arith.constant 0 : i32
      %add3A_347 = arith.addi %shift_left3A_345, %add3A_346 : i32
      %get3A_348 = arith.constant 194 : i32
      %get3A_349 = arith.index_cast %get3A_348 : i32 to index
      %get3A_350 = arith.index_cast %add3A_347 : i32 to index
      %get3A_351 = tpu.vector_load %arg10[%get3A_349, %get3A_350] {strides = array<i32>} : memref<200x128xf32, #tpu.memory_space<vmem>>, vector<1x16xf32>,
      %get3A_352 = vector.shape_cast %get3A_351 : vector<1x16xf32> to vector<16xf32>
      %get3A_353 = arith.constant 12416 : index
      %get3A_354 = tpu.vector_load %arg7[%get3A_353] {strides = array<i32>} : memref<12800xf32, #tpu.memory_space<vmem>>, vector<16xf32>,
      %get3A_355 = vector.shape_cast %get3A_354 : vector<16xf32> to vector<16xf32>
      %add3A_356 = arith.addf %get3A_352, %get3A_355 : vector<16xf32>
      %swap3A_357 = arith.constant 12416 : index
      %swap3A_358 = tpu.vector_load %arg12[%swap3A_357] {strides = array<i32>} : memref<12800xf32, #tpu.memory_space<vmem>>, vector<16xf32>,
      %swap3A_359 = vector.shape_cast %swap3A_358 : vector<16xf32> to vector<16xf32>
      %swap3A_360 = vector.shape_cast %add3A_356 : vector<16xf32> to vector<16xf32>
      tpu.vector_store %arg12[%swap3A_357], %swap3A_360 {strides = array<i32>} : memref<12800xf32, #tpu.memory_space<vmem>>, vector<16xf32>,
      %add3A_361 = arith.constant 16 : i32
      %add3A_362 = arith.addi %shift_left3A_345, %add3A_361 : i32
      %get3A_363 = arith.constant 194 : i32
      %get3A_364 = arith.index_cast %get3A_363 : i32 to index
      %get3A_365 = arith.index_cast %add3A_362 : i32 to index
      %get3A_366 = tpu.vector_load %arg10[%get3A_364, %get3A_365] {strides = array<i32>} : memref<200x128xf32, #tpu.memory_space<vmem>>, vector<1x16xf32>,
      %get3A_367 = vector.shape_cast %get3A_366 : vector<1x16xf32> to vector<16xf32>
      %get3A_368 = arith.constant 12432 : index
      %get3A_369 = tpu.vector_load %arg7[%get3A_368] {strides = array<i32>} : memref<12800xf32, #tpu.memory_space<vmem>>, vector<16xf32>,
      %get3A_370 = vector.shape_cast %get3A_369 : vector<16xf32> to vector<16xf32>
      %add3A_371 = arith.addf %get3A_367, %get3A_370 : vector<16xf32>
      %swap3A_372 = arith.constant 12432 : index
      %swap3A_373 = tpu.vector_load %arg12[%swap3A_372] {strides = array<i32>} : memref<12800xf32, #tpu.memory_space<vmem>>, vector<16xf32>,
      %swap3A_374 = vector.shape_cast %swap3A_373 : vector<16xf32> to vector<16xf32>
      %swap3A_375 = vector.shape_cast %add3A_371 : vector<16xf32> to vector<16xf32>
      tpu.vector_store %arg12[%swap3A_372], %swap3A_375 {strides = array<i32>} : memref<12800xf32, #tpu.memory_space<vmem>>, vector<16xf32>,
      %add3A_376 = arith.constant 32 : i32
      %add3A_377 = arith.addi %shift_left3A_345, %add3A_376 : i32
      %get3A_378 = arith.constant 194 : i32
      %get3A_379 = arith.index_cast %get3A_378 : i32 to index
      %get3A_380 = arith.index_cast %add3A_377 : i32 to index
      %get3A_381 = tpu.vector_load %arg10[%get3A_379, %get3A_380] {strides = array<i32>} : memref<200x128xf32, #tpu.memory_space<vmem>>, vector<1x16xf32>,
      %get3A_382 = vector.shape_cast %get3A_381 : vector<1x16xf32> to vector<16xf32>
      %get3A_383 = arith.constant 12448 : index
      %get3A_384 = tpu.vector_load %arg7[%get3A_383] {strides = array<i32>} : memref<12800xf32, #tpu.memory_space<vmem>>, vector<16xf32>,
      %get3A_385 = vector.shape_cast %get3A_384 : vector<16xf32> to vector<16xf32>
      %add3A_386 = arith.addf %get3A_382, %get3A_385 : vector<16xf32>
      %swap3A_387 = arith.constant 12448 : index
      %swap3A_388 = tpu.vector_load %arg12[%swap3A_387] {strides = array<i32>} : memref<12800xf32, #tpu.memory_space<vmem>>, vector<16xf32>,
      %swap3A_389 = vector.shape_cast %swap3A_388 : vector<16xf32> to vector<16xf32>
      %swap3A_390 = vector.shape_cast %add3A_386 : vector<16xf32> to vector<16xf32>
      tpu.vector_store %arg12[%swap3A_387], %swap3A_390 {strides = array<i32>} : memref<12800xf32, #tpu.memory_space<vmem>>, vector<16xf32>,
      %add3A_391 = arith.constant 48 : i32
      %add3A_392 = arith.addi %shift_left3A_345, %add3A_391 : i32
      %get3A_393 = arith.constant 194 : i32
      %get3A_394 = arith.index_cast %get3A_393 : i32 to index
      %get3A_395 = arith.index_cast %add3A_392 : i32 to index
      %get3A_396 = tpu.vector_load %arg10[%get3A_394, %get3A_395] {strides = array<i32>} : memref<200x128xf32, #tpu.memory_space<vmem>>, vector<1x16xf32>,
      %get3A_397 = vector.shape_cast %get3A_396 : vector<1x16xf32> to vector<16xf32>
      %get3A_398 = arith.constant 12464 : index
      %get3A_399 = tpu.vector_load %arg7[%get3A_398] {strides = array<i32>} : memref<12800xf32, #tpu.memory_space<vmem>>, vector<16xf32>,
      %get3A_400 = vector.shape_cast %get3A_399 : vector<16xf32> to vector<16xf32>
      %add3A_401 = arith.addf %get3A_397, %get3A_400 : vector<16xf32>
      %swap3A_402 = arith.constant 12464 : index
      %swap3A_403 = tpu.vector_load %arg12[%swap3A_402] {strides = array<i32>} : memref<12800xf32, #tpu.memory_space<vmem>>, vector<16xf32>,
      %swap3A_404 = vector.shape_cast %swap3A_403 : vector<16xf32> to vector<16xf32>
      %swap3A_405 = vector.shape_cast %add3A_401 : vector<16xf32> to vector<16xf32>
      tpu.vector_store %arg12[%swap3A_402], %swap3A_405 {strides = array<i32>} : memref<12800xf32, #tpu.memory_space<vmem>>, vector<16xf32>,
      %slice3A_406 = vector.extract_strided_slice %and3A_216 {offsets = [3], sizes = [1], strides = [1]} : vector<16xi32> to vector<1xi32>
      %squeeze3A_407 = vector.extract %slice3A_406[0] : i32 from vector<1xi32>
      %shift_left3A_408 = arith.constant 6 : i32
      %shift_left3A_409 = arith.shli %squeeze3A_407, %shift_left3A_408 : i32
      %add3A_410 = arith.constant 0 : i32
      %add3A_411 = arith.addi %shift_left3A_409, %add3A_410 : i32
      %get3A_412 = arith.constant 195 : i32
      %get3A_413 = arith.index_cast %get3A_412 : i32 to index
      %get3A_414 = arith.index_cast %add3A_411 : i32 to index
      %get3A_415 = tpu.vector_load %arg10[%get3A_413, %get3A_414] {strides = array<i32>} : memref<200x128xf32, #tpu.memory_space<vmem>>, vector<1x16xf32>,
      %get3A_416 = vector.shape_cast %get3A_415 : vector<1x16xf32> to vector<16xf32>
      %get3A_417 = arith.constant 12480 : index
      %get3A_418 = tpu.vector_load %arg7[%get3A_417] {strides = array<i32>} : memref<12800xf32, #tpu.memory_space<vmem>>, vector<16xf32>,
      %get3A_419 = vector.shape_cast %get3A_418 : vector<16xf32> to vector<16xf32>
      %add3A_420 = arith.addf %get3A_416, %get3A_419 : vector<16xf32>
      %swap3A_421 = arith.constant 12480 : index
      %swap3A_422 = tpu.vector_load %arg12[%swap3A_421] {strides = array<i32>} : memref<12800xf32, #tpu.memory_space<vmem>>, vector<16xf32>,
      %swap3A_423 = vector.shape_cast %swap3A_422 : vector<16xf32> to vector<16xf32>
      %swap3A_424 = vector.shape_cast %add3A_420 : vector<16xf32> to vector<16xf32>
      tpu.vector_store %arg12[%swap3A_421], %swap3A_424 {strides = array<i32>} : memref<12800xf32, #tpu.memory_space<vmem>>, vector<16xf32>,
      %add3A_425 = arith.constant 16 : i32
      %add3A_426 = arith.addi %shift_left3A_409, %add3A_425 : i32
      %get3A_427 = arith.constant 195 : i32
      %get3A_428 = arith.index_cast %get3A_427 : i32 to index
      %get3A_429 = arith.index_cast %add3A_426 : i32 to index
      %get3A_430 = tpu.vector_load %arg10[%get3A_428, %get3A_429] {strides = array<i32>} : memref<200x128xf32, #tpu.memory_space<vmem>>, vector<1x16xf32>,
      %get3A_431 = vector.shape_cast %get3A_430 : vector<1x16xf32> to vector<16xf32>
      %get3A_432 = arith.constant 12496 : index
      %get3A_433 = tpu.vector_load %arg7[%get3A_432] {strides = array<i32>} : memref<12800xf32, #tpu.memory_space<vmem>>, vector<16xf32>,
      %get3A_434 = vector.shape_cast %get3A_433 : vector<16xf32> to vector<16xf32>
      %add3A_435 = arith.addf %get3A_431, %get3A_434 : vector<16xf32>
      %swap3A_436 = arith.constant 12496 : index
      %swap3A_437 = tpu.vector_load %arg12[%swap3A_436] {strides = array<i32>} : memref<12800xf32, #tpu.memory_space<vmem>>, vector<16xf32>,
      %swap3A_438 = vector.shape_cast %swap3A_437 : vector<16xf32> to vector<16xf32>
      %swap3A_439 = vector.shape_cast %add3A_435 : vector<16xf32> to vector<16xf32>
      tpu.vector_store %arg12[%swap3A_436], %swap3A_439 {strides = array<i32>} : memref<12800xf32, #tpu.memory_space<vmem>>, vector<16xf32>,
      %add3A_440 = arith.constant 32 : i32
      %add3A_441 = arith.addi %shift_left3A_409, %add3A_440 : i32
      %get3A_442 = arith.constant 195 : i32
      %get3A_443 = arith.index_cast %get3A_442 : i32 to index
      %get3A_444 = arith.index_cast %add3A_441 : i32 to index
      %get3A_445 = tpu.vector_load %arg10[%get3A_443, %get3A_444] {strides = array<i32>} : memref<200x128xf32, #tpu.memory_space<vmem>>, vector<1x16xf32>,
      %get3A_446 = vector.shape_cast %get3A_445 : vector<1x16xf32> to vector<16xf32>
      %get3A_447 = arith.constant 12512 : index
      %get3A_448 = tpu.vector_load %arg7[%get3A_447] {strides = array<i32>} : memref<12800xf32, #tpu.memory_space<vmem>>, vector<16xf32>,
      %get3A_449 = vector.shape_cast %get3A_448 : vector<16xf32> to vector<16xf32>
      %add3A_450 = arith.addf %get3A_446, %get3A_449 : vector<16xf32>
      %swap3A_451 = arith.constant 12512 : index
      %swap3A_452 = tpu.vector_load %arg12[%swap3A_451] {strides = array<i32>} : memref<12800xf32, #tpu.memory_space<vmem>>, vector<16xf32>,
      %swap3A_453 = vector.shape_cast %swap3A_452 : vector<16xf32> to vector<16xf32>
      %swap3A_454 = vector.shape_cast %add3A_450 : vector<16xf32> to vector<16xf32>
      tpu.vector_store %arg12[%swap3A_451], %swap3A_454 {strides = array<i32>} : memref<12800xf32, #tpu.memory_space<vmem>>, vector<16xf32>,
      %add3A_455 = arith.constant 48 : i32
      %add3A_456 = arith.addi %shift_left3A_409, %add3A_455 : i32
      %get3A_457 = arith.constant 195 : i32
      %get3A_458 = arith.index_cast %get3A_457 : i32 to index
      %get3A_459 = arith.index_cast %add3A_456 : i32 to index
      %get3A_460 = tpu.vector_load %arg10[%get3A_458, %get3A_459] {strides = array<i32>} : memref<200x128xf32, #tpu.memory_space<vmem>>, vector<1x16xf32>,
      %get3A_461 = vector.shape_cast %get3A_460 : vector<1x16xf32> to vector<16xf32>
      %get3A_462 = arith.constant 12528 : index
      %get3A_463 = tpu.vector_load %arg7[%get3A_462] {strides = array<i32>} : memref<12800xf32, #tpu.memory_space<vmem>>, vector<16xf32>,
      %get3A_464 = vector.shape_cast %get3A_463 : vector<16xf32> to vector<16xf32>
      %add3A_465 = arith.addf %get3A_461, %get3A_464 : vector<16xf32>
      %swap3A_466 = arith.constant 12528 : index
      %swap3A_467 = tpu.vector_load %arg12[%swap3A_466] {strides = array<i32>} : memref<12800xf32, #tpu.memory_space<vmem>>, vector<16xf32>,
      %swap3A_468 = vector.shape_cast %swap3A_467 : vector<16xf32> to vector<16xf32>
      %swap3A_469 = vector.shape_cast %add3A_465 : vector<16xf32> to vector<16xf32>
      tpu.vector_store %arg12[%swap3A_466], %swap3A_469 {strides = array<i32>} : memref<12800xf32, #tpu.memory_space<vmem>>, vector<16xf32>,
      %slice3A_470 = vector.extract_strided_slice %and3A_216 {offsets = [4], sizes = [1], strides = [1]} : vector<16xi32> to vector<1xi32>
      %squeeze3A_471 = vector.extract %slice3A_470[0] : i32 from vector<1xi32>
      %shift_left3A_472 = arith.constant 6 : i32
      %shift_left3A_473 = arith.shli %squeeze3A_471, %shift_left3A_472 : i32
      %add3A_474 = arith.constant 0 : i32
      %add3A_475 = arith.addi %shift_left3A_473, %add3A_474 : i32
      %get3A_476 = arith.constant 196 : i32
      %get3A_477 = arith.index_cast %get3A_476 : i32 to index
      %get3A_478 = arith.index_cast %add3A_475 : i32 to index
      %get3A_479 = tpu.vector_load %arg10[%get3A_477, %get3A_478] {strides = array<i32>} : memref<200x128xf32, #tpu.memory_space<vmem>>, vector<1x16xf32>,
      %get3A_480 = vector.shape_cast %get3A_479 : vector<1x16xf32> to vector<16xf32>
      %get3A_481 = arith.constant 12544 : index
      %get3A_482 = tpu.vector_load %arg7[%get3A_481] {strides = array<i32>} : memref<12800xf32, #tpu.memory_space<vmem>>, vector<16xf32>,
      %get3A_483 = vector.shape_cast %get3A_482 : vector<16xf32> to vector<16xf32>
      %add3A_484 = arith.addf %get3A_480, %get3A_483 : vector<16xf32>
      %swap3A_485 = arith.constant 12544 : index
      %swap3A_486 = tpu.vector_load %arg12[%swap3A_485] {strides = array<i32>} : memref<12800xf32, #tpu.memory_space<vmem>>, vector<16xf32>,
      %swap3A_487 = vector.shape_cast %swap3A_486 : vector<16xf32> to vector<16xf32>
      %swap3A_488 = vector.shape_cast %add3A_484 : vector<16xf32> to vector<16xf32>
      tpu.vector_store %arg12[%swap3A_485], %swap3A_488 {strides = array<i32>} : memref<12800xf32, #tpu.memory_space<vmem>>, vector<16xf32>,
      %add3A_489 = arith.constant 16 : i32
      %add3A_490 = arith.addi %shift_left3A_473, %add3A_489 : i32
      %get3A_491 = arith.constant 196 : i32
      %get3A_492 = arith.index_cast %get3A_491 : i32 to index
      %get3A_493 = arith.index_cast %add3A_490 : i32 to index
      %get3A_494 = tpu.vector_load %arg10[%get3A_492, %get3A_493] {strides = array<i32>} : memref<200x128xf32, #tpu.memory_space<vmem>>, vector<1x16xf32>,
      %get3A_495 = vector.shape_cast %get3A_494 : vector<1x16xf32> to vector<16xf32>
      %get3A_496 = arith.constant 12560 : index
      %get3A_497 = tpu.vector_load %arg7[%get3A_496] {strides = array<i32>} : memref<12800xf32, #tpu.memory_space<vmem>>, vector<16xf32>,
      %get3A_498 = vector.shape_cast %get3A_497 : vector<16xf32> to vector<16xf32>
      %add3A_499 = arith.addf %get3A_495, %get3A_498 : vector<16xf32>
      %swap3A_500 = arith.constant 12560 : index
      %swap3A_501 = tpu.vector_load %arg12[%swap3A_500] {strides = array<i32>} : memref<12800xf32, #tpu.memory_space<vmem>>, vector<16xf32>,
      %swap3A_502 = vector.shape_cast %swap3A_501 : vector<16xf32> to vector<16xf32>
      %swap3A_503 = vector.shape_cast %add3A_499 : vector<16xf32> to vector<16xf32>
      tpu.vector_store %arg12[%swap3A_500], %swap3A_503 {strides = array<i32>} : memref<12800xf32, #tpu.memory_space<vmem>>, vector<16xf32>,
      %add3A_504 = arith.constant 32 : i32
      %add3A_505 = arith.addi %shift_left3A_473, %add3A_504 : i32
      %get3A_506 = arith.constant 196 : i32
      %get3A_507 = arith.index_cast %get3A_506 : i32 to index
      %get3A_508 = arith.index_cast %add3A_505 : i32 to index
      %get3A_509 = tpu.vector_load %arg10[%get3A_507, %get3A_508] {strides = array<i32>} : memref<200x128xf32, #tpu.memory_space<vmem>>, vector<1x16xf32>,
      %get3A_510 = vector.shape_cast %get3A_509 : vector<1x16xf32> to vector<16xf32>
      %get3A_511 = arith.constant 12576 : index
      %get3A_512 = tpu.vector_load %arg7[%get3A_511] {strides = array<i32>} : memref<12800xf32, #tpu.memory_space<vmem>>, vector<16xf32>,
      %get3A_513 = vector.shape_cast %get3A_512 : vector<16xf32> to vector<16xf32>
      %add3A_514 = arith.addf %get3A_510, %get3A_513 : vector<16xf32>
      %swap3A_515 = arith.constant 12576 : index
      %swap3A_516 = tpu.vector_load %arg12[%swap3A_515] {strides = array<i32>} : memref<12800xf32, #tpu.memory_space<vmem>>, vector<16xf32>,
      %swap3A_517 = vector.shape_cast %swap3A_516 : vector<16xf32> to vector<16xf32>
      %swap3A_518 = vector.shape_cast %add3A_514 : vector<16xf32> to vector<16xf32>
      tpu.vector_store %arg12[%swap3A_515], %swap3A_518 {strides = array<i32>} : memref<12800xf32, #tpu.memory_space<vmem>>, vector<16xf32>,
      %add3A_519 = arith.constant 48 : i32
      %add3A_520 = arith.addi %shift_left3A_473, %add3A_519 : i32
      %get3A_521 = arith.constant 196 : i32
      %get3A_522 = arith.index_cast %get3A_521 : i32 to index
      %get3A_523 = arith.index_cast %add3A_520 : i32 to index
      %get3A_524 = tpu.vector_load %arg10[%get3A_522, %get3A_523] {strides = array<i32>} : memref<200x128xf32, #tpu.memory_space<vmem>>, vector<1x16xf32>,
      %get3A_525 = vector.shape_cast %get3A_524 : vector<1x16xf32> to vector<16xf32>
      %get3A_526 = arith.constant 12592 : index
      %get3A_527 = tpu.vector_load %arg7[%get3A_526] {strides = array<i32>} : memref<12800xf32, #tpu.memory_space<vmem>>, vector<16xf32>,
      %get3A_528 = vector.shape_cast %get3A_527 : vector<16xf32> to vector<16xf32>
      %add3A_529 = arith.addf %get3A_525, %get3A_528 : vector<16xf32>
      %swap3A_530 = arith.constant 12592 : index
      %swap3A_531 = tpu.vector_load %arg12[%swap3A_530] {strides = array<i32>} : memref<12800xf32, #tpu.memory_space<vmem>>, vector<16xf32>,
      %swap3A_532 = vector.shape_cast %swap3A_531 : vector<16xf32> to vector<16xf32>
      %swap3A_533 = vector.shape_cast %add3A_529 : vector<16xf32> to vector<16xf32>
      tpu.vector_store %arg12[%swap3A_530], %swap3A_533 {strides = array<i32>} : memref<12800xf32, #tpu.memory_space<vmem>>, vector<16xf32>,
      %slice3A_534 = vector.extract_strided_slice %and3A_216 {offsets = [5], sizes = [1], strides = [1]} : vector<16xi32> to vector<1xi32>
      %squeeze3A_535 = vector.extract %slice3A_534[0] : i32 from vector<1xi32>
      %shift_left3A_536 = arith.constant 6 : i32
      %shift_left3A_537 = arith.shli %squeeze3A_535, %shift_left3A_536 : i32
      %add3A_538 = arith.constant 0 : i32
      %add3A_539 = arith.addi %shift_left3A_537, %add3A_538 : i32
      %get3A_540 = arith.constant 197 : i32
      %get3A_541 = arith.index_cast %get3A_540 : i32 to index
      %get3A_542 = arith.index_cast %add3A_539 : i32 to index
      %get3A_543 = tpu.vector_load %arg10[%get3A_541, %get3A_542] {strides = array<i32>} : memref<200x128xf32, #tpu.memory_space<vmem>>, vector<1x16xf32>,
      %get3A_544 = vector.shape_cast %get3A_543 : vector<1x16xf32> to vector<16xf32>
      %get3A_545 = arith.constant 12608 : index
      %get3A_546 = tpu.vector_load %arg7[%get3A_545] {strides = array<i32>} : memref<12800xf32, #tpu.memory_space<vmem>>, vector<16xf32>,
      %get3A_547 = vector.shape_cast %get3A_546 : vector<16xf32> to vector<16xf32>
      %add3A_548 = arith.addf %get3A_544, %get3A_547 : vector<16xf32>
      %swap3A_549 = arith.constant 12608 : index
      %swap3A_550 = tpu.vector_load %arg12[%swap3A_549] {strides = array<i32>} : memref<12800xf32, #tpu.memory_space<vmem>>, vector<16xf32>,
      %swap3A_551 = vector.shape_cast %swap3A_550 : vector<16xf32> to vector<16xf32>
      %swap3A_552 = vector.shape_cast %add3A_548 : vector<16xf32> to vector<16xf32>
      tpu.vector_store %arg12[%swap3A_549], %swap3A_552 {strides = array<i32>} : memref<12800xf32, #tpu.memory_space<vmem>>, vector<16xf32>,
      %add3A_553 = arith.constant 16 : i32
      %add3A_554 = arith.addi %shift_left3A_537, %add3A_553 : i32
      %get3A_555 = arith.constant 197 : i32
      %get3A_556 = arith.index_cast %get3A_555 : i32 to index
      %get3A_557 = arith.index_cast %add3A_554 : i32 to index
      %get3A_558 = tpu.vector_load %arg10[%get3A_556, %get3A_557] {strides = array<i32>} : memref<200x128xf32, #tpu.memory_space<vmem>>, vector<1x16xf32>,
      %get3A_559 = vector.shape_cast %get3A_558 : vector<1x16xf32> to vector<16xf32>
      %get3A_560 = arith.constant 12624 : index
      %get3A_561 = tpu.vector_load %arg7[%get3A_560] {strides = array<i32>} : memref<12800xf32, #tpu.memory_space<vmem>>, vector<16xf32>,
      %get3A_562 = vector.shape_cast %get3A_561 : vector<16xf32> to vector<16xf32>
      %add3A_563 = arith.addf %get3A_559, %get3A_562 : vector<16xf32>
      %swap3A_564 = arith.constant 12624 : index
      %swap3A_565 = tpu.vector_load %arg12[%swap3A_564] {strides = array<i32>} : memref<12800xf32, #tpu.memory_space<vmem>>, vector<16xf32>,
      %swap3A_566 = vector.shape_cast %swap3A_565 : vector<16xf32> to vector<16xf32>
      %swap3A_567 = vector.shape_cast %add3A_563 : vector<16xf32> to vector<16xf32>
      tpu.vector_store %arg12[%swap3A_564], %swap3A_567 {strides = array<i32>} : memref<12800xf32, #tpu.memory_space<vmem>>, vector<16xf32>,
      %add3A_568 = arith.constant 32 : i32
      %add3A_569 = arith.addi %shift_left3A_537, %add3A_568 : i32
      %get3A_570 = arith.constant 197 : i32
      %get3A_571 = arith.index_cast %get3A_570 : i32 to index
      %get3A_572 = arith.index_cast %add3A_569 : i32 to index
      %get3A_573 = tpu.vector_load %arg10[%get3A_571, %get3A_572] {strides = array<i32>} : memref<200x128xf32, #tpu.memory_space<vmem>>, vector<1x16xf32>,
      %get3A_574 = vector.shape_cast %get3A_573 : vector<1x16xf32> to vector<16xf32>
      %get3A_575 = arith.constant 12640 : index
      %get3A_576 = tpu.vector_load %arg7[%get3A_575] {strides = array<i32>} : memref<12800xf32, #tpu.memory_space<vmem>>, vector<16xf32>,
      %get3A_577 = vector.shape_cast %get3A_576 : vector<16xf32> to vector<16xf32>
      %add3A_578 = arith.addf %get3A_574, %get3A_577 : vector<16xf32>
      %swap3A_579 = arith.constant 12640 : index
      %swap3A_580 = tpu.vector_load %arg12[%swap3A_579] {strides = array<i32>} : memref<12800xf32, #tpu.memory_space<vmem>>, vector<16xf32>,
      %swap3A_581 = vector.shape_cast %swap3A_580 : vector<16xf32> to vector<16xf32>
      %swap3A_582 = vector.shape_cast %add3A_578 : vector<16xf32> to vector<16xf32>
      tpu.vector_store %arg12[%swap3A_579], %swap3A_582 {strides = array<i32>} : memref<12800xf32, #tpu.memory_space<vmem>>, vector<16xf32>,
      %add3A_583 = arith.constant 48 : i32
      %add3A_584 = arith.addi %shift_left3A_537, %add3A_583 : i32
      %get3A_585 = arith.constant 197 : i32
      %get3A_586 = arith.index_cast %get3A_585 : i32 to index
      %get3A_587 = arith.index_cast %add3A_584 : i32 to index
      %get3A_588 = tpu.vector_load %arg10[%get3A_586, %get3A_587] {strides = array<i32>} : memref<200x128xf32, #tpu.memory_space<vmem>>, vector<1x16xf32>,
      %get3A_589 = vector.shape_cast %get3A_588 : vector<1x16xf32> to vector<16xf32>
      %get3A_590 = arith.constant 12656 : index
      %get3A_591 = tpu.vector_load %arg7[%get3A_590] {strides = array<i32>} : memref<12800xf32, #tpu.memory_space<vmem>>, vector<16xf32>,
      %get3A_592 = vector.shape_cast %get3A_591 : vector<16xf32> to vector<16xf32>
      %add3A_593 = arith.addf %get3A_589, %get3A_592 : vector<16xf32>
      %swap3A_594 = arith.constant 12656 : index
      %swap3A_595 = tpu.vector_load %arg12[%swap3A_594] {strides = array<i32>} : memref<12800xf32, #tpu.memory_space<vmem>>, vector<16xf32>,
      %swap3A_596 = vector.shape_cast %swap3A_595 : vector<16xf32> to vector<16xf32>
      %swap3A_597 = vector.shape_cast %add3A_593 : vector<16xf32> to vector<16xf32>
      tpu.vector_store %arg12[%swap3A_594], %swap3A_597 {strides = array<i32>} : memref<12800xf32, #tpu.memory_space<vmem>>, vector<16xf32>,
      %slice3A_598 = vector.extract_strided_slice %and3A_216 {offsets = [6], sizes = [1], strides = [1]} : vector<16xi32> to vector<1xi32>
      %squeeze3A_599 = vector.extract %slice3A_598[0] : i32 from vector<1xi32>
      %shift_left3A_600 = arith.constant 6 : i32
      %shift_left3A_601 = arith.shli %squeeze3A_599, %shift_left3A_600 : i32
      %add3A_602 = arith.constant 0 : i32
      %add3A_603 = arith.addi %shift_left3A_601, %add3A_602 : i32
      %get3A_604 = arith.constant 198 : i32
      %get3A_605 = arith.index_cast %get3A_604 : i32 to index
      %get3A_606 = arith.index_cast %add3A_603 : i32 to index
      %get3A_607 = tpu.vector_load %arg10[%get3A_605, %get3A_606] {strides = array<i32>} : memref<200x128xf32, #tpu.memory_space<vmem>>, vector<1x16xf32>,
      %get3A_608 = vector.shape_cast %get3A_607 : vector<1x16xf32> to vector<16xf32>
      %get3A_609 = arith.constant 12672 : index
      %get3A_610 = tpu.vector_load %arg7[%get3A_609] {strides = array<i32>} : memref<12800xf32, #tpu.memory_space<vmem>>, vector<16xf32>,
      %get3A_611 = vector.shape_cast %get3A_610 : vector<16xf32> to vector<16xf32>
      %add3A_612 = arith.addf %get3A_608, %get3A_611 : vector<16xf32>
      %swap3A_613 = arith.constant 12672 : index
      %swap3A_614 = tpu.vector_load %arg12[%swap3A_613] {strides = array<i32>} : memref<12800xf32, #tpu.memory_space<vmem>>, vector<16xf32>,
      %swap3A_615 = vector.shape_cast %swap3A_614 : vector<16xf32> to vector<16xf32>
      %swap3A_616 = vector.shape_cast %add3A_612 : vector<16xf32> to vector<16xf32>
      tpu.vector_store %arg12[%swap3A_613], %swap3A_616 {strides = array<i32>} : memref<12800xf32, #tpu.memory_space<vmem>>, vector<16xf32>,
      %add3A_617 = arith.constant 16 : i32
      %add3A_618 = arith.addi %shift_left3A_601, %add3A_617 : i32
      %get3A_619 = arith.constant 198 : i32
      %get3A_620 = arith.index_cast %get3A_619 : i32 to index
      %get3A_621 = arith.index_cast %add3A_618 : i32 to index
      %get3A_622 = tpu.vector_load %arg10[%get3A_620, %get3A_621] {strides = array<i32>} : memref<200x128xf32, #tpu.memory_space<vmem>>, vector<1x16xf32>,
      %get3A_623 = vector.shape_cast %get3A_622 : vector<1x16xf32> to vector<16xf32>
      %get3A_624 = arith.constant 12688 : index
      %get3A_625 = tpu.vector_load %arg7[%get3A_624] {strides = array<i32>} : memref<12800xf32, #tpu.memory_space<vmem>>, vector<16xf32>,
      %get3A_626 = vector.shape_cast %get3A_625 : vector<16xf32> to vector<16xf32>
      %add3A_627 = arith.addf %get3A_623, %get3A_626 : vector<16xf32>
      %swap3A_628 = arith.constant 12688 : index
      %swap3A_629 = tpu.vector_load %arg12[%swap3A_628] {strides = array<i32>} : memref<12800xf32, #tpu.memory_space<vmem>>, vector<16xf32>,
      %swap3A_630 = vector.shape_cast %swap3A_629 : vector<16xf32> to vector<16xf32>
      %swap3A_631 = vector.shape_cast %add3A_627 : vector<16xf32> to vector<16xf32>
      tpu.vector_store %arg12[%swap3A_628], %swap3A_631 {strides = array<i32>} : memref<12800xf32, #tpu.memory_space<vmem>>, vector<16xf32>,
      %add3A_632 = arith.constant 32 : i32
      %add3A_633 = arith.addi %shift_left3A_601, %add3A_632 : i32
      %get3A_634 = arith.constant 198 : i32
      %get3A_635 = arith.index_cast %get3A_634 : i32 to index
      %get3A_636 = arith.index_cast %add3A_633 : i32 to index
      %get3A_637 = tpu.vector_load %arg10[%get3A_635, %get3A_636] {strides = array<i32>} : memref<200x128xf32, #tpu.memory_space<vmem>>, vector<1x16xf32>,
      %get3A_638 = vector.shape_cast %get3A_637 : vector<1x16xf32> to vector<16xf32>
      %get3A_639 = arith.constant 12704 : index
      %get3A_640 = tpu.vector_load %arg7[%get3A_639] {strides = array<i32>} : memref<12800xf32, #tpu.memory_space<vmem>>, vector<16xf32>,
      %get3A_641 = vector.shape_cast %get3A_640 : vector<16xf32> to vector<16xf32>
      %add3A_642 = arith.addf %get3A_638, %get3A_641 : vector<16xf32>
      %swap3A_643 = arith.constant 12704 : index
      %swap3A_644 = tpu.vector_load %arg12[%swap3A_643] {strides = array<i32>} : memref<12800xf32, #tpu.memory_space<vmem>>, vector<16xf32>,
      %swap3A_645 = vector.shape_cast %swap3A_644 : vector<16xf32> to vector<16xf32>
      %swap3A_646 = vector.shape_cast %add3A_642 : vector<16xf32> to vector<16xf32>
      tpu.vector_store %arg12[%swap3A_643], %swap3A_646 {strides = array<i32>} : memref<12800xf32, #tpu.memory_space<vmem>>, vector<16xf32>,
      %add3A_647 = arith.constant 48 : i32
      %add3A_648 = arith.addi %shift_left3A_601, %add3A_647 : i32
      %get3A_649 = arith.constant 198 : i32
      %get3A_650 = arith.index_cast %get3A_649 : i32 to index
      %get3A_651 = arith.index_cast %add3A_648 : i32 to index
      %get3A_652 = tpu.vector_load %arg10[%get3A_650, %get3A_651] {strides = array<i32>} : memref<200x128xf32, #tpu.memory_space<vmem>>, vector<1x16xf32>,
      %get3A_653 = vector.shape_cast %get3A_652 : vector<1x16xf32> to vector<16xf32>
      %get3A_654 = arith.constant 12720 : index
      %get3A_655 = tpu.vector_load %arg7[%get3A_654] {strides = array<i32>} : memref<12800xf32, #tpu.memory_space<vmem>>, vector<16xf32>,
      %get3A_656 = vector.shape_cast %get3A_655 : vector<16xf32> to vector<16xf32>
      %add3A_657 = arith.addf %get3A_653, %get3A_656 : vector<16xf32>
      %swap3A_658 = arith.constant 12720 : index
      %swap3A_659 = tpu.vector_load %arg12[%swap3A_658] {strides = array<i32>} : memref<12800xf32, #tpu.memory_space<vmem>>, vector<16xf32>,
      %swap3A_660 = vector.shape_cast %swap3A_659 : vector<16xf32> to vector<16xf32>
      %swap3A_661 = vector.shape_cast %add3A_657 : vector<16xf32> to vector<16xf32>
      tpu.vector_store %arg12[%swap3A_658], %swap3A_661 {strides = array<i32>} : memref<12800xf32, #tpu.memory_space<vmem>>, vector<16xf32>,
      %slice3A_662 = vector.extract_strided_slice %and3A_216 {offsets = [7], sizes = [1], strides = [1]} : vector<16xi32> to vector<1xi32>
      %squeeze3A_663 = vector.extract %slice3A_662[0] : i32 from vector<1xi32>
      %shift_left3A_664 = arith.constant 6 : i32
      %shift_left3A_665 = arith.shli %squeeze3A_663, %shift_left3A_664 : i32
      %add3A_666 = arith.constant 0 : i32
      %add3A_667 = arith.addi %shift_left3A_665, %add3A_666 : i32
      %get3A_668 = arith.constant 199 : i32
      %get3A_669 = arith.index_cast %get3A_668 : i32 to index
      %get3A_670 = arith.index_cast %add3A_667 : i32 to index
      %get3A_671 = tpu.vector_load %arg10[%get3A_669, %get3A_670] {strides = array<i32>} : memref<200x128xf32, #tpu.memory_space<vmem>>, vector<1x16xf32>,
      %get3A_672 = vector.shape_cast %get3A_671 : vector<1x16xf32> to vector<16xf32>
      %get3A_673 = arith.constant 12736 : index
      %get3A_674 = tpu.vector_load %arg7[%get3A_673] {strides = array<i32>} : memref<12800xf32, #tpu.memory_space<vmem>>, vector<16xf32>,
      %get3A_675 = vector.shape_cast %get3A_674 : vector<16xf32> to vector<16xf32>
      %add3A_676 = arith.addf %get3A_672, %get3A_675 : vector<16xf32>
      %swap3A_677 = arith.constant 12736 : index
      %swap3A_678 = tpu.vector_load %arg12[%swap3A_677] {strides = array<i32>} : memref<12800xf32, #tpu.memory_space<vmem>>, vector<16xf32>,
      %swap3A_679 = vector.shape_cast %swap3A_678 : vector<16xf32> to vector<16xf32>
      %swap3A_680 = vector.shape_cast %add3A_676 : vector<16xf32> to vector<16xf32>
      tpu.vector_store %arg12[%swap3A_677], %swap3A_680 {strides = array<i32>} : memref<12800xf32, #tpu.memory_space<vmem>>, vector<16xf32>,
      %add3A_681 = arith.constant 16 : i32
      %add3A_682 = arith.addi %shift_left3A_665, %add3A_681 : i32
      %get3A_683 = arith.constant 199 : i32
      %get3A_684 = arith.index_cast %get3A_683 : i32 to index
      %get3A_685 = arith.index_cast %add3A_682 : i32 to index
      %get3A_686 = tpu.vector_load %arg10[%get3A_684, %get3A_685] {strides = array<i32>} : memref<200x128xf32, #tpu.memory_space<vmem>>, vector<1x16xf32>,
      %get3A_687 = vector.shape_cast %get3A_686 : vector<1x16xf32> to vector<16xf32>
      %get3A_688 = arith.constant 12752 : index
      %get3A_689 = tpu.vector_load %arg7[%get3A_688] {strides = array<i32>} : memref<12800xf32, #tpu.memory_space<vmem>>, vector<16xf32>,
      %get3A_690 = vector.shape_cast %get3A_689 : vector<16xf32> to vector<16xf32>
      %add3A_691 = arith.addf %get3A_687, %get3A_690 : vector<16xf32>
      %swap3A_692 = arith.constant 12752 : index
      %swap3A_693 = tpu.vector_load %arg12[%swap3A_692] {strides = array<i32>} : memref<12800xf32, #tpu.memory_space<vmem>>, vector<16xf32>,
      %swap3A_694 = vector.shape_cast %swap3A_693 : vector<16xf32> to vector<16xf32>
      %swap3A_695 = vector.shape_cast %add3A_691 : vector<16xf32> to vector<16xf32>
      tpu.vector_store %arg12[%swap3A_692], %swap3A_695 {strides = array<i32>} : memref<12800xf32, #tpu.memory_space<vmem>>, vector<16xf32>,
      %add3A_696 = arith.constant 32 : i32
      %add3A_697 = arith.addi %shift_left3A_665, %add3A_696 : i32
      %get3A_698 = arith.constant 199 : i32
      %get3A_699 = arith.index_cast %get3A_698 : i32 to index
      %get3A_700 = arith.index_cast %add3A_697 : i32 to index
      %get3A_701 = tpu.vector_load %arg10[%get3A_699, %get3A_700] {strides = array<i32>} : memref<200x128xf32, #tpu.memory_space<vmem>>, vector<1x16xf32>,
      %get3A_702 = vector.shape_cast %get3A_701 : vector<1x16xf32> to vector<16xf32>
      %get3A_703 = arith.constant 12768 : index
      %get3A_704 = tpu.vector_load %arg7[%get3A_703] {strides = array<i32>} : memref<12800xf32, #tpu.memory_space<vmem>>, vector<16xf32>,
      %get3A_705 = vector.shape_cast %get3A_704 : vector<16xf32> to vector<16xf32>
      %add3A_706 = arith.addf %get3A_702, %get3A_705 : vector<16xf32>
      %swap3A_707 = arith.constant 12768 : index
      %swap3A_708 = tpu.vector_load %arg12[%swap3A_707] {strides = array<i32>} : memref<12800xf32, #tpu.memory_space<vmem>>, vector<16xf32>,
      %swap3A_709 = vector.shape_cast %swap3A_708 : vector<16xf32> to vector<16xf32>
      %swap3A_710 = vector.shape_cast %add3A_706 : vector<16xf32> to vector<16xf32>
      tpu.vector_store %arg12[%swap3A_707], %swap3A_710 {strides = array<i32>} : memref<12800xf32, #tpu.memory_space<vmem>>, vector<16xf32>,
      %add3A_711 = arith.constant 48 : i32
      %add3A_712 = arith.addi %shift_left3A_665, %add3A_711 : i32
      %get3A_713 = arith.constant 199 : i32
      %get3A_714 = arith.index_cast %get3A_713 : i32 to index
      %get3A_715 = arith.index_cast %add3A_712 : i32 to index
      %get3A_716 = tpu.vector_load %arg10[%get3A_714, %get3A_715] {strides = array<i32>} : memref<200x128xf32, #tpu.memory_space<vmem>>, vector<1x16xf32>,
      %get3A_717 = vector.shape_cast %get3A_716 : vector<1x16xf32> to vector<16xf32>
      %get3A_718 = arith.constant 12784 : index
      %get3A_719 = tpu.vector_load %arg7[%get3A_718] {strides = array<i32>} : memref<12800xf32, #tpu.memory_space<vmem>>, vector<16xf32>,
      %get3A_720 = vector.shape_cast %get3A_719 : vector<16xf32> to vector<16xf32>
      %add3A_721 = arith.addf %get3A_717, %get3A_720 : vector<16xf32>
      %swap3A_722 = arith.constant 12784 : index
      %swap3A_723 = tpu.vector_load %arg12[%swap3A_722] {strides = array<i32>} : memref<12800xf32, #tpu.memory_space<vmem>>, vector<16xf32>,
      %swap3A_724 = vector.shape_cast %swap3A_723 : vector<16xf32> to vector<16xf32>
      %swap3A_725 = vector.shape_cast %add3A_721 : vector<16xf32> to vector<16xf32>
      tpu.vector_store %arg12[%swap3A_722], %swap3A_725 {strides = array<i32>} : memref<12800xf32, #tpu.memory_space<vmem>>, vector<16xf32>,
      %add3A_726 = arith.addi %multiple_of3A, %add3A_169 : i32
      %dma_start3A_727 = arith.constant 0 : i32
      %dma_start3A_728 = tpu.memref_slice %arg5[%add3A_726, %dma_start3A_727] : memref<4096x12800xf32, #tpu.memory_space<hbm>> -> memref<1x12800xf32, #tpu.memory_space<hbm>>
      %dma_start3A_729 = tpu.memref_squeeze %dma_start3A_728 : memref<1x12800xf32, #tpu.memory_space<hbm>> -> memref<12800xf32, #tpu.memory_space<hbm>>
      %dma_start3A_730 = arith.constant 0 : i32
      %dma_start3A_731 = tpu.memref_slice %arg5[%add3A_726, %dma_start3A_730] : memref<4096x12800xf32, #tpu.memory_space<hbm>> -> memref<1x12800xf32, #tpu.memory_space<hbm>>
      %dma_start3A_732 = tpu.memref_squeeze %dma_start3A_731 : memref<1x12800xf32, #tpu.memory_space<hbm>> -> memref<12800xf32, #tpu.memory_space<hbm>>
      tpu.enqueue_dma source(%arg12 : memref<12800xf32, #tpu.memory_space<vmem>>) target(%dma_start3A_732 : memref<12800xf32, #tpu.memory_space<hbm>>) target_semaphore(%arg16 : memref<!tpu.dma_semaphore, #tpu.memory_space<semaphore_mem>>)
      %mul3A_733 = arith.constant 2 : i32
      %mul3A_734 = arith.muli %scan3A_165, %mul3A_733 : i32
      %add3A_735 = arith.constant 1 : i32
      %add3A_736 = arith.addi %mul3A_734, %add3A_735 : i32
      %add3A_737 = arith.constant 1 : i32
      %add3A_738 = arith.addi %add3A_736, %add3A_737 : i32
      %lt3A_739 = arith.constant 128 : i32
      %lt3A_740 = arith.cmpi slt, %add3A_738, %lt3A_739 : i32
      %convert_element_type3A_741 = arith.extui %lt3A_740 : i1 to i32
      %cond3A_742 = arith.constant 0 : i32
      %cond3A_743 = arith.cmpi ne, %convert_element_type3A_741, %cond3A_742 : i32
      scf.if %cond3A_743 {
        %add3A_1308 = arith.constant 1 : i32
        %add3A_1309 = arith.addi %add3A_736, %add3A_1308 : i32
        %mul3A_1310 = arith.constant 208 : i32
        %mul3A_1311 = arith.muli %add3A_1309, %mul3A_1310 : i32
        %add3A_1312 = arith.constant 0 : i32
        %add3A_1313 = arith.addi %mul3A_1311, %add3A_1312 : i32
        %get3A_1314 = arith.index_cast %add3A_1313 : i32 to index
        %get3A_1315 = tpu.vector_load %arg6[%get3A_1314] {strides = array<i32>} : memref<26624xi32, #tpu.memory_space<vmem>>, vector<16xi32>,
        %get3A_1316 = vector.shape_cast %get3A_1315 : vector<16xi32> to vector<16xi32>
        %shift_right_logical3A_1317 = arith.constant 1 : i32
        %shift_right_logical3A_1318 = vector.broadcast %shift_right_logical3A_1317 : i32 to vector<16xi32>
        %shift_right_logical3A_1319 = arith.shrui %get3A_1316, %shift_right_logical3A_1318 : vector<16xi32>
        %swap3A_1320 = arith.constant 0 : index
        %swap3A_1321 = tpu.vector_load %arg8[%swap3A_1320] {strides = array<i32>} : memref<208xi32, #tpu.memory_space<vmem>>, vector<16xi32>,
        %swap3A_1322 = vector.shape_cast %swap3A_1321 : vector<16xi32> to vector<16xi32>
        %swap3A_1323 = vector.shape_cast %shift_right_logical3A_1319 : vector<16xi32> to vector<16xi32>
        tpu.vector_store %arg8[%swap3A_1320], %swap3A_1323 {strides = array<i32>} : memref<208xi32, #tpu.memory_space<vmem>>, vector<16xi32>,
        %mul3A_1324 = arith.constant 208 : i32
        %mul3A_1325 = arith.muli %add3A_1309, %mul3A_1324 : i32
        %add3A_1326 = arith.constant 16 : i32
        %add3A_1327 = arith.addi %mul3A_1325, %add3A_1326 : i32
        %get3A_1328 = arith.index_cast %add3A_1327 : i32 to index
        %get3A_1329 = tpu.vector_load %arg6[%get3A_1328] {strides = array<i32>} : memref<26624xi32, #tpu.memory_space<vmem>>, vector<16xi32>,
        %get3A_1330 = vector.shape_cast %get3A_1329 : vector<16xi32> to vector<16xi32>
        %shift_right_logical3A_1331 = arith.constant 1 : i32
        %shift_right_logical3A_1332 = vector.broadcast %shift_right_logical3A_1331 : i32 to vector<16xi32>
        %shift_right_logical3A_1333 = arith.shrui %get3A_1330, %shift_right_logical3A_1332 : vector<16xi32>
        %swap3A_1334 = arith.constant 16 : index
        %swap3A_1335 = tpu.vector_load %arg8[%swap3A_1334] {strides = array<i32>} : memref<208xi32, #tpu.memory_space<vmem>>, vector<16xi32>,
        %swap3A_1336 = vector.shape_cast %swap3A_1335 : vector<16xi32> to vector<16xi32>
        %swap3A_1337 = vector.shape_cast %shift_right_logical3A_1333 : vector<16xi32> to vector<16xi32>
        tpu.vector_store %arg8[%swap3A_1334], %swap3A_1337 {strides = array<i32>} : memref<208xi32, #tpu.memory_space<vmem>>, vector<16xi32>,
        %mul3A_1338 = arith.constant 208 : i32
        %mul3A_1339 = arith.muli %add3A_1309, %mul3A_1338 : i32
        %add3A_1340 = arith.constant 32 : i32
        %add3A_1341 = arith.addi %mul3A_1339, %add3A_1340 : i32
        %get3A_1342 = arith.index_cast %add3A_1341 : i32 to index
        %get3A_1343 = tpu.vector_load %arg6[%get3A_1342] {strides = array<i32>} : memref<26624xi32, #tpu.memory_space<vmem>>, vector<16xi32>,
        %get3A_1344 = vector.shape_cast %get3A_1343 : vector<16xi32> to vector<16xi32>
        %shift_right_logical3A_1345 = arith.constant 1 : i32
        %shift_right_logical3A_1346 = vector.broadcast %shift_right_logical3A_1345 : i32 to vector<16xi32>
        %shift_right_logical3A_1347 = arith.shrui %get3A_1344, %shift_right_logical3A_1346 : vector<16xi32>
        %swap3A_1348 = arith.constant 32 : index
        %swap3A_1349 = tpu.vector_load %arg8[%swap3A_1348] {strides = array<i32>} : memref<208xi32, #tpu.memory_space<vmem>>, vector<16xi32>,
        %swap3A_1350 = vector.shape_cast %swap3A_1349 : vector<16xi32> to vector<16xi32>
        %swap3A_1351 = vector.shape_cast %shift_right_logical3A_1347 : vector<16xi32> to vector<16xi32>
        tpu.vector_store %arg8[%swap3A_1348], %swap3A_1351 {strides = array<i32>} : memref<208xi32, #tpu.memory_space<vmem>>, vector<16xi32>,
        %mul3A_1352 = arith.constant 208 : i32
        %mul3A_1353 = arith.muli %add3A_1309, %mul3A_1352 : i32
        %add3A_1354 = arith.constant 48 : i32
        %add3A_1355 = arith.addi %mul3A_1353, %add3A_1354 : i32
        %get3A_1356 = arith.index_cast %add3A_1355 : i32 to index
        %get3A_1357 = tpu.vector_load %arg6[%get3A_1356] {strides = array<i32>} : memref<26624xi32, #tpu.memory_space<vmem>>, vector<16xi32>,
        %get3A_1358 = vector.shape_cast %get3A_1357 : vector<16xi32> to vector<16xi32>
        %shift_right_logical3A_1359 = arith.constant 1 : i32
        %shift_right_logical3A_1360 = vector.broadcast %shift_right_logical3A_1359 : i32 to vector<16xi32>
        %shift_right_logical3A_1361 = arith.shrui %get3A_1358, %shift_right_logical3A_1360 : vector<16xi32>
        %swap3A_1362 = arith.constant 48 : index
        %swap3A_1363 = tpu.vector_load %arg8[%swap3A_1362] {strides = array<i32>} : memref<208xi32, #tpu.memory_space<vmem>>, vector<16xi32>,
        %swap3A_1364 = vector.shape_cast %swap3A_1363 : vector<16xi32> to vector<16xi32>
        %swap3A_1365 = vector.shape_cast %shift_right_logical3A_1361 : vector<16xi32> to vector<16xi32>
        tpu.vector_store %arg8[%swap3A_1362], %swap3A_1365 {strides = array<i32>} : memref<208xi32, #tpu.memory_space<vmem>>, vector<16xi32>,
        %mul3A_1366 = arith.constant 208 : i32
        %mul3A_1367 = arith.muli %add3A_1309, %mul3A_1366 : i32
        %add3A_1368 = arith.constant 64 : i32
        %add3A_1369 = arith.addi %mul3A_1367, %add3A_1368 : i32
        %get3A_1370 = arith.index_cast %add3A_1369 : i32 to index
        %get3A_1371 = tpu.vector_load %arg6[%get3A_1370] {strides = array<i32>} : memref<26624xi32, #tpu.memory_space<vmem>>, vector<16xi32>,
        %get3A_1372 = vector.shape_cast %get3A_1371 : vector<16xi32> to vector<16xi32>
        %shift_right_logical3A_1373 = arith.constant 1 : i32
        %shift_right_logical3A_1374 = vector.broadcast %shift_right_logical3A_1373 : i32 to vector<16xi32>
        %shift_right_logical3A_1375 = arith.shrui %get3A_1372, %shift_right_logical3A_1374 : vector<16xi32>
        %swap3A_1376 = arith.constant 64 : index
        %swap3A_1377 = tpu.vector_load %arg8[%swap3A_1376] {strides = array<i32>} : memref<208xi32, #tpu.memory_space<vmem>>, vector<16xi32>,
        %swap3A_1378 = vector.shape_cast %swap3A_1377 : vector<16xi32> to vector<16xi32>
        %swap3A_1379 = vector.shape_cast %shift_right_logical3A_1375 : vector<16xi32> to vector<16xi32>
        tpu.vector_store %arg8[%swap3A_1376], %swap3A_1379 {strides = array<i32>} : memref<208xi32, #tpu.memory_space<vmem>>, vector<16xi32>,
        %mul3A_1380 = arith.constant 208 : i32
        %mul3A_1381 = arith.muli %add3A_1309, %mul3A_1380 : i32
        %add3A_1382 = arith.constant 80 : i32
        %add3A_1383 = arith.addi %mul3A_1381, %add3A_1382 : i32
        %get3A_1384 = arith.index_cast %add3A_1383 : i32 to index
        %get3A_1385 = tpu.vector_load %arg6[%get3A_1384] {strides = array<i32>} : memref<26624xi32, #tpu.memory_space<vmem>>, vector<16xi32>,
        %get3A_1386 = vector.shape_cast %get3A_1385 : vector<16xi32> to vector<16xi32>
        %shift_right_logical3A_1387 = arith.constant 1 : i32
        %shift_right_logical3A_1388 = vector.broadcast %shift_right_logical3A_1387 : i32 to vector<16xi32>
        %shift_right_logical3A_1389 = arith.shrui %get3A_1386, %shift_right_logical3A_1388 : vector<16xi32>
        %swap3A_1390 = arith.constant 80 : index
        %swap3A_1391 = tpu.vector_load %arg8[%swap3A_1390] {strides = array<i32>} : memref<208xi32, #tpu.memory_space<vmem>>, vector<16xi32>,
        %swap3A_1392 = vector.shape_cast %swap3A_1391 : vector<16xi32> to vector<16xi32>
        %swap3A_1393 = vector.shape_cast %shift_right_logical3A_1389 : vector<16xi32> to vector<16xi32>
        tpu.vector_store %arg8[%swap3A_1390], %swap3A_1393 {strides = array<i32>} : memref<208xi32, #tpu.memory_space<vmem>>, vector<16xi32>,
        %mul3A_1394 = arith.constant 208 : i32
        %mul3A_1395 = arith.muli %add3A_1309, %mul3A_1394 : i32
        %add3A_1396 = arith.constant 96 : i32
        %add3A_1397 = arith.addi %mul3A_1395, %add3A_1396 : i32
        %get3A_1398 = arith.index_cast %add3A_1397 : i32 to index
        %get3A_1399 = tpu.vector_load %arg6[%get3A_1398] {strides = array<i32>} : memref<26624xi32, #tpu.memory_space<vmem>>, vector<16xi32>,
        %get3A_1400 = vector.shape_cast %get3A_1399 : vector<16xi32> to vector<16xi32>
        %shift_right_logical3A_1401 = arith.constant 1 : i32
        %shift_right_logical3A_1402 = vector.broadcast %shift_right_logical3A_1401 : i32 to vector<16xi32>
        %shift_right_logical3A_1403 = arith.shrui %get3A_1400, %shift_right_logical3A_1402 : vector<16xi32>
        %swap3A_1404 = arith.constant 96 : index
        %swap3A_1405 = tpu.vector_load %arg8[%swap3A_1404] {strides = array<i32>} : memref<208xi32, #tpu.memory_space<vmem>>, vector<16xi32>,
        %swap3A_1406 = vector.shape_cast %swap3A_1405 : vector<16xi32> to vector<16xi32>
        %swap3A_1407 = vector.shape_cast %shift_right_logical3A_1403 : vector<16xi32> to vector<16xi32>
        tpu.vector_store %arg8[%swap3A_1404], %swap3A_1407 {strides = array<i32>} : memref<208xi32, #tpu.memory_space<vmem>>, vector<16xi32>,
        %mul3A_1408 = arith.constant 208 : i32
        %mul3A_1409 = arith.muli %add3A_1309, %mul3A_1408 : i32
        %add3A_1410 = arith.constant 112 : i32
        %add3A_1411 = arith.addi %mul3A_1409, %add3A_1410 : i32
        %get3A_1412 = arith.index_cast %add3A_1411 : i32 to index
        %get3A_1413 = tpu.vector_load %arg6[%get3A_1412] {strides = array<i32>} : memref<26624xi32, #tpu.memory_space<vmem>>, vector<16xi32>,
        %get3A_1414 = vector.shape_cast %get3A_1413 : vector<16xi32> to vector<16xi32>
        %shift_right_logical3A_1415 = arith.constant 1 : i32
        %shift_right_logical3A_1416 = vector.broadcast %shift_right_logical3A_1415 : i32 to vector<16xi32>
        %shift_right_logical3A_1417 = arith.shrui %get3A_1414, %shift_right_logical3A_1416 : vector<16xi32>
        %swap3A_1418 = arith.constant 112 : index
        %swap3A_1419 = tpu.vector_load %arg8[%swap3A_1418] {strides = array<i32>} : memref<208xi32, #tpu.memory_space<vmem>>, vector<16xi32>,
        %swap3A_1420 = vector.shape_cast %swap3A_1419 : vector<16xi32> to vector<16xi32>
        %swap3A_1421 = vector.shape_cast %shift_right_logical3A_1417 : vector<16xi32> to vector<16xi32>
        tpu.vector_store %arg8[%swap3A_1418], %swap3A_1421 {strides = array<i32>} : memref<208xi32, #tpu.memory_space<vmem>>, vector<16xi32>,
        %mul3A_1422 = arith.constant 208 : i32
        %mul3A_1423 = arith.muli %add3A_1309, %mul3A_1422 : i32
        %add3A_1424 = arith.constant 128 : i32
        %add3A_1425 = arith.addi %mul3A_1423, %add3A_1424 : i32
        %get3A_1426 = arith.index_cast %add3A_1425 : i32 to index
        %get3A_1427 = tpu.vector_load %arg6[%get3A_1426] {strides = array<i32>} : memref<26624xi32, #tpu.memory_space<vmem>>, vector<16xi32>,
        %get3A_1428 = vector.shape_cast %get3A_1427 : vector<16xi32> to vector<16xi32>
        %shift_right_logical3A_1429 = arith.constant 1 : i32
        %shift_right_logical3A_1430 = vector.broadcast %shift_right_logical3A_1429 : i32 to vector<16xi32>
        %shift_right_logical3A_1431 = arith.shrui %get3A_1428, %shift_right_logical3A_1430 : vector<16xi32>
        %swap3A_1432 = arith.constant 128 : index
        %swap3A_1433 = tpu.vector_load %arg8[%swap3A_1432] {strides = array<i32>} : memref<208xi32, #tpu.memory_space<vmem>>, vector<16xi32>,
        %swap3A_1434 = vector.shape_cast %swap3A_1433 : vector<16xi32> to vector<16xi32>
        %swap3A_1435 = vector.shape_cast %shift_right_logical3A_1431 : vector<16xi32> to vector<16xi32>
        tpu.vector_store %arg8[%swap3A_1432], %swap3A_1435 {strides = array<i32>} : memref<208xi32, #tpu.memory_space<vmem>>, vector<16xi32>,
        %mul3A_1436 = arith.constant 208 : i32
        %mul3A_1437 = arith.muli %add3A_1309, %mul3A_1436 : i32
        %add3A_1438 = arith.constant 144 : i32
        %add3A_1439 = arith.addi %mul3A_1437, %add3A_1438 : i32
        %get3A_1440 = arith.index_cast %add3A_1439 : i32 to index
        %get3A_1441 = tpu.vector_load %arg6[%get3A_1440] {strides = array<i32>} : memref<26624xi32, #tpu.memory_space<vmem>>, vector<16xi32>,
        %get3A_1442 = vector.shape_cast %get3A_1441 : vector<16xi32> to vector<16xi32>
        %shift_right_logical3A_1443 = arith.constant 1 : i32
        %shift_right_logical3A_1444 = vector.broadcast %shift_right_logical3A_1443 : i32 to vector<16xi32>
        %shift_right_logical3A_1445 = arith.shrui %get3A_1442, %shift_right_logical3A_1444 : vector<16xi32>
        %swap3A_1446 = arith.constant 144 : index
        %swap3A_1447 = tpu.vector_load %arg8[%swap3A_1446] {strides = array<i32>} : memref<208xi32, #tpu.memory_space<vmem>>, vector<16xi32>,
        %swap3A_1448 = vector.shape_cast %swap3A_1447 : vector<16xi32> to vector<16xi32>
        %swap3A_1449 = vector.shape_cast %shift_right_logical3A_1445 : vector<16xi32> to vector<16xi32>
        tpu.vector_store %arg8[%swap3A_1446], %swap3A_1449 {strides = array<i32>} : memref<208xi32, #tpu.memory_space<vmem>>, vector<16xi32>,
        %mul3A_1450 = arith.constant 208 : i32
        %mul3A_1451 = arith.muli %add3A_1309, %mul3A_1450 : i32
        %add3A_1452 = arith.constant 160 : i32
        %add3A_1453 = arith.addi %mul3A_1451, %add3A_1452 : i32
        %get3A_1454 = arith.index_cast %add3A_1453 : i32 to index
        %get3A_1455 = tpu.vector_load %arg6[%get3A_1454] {strides = array<i32>} : memref<26624xi32, #tpu.memory_space<vmem>>, vector<16xi32>,
        %get3A_1456 = vector.shape_cast %get3A_1455 : vector<16xi32> to vector<16xi32>
        %shift_right_logical3A_1457 = arith.constant 1 : i32
        %shift_right_logical3A_1458 = vector.broadcast %shift_right_logical3A_1457 : i32 to vector<16xi32>
        %shift_right_logical3A_1459 = arith.shrui %get3A_1456, %shift_right_logical3A_1458 : vector<16xi32>
        %swap3A_1460 = arith.constant 160 : index
        %swap3A_1461 = tpu.vector_load %arg8[%swap3A_1460] {strides = array<i32>} : memref<208xi32, #tpu.memory_space<vmem>>, vector<16xi32>,
        %swap3A_1462 = vector.shape_cast %swap3A_1461 : vector<16xi32> to vector<16xi32>
        %swap3A_1463 = vector.shape_cast %shift_right_logical3A_1459 : vector<16xi32> to vector<16xi32>
        tpu.vector_store %arg8[%swap3A_1460], %swap3A_1463 {strides = array<i32>} : memref<208xi32, #tpu.memory_space<vmem>>, vector<16xi32>,
        %mul3A_1464 = arith.constant 208 : i32
        %mul3A_1465 = arith.muli %add3A_1309, %mul3A_1464 : i32
        %add3A_1466 = arith.constant 176 : i32
        %add3A_1467 = arith.addi %mul3A_1465, %add3A_1466 : i32
        %get3A_1468 = arith.index_cast %add3A_1467 : i32 to index
        %get3A_1469 = tpu.vector_load %arg6[%get3A_1468] {strides = array<i32>} : memref<26624xi32, #tpu.memory_space<vmem>>, vector<16xi32>,
        %get3A_1470 = vector.shape_cast %get3A_1469 : vector<16xi32> to vector<16xi32>
        %shift_right_logical3A_1471 = arith.constant 1 : i32
        %shift_right_logical3A_1472 = vector.broadcast %shift_right_logical3A_1471 : i32 to vector<16xi32>
        %shift_right_logical3A_1473 = arith.shrui %get3A_1470, %shift_right_logical3A_1472 : vector<16xi32>
        %swap3A_1474 = arith.constant 176 : index
        %swap3A_1475 = tpu.vector_load %arg8[%swap3A_1474] {strides = array<i32>} : memref<208xi32, #tpu.memory_space<vmem>>, vector<16xi32>,
        %swap3A_1476 = vector.shape_cast %swap3A_1475 : vector<16xi32> to vector<16xi32>
        %swap3A_1477 = vector.shape_cast %shift_right_logical3A_1473 : vector<16xi32> to vector<16xi32>
        tpu.vector_store %arg8[%swap3A_1474], %swap3A_1477 {strides = array<i32>} : memref<208xi32, #tpu.memory_space<vmem>>, vector<16xi32>,
        %mul3A_1478 = arith.constant 208 : i32
        %mul3A_1479 = arith.muli %add3A_1309, %mul3A_1478 : i32
        %add3A_1480 = arith.constant 192 : i32
        %add3A_1481 = arith.addi %mul3A_1479, %add3A_1480 : i32
        %get3A_1482 = arith.index_cast %add3A_1481 : i32 to index
        %get3A_1483 = tpu.vector_load %arg6[%get3A_1482] {strides = array<i32>} : memref<26624xi32, #tpu.memory_space<vmem>>, vector<16xi32>,
        %get3A_1484 = vector.shape_cast %get3A_1483 : vector<16xi32> to vector<16xi32>
        %shift_right_logical3A_1485 = arith.constant 1 : i32
        %shift_right_logical3A_1486 = vector.broadcast %shift_right_logical3A_1485 : i32 to vector<16xi32>
        %shift_right_logical3A_1487 = arith.shrui %get3A_1484, %shift_right_logical3A_1486 : vector<16xi32>
        %swap3A_1488 = arith.constant 192 : index
        %swap3A_1489 = tpu.vector_load %arg8[%swap3A_1488] {strides = array<i32>} : memref<208xi32, #tpu.memory_space<vmem>>, vector<16xi32>,
        %swap3A_1490 = vector.shape_cast %swap3A_1489 : vector<16xi32> to vector<16xi32>
        %swap3A_1491 = vector.shape_cast %shift_right_logical3A_1487 : vector<16xi32> to vector<16xi32>
        tpu.vector_store %arg8[%swap3A_1488], %swap3A_1491 {strides = array<i32>} : memref<208xi32, #tpu.memory_space<vmem>>, vector<16xi32>,
        %dma_start3A_1492 = arith.constant 0 : i32
        %dma_start3A_1493 = arith.constant 0 : i32
        %dma_start3A_1494 = tpu.memref_slice %arg10[%dma_start3A_1492, %dma_start3A_1493] : memref<200x128xf32, #tpu.memory_space<vmem>> -> memref<128x128xf32, #tpu.memory_space<vmem>>
        %dma_start3A_1495 = arith.constant 0 : i32
        %dma_start3A_1496 = tpu.memref_slice %arg8[%dma_start3A_1495] : memref<208xi32, #tpu.memory_space<vmem>> -> memref<128xi32, #tpu.memory_space<vmem>>
        %dma_start3A_1497 = arith.constant 0 : i32
        %dma_start3A_1498 = arith.constant 0 : i32
        %dma_start3A_1499 = tpu.memref_slice %arg3[%dma_start3A_1497, %dma_start3A_1498] : memref<500000x128xf32, #tpu.memory_space<hbm>> -> memref<500000x128xf32, #tpu.memory_space<hbm>>
        tpu.enqueue_indirect_dma source(%dma_start3A_1499 : memref<500000x128xf32, #tpu.memory_space<hbm>>) target(%dma_start3A_1494 : memref<128x128xf32, #tpu.memory_space<vmem>>) offsets(%dma_start3A_1496 : memref<128xi32, #tpu.memory_space<vmem>>) semaphore(%arg14 : memref<!tpu.dma_semaphore, #tpu.memory_space<semaphore_mem>>)
        %dma_start3A_1500 = arith.constant 128 : i32
        %dma_start3A_1501 = arith.constant 0 : i32
        %dma_start3A_1502 = tpu.memref_slice %arg10[%dma_start3A_1500, %dma_start3A_1501] : memref<200x128xf32, #tpu.memory_space<vmem>> -> memref<72x128xf32, #tpu.memory_space<vmem>>
        %dma_start3A_1503 = arith.constant 128 : i32
        %dma_start3A_1504 = tpu.memref_slice %arg8[%dma_start3A_1503] : memref<208xi32, #tpu.memory_space<vmem>> -> memref<72xi32, #tpu.memory_space<vmem>>
        %dma_start3A_1505 = arith.constant 0 : i32
        %dma_start3A_1506 = arith.constant 0 : i32
        %dma_start3A_1507 = tpu.memref_slice %arg3[%dma_start3A_1505, %dma_start3A_1506] : memref<500000x128xf32, #tpu.memory_space<hbm>> -> memref<500000x128xf32, #tpu.memory_space<hbm>>
        tpu.enqueue_indirect_dma source(%dma_start3A_1507 : memref<500000x128xf32, #tpu.memory_space<hbm>>) target(%dma_start3A_1502 : memref<72x128xf32, #tpu.memory_space<vmem>>) offsets(%dma_start3A_1504 : memref<72xi32, #tpu.memory_space<vmem>>) semaphore(%arg14 : memref<!tpu.dma_semaphore, #tpu.memory_space<semaphore_mem>>)
      } else {
      }
      %dma_wait3A_744 = arith.constant 0 : i32
      %dma_wait3A_745 = arith.constant 0 : i32
      %dma_wait3A_746 = tpu.memref_slice %arg11[%dma_wait3A_744, %dma_wait3A_745] : memref<200x128xf32, #tpu.memory_space<vmem>> -> memref<128x128xf32, #tpu.memory_space<vmem>>
      %dma_wait3A_747 = arith.constant 0 : i32
      %dma_wait3A_748 = arith.constant 0 : i32
      %dma_wait3A_749 = tpu.memref_slice %arg3[%dma_wait3A_747, %dma_wait3A_748] : memref<500000x128xf32, #tpu.memory_space<hbm>> -> memref<128x128xf32, #tpu.memory_space<hbm>>
      %dma_wait3A_750 = arith.constant 0 : i32
      %dma_wait3A_751 = arith.constant 0 : i32
      %dma_wait3A_752 = tpu.memref_slice %arg11[%dma_wait3A_750, %dma_wait3A_751] : memref<200x128xf32, #tpu.memory_space<vmem>> -> memref<128x128xf32, #tpu.memory_space<vmem>>
      %dma_wait3A_753 = arith.constant 0 : i32
      %dma_wait3A_754 = arith.constant 0 : i32
      %dma_wait3A_755 = tpu.memref_slice %arg3[%dma_wait3A_753, %dma_wait3A_754] : memref<500000x128xf32, #tpu.memory_space<hbm>> -> memref<128x128xf32, #tpu.memory_space<hbm>>
      tpu.wait_dma2 semaphore(%arg15 : memref<!tpu.dma_semaphore, #tpu.memory_space<semaphore_mem>>) src(%dma_wait3A_755 : memref<128x128xf32, #tpu.memory_space<hbm>>) dst(%dma_wait3A_752 : memref<128x128xf32, #tpu.memory_space<vmem>>)
      %dma_wait3A_756 = arith.constant 128 : i32
      %dma_wait3A_757 = arith.constant 0 : i32
      %dma_wait3A_758 = tpu.memref_slice %arg11[%dma_wait3A_756, %dma_wait3A_757] : memref<200x128xf32, #tpu.memory_space<vmem>> -> memref<72x128xf32, #tpu.memory_space<vmem>>
      %dma_wait3A_759 = arith.constant 0 : i32
      %dma_wait3A_760 = arith.constant 0 : i32
      %dma_wait3A_761 = tpu.memref_slice %arg3[%dma_wait3A_759, %dma_wait3A_760] : memref<500000x128xf32, #tpu.memory_space<hbm>> -> memref<72x128xf32, #tpu.memory_space<hbm>>
      %dma_wait3A_762 = arith.constant 128 : i32
      %dma_wait3A_763 = arith.constant 0 : i32
      %dma_wait3A_764 = tpu.memref_slice %arg11[%dma_wait3A_762, %dma_wait3A_763] : memref<200x128xf32, #tpu.memory_space<vmem>> -> memref<72x128xf32, #tpu.memory_space<vmem>>
      %dma_wait3A_765 = arith.constant 0 : i32
      %dma_wait3A_766 = arith.constant 0 : i32
      %dma_wait3A_767 = tpu.memref_slice %arg3[%dma_wait3A_765, %dma_wait3A_766] : memref<500000x128xf32, #tpu.memory_space<hbm>> -> memref<72x128xf32, #tpu.memory_space<hbm>>
      tpu.wait_dma2 semaphore(%arg15 : memref<!tpu.dma_semaphore, #tpu.memory_space<semaphore_mem>>) src(%dma_wait3A_767 : memref<72x128xf32, #tpu.memory_space<hbm>>) dst(%dma_wait3A_764 : memref<72x128xf32, #tpu.memory_space<vmem>>)
      %ge3A_768 = arith.constant 2 : i32
      %ge3A_769 = arith.cmpi sge, %add3A_736, %ge3A_768 : i32
      %convert_element_type3A_770 = arith.extui %ge3A_769 : i1 to i32
      %cond3A_771 = arith.constant 0 : i32
      %cond3A_772 = arith.cmpi ne, %convert_element_type3A_770, %cond3A_771 : i32
      scf.if %cond3A_772 {
        %dma_wait3A_1308 = arith.constant 0 : i32
        %dma_wait3A_1309 = arith.constant 0 : i32
        %dma_wait3A_1310 = tpu.memref_slice %arg5[%dma_wait3A_1308, %dma_wait3A_1309] : memref<4096x12800xf32, #tpu.memory_space<hbm>> -> memref<1x12800xf32, #tpu.memory_space<hbm>>
        %dma_wait3A_1311 = tpu.memref_squeeze %dma_wait3A_1310 : memref<1x12800xf32, #tpu.memory_space<hbm>> -> memref<12800xf32, #tpu.memory_space<hbm>>
        %dma_wait3A_1312 = arith.constant 0 : i32
        %dma_wait3A_1313 = tpu.memref_slice %arg5[%dma_wait3A_1308, %dma_wait3A_1312] : memref<4096x12800xf32, #tpu.memory_space<hbm>> -> memref<1x12800xf32, #tpu.memory_space<hbm>>
        %dma_wait3A_1314 = tpu.memref_squeeze %dma_wait3A_1313 : memref<1x12800xf32, #tpu.memory_space<hbm>> -> memref<12800xf32, #tpu.memory_space<hbm>>
        tpu.wait_dma2 semaphore(%arg17 : memref<!tpu.dma_semaphore, #tpu.memory_space<semaphore_mem>>) src(%arg13 : memref<12800xf32, #tpu.memory_space<vmem>>) dst(%dma_wait3A_1314 : memref<12800xf32, #tpu.memory_space<hbm>>)
      } else {
      }
      %scan3A_773 = arith.constant 0 : i32
      %scan3A_774 = arith.constant 0 : i32
      %scan3A_775 = arith.constant 12 : i32
      %scan3A_776 = arith.addi %scan3A_774, %scan3A_775 : i32
      %scan3A_777 = arith.constant 1 : i32
      scf.for %scan3A_1308 = %scan3A_774 to %scan3A_776 step %scan3A_777  : i32 {
        %mul3A_1309 = arith.constant 16 : i32
        %mul3A_1310 = arith.muli %scan3A_1308, %mul3A_1309 : i32
        %mul3A_1311 = arith.constant 208 : i32
        %mul3A_1312 = arith.muli %add3A_736, %mul3A_1311 : i32
        %add3A_1313 = arith.addi %mul3A_1312, %mul3A_1310 : i32
        %get3A_1314 = arith.index_cast %add3A_1313 : i32 to index
        %get3A_1315 = tpu.vector_load %arg6[%get3A_1314] {strides = array<i32>} : memref<26624xi32, #tpu.memory_space<vmem>>, vector<16xi32>,
        %get3A_1316 = vector.shape_cast %get3A_1315 : vector<16xi32> to vector<16xi32>
        %and3A_1317 = arith.constant 1 : i32
        %and3A_1318 = vector.broadcast %and3A_1317 : i32 to vector<16xi32>
        %and3A_1319 = arith.andi %get3A_1316, %and3A_1318 : vector<16xi32>
        %add3A_1320 = arith.constant 0 : i32
        %add3A_1321 = arith.addi %mul3A_1310, %add3A_1320 : i32
        %slice3A_1322 = vector.extract_strided_slice %and3A_1319 {offsets = [0], sizes = [1], strides = [1]} : vector<16xi32> to vector<1xi32>
        %squeeze3A_1323 = vector.extract %slice3A_1322[0] : i32 from vector<1xi32>
        %shift_left3A_1324 = arith.constant 6 : i32
        %shift_left3A_1325 = arith.shli %squeeze3A_1323, %shift_left3A_1324 : i32
        %add3A_1326 = arith.constant 0 : i32
        %add3A_1327 = arith.addi %shift_left3A_1325, %add3A_1326 : i32
        %get3A_1328 = arith.index_cast %add3A_1321 : i32 to index
        %get3A_1329 = arith.index_cast %add3A_1327 : i32 to index
        %get3A_1330 = tpu.vector_load %arg11[%get3A_1328, %get3A_1329] {strides = array<i32>} : memref<200x128xf32, #tpu.memory_space<vmem>>, vector<1x16xf32>,
        %get3A_1331 = vector.shape_cast %get3A_1330 : vector<1x16xf32> to vector<16xf32>
        %mul3A_1332 = arith.constant 64 : i32
        %mul3A_1333 = arith.muli %add3A_1321, %mul3A_1332 : i32
        %add3A_1334 = arith.constant 0 : i32
        %add3A_1335 = arith.addi %mul3A_1333, %add3A_1334 : i32
        %get3A_1336 = arith.index_cast %add3A_1335 : i32 to index
        %get3A_1337 = tpu.vector_load %arg7[%get3A_1336] {strides = array<i32>} : memref<12800xf32, #tpu.memory_space<vmem>>, vector<16xf32>,
        %get3A_1338 = vector.shape_cast %get3A_1337 : vector<16xf32> to vector<16xf32>
        %add3A_1339 = arith.addf %get3A_1331, %get3A_1338 : vector<16xf32>
        %mul3A_1340 = arith.constant 64 : i32
        %mul3A_1341 = arith.muli %add3A_1321, %mul3A_1340 : i32
        %add3A_1342 = arith.constant 0 : i32
        %add3A_1343 = arith.addi %mul3A_1341, %add3A_1342 : i32
        %swap3A_1344 = arith.index_cast %add3A_1343 : i32 to index
        %swap3A_1345 = tpu.vector_load %arg13[%swap3A_1344] {strides = array<i32>} : memref<12800xf32, #tpu.memory_space<vmem>>, vector<16xf32>,
        %swap3A_1346 = vector.shape_cast %swap3A_1345 : vector<16xf32> to vector<16xf32>
        %swap3A_1347 = vector.shape_cast %add3A_1339 : vector<16xf32> to vector<16xf32>
        tpu.vector_store %arg13[%swap3A_1344], %swap3A_1347 {strides = array<i32>} : memref<12800xf32, #tpu.memory_space<vmem>>, vector<16xf32>,
        %add3A_1348 = arith.constant 16 : i32
        %add3A_1349 = arith.addi %shift_left3A_1325, %add3A_1348 : i32
        %get3A_1350 = arith.index_cast %add3A_1321 : i32 to index
        %get3A_1351 = arith.index_cast %add3A_1349 : i32 to index
        %get3A_1352 = tpu.vector_load %arg11[%get3A_1350, %get3A_1351] {strides = array<i32>} : memref<200x128xf32, #tpu.memory_space<vmem>>, vector<1x16xf32>,
        %get3A_1353 = vector.shape_cast %get3A_1352 : vector<1x16xf32> to vector<16xf32>
        %mul3A_1354 = arith.constant 64 : i32
        %mul3A_1355 = arith.muli %add3A_1321, %mul3A_1354 : i32
        %add3A_1356 = arith.constant 16 : i32
        %add3A_1357 = arith.addi %mul3A_1355, %add3A_1356 : i32
        %get3A_1358 = arith.index_cast %add3A_1357 : i32 to index
        %get3A_1359 = tpu.vector_load %arg7[%get3A_1358] {strides = array<i32>} : memref<12800xf32, #tpu.memory_space<vmem>>, vector<16xf32>,
        %get3A_1360 = vector.shape_cast %get3A_1359 : vector<16xf32> to vector<16xf32>
        %add3A_1361 = arith.addf %get3A_1353, %get3A_1360 : vector<16xf32>
        %mul3A_1362 = arith.constant 64 : i32
        %mul3A_1363 = arith.muli %add3A_1321, %mul3A_1362 : i32
        %add3A_1364 = arith.constant 16 : i32
        %add3A_1365 = arith.addi %mul3A_1363, %add3A_1364 : i32
        %swap3A_1366 = arith.index_cast %add3A_1365 : i32 to index
        %swap3A_1367 = tpu.vector_load %arg13[%swap3A_1366] {strides = array<i32>} : memref<12800xf32, #tpu.memory_space<vmem>>, vector<16xf32>,
        %swap3A_1368 = vector.shape_cast %swap3A_1367 : vector<16xf32> to vector<16xf32>
        %swap3A_1369 = vector.shape_cast %add3A_1361 : vector<16xf32> to vector<16xf32>
        tpu.vector_store %arg13[%swap3A_1366], %swap3A_1369 {strides = array<i32>} : memref<12800xf32, #tpu.memory_space<vmem>>, vector<16xf32>,
        %add3A_1370 = arith.constant 32 : i32
        %add3A_1371 = arith.addi %shift_left3A_1325, %add3A_1370 : i32
        %get3A_1372 = arith.index_cast %add3A_1321 : i32 to index
        %get3A_1373 = arith.index_cast %add3A_1371 : i32 to index
        %get3A_1374 = tpu.vector_load %arg11[%get3A_1372, %get3A_1373] {strides = array<i32>} : memref<200x128xf32, #tpu.memory_space<vmem>>, vector<1x16xf32>,
        %get3A_1375 = vector.shape_cast %get3A_1374 : vector<1x16xf32> to vector<16xf32>
        %mul3A_1376 = arith.constant 64 : i32
        %mul3A_1377 = arith.muli %add3A_1321, %mul3A_1376 : i32
        %add3A_1378 = arith.constant 32 : i32
        %add3A_1379 = arith.addi %mul3A_1377, %add3A_1378 : i32
        %get3A_1380 = arith.index_cast %add3A_1379 : i32 to index
        %get3A_1381 = tpu.vector_load %arg7[%get3A_1380] {strides = array<i32>} : memref<12800xf32, #tpu.memory_space<vmem>>, vector<16xf32>,
        %get3A_1382 = vector.shape_cast %get3A_1381 : vector<16xf32> to vector<16xf32>
        %add3A_1383 = arith.addf %get3A_1375, %get3A_1382 : vector<16xf32>
        %mul3A_1384 = arith.constant 64 : i32
        %mul3A_1385 = arith.muli %add3A_1321, %mul3A_1384 : i32
        %add3A_1386 = arith.constant 32 : i32
        %add3A_1387 = arith.addi %mul3A_1385, %add3A_1386 : i32
        %swap3A_1388 = arith.index_cast %add3A_1387 : i32 to index
        %swap3A_1389 = tpu.vector_load %arg13[%swap3A_1388] {strides = array<i32>} : memref<12800xf32, #tpu.memory_space<vmem>>, vector<16xf32>,
        %swap3A_1390 = vector.shape_cast %swap3A_1389 : vector<16xf32> to vector<16xf32>
        %swap3A_1391 = vector.shape_cast %add3A_1383 : vector<16xf32> to vector<16xf32>
        tpu.vector_store %arg13[%swap3A_1388], %swap3A_1391 {strides = array<i32>} : memref<12800xf32, #tpu.memory_space<vmem>>, vector<16xf32>,
        %add3A_1392 = arith.constant 48 : i32
        %add3A_1393 = arith.addi %shift_left3A_1325, %add3A_1392 : i32
        %get3A_1394 = arith.index_cast %add3A_1321 : i32 to index
        %get3A_1395 = arith.index_cast %add3A_1393 : i32 to index
        %get3A_1396 = tpu.vector_load %arg11[%get3A_1394, %get3A_1395] {strides = array<i32>} : memref<200x128xf32, #tpu.memory_space<vmem>>, vector<1x16xf32>,
        %get3A_1397 = vector.shape_cast %get3A_1396 : vector<1x16xf32> to vector<16xf32>
        %mul3A_1398 = arith.constant 64 : i32
        %mul3A_1399 = arith.muli %add3A_1321, %mul3A_1398 : i32
        %add3A_1400 = arith.constant 48 : i32
        %add3A_1401 = arith.addi %mul3A_1399, %add3A_1400 : i32
        %get3A_1402 = arith.index_cast %add3A_1401 : i32 to index
        %get3A_1403 = tpu.vector_load %arg7[%get3A_1402] {strides = array<i32>} : memref<12800xf32, #tpu.memory_space<vmem>>, vector<16xf32>,
        %get3A_1404 = vector.shape_cast %get3A_1403 : vector<16xf32> to vector<16xf32>
        %add3A_1405 = arith.addf %get3A_1397, %get3A_1404 : vector<16xf32>
        %mul3A_1406 = arith.constant 64 : i32
        %mul3A_1407 = arith.muli %add3A_1321, %mul3A_1406 : i32
        %add3A_1408 = arith.constant 48 : i32
        %add3A_1409 = arith.addi %mul3A_1407, %add3A_1408 : i32
        %swap3A_1410 = arith.index_cast %add3A_1409 : i32 to index
        %swap3A_1411 = tpu.vector_load %arg13[%swap3A_1410] {strides = array<i32>} : memref<12800xf32, #tpu.memory_space<vmem>>, vector<16xf32>,
        %swap3A_1412 = vector.shape_cast %swap3A_1411 : vector<16xf32> to vector<16xf32>
        %swap3A_1413 = vector.shape_cast %add3A_1405 : vector<16xf32> to vector<16xf32>
        tpu.vector_store %arg13[%swap3A_1410], %swap3A_1413 {strides = array<i32>} : memref<12800xf32, #tpu.memory_space<vmem>>, vector<16xf32>,
        %add3A_1414 = arith.constant 1 : i32
        %add3A_1415 = arith.addi %mul3A_1310, %add3A_1414 : i32
        %slice3A_1416 = vector.extract_strided_slice %and3A_1319 {offsets = [1], sizes = [1], strides = [1]} : vector<16xi32> to vector<1xi32>
        %squeeze3A_1417 = vector.extract %slice3A_1416[0] : i32 from vector<1xi32>
        %shift_left3A_1418 = arith.constant 6 : i32
        %shift_left3A_1419 = arith.shli %squeeze3A_1417, %shift_left3A_1418 : i32
        %add3A_1420 = arith.constant 0 : i32
        %add3A_1421 = arith.addi %shift_left3A_1419, %add3A_1420 : i32
        %get3A_1422 = arith.index_cast %add3A_1415 : i32 to index
        %get3A_1423 = arith.index_cast %add3A_1421 : i32 to index
        %get3A_1424 = tpu.vector_load %arg11[%get3A_1422, %get3A_1423] {strides = array<i32>} : memref<200x128xf32, #tpu.memory_space<vmem>>, vector<1x16xf32>,
        %get3A_1425 = vector.shape_cast %get3A_1424 : vector<1x16xf32> to vector<16xf32>
        %mul3A_1426 = arith.constant 64 : i32
        %mul3A_1427 = arith.muli %add3A_1415, %mul3A_1426 : i32
        %add3A_1428 = arith.constant 0 : i32
        %add3A_1429 = arith.addi %mul3A_1427, %add3A_1428 : i32
        %get3A_1430 = arith.index_cast %add3A_1429 : i32 to index
        %get3A_1431 = tpu.vector_load %arg7[%get3A_1430] {strides = array<i32>} : memref<12800xf32, #tpu.memory_space<vmem>>, vector<16xf32>,
        %get3A_1432 = vector.shape_cast %get3A_1431 : vector<16xf32> to vector<16xf32>
        %add3A_1433 = arith.addf %get3A_1425, %get3A_1432 : vector<16xf32>
        %mul3A_1434 = arith.constant 64 : i32
        %mul3A_1435 = arith.muli %add3A_1415, %mul3A_1434 : i32
        %add3A_1436 = arith.constant 0 : i32
        %add3A_1437 = arith.addi %mul3A_1435, %add3A_1436 : i32
        %swap3A_1438 = arith.index_cast %add3A_1437 : i32 to index
        %swap3A_1439 = tpu.vector_load %arg13[%swap3A_1438] {strides = array<i32>} : memref<12800xf32, #tpu.memory_space<vmem>>, vector<16xf32>,
        %swap3A_1440 = vector.shape_cast %swap3A_1439 : vector<16xf32> to vector<16xf32>
        %swap3A_1441 = vector.shape_cast %add3A_1433 : vector<16xf32> to vector<16xf32>
        tpu.vector_store %arg13[%swap3A_1438], %swap3A_1441 {strides = array<i32>} : memref<12800xf32, #tpu.memory_space<vmem>>, vector<16xf32>,
        %add3A_1442 = arith.constant 16 : i32
        %add3A_1443 = arith.addi %shift_left3A_1419, %add3A_1442 : i32
        %get3A_1444 = arith.index_cast %add3A_1415 : i32 to index
        %get3A_1445 = arith.index_cast %add3A_1443 : i32 to index
        %get3A_1446 = tpu.vector_load %arg11[%get3A_1444, %get3A_1445] {strides = array<i32>} : memref<200x128xf32, #tpu.memory_space<vmem>>, vector<1x16xf32>,
        %get3A_1447 = vector.shape_cast %get3A_1446 : vector<1x16xf32> to vector<16xf32>
        %mul3A_1448 = arith.constant 64 : i32
        %mul3A_1449 = arith.muli %add3A_1415, %mul3A_1448 : i32
        %add3A_1450 = arith.constant 16 : i32
        %add3A_1451 = arith.addi %mul3A_1449, %add3A_1450 : i32
        %get3A_1452 = arith.index_cast %add3A_1451 : i32 to index
        %get3A_1453 = tpu.vector_load %arg7[%get3A_1452] {strides = array<i32>} : memref<12800xf32, #tpu.memory_space<vmem>>, vector<16xf32>,
        %get3A_1454 = vector.shape_cast %get3A_1453 : vector<16xf32> to vector<16xf32>
        %add3A_1455 = arith.addf %get3A_1447, %get3A_1454 : vector<16xf32>
        %mul3A_1456 = arith.constant 64 : i32
        %mul3A_1457 = arith.muli %add3A_1415, %mul3A_1456 : i32
        %add3A_1458 = arith.constant 16 : i32
        %add3A_1459 = arith.addi %mul3A_1457, %add3A_1458 : i32
        %swap3A_1460 = arith.index_cast %add3A_1459 : i32 to index
        %swap3A_1461 = tpu.vector_load %arg13[%swap3A_1460] {strides = array<i32>} : memref<12800xf32, #tpu.memory_space<vmem>>, vector<16xf32>,
        %swap3A_1462 = vector.shape_cast %swap3A_1461 : vector<16xf32> to vector<16xf32>
        %swap3A_1463 = vector.shape_cast %add3A_1455 : vector<16xf32> to vector<16xf32>
        tpu.vector_store %arg13[%swap3A_1460], %swap3A_1463 {strides = array<i32>} : memref<12800xf32, #tpu.memory_space<vmem>>, vector<16xf32>,
        %add3A_1464 = arith.constant 32 : i32
        %add3A_1465 = arith.addi %shift_left3A_1419, %add3A_1464 : i32
        %get3A_1466 = arith.index_cast %add3A_1415 : i32 to index
        %get3A_1467 = arith.index_cast %add3A_1465 : i32 to index
        %get3A_1468 = tpu.vector_load %arg11[%get3A_1466, %get3A_1467] {strides = array<i32>} : memref<200x128xf32, #tpu.memory_space<vmem>>, vector<1x16xf32>,
        %get3A_1469 = vector.shape_cast %get3A_1468 : vector<1x16xf32> to vector<16xf32>
        %mul3A_1470 = arith.constant 64 : i32
        %mul3A_1471 = arith.muli %add3A_1415, %mul3A_1470 : i32
        %add3A_1472 = arith.constant 32 : i32
        %add3A_1473 = arith.addi %mul3A_1471, %add3A_1472 : i32
        %get3A_1474 = arith.index_cast %add3A_1473 : i32 to index
        %get3A_1475 = tpu.vector_load %arg7[%get3A_1474] {strides = array<i32>} : memref<12800xf32, #tpu.memory_space<vmem>>, vector<16xf32>,
        %get3A_1476 = vector.shape_cast %get3A_1475 : vector<16xf32> to vector<16xf32>
        %add3A_1477 = arith.addf %get3A_1469, %get3A_1476 : vector<16xf32>
        %mul3A_1478 = arith.constant 64 : i32
        %mul3A_1479 = arith.muli %add3A_1415, %mul3A_1478 : i32
        %add3A_1480 = arith.constant 32 : i32
        %add3A_1481 = arith.addi %mul3A_1479, %add3A_1480 : i32
        %swap3A_1482 = arith.index_cast %add3A_1481 : i32 to index
        %swap3A_1483 = tpu.vector_load %arg13[%swap3A_1482] {strides = array<i32>} : memref<12800xf32, #tpu.memory_space<vmem>>, vector<16xf32>,
        %swap3A_1484 = vector.shape_cast %swap3A_1483 : vector<16xf32> to vector<16xf32>
        %swap3A_1485 = vector.shape_cast %add3A_1477 : vector<16xf32> to vector<16xf32>
        tpu.vector_store %arg13[%swap3A_1482], %swap3A_1485 {strides = array<i32>} : memref<12800xf32, #tpu.memory_space<vmem>>, vector<16xf32>,
        %add3A_1486 = arith.constant 48 : i32
        %add3A_1487 = arith.addi %shift_left3A_1419, %add3A_1486 : i32
        %get3A_1488 = arith.index_cast %add3A_1415 : i32 to index
        %get3A_1489 = arith.index_cast %add3A_1487 : i32 to index
        %get3A_1490 = tpu.vector_load %arg11[%get3A_1488, %get3A_1489] {strides = array<i32>} : memref<200x128xf32, #tpu.memory_space<vmem>>, vector<1x16xf32>,
        %get3A_1491 = vector.shape_cast %get3A_1490 : vector<1x16xf32> to vector<16xf32>
        %mul3A_1492 = arith.constant 64 : i32
        %mul3A_1493 = arith.muli %add3A_1415, %mul3A_1492 : i32
        %add3A_1494 = arith.constant 48 : i32
        %add3A_1495 = arith.addi %mul3A_1493, %add3A_1494 : i32
        %get3A_1496 = arith.index_cast %add3A_1495 : i32 to index
        %get3A_1497 = tpu.vector_load %arg7[%get3A_1496] {strides = array<i32>} : memref<12800xf32, #tpu.memory_space<vmem>>, vector<16xf32>,
        %get3A_1498 = vector.shape_cast %get3A_1497 : vector<16xf32> to vector<16xf32>
        %add3A_1499 = arith.addf %get3A_1491, %get3A_1498 : vector<16xf32>
        %mul3A_1500 = arith.constant 64 : i32
        %mul3A_1501 = arith.muli %add3A_1415, %mul3A_1500 : i32
        %add3A_1502 = arith.constant 48 : i32
        %add3A_1503 = arith.addi %mul3A_1501, %add3A_1502 : i32
        %swap3A_1504 = arith.index_cast %add3A_1503 : i32 to index
        %swap3A_1505 = tpu.vector_load %arg13[%swap3A_1504] {strides = array<i32>} : memref<12800xf32, #tpu.memory_space<vmem>>, vector<16xf32>,
        %swap3A_1506 = vector.shape_cast %swap3A_1505 : vector<16xf32> to vector<16xf32>
        %swap3A_1507 = vector.shape_cast %add3A_1499 : vector<16xf32> to vector<16xf32>
        tpu.vector_store %arg13[%swap3A_1504], %swap3A_1507 {strides = array<i32>} : memref<12800xf32, #tpu.memory_space<vmem>>, vector<16xf32>,
        %add3A_1508 = arith.constant 2 : i32
        %add3A_1509 = arith.addi %mul3A_1310, %add3A_1508 : i32
        %slice3A_1510 = vector.extract_strided_slice %and3A_1319 {offsets = [2], sizes = [1], strides = [1]} : vector<16xi32> to vector<1xi32>
        %squeeze3A_1511 = vector.extract %slice3A_1510[0] : i32 from vector<1xi32>
        %shift_left3A_1512 = arith.constant 6 : i32
        %shift_left3A_1513 = arith.shli %squeeze3A_1511, %shift_left3A_1512 : i32
        %add3A_1514 = arith.constant 0 : i32
        %add3A_1515 = arith.addi %shift_left3A_1513, %add3A_1514 : i32
        %get3A_1516 = arith.index_cast %add3A_1509 : i32 to index
        %get3A_1517 = arith.index_cast %add3A_1515 : i32 to index
        %get3A_1518 = tpu.vector_load %arg11[%get3A_1516, %get3A_1517] {strides = array<i32>} : memref<200x128xf32, #tpu.memory_space<vmem>>, vector<1x16xf32>,
        %get3A_1519 = vector.shape_cast %get3A_1518 : vector<1x16xf32> to vector<16xf32>
        %mul3A_1520 = arith.constant 64 : i32
        %mul3A_1521 = arith.muli %add3A_1509, %mul3A_1520 : i32
        %add3A_1522 = arith.constant 0 : i32
        %add3A_1523 = arith.addi %mul3A_1521, %add3A_1522 : i32
        %get3A_1524 = arith.index_cast %add3A_1523 : i32 to index
        %get3A_1525 = tpu.vector_load %arg7[%get3A_1524] {strides = array<i32>} : memref<12800xf32, #tpu.memory_space<vmem>>, vector<16xf32>,
        %get3A_1526 = vector.shape_cast %get3A_1525 : vector<16xf32> to vector<16xf32>
        %add3A_1527 = arith.addf %get3A_1519, %get3A_1526 : vector<16xf32>
        %mul3A_1528 = arith.constant 64 : i32
        %mul3A_1529 = arith.muli %add3A_1509, %mul3A_1528 : i32
        %add3A_1530 = arith.constant 0 : i32
        %add3A_1531 = arith.addi %mul3A_1529, %add3A_1530 : i32
        %swap3A_1532 = arith.index_cast %add3A_1531 : i32 to index
        %swap3A_1533 = tpu.vector_load %arg13[%swap3A_1532] {strides = array<i32>} : memref<12800xf32, #tpu.memory_space<vmem>>, vector<16xf32>,
        %swap3A_1534 = vector.shape_cast %swap3A_1533 : vector<16xf32> to vector<16xf32>
        %swap3A_1535 = vector.shape_cast %add3A_1527 : vector<16xf32> to vector<16xf32>
        tpu.vector_store %arg13[%swap3A_1532], %swap3A_1535 {strides = array<i32>} : memref<12800xf32, #tpu.memory_space<vmem>>, vector<16xf32>,
        %add3A_1536 = arith.constant 16 : i32
        %add3A_1537 = arith.addi %shift_left3A_1513, %add3A_1536 : i32
        %get3A_1538 = arith.index_cast %add3A_1509 : i32 to index
        %get3A_1539 = arith.index_cast %add3A_1537 : i32 to index
        %get3A_1540 = tpu.vector_load %arg11[%get3A_1538, %get3A_1539] {strides = array<i32>} : memref<200x128xf32, #tpu.memory_space<vmem>>, vector<1x16xf32>,
        %get3A_1541 = vector.shape_cast %get3A_1540 : vector<1x16xf32> to vector<16xf32>
        %mul3A_1542 = arith.constant 64 : i32
        %mul3A_1543 = arith.muli %add3A_1509, %mul3A_1542 : i32
        %add3A_1544 = arith.constant 16 : i32
        %add3A_1545 = arith.addi %mul3A_1543, %add3A_1544 : i32
        %get3A_1546 = arith.index_cast %add3A_1545 : i32 to index
        %get3A_1547 = tpu.vector_load %arg7[%get3A_1546] {strides = array<i32>} : memref<12800xf32, #tpu.memory_space<vmem>>, vector<16xf32>,
        %get3A_1548 = vector.shape_cast %get3A_1547 : vector<16xf32> to vector<16xf32>
        %add3A_1549 = arith.addf %get3A_1541, %get3A_1548 : vector<16xf32>
        %mul3A_1550 = arith.constant 64 : i32
        %mul3A_1551 = arith.muli %add3A_1509, %mul3A_1550 : i32
        %add3A_1552 = arith.constant 16 : i32
        %add3A_1553 = arith.addi %mul3A_1551, %add3A_1552 : i32
        %swap3A_1554 = arith.index_cast %add3A_1553 : i32 to index
        %swap3A_1555 = tpu.vector_load %arg13[%swap3A_1554] {strides = array<i32>} : memref<12800xf32, #tpu.memory_space<vmem>>, vector<16xf32>,
        %swap3A_1556 = vector.shape_cast %swap3A_1555 : vector<16xf32> to vector<16xf32>
        %swap3A_1557 = vector.shape_cast %add3A_1549 : vector<16xf32> to vector<16xf32>
        tpu.vector_store %arg13[%swap3A_1554], %swap3A_1557 {strides = array<i32>} : memref<12800xf32, #tpu.memory_space<vmem>>, vector<16xf32>,
        %add3A_1558 = arith.constant 32 : i32
        %add3A_1559 = arith.addi %shift_left3A_1513, %add3A_1558 : i32
        %get3A_1560 = arith.index_cast %add3A_1509 : i32 to index
        %get3A_1561 = arith.index_cast %add3A_1559 : i32 to index
        %get3A_1562 = tpu.vector_load %arg11[%get3A_1560, %get3A_1561] {strides = array<i32>} : memref<200x128xf32, #tpu.memory_space<vmem>>, vector<1x16xf32>,
        %get3A_1563 = vector.shape_cast %get3A_1562 : vector<1x16xf32> to vector<16xf32>
        %mul3A_1564 = arith.constant 64 : i32
        %mul3A_1565 = arith.muli %add3A_1509, %mul3A_1564 : i32
        %add3A_1566 = arith.constant 32 : i32
        %add3A_1567 = arith.addi %mul3A_1565, %add3A_1566 : i32
        %get3A_1568 = arith.index_cast %add3A_1567 : i32 to index
        %get3A_1569 = tpu.vector_load %arg7[%get3A_1568] {strides = array<i32>} : memref<12800xf32, #tpu.memory_space<vmem>>, vector<16xf32>,
        %get3A_1570 = vector.shape_cast %get3A_1569 : vector<16xf32> to vector<16xf32>
        %add3A_1571 = arith.addf %get3A_1563, %get3A_1570 : vector<16xf32>
        %mul3A_1572 = arith.constant 64 : i32
        %mul3A_1573 = arith.muli %add3A_1509, %mul3A_1572 : i32
        %add3A_1574 = arith.constant 32 : i32
        %add3A_1575 = arith.addi %mul3A_1573, %add3A_1574 : i32
        %swap3A_1576 = arith.index_cast %add3A_1575 : i32 to index
        %swap3A_1577 = tpu.vector_load %arg13[%swap3A_1576] {strides = array<i32>} : memref<12800xf32, #tpu.memory_space<vmem>>, vector<16xf32>,
        %swap3A_1578 = vector.shape_cast %swap3A_1577 : vector<16xf32> to vector<16xf32>
        %swap3A_1579 = vector.shape_cast %add3A_1571 : vector<16xf32> to vector<16xf32>
        tpu.vector_store %arg13[%swap3A_1576], %swap3A_1579 {strides = array<i32>} : memref<12800xf32, #tpu.memory_space<vmem>>, vector<16xf32>,
        %add3A_1580 = arith.constant 48 : i32
        %add3A_1581 = arith.addi %shift_left3A_1513, %add3A_1580 : i32
        %get3A_1582 = arith.index_cast %add3A_1509 : i32 to index
        %get3A_1583 = arith.index_cast %add3A_1581 : i32 to index
        %get3A_1584 = tpu.vector_load %arg11[%get3A_1582, %get3A_1583] {strides = array<i32>} : memref<200x128xf32, #tpu.memory_space<vmem>>, vector<1x16xf32>,
        %get3A_1585 = vector.shape_cast %get3A_1584 : vector<1x16xf32> to vector<16xf32>
        %mul3A_1586 = arith.constant 64 : i32
        %mul3A_1587 = arith.muli %add3A_1509, %mul3A_1586 : i32
        %add3A_1588 = arith.constant 48 : i32
        %add3A_1589 = arith.addi %mul3A_1587, %add3A_1588 : i32
        %get3A_1590 = arith.index_cast %add3A_1589 : i32 to index
        %get3A_1591 = tpu.vector_load %arg7[%get3A_1590] {strides = array<i32>} : memref<12800xf32, #tpu.memory_space<vmem>>, vector<16xf32>,
        %get3A_1592 = vector.shape_cast %get3A_1591 : vector<16xf32> to vector<16xf32>
        %add3A_1593 = arith.addf %get3A_1585, %get3A_1592 : vector<16xf32>
        %mul3A_1594 = arith.constant 64 : i32
        %mul3A_1595 = arith.muli %add3A_1509, %mul3A_1594 : i32
        %add3A_1596 = arith.constant 48 : i32
        %add3A_1597 = arith.addi %mul3A_1595, %add3A_1596 : i32
        %swap3A_1598 = arith.index_cast %add3A_1597 : i32 to index
        %swap3A_1599 = tpu.vector_load %arg13[%swap3A_1598] {strides = array<i32>} : memref<12800xf32, #tpu.memory_space<vmem>>, vector<16xf32>,
        %swap3A_1600 = vector.shape_cast %swap3A_1599 : vector<16xf32> to vector<16xf32>
        %swap3A_1601 = vector.shape_cast %add3A_1593 : vector<16xf32> to vector<16xf32>
        tpu.vector_store %arg13[%swap3A_1598], %swap3A_1601 {strides = array<i32>} : memref<12800xf32, #tpu.memory_space<vmem>>, vector<16xf32>,
        %add3A_1602 = arith.constant 3 : i32
        %add3A_1603 = arith.addi %mul3A_1310, %add3A_1602 : i32
        %slice3A_1604 = vector.extract_strided_slice %and3A_1319 {offsets = [3], sizes = [1], strides = [1]} : vector<16xi32> to vector<1xi32>
        %squeeze3A_1605 = vector.extract %slice3A_1604[0] : i32 from vector<1xi32>
        %shift_left3A_1606 = arith.constant 6 : i32
        %shift_left3A_1607 = arith.shli %squeeze3A_1605, %shift_left3A_1606 : i32
        %add3A_1608 = arith.constant 0 : i32
        %add3A_1609 = arith.addi %shift_left3A_1607, %add3A_1608 : i32
        %get3A_1610 = arith.index_cast %add3A_1603 : i32 to index
        %get3A_1611 = arith.index_cast %add3A_1609 : i32 to index
        %get3A_1612 = tpu.vector_load %arg11[%get3A_1610, %get3A_1611] {strides = array<i32>} : memref<200x128xf32, #tpu.memory_space<vmem>>, vector<1x16xf32>,
        %get3A_1613 = vector.shape_cast %get3A_1612 : vector<1x16xf32> to vector<16xf32>
        %mul3A_1614 = arith.constant 64 : i32
        %mul3A_1615 = arith.muli %add3A_1603, %mul3A_1614 : i32
        %add3A_1616 = arith.constant 0 : i32
        %add3A_1617 = arith.addi %mul3A_1615, %add3A_1616 : i32
        %get3A_1618 = arith.index_cast %add3A_1617 : i32 to index
        %get3A_1619 = tpu.vector_load %arg7[%get3A_1618] {strides = array<i32>} : memref<12800xf32, #tpu.memory_space<vmem>>, vector<16xf32>,
        %get3A_1620 = vector.shape_cast %get3A_1619 : vector<16xf32> to vector<16xf32>
        %add3A_1621 = arith.addf %get3A_1613, %get3A_1620 : vector<16xf32>
        %mul3A_1622 = arith.constant 64 : i32
        %mul3A_1623 = arith.muli %add3A_1603, %mul3A_1622 : i32
        %add3A_1624 = arith.constant 0 : i32
        %add3A_1625 = arith.addi %mul3A_1623, %add3A_1624 : i32
        %swap3A_1626 = arith.index_cast %add3A_1625 : i32 to index
        %swap3A_1627 = tpu.vector_load %arg13[%swap3A_1626] {strides = array<i32>} : memref<12800xf32, #tpu.memory_space<vmem>>, vector<16xf32>,
        %swap3A_1628 = vector.shape_cast %swap3A_1627 : vector<16xf32> to vector<16xf32>
        %swap3A_1629 = vector.shape_cast %add3A_1621 : vector<16xf32> to vector<16xf32>
        tpu.vector_store %arg13[%swap3A_1626], %swap3A_1629 {strides = array<i32>} : memref<12800xf32, #tpu.memory_space<vmem>>, vector<16xf32>,
        %add3A_1630 = arith.constant 16 : i32
        %add3A_1631 = arith.addi %shift_left3A_1607, %add3A_1630 : i32
        %get3A_1632 = arith.index_cast %add3A_1603 : i32 to index
        %get3A_1633 = arith.index_cast %add3A_1631 : i32 to index
        %get3A_1634 = tpu.vector_load %arg11[%get3A_1632, %get3A_1633] {strides = array<i32>} : memref<200x128xf32, #tpu.memory_space<vmem>>, vector<1x16xf32>,
        %get3A_1635 = vector.shape_cast %get3A_1634 : vector<1x16xf32> to vector<16xf32>
        %mul3A_1636 = arith.constant 64 : i32
        %mul3A_1637 = arith.muli %add3A_1603, %mul3A_1636 : i32
        %add3A_1638 = arith.constant 16 : i32
        %add3A_1639 = arith.addi %mul3A_1637, %add3A_1638 : i32
        %get3A_1640 = arith.index_cast %add3A_1639 : i32 to index
        %get3A_1641 = tpu.vector_load %arg7[%get3A_1640] {strides = array<i32>} : memref<12800xf32, #tpu.memory_space<vmem>>, vector<16xf32>,
        %get3A_1642 = vector.shape_cast %get3A_1641 : vector<16xf32> to vector<16xf32>
        %add3A_1643 = arith.addf %get3A_1635, %get3A_1642 : vector<16xf32>
        %mul3A_1644 = arith.constant 64 : i32
        %mul3A_1645 = arith.muli %add3A_1603, %mul3A_1644 : i32
        %add3A_1646 = arith.constant 16 : i32
        %add3A_1647 = arith.addi %mul3A_1645, %add3A_1646 : i32
        %swap3A_1648 = arith.index_cast %add3A_1647 : i32 to index
        %swap3A_1649 = tpu.vector_load %arg13[%swap3A_1648] {strides = array<i32>} : memref<12800xf32, #tpu.memory_space<vmem>>, vector<16xf32>,
        %swap3A_1650 = vector.shape_cast %swap3A_1649 : vector<16xf32> to vector<16xf32>
        %swap3A_1651 = vector.shape_cast %add3A_1643 : vector<16xf32> to vector<16xf32>
        tpu.vector_store %arg13[%swap3A_1648], %swap3A_1651 {strides = array<i32>} : memref<12800xf32, #tpu.memory_space<vmem>>, vector<16xf32>,
        %add3A_1652 = arith.constant 32 : i32
        %add3A_1653 = arith.addi %shift_left3A_1607, %add3A_1652 : i32
        %get3A_1654 = arith.index_cast %add3A_1603 : i32 to index
        %get3A_1655 = arith.index_cast %add3A_1653 : i32 to index
        %get3A_1656 = tpu.vector_load %arg11[%get3A_1654, %get3A_1655] {strides = array<i32>} : memref<200x128xf32, #tpu.memory_space<vmem>>, vector<1x16xf32>,
        %get3A_1657 = vector.shape_cast %get3A_1656 : vector<1x16xf32> to vector<16xf32>
        %mul3A_1658 = arith.constant 64 : i32
        %mul3A_1659 = arith.muli %add3A_1603, %mul3A_1658 : i32
        %add3A_1660 = arith.constant 32 : i32
        %add3A_1661 = arith.addi %mul3A_1659, %add3A_1660 : i32
        %get3A_1662 = arith.index_cast %add3A_1661 : i32 to index
        %get3A_1663 = tpu.vector_load %arg7[%get3A_1662] {strides = array<i32>} : memref<12800xf32, #tpu.memory_space<vmem>>, vector<16xf32>,
        %get3A_1664 = vector.shape_cast %get3A_1663 : vector<16xf32> to vector<16xf32>
        %add3A_1665 = arith.addf %get3A_1657, %get3A_1664 : vector<16xf32>
        %mul3A_1666 = arith.constant 64 : i32
        %mul3A_1667 = arith.muli %add3A_1603, %mul3A_1666 : i32
        %add3A_1668 = arith.constant 32 : i32
        %add3A_1669 = arith.addi %mul3A_1667, %add3A_1668 : i32
        %swap3A_1670 = arith.index_cast %add3A_1669 : i32 to index
        %swap3A_1671 = tpu.vector_load %arg13[%swap3A_1670] {strides = array<i32>} : memref<12800xf32, #tpu.memory_space<vmem>>, vector<16xf32>,
        %swap3A_1672 = vector.shape_cast %swap3A_1671 : vector<16xf32> to vector<16xf32>
        %swap3A_1673 = vector.shape_cast %add3A_1665 : vector<16xf32> to vector<16xf32>
        tpu.vector_store %arg13[%swap3A_1670], %swap3A_1673 {strides = array<i32>} : memref<12800xf32, #tpu.memory_space<vmem>>, vector<16xf32>,
        %add3A_1674 = arith.constant 48 : i32
        %add3A_1675 = arith.addi %shift_left3A_1607, %add3A_1674 : i32
        %get3A_1676 = arith.index_cast %add3A_1603 : i32 to index
        %get3A_1677 = arith.index_cast %add3A_1675 : i32 to index
        %get3A_1678 = tpu.vector_load %arg11[%get3A_1676, %get3A_1677] {strides = array<i32>} : memref<200x128xf32, #tpu.memory_space<vmem>>, vector<1x16xf32>,
        %get3A_1679 = vector.shape_cast %get3A_1678 : vector<1x16xf32> to vector<16xf32>
        %mul3A_1680 = arith.constant 64 : i32
        %mul3A_1681 = arith.muli %add3A_1603, %mul3A_1680 : i32
        %add3A_1682 = arith.constant 48 : i32
        %add3A_1683 = arith.addi %mul3A_1681, %add3A_1682 : i32
        %get3A_1684 = arith.index_cast %add3A_1683 : i32 to index
        %get3A_1685 = tpu.vector_load %arg7[%get3A_1684] {strides = array<i32>} : memref<12800xf32, #tpu.memory_space<vmem>>, vector<16xf32>,
        %get3A_1686 = vector.shape_cast %get3A_1685 : vector<16xf32> to vector<16xf32>
        %add3A_1687 = arith.addf %get3A_1679, %get3A_1686 : vector<16xf32>
        %mul3A_1688 = arith.constant 64 : i32
        %mul3A_1689 = arith.muli %add3A_1603, %mul3A_1688 : i32
        %add3A_1690 = arith.constant 48 : i32
        %add3A_1691 = arith.addi %mul3A_1689, %add3A_1690 : i32
        %swap3A_1692 = arith.index_cast %add3A_1691 : i32 to index
        %swap3A_1693 = tpu.vector_load %arg13[%swap3A_1692] {strides = array<i32>} : memref<12800xf32, #tpu.memory_space<vmem>>, vector<16xf32>,
        %swap3A_1694 = vector.shape_cast %swap3A_1693 : vector<16xf32> to vector<16xf32>
        %swap3A_1695 = vector.shape_cast %add3A_1687 : vector<16xf32> to vector<16xf32>
        tpu.vector_store %arg13[%swap3A_1692], %swap3A_1695 {strides = array<i32>} : memref<12800xf32, #tpu.memory_space<vmem>>, vector<16xf32>,
        %add3A_1696 = arith.constant 4 : i32
        %add3A_1697 = arith.addi %mul3A_1310, %add3A_1696 : i32
        %slice3A_1698 = vector.extract_strided_slice %and3A_1319 {offsets = [4], sizes = [1], strides = [1]} : vector<16xi32> to vector<1xi32>
        %squeeze3A_1699 = vector.extract %slice3A_1698[0] : i32 from vector<1xi32>
        %shift_left3A_1700 = arith.constant 6 : i32
        %shift_left3A_1701 = arith.shli %squeeze3A_1699, %shift_left3A_1700 : i32
        %add3A_1702 = arith.constant 0 : i32
        %add3A_1703 = arith.addi %shift_left3A_1701, %add3A_1702 : i32
        %get3A_1704 = arith.index_cast %add3A_1697 : i32 to index
        %get3A_1705 = arith.index_cast %add3A_1703 : i32 to index
        %get3A_1706 = tpu.vector_load %arg11[%get3A_1704, %get3A_1705] {strides = array<i32>} : memref<200x128xf32, #tpu.memory_space<vmem>>, vector<1x16xf32>,
        %get3A_1707 = vector.shape_cast %get3A_1706 : vector<1x16xf32> to vector<16xf32>
        %mul3A_1708 = arith.constant 64 : i32
        %mul3A_1709 = arith.muli %add3A_1697, %mul3A_1708 : i32
        %add3A_1710 = arith.constant 0 : i32
        %add3A_1711 = arith.addi %mul3A_1709, %add3A_1710 : i32
        %get3A_1712 = arith.index_cast %add3A_1711 : i32 to index
        %get3A_1713 = tpu.vector_load %arg7[%get3A_1712] {strides = array<i32>} : memref<12800xf32, #tpu.memory_space<vmem>>, vector<16xf32>,
        %get3A_1714 = vector.shape_cast %get3A_1713 : vector<16xf32> to vector<16xf32>
        %add3A_1715 = arith.addf %get3A_1707, %get3A_1714 : vector<16xf32>
        %mul3A_1716 = arith.constant 64 : i32
        %mul3A_1717 = arith.muli %add3A_1697, %mul3A_1716 : i32
        %add3A_1718 = arith.constant 0 : i32
        %add3A_1719 = arith.addi %mul3A_1717, %add3A_1718 : i32
        %swap3A_1720 = arith.index_cast %add3A_1719 : i32 to index
        %swap3A_1721 = tpu.vector_load %arg13[%swap3A_1720] {strides = array<i32>} : memref<12800xf32, #tpu.memory_space<vmem>>, vector<16xf32>,
        %swap3A_1722 = vector.shape_cast %swap3A_1721 : vector<16xf32> to vector<16xf32>
        %swap3A_1723 = vector.shape_cast %add3A_1715 : vector<16xf32> to vector<16xf32>
        tpu.vector_store %arg13[%swap3A_1720], %swap3A_1723 {strides = array<i32>} : memref<12800xf32, #tpu.memory_space<vmem>>, vector<16xf32>,
        %add3A_1724 = arith.constant 16 : i32
        %add3A_1725 = arith.addi %shift_left3A_1701, %add3A_1724 : i32
        %get3A_1726 = arith.index_cast %add3A_1697 : i32 to index
        %get3A_1727 = arith.index_cast %add3A_1725 : i32 to index
        %get3A_1728 = tpu.vector_load %arg11[%get3A_1726, %get3A_1727] {strides = array<i32>} : memref<200x128xf32, #tpu.memory_space<vmem>>, vector<1x16xf32>,
        %get3A_1729 = vector.shape_cast %get3A_1728 : vector<1x16xf32> to vector<16xf32>
        %mul3A_1730 = arith.constant 64 : i32
        %mul3A_1731 = arith.muli %add3A_1697, %mul3A_1730 : i32
        %add3A_1732 = arith.constant 16 : i32
        %add3A_1733 = arith.addi %mul3A_1731, %add3A_1732 : i32
        %get3A_1734 = arith.index_cast %add3A_1733 : i32 to index
        %get3A_1735 = tpu.vector_load %arg7[%get3A_1734] {strides = array<i32>} : memref<12800xf32, #tpu.memory_space<vmem>>, vector<16xf32>,
        %get3A_1736 = vector.shape_cast %get3A_1735 : vector<16xf32> to vector<16xf32>
        %add3A_1737 = arith.addf %get3A_1729, %get3A_1736 : vector<16xf32>
        %mul3A_1738 = arith.constant 64 : i32
        %mul3A_1739 = arith.muli %add3A_1697, %mul3A_1738 : i32
        %add3A_1740 = arith.constant 16 : i32
        %add3A_1741 = arith.addi %mul3A_1739, %add3A_1740 : i32
        %swap3A_1742 = arith.index_cast %add3A_1741 : i32 to index
        %swap3A_1743 = tpu.vector_load %arg13[%swap3A_1742] {strides = array<i32>} : memref<12800xf32, #tpu.memory_space<vmem>>, vector<16xf32>,
        %swap3A_1744 = vector.shape_cast %swap3A_1743 : vector<16xf32> to vector<16xf32>
        %swap3A_1745 = vector.shape_cast %add3A_1737 : vector<16xf32> to vector<16xf32>
        tpu.vector_store %arg13[%swap3A_1742], %swap3A_1745 {strides = array<i32>} : memref<12800xf32, #tpu.memory_space<vmem>>, vector<16xf32>,
        %add3A_1746 = arith.constant 32 : i32
        %add3A_1747 = arith.addi %shift_left3A_1701, %add3A_1746 : i32
        %get3A_1748 = arith.index_cast %add3A_1697 : i32 to index
        %get3A_1749 = arith.index_cast %add3A_1747 : i32 to index
        %get3A_1750 = tpu.vector_load %arg11[%get3A_1748, %get3A_1749] {strides = array<i32>} : memref<200x128xf32, #tpu.memory_space<vmem>>, vector<1x16xf32>,
        %get3A_1751 = vector.shape_cast %get3A_1750 : vector<1x16xf32> to vector<16xf32>
        %mul3A_1752 = arith.constant 64 : i32
        %mul3A_1753 = arith.muli %add3A_1697, %mul3A_1752 : i32
        %add3A_1754 = arith.constant 32 : i32
        %add3A_1755 = arith.addi %mul3A_1753, %add3A_1754 : i32
        %get3A_1756 = arith.index_cast %add3A_1755 : i32 to index
        %get3A_1757 = tpu.vector_load %arg7[%get3A_1756] {strides = array<i32>} : memref<12800xf32, #tpu.memory_space<vmem>>, vector<16xf32>,
        %get3A_1758 = vector.shape_cast %get3A_1757 : vector<16xf32> to vector<16xf32>
        %add3A_1759 = arith.addf %get3A_1751, %get3A_1758 : vector<16xf32>
        %mul3A_1760 = arith.constant 64 : i32
        %mul3A_1761 = arith.muli %add3A_1697, %mul3A_1760 : i32
        %add3A_1762 = arith.constant 32 : i32
        %add3A_1763 = arith.addi %mul3A_1761, %add3A_1762 : i32
        %swap3A_1764 = arith.index_cast %add3A_1763 : i32 to index
        %swap3A_1765 = tpu.vector_load %arg13[%swap3A_1764] {strides = array<i32>} : memref<12800xf32, #tpu.memory_space<vmem>>, vector<16xf32>,
        %swap3A_1766 = vector.shape_cast %swap3A_1765 : vector<16xf32> to vector<16xf32>
        %swap3A_1767 = vector.shape_cast %add3A_1759 : vector<16xf32> to vector<16xf32>
        tpu.vector_store %arg13[%swap3A_1764], %swap3A_1767 {strides = array<i32>} : memref<12800xf32, #tpu.memory_space<vmem>>, vector<16xf32>,
        %add3A_1768 = arith.constant 48 : i32
        %add3A_1769 = arith.addi %shift_left3A_1701, %add3A_1768 : i32
        %get3A_1770 = arith.index_cast %add3A_1697 : i32 to index
        %get3A_1771 = arith.index_cast %add3A_1769 : i32 to index
        %get3A_1772 = tpu.vector_load %arg11[%get3A_1770, %get3A_1771] {strides = array<i32>} : memref<200x128xf32, #tpu.memory_space<vmem>>, vector<1x16xf32>,
        %get3A_1773 = vector.shape_cast %get3A_1772 : vector<1x16xf32> to vector<16xf32>
        %mul3A_1774 = arith.constant 64 : i32
        %mul3A_1775 = arith.muli %add3A_1697, %mul3A_1774 : i32
        %add3A_1776 = arith.constant 48 : i32
        %add3A_1777 = arith.addi %mul3A_1775, %add3A_1776 : i32
        %get3A_1778 = arith.index_cast %add3A_1777 : i32 to index
        %get3A_1779 = tpu.vector_load %arg7[%get3A_1778] {strides = array<i32>} : memref<12800xf32, #tpu.memory_space<vmem>>, vector<16xf32>,
        %get3A_1780 = vector.shape_cast %get3A_1779 : vector<16xf32> to vector<16xf32>
        %add3A_1781 = arith.addf %get3A_1773, %get3A_1780 : vector<16xf32>
        %mul3A_1782 = arith.constant 64 : i32
        %mul3A_1783 = arith.muli %add3A_1697, %mul3A_1782 : i32
        %add3A_1784 = arith.constant 48 : i32
        %add3A_1785 = arith.addi %mul3A_1783, %add3A_1784 : i32
        %swap3A_1786 = arith.index_cast %add3A_1785 : i32 to index
        %swap3A_1787 = tpu.vector_load %arg13[%swap3A_1786] {strides = array<i32>} : memref<12800xf32, #tpu.memory_space<vmem>>, vector<16xf32>,
        %swap3A_1788 = vector.shape_cast %swap3A_1787 : vector<16xf32> to vector<16xf32>
        %swap3A_1789 = vector.shape_cast %add3A_1781 : vector<16xf32> to vector<16xf32>
        tpu.vector_store %arg13[%swap3A_1786], %swap3A_1789 {strides = array<i32>} : memref<12800xf32, #tpu.memory_space<vmem>>, vector<16xf32>,
        %add3A_1790 = arith.constant 5 : i32
        %add3A_1791 = arith.addi %mul3A_1310, %add3A_1790 : i32
        %slice3A_1792 = vector.extract_strided_slice %and3A_1319 {offsets = [5], sizes = [1], strides = [1]} : vector<16xi32> to vector<1xi32>
        %squeeze3A_1793 = vector.extract %slice3A_1792[0] : i32 from vector<1xi32>
        %shift_left3A_1794 = arith.constant 6 : i32
        %shift_left3A_1795 = arith.shli %squeeze3A_1793, %shift_left3A_1794 : i32
        %add3A_1796 = arith.constant 0 : i32
        %add3A_1797 = arith.addi %shift_left3A_1795, %add3A_1796 : i32
        %get3A_1798 = arith.index_cast %add3A_1791 : i32 to index
        %get3A_1799 = arith.index_cast %add3A_1797 : i32 to index
        %get3A_1800 = tpu.vector_load %arg11[%get3A_1798, %get3A_1799] {strides = array<i32>} : memref<200x128xf32, #tpu.memory_space<vmem>>, vector<1x16xf32>,
        %get3A_1801 = vector.shape_cast %get3A_1800 : vector<1x16xf32> to vector<16xf32>
        %mul3A_1802 = arith.constant 64 : i32
        %mul3A_1803 = arith.muli %add3A_1791, %mul3A_1802 : i32
        %add3A_1804 = arith.constant 0 : i32
        %add3A_1805 = arith.addi %mul3A_1803, %add3A_1804 : i32
        %get3A_1806 = arith.index_cast %add3A_1805 : i32 to index
        %get3A_1807 = tpu.vector_load %arg7[%get3A_1806] {strides = array<i32>} : memref<12800xf32, #tpu.memory_space<vmem>>, vector<16xf32>,
        %get3A_1808 = vector.shape_cast %get3A_1807 : vector<16xf32> to vector<16xf32>
        %add3A_1809 = arith.addf %get3A_1801, %get3A_1808 : vector<16xf32>
        %mul3A_1810 = arith.constant 64 : i32
        %mul3A_1811 = arith.muli %add3A_1791, %mul3A_1810 : i32
        %add3A_1812 = arith.constant 0 : i32
        %add3A_1813 = arith.addi %mul3A_1811, %add3A_1812 : i32
        %swap3A_1814 = arith.index_cast %add3A_1813 : i32 to index
        %swap3A_1815 = tpu.vector_load %arg13[%swap3A_1814] {strides = array<i32>} : memref<12800xf32, #tpu.memory_space<vmem>>, vector<16xf32>,
        %swap3A_1816 = vector.shape_cast %swap3A_1815 : vector<16xf32> to vector<16xf32>
        %swap3A_1817 = vector.shape_cast %add3A_1809 : vector<16xf32> to vector<16xf32>
        tpu.vector_store %arg13[%swap3A_1814], %swap3A_1817 {strides = array<i32>} : memref<12800xf32, #tpu.memory_space<vmem>>, vector<16xf32>,
        %add3A_1818 = arith.constant 16 : i32
        %add3A_1819 = arith.addi %shift_left3A_1795, %add3A_1818 : i32
        %get3A_1820 = arith.index_cast %add3A_1791 : i32 to index
        %get3A_1821 = arith.index_cast %add3A_1819 : i32 to index
        %get3A_1822 = tpu.vector_load %arg11[%get3A_1820, %get3A_1821] {strides = array<i32>} : memref<200x128xf32, #tpu.memory_space<vmem>>, vector<1x16xf32>,
        %get3A_1823 = vector.shape_cast %get3A_1822 : vector<1x16xf32> to vector<16xf32>
        %mul3A_1824 = arith.constant 64 : i32
        %mul3A_1825 = arith.muli %add3A_1791, %mul3A_1824 : i32
        %add3A_1826 = arith.constant 16 : i32
        %add3A_1827 = arith.addi %mul3A_1825, %add3A_1826 : i32
        %get3A_1828 = arith.index_cast %add3A_1827 : i32 to index
        %get3A_1829 = tpu.vector_load %arg7[%get3A_1828] {strides = array<i32>} : memref<12800xf32, #tpu.memory_space<vmem>>, vector<16xf32>,
        %get3A_1830 = vector.shape_cast %get3A_1829 : vector<16xf32> to vector<16xf32>
        %add3A_1831 = arith.addf %get3A_1823, %get3A_1830 : vector<16xf32>
        %mul3A_1832 = arith.constant 64 : i32
        %mul3A_1833 = arith.muli %add3A_1791, %mul3A_1832 : i32
        %add3A_1834 = arith.constant 16 : i32
        %add3A_1835 = arith.addi %mul3A_1833, %add3A_1834 : i32
        %swap3A_1836 = arith.index_cast %add3A_1835 : i32 to index
        %swap3A_1837 = tpu.vector_load %arg13[%swap3A_1836] {strides = array<i32>} : memref<12800xf32, #tpu.memory_space<vmem>>, vector<16xf32>,
        %swap3A_1838 = vector.shape_cast %swap3A_1837 : vector<16xf32> to vector<16xf32>
        %swap3A_1839 = vector.shape_cast %add3A_1831 : vector<16xf32> to vector<16xf32>
        tpu.vector_store %arg13[%swap3A_1836], %swap3A_1839 {strides = array<i32>} : memref<12800xf32, #tpu.memory_space<vmem>>, vector<16xf32>,
        %add3A_1840 = arith.constant 32 : i32
        %add3A_1841 = arith.addi %shift_left3A_1795, %add3A_1840 : i32
        %get3A_1842 = arith.index_cast %add3A_1791 : i32 to index
        %get3A_1843 = arith.index_cast %add3A_1841 : i32 to index
        %get3A_1844 = tpu.vector_load %arg11[%get3A_1842, %get3A_1843] {strides = array<i32>} : memref<200x128xf32, #tpu.memory_space<vmem>>, vector<1x16xf32>,
        %get3A_1845 = vector.shape_cast %get3A_1844 : vector<1x16xf32> to vector<16xf32>
        %mul3A_1846 = arith.constant 64 : i32
        %mul3A_1847 = arith.muli %add3A_1791, %mul3A_1846 : i32
        %add3A_1848 = arith.constant 32 : i32
        %add3A_1849 = arith.addi %mul3A_1847, %add3A_1848 : i32
        %get3A_1850 = arith.index_cast %add3A_1849 : i32 to index
        %get3A_1851 = tpu.vector_load %arg7[%get3A_1850] {strides = array<i32>} : memref<12800xf32, #tpu.memory_space<vmem>>, vector<16xf32>,
        %get3A_1852 = vector.shape_cast %get3A_1851 : vector<16xf32> to vector<16xf32>
        %add3A_1853 = arith.addf %get3A_1845, %get3A_1852 : vector<16xf32>
        %mul3A_1854 = arith.constant 64 : i32
        %mul3A_1855 = arith.muli %add3A_1791, %mul3A_1854 : i32
        %add3A_1856 = arith.constant 32 : i32
        %add3A_1857 = arith.addi %mul3A_1855, %add3A_1856 : i32
        %swap3A_1858 = arith.index_cast %add3A_1857 : i32 to index
        %swap3A_1859 = tpu.vector_load %arg13[%swap3A_1858] {strides = array<i32>} : memref<12800xf32, #tpu.memory_space<vmem>>, vector<16xf32>,
        %swap3A_1860 = vector.shape_cast %swap3A_1859 : vector<16xf32> to vector<16xf32>
        %swap3A_1861 = vector.shape_cast %add3A_1853 : vector<16xf32> to vector<16xf32>
        tpu.vector_store %arg13[%swap3A_1858], %swap3A_1861 {strides = array<i32>} : memref<12800xf32, #tpu.memory_space<vmem>>, vector<16xf32>,
        %add3A_1862 = arith.constant 48 : i32
        %add3A_1863 = arith.addi %shift_left3A_1795, %add3A_1862 : i32
        %get3A_1864 = arith.index_cast %add3A_1791 : i32 to index
        %get3A_1865 = arith.index_cast %add3A_1863 : i32 to index
        %get3A_1866 = tpu.vector_load %arg11[%get3A_1864, %get3A_1865] {strides = array<i32>} : memref<200x128xf32, #tpu.memory_space<vmem>>, vector<1x16xf32>,
        %get3A_1867 = vector.shape_cast %get3A_1866 : vector<1x16xf32> to vector<16xf32>
        %mul3A_1868 = arith.constant 64 : i32
        %mul3A_1869 = arith.muli %add3A_1791, %mul3A_1868 : i32
        %add3A_1870 = arith.constant 48 : i32
        %add3A_1871 = arith.addi %mul3A_1869, %add3A_1870 : i32
        %get3A_1872 = arith.index_cast %add3A_1871 : i32 to index
        %get3A_1873 = tpu.vector_load %arg7[%get3A_1872] {strides = array<i32>} : memref<12800xf32, #tpu.memory_space<vmem>>, vector<16xf32>,
        %get3A_1874 = vector.shape_cast %get3A_1873 : vector<16xf32> to vector<16xf32>
        %add3A_1875 = arith.addf %get3A_1867, %get3A_1874 : vector<16xf32>
        %mul3A_1876 = arith.constant 64 : i32
        %mul3A_1877 = arith.muli %add3A_1791, %mul3A_1876 : i32
        %add3A_1878 = arith.constant 48 : i32
        %add3A_1879 = arith.addi %mul3A_1877, %add3A_1878 : i32
        %swap3A_1880 = arith.index_cast %add3A_1879 : i32 to index
        %swap3A_1881 = tpu.vector_load %arg13[%swap3A_1880] {strides = array<i32>} : memref<12800xf32, #tpu.memory_space<vmem>>, vector<16xf32>,
        %swap3A_1882 = vector.shape_cast %swap3A_1881 : vector<16xf32> to vector<16xf32>
        %swap3A_1883 = vector.shape_cast %add3A_1875 : vector<16xf32> to vector<16xf32>
        tpu.vector_store %arg13[%swap3A_1880], %swap3A_1883 {strides = array<i32>} : memref<12800xf32, #tpu.memory_space<vmem>>, vector<16xf32>,
        %add3A_1884 = arith.constant 6 : i32
        %add3A_1885 = arith.addi %mul3A_1310, %add3A_1884 : i32
        %slice3A_1886 = vector.extract_strided_slice %and3A_1319 {offsets = [6], sizes = [1], strides = [1]} : vector<16xi32> to vector<1xi32>
        %squeeze3A_1887 = vector.extract %slice3A_1886[0] : i32 from vector<1xi32>
        %shift_left3A_1888 = arith.constant 6 : i32
        %shift_left3A_1889 = arith.shli %squeeze3A_1887, %shift_left3A_1888 : i32
        %add3A_1890 = arith.constant 0 : i32
        %add3A_1891 = arith.addi %shift_left3A_1889, %add3A_1890 : i32
        %get3A_1892 = arith.index_cast %add3A_1885 : i32 to index
        %get3A_1893 = arith.index_cast %add3A_1891 : i32 to index
        %get3A_1894 = tpu.vector_load %arg11[%get3A_1892, %get3A_1893] {strides = array<i32>} : memref<200x128xf32, #tpu.memory_space<vmem>>, vector<1x16xf32>,
        %get3A_1895 = vector.shape_cast %get3A_1894 : vector<1x16xf32> to vector<16xf32>
        %mul3A_1896 = arith.constant 64 : i32
        %mul3A_1897 = arith.muli %add3A_1885, %mul3A_1896 : i32
        %add3A_1898 = arith.constant 0 : i32
        %add3A_1899 = arith.addi %mul3A_1897, %add3A_1898 : i32
        %get3A_1900 = arith.index_cast %add3A_1899 : i32 to index
        %get3A_1901 = tpu.vector_load %arg7[%get3A_1900] {strides = array<i32>} : memref<12800xf32, #tpu.memory_space<vmem>>, vector<16xf32>,
        %get3A_1902 = vector.shape_cast %get3A_1901 : vector<16xf32> to vector<16xf32>
        %add3A_1903 = arith.addf %get3A_1895, %get3A_1902 : vector<16xf32>
        %mul3A_1904 = arith.constant 64 : i32
        %mul3A_1905 = arith.muli %add3A_1885, %mul3A_1904 : i32
        %add3A_1906 = arith.constant 0 : i32
        %add3A_1907 = arith.addi %mul3A_1905, %add3A_1906 : i32
        %swap3A_1908 = arith.index_cast %add3A_1907 : i32 to index
        %swap3A_1909 = tpu.vector_load %arg13[%swap3A_1908] {strides = array<i32>} : memref<12800xf32, #tpu.memory_space<vmem>>, vector<16xf32>,
        %swap3A_1910 = vector.shape_cast %swap3A_1909 : vector<16xf32> to vector<16xf32>
        %swap3A_1911 = vector.shape_cast %add3A_1903 : vector<16xf32> to vector<16xf32>
        tpu.vector_store %arg13[%swap3A_1908], %swap3A_1911 {strides = array<i32>} : memref<12800xf32, #tpu.memory_space<vmem>>, vector<16xf32>,
        %add3A_1912 = arith.constant 16 : i32
        %add3A_1913 = arith.addi %shift_left3A_1889, %add3A_1912 : i32
        %get3A_1914 = arith.index_cast %add3A_1885 : i32 to index
        %get3A_1915 = arith.index_cast %add3A_1913 : i32 to index
        %get3A_1916 = tpu.vector_load %arg11[%get3A_1914, %get3A_1915] {strides = array<i32>} : memref<200x128xf32, #tpu.memory_space<vmem>>, vector<1x16xf32>,
        %get3A_1917 = vector.shape_cast %get3A_1916 : vector<1x16xf32> to vector<16xf32>
        %mul3A_1918 = arith.constant 64 : i32
        %mul3A_1919 = arith.muli %add3A_1885, %mul3A_1918 : i32
        %add3A_1920 = arith.constant 16 : i32
        %add3A_1921 = arith.addi %mul3A_1919, %add3A_1920 : i32
        %get3A_1922 = arith.index_cast %add3A_1921 : i32 to index
        %get3A_1923 = tpu.vector_load %arg7[%get3A_1922] {strides = array<i32>} : memref<12800xf32, #tpu.memory_space<vmem>>, vector<16xf32>,
        %get3A_1924 = vector.shape_cast %get3A_1923 : vector<16xf32> to vector<16xf32>
        %add3A_1925 = arith.addf %get3A_1917, %get3A_1924 : vector<16xf32>
        %mul3A_1926 = arith.constant 64 : i32
        %mul3A_1927 = arith.muli %add3A_1885, %mul3A_1926 : i32
        %add3A_1928 = arith.constant 16 : i32
        %add3A_1929 = arith.addi %mul3A_1927, %add3A_1928 : i32
        %swap3A_1930 = arith.index_cast %add3A_1929 : i32 to index
        %swap3A_1931 = tpu.vector_load %arg13[%swap3A_1930] {strides = array<i32>} : memref<12800xf32, #tpu.memory_space<vmem>>, vector<16xf32>,
        %swap3A_1932 = vector.shape_cast %swap3A_1931 : vector<16xf32> to vector<16xf32>
        %swap3A_1933 = vector.shape_cast %add3A_1925 : vector<16xf32> to vector<16xf32>
        tpu.vector_store %arg13[%swap3A_1930], %swap3A_1933 {strides = array<i32>} : memref<12800xf32, #tpu.memory_space<vmem>>, vector<16xf32>,
        %add3A_1934 = arith.constant 32 : i32
        %add3A_1935 = arith.addi %shift_left3A_1889, %add3A_1934 : i32
        %get3A_1936 = arith.index_cast %add3A_1885 : i32 to index
        %get3A_1937 = arith.index_cast %add3A_1935 : i32 to index
        %get3A_1938 = tpu.vector_load %arg11[%get3A_1936, %get3A_1937] {strides = array<i32>} : memref<200x128xf32, #tpu.memory_space<vmem>>, vector<1x16xf32>,
        %get3A_1939 = vector.shape_cast %get3A_1938 : vector<1x16xf32> to vector<16xf32>
        %mul3A_1940 = arith.constant 64 : i32
        %mul3A_1941 = arith.muli %add3A_1885, %mul3A_1940 : i32
        %add3A_1942 = arith.constant 32 : i32
        %add3A_1943 = arith.addi %mul3A_1941, %add3A_1942 : i32
        %get3A_1944 = arith.index_cast %add3A_1943 : i32 to index
        %get3A_1945 = tpu.vector_load %arg7[%get3A_1944] {strides = array<i32>} : memref<12800xf32, #tpu.memory_space<vmem>>, vector<16xf32>,
        %get3A_1946 = vector.shape_cast %get3A_1945 : vector<16xf32> to vector<16xf32>
        %add3A_1947 = arith.addf %get3A_1939, %get3A_1946 : vector<16xf32>
        %mul3A_1948 = arith.constant 64 : i32
        %mul3A_1949 = arith.muli %add3A_1885, %mul3A_1948 : i32
        %add3A_1950 = arith.constant 32 : i32
        %add3A_1951 = arith.addi %mul3A_1949, %add3A_1950 : i32
        %swap3A_1952 = arith.index_cast %add3A_1951 : i32 to index
        %swap3A_1953 = tpu.vector_load %arg13[%swap3A_1952] {strides = array<i32>} : memref<12800xf32, #tpu.memory_space<vmem>>, vector<16xf32>,
        %swap3A_1954 = vector.shape_cast %swap3A_1953 : vector<16xf32> to vector<16xf32>
        %swap3A_1955 = vector.shape_cast %add3A_1947 : vector<16xf32> to vector<16xf32>
        tpu.vector_store %arg13[%swap3A_1952], %swap3A_1955 {strides = array<i32>} : memref<12800xf32, #tpu.memory_space<vmem>>, vector<16xf32>,
        %add3A_1956 = arith.constant 48 : i32
        %add3A_1957 = arith.addi %shift_left3A_1889, %add3A_1956 : i32
        %get3A_1958 = arith.index_cast %add3A_1885 : i32 to index
        %get3A_1959 = arith.index_cast %add3A_1957 : i32 to index
        %get3A_1960 = tpu.vector_load %arg11[%get3A_1958, %get3A_1959] {strides = array<i32>} : memref<200x128xf32, #tpu.memory_space<vmem>>, vector<1x16xf32>,
        %get3A_1961 = vector.shape_cast %get3A_1960 : vector<1x16xf32> to vector<16xf32>
        %mul3A_1962 = arith.constant 64 : i32
        %mul3A_1963 = arith.muli %add3A_1885, %mul3A_1962 : i32
        %add3A_1964 = arith.constant 48 : i32
        %add3A_1965 = arith.addi %mul3A_1963, %add3A_1964 : i32
        %get3A_1966 = arith.index_cast %add3A_1965 : i32 to index
        %get3A_1967 = tpu.vector_load %arg7[%get3A_1966] {strides = array<i32>} : memref<12800xf32, #tpu.memory_space<vmem>>, vector<16xf32>,
        %get3A_1968 = vector.shape_cast %get3A_1967 : vector<16xf32> to vector<16xf32>
        %add3A_1969 = arith.addf %get3A_1961, %get3A_1968 : vector<16xf32>
        %mul3A_1970 = arith.constant 64 : i32
        %mul3A_1971 = arith.muli %add3A_1885, %mul3A_1970 : i32
        %add3A_1972 = arith.constant 48 : i32
        %add3A_1973 = arith.addi %mul3A_1971, %add3A_1972 : i32
        %swap3A_1974 = arith.index_cast %add3A_1973 : i32 to index
        %swap3A_1975 = tpu.vector_load %arg13[%swap3A_1974] {strides = array<i32>} : memref<12800xf32, #tpu.memory_space<vmem>>, vector<16xf32>,
        %swap3A_1976 = vector.shape_cast %swap3A_1975 : vector<16xf32> to vector<16xf32>
        %swap3A_1977 = vector.shape_cast %add3A_1969 : vector<16xf32> to vector<16xf32>
        tpu.vector_store %arg13[%swap3A_1974], %swap3A_1977 {strides = array<i32>} : memref<12800xf32, #tpu.memory_space<vmem>>, vector<16xf32>,
        %add3A_1978 = arith.constant 7 : i32
        %add3A_1979 = arith.addi %mul3A_1310, %add3A_1978 : i32
        %slice3A_1980 = vector.extract_strided_slice %and3A_1319 {offsets = [7], sizes = [1], strides = [1]} : vector<16xi32> to vector<1xi32>
        %squeeze3A_1981 = vector.extract %slice3A_1980[0] : i32 from vector<1xi32>
        %shift_left3A_1982 = arith.constant 6 : i32
        %shift_left3A_1983 = arith.shli %squeeze3A_1981, %shift_left3A_1982 : i32
        %add3A_1984 = arith.constant 0 : i32
        %add3A_1985 = arith.addi %shift_left3A_1983, %add3A_1984 : i32
        %get3A_1986 = arith.index_cast %add3A_1979 : i32 to index
        %get3A_1987 = arith.index_cast %add3A_1985 : i32 to index
        %get3A_1988 = tpu.vector_load %arg11[%get3A_1986, %get3A_1987] {strides = array<i32>} : memref<200x128xf32, #tpu.memory_space<vmem>>, vector<1x16xf32>,
        %get3A_1989 = vector.shape_cast %get3A_1988 : vector<1x16xf32> to vector<16xf32>
        %mul3A_1990 = arith.constant 64 : i32
        %mul3A_1991 = arith.muli %add3A_1979, %mul3A_1990 : i32
        %add3A_1992 = arith.constant 0 : i32
        %add3A_1993 = arith.addi %mul3A_1991, %add3A_1992 : i32
        %get3A_1994 = arith.index_cast %add3A_1993 : i32 to index
        %get3A_1995 = tpu.vector_load %arg7[%get3A_1994] {strides = array<i32>} : memref<12800xf32, #tpu.memory_space<vmem>>, vector<16xf32>,
        %get3A_1996 = vector.shape_cast %get3A_1995 : vector<16xf32> to vector<16xf32>
        %add3A_1997 = arith.addf %get3A_1989, %get3A_1996 : vector<16xf32>
        %mul3A_1998 = arith.constant 64 : i32
        %mul3A_1999 = arith.muli %add3A_1979, %mul3A_1998 : i32
        %add3A_2000 = arith.constant 0 : i32
        %add3A_2001 = arith.addi %mul3A_1999, %add3A_2000 : i32
        %swap3A_2002 = arith.index_cast %add3A_2001 : i32 to index
        %swap3A_2003 = tpu.vector_load %arg13[%swap3A_2002] {strides = array<i32>} : memref<12800xf32, #tpu.memory_space<vmem>>, vector<16xf32>,
        %swap3A_2004 = vector.shape_cast %swap3A_2003 : vector<16xf32> to vector<16xf32>
        %swap3A_2005 = vector.shape_cast %add3A_1997 : vector<16xf32> to vector<16xf32>
        tpu.vector_store %arg13[%swap3A_2002], %swap3A_2005 {strides = array<i32>} : memref<12800xf32, #tpu.memory_space<vmem>>, vector<16xf32>,
        %add3A_2006 = arith.constant 16 : i32
        %add3A_2007 = arith.addi %shift_left3A_1983, %add3A_2006 : i32
        %get3A_2008 = arith.index_cast %add3A_1979 : i32 to index
        %get3A_2009 = arith.index_cast %add3A_2007 : i32 to index
        %get3A_2010 = tpu.vector_load %arg11[%get3A_2008, %get3A_2009] {strides = array<i32>} : memref<200x128xf32, #tpu.memory_space<vmem>>, vector<1x16xf32>,
        %get3A_2011 = vector.shape_cast %get3A_2010 : vector<1x16xf32> to vector<16xf32>
        %mul3A_2012 = arith.constant 64 : i32
        %mul3A_2013 = arith.muli %add3A_1979, %mul3A_2012 : i32
        %add3A_2014 = arith.constant 16 : i32
        %add3A_2015 = arith.addi %mul3A_2013, %add3A_2014 : i32
        %get3A_2016 = arith.index_cast %add3A_2015 : i32 to index
        %get3A_2017 = tpu.vector_load %arg7[%get3A_2016] {strides = array<i32>} : memref<12800xf32, #tpu.memory_space<vmem>>, vector<16xf32>,
        %get3A_2018 = vector.shape_cast %get3A_2017 : vector<16xf32> to vector<16xf32>
        %add3A_2019 = arith.addf %get3A_2011, %get3A_2018 : vector<16xf32>
        %mul3A_2020 = arith.constant 64 : i32
        %mul3A_2021 = arith.muli %add3A_1979, %mul3A_2020 : i32
        %add3A_2022 = arith.constant 16 : i32
        %add3A_2023 = arith.addi %mul3A_2021, %add3A_2022 : i32
        %swap3A_2024 = arith.index_cast %add3A_2023 : i32 to index
        %swap3A_2025 = tpu.vector_load %arg13[%swap3A_2024] {strides = array<i32>} : memref<12800xf32, #tpu.memory_space<vmem>>, vector<16xf32>,
        %swap3A_2026 = vector.shape_cast %swap3A_2025 : vector<16xf32> to vector<16xf32>
        %swap3A_2027 = vector.shape_cast %add3A_2019 : vector<16xf32> to vector<16xf32>
        tpu.vector_store %arg13[%swap3A_2024], %swap3A_2027 {strides = array<i32>} : memref<12800xf32, #tpu.memory_space<vmem>>, vector<16xf32>,
        %add3A_2028 = arith.constant 32 : i32
        %add3A_2029 = arith.addi %shift_left3A_1983, %add3A_2028 : i32
        %get3A_2030 = arith.index_cast %add3A_1979 : i32 to index
        %get3A_2031 = arith.index_cast %add3A_2029 : i32 to index
        %get3A_2032 = tpu.vector_load %arg11[%get3A_2030, %get3A_2031] {strides = array<i32>} : memref<200x128xf32, #tpu.memory_space<vmem>>, vector<1x16xf32>,
        %get3A_2033 = vector.shape_cast %get3A_2032 : vector<1x16xf32> to vector<16xf32>
        %mul3A_2034 = arith.constant 64 : i32
        %mul3A_2035 = arith.muli %add3A_1979, %mul3A_2034 : i32
        %add3A_2036 = arith.constant 32 : i32
        %add3A_2037 = arith.addi %mul3A_2035, %add3A_2036 : i32
        %get3A_2038 = arith.index_cast %add3A_2037 : i32 to index
        %get3A_2039 = tpu.vector_load %arg7[%get3A_2038] {strides = array<i32>} : memref<12800xf32, #tpu.memory_space<vmem>>, vector<16xf32>,
        %get3A_2040 = vector.shape_cast %get3A_2039 : vector<16xf32> to vector<16xf32>
        %add3A_2041 = arith.addf %get3A_2033, %get3A_2040 : vector<16xf32>
        %mul3A_2042 = arith.constant 64 : i32
        %mul3A_2043 = arith.muli %add3A_1979, %mul3A_2042 : i32
        %add3A_2044 = arith.constant 32 : i32
        %add3A_2045 = arith.addi %mul3A_2043, %add3A_2044 : i32
        %swap3A_2046 = arith.index_cast %add3A_2045 : i32 to index
        %swap3A_2047 = tpu.vector_load %arg13[%swap3A_2046] {strides = array<i32>} : memref<12800xf32, #tpu.memory_space<vmem>>, vector<16xf32>,
        %swap3A_2048 = vector.shape_cast %swap3A_2047 : vector<16xf32> to vector<16xf32>
        %swap3A_2049 = vector.shape_cast %add3A_2041 : vector<16xf32> to vector<16xf32>
        tpu.vector_store %arg13[%swap3A_2046], %swap3A_2049 {strides = array<i32>} : memref<12800xf32, #tpu.memory_space<vmem>>, vector<16xf32>,
        %add3A_2050 = arith.constant 48 : i32
        %add3A_2051 = arith.addi %shift_left3A_1983, %add3A_2050 : i32
        %get3A_2052 = arith.index_cast %add3A_1979 : i32 to index
        %get3A_2053 = arith.index_cast %add3A_2051 : i32 to index
        %get3A_2054 = tpu.vector_load %arg11[%get3A_2052, %get3A_2053] {strides = array<i32>} : memref<200x128xf32, #tpu.memory_space<vmem>>, vector<1x16xf32>,
        %get3A_2055 = vector.shape_cast %get3A_2054 : vector<1x16xf32> to vector<16xf32>
        %mul3A_2056 = arith.constant 64 : i32
        %mul3A_2057 = arith.muli %add3A_1979, %mul3A_2056 : i32
        %add3A_2058 = arith.constant 48 : i32
        %add3A_2059 = arith.addi %mul3A_2057, %add3A_2058 : i32
        %get3A_2060 = arith.index_cast %add3A_2059 : i32 to index
        %get3A_2061 = tpu.vector_load %arg7[%get3A_2060] {strides = array<i32>} : memref<12800xf32, #tpu.memory_space<vmem>>, vector<16xf32>,
        %get3A_2062 = vector.shape_cast %get3A_2061 : vector<16xf32> to vector<16xf32>
        %add3A_2063 = arith.addf %get3A_2055, %get3A_2062 : vector<16xf32>
        %mul3A_2064 = arith.constant 64 : i32
        %mul3A_2065 = arith.muli %add3A_1979, %mul3A_2064 : i32
        %add3A_2066 = arith.constant 48 : i32
        %add3A_2067 = arith.addi %mul3A_2065, %add3A_2066 : i32
        %swap3A_2068 = arith.index_cast %add3A_2067 : i32 to index
        %swap3A_2069 = tpu.vector_load %arg13[%swap3A_2068] {strides = array<i32>} : memref<12800xf32, #tpu.memory_space<vmem>>, vector<16xf32>,
        %swap3A_2070 = vector.shape_cast %swap3A_2069 : vector<16xf32> to vector<16xf32>
        %swap3A_2071 = vector.shape_cast %add3A_2063 : vector<16xf32> to vector<16xf32>
        tpu.vector_store %arg13[%swap3A_2068], %swap3A_2071 {strides = array<i32>} : memref<12800xf32, #tpu.memory_space<vmem>>, vector<16xf32>,
        %add3A_2072 = arith.constant 8 : i32
        %add3A_2073 = arith.addi %mul3A_1310, %add3A_2072 : i32
        %slice3A_2074 = vector.extract_strided_slice %and3A_1319 {offsets = [8], sizes = [1], strides = [1]} : vector<16xi32> to vector<1xi32>
        %squeeze3A_2075 = vector.extract %slice3A_2074[0] : i32 from vector<1xi32>
        %shift_left3A_2076 = arith.constant 6 : i32
        %shift_left3A_2077 = arith.shli %squeeze3A_2075, %shift_left3A_2076 : i32
        %add3A_2078 = arith.constant 0 : i32
        %add3A_2079 = arith.addi %shift_left3A_2077, %add3A_2078 : i32
        %get3A_2080 = arith.index_cast %add3A_2073 : i32 to index
        %get3A_2081 = arith.index_cast %add3A_2079 : i32 to index
        %get3A_2082 = tpu.vector_load %arg11[%get3A_2080, %get3A_2081] {strides = array<i32>} : memref<200x128xf32, #tpu.memory_space<vmem>>, vector<1x16xf32>,
        %get3A_2083 = vector.shape_cast %get3A_2082 : vector<1x16xf32> to vector<16xf32>
        %mul3A_2084 = arith.constant 64 : i32
        %mul3A_2085 = arith.muli %add3A_2073, %mul3A_2084 : i32
        %add3A_2086 = arith.constant 0 : i32
        %add3A_2087 = arith.addi %mul3A_2085, %add3A_2086 : i32
        %get3A_2088 = arith.index_cast %add3A_2087 : i32 to index
        %get3A_2089 = tpu.vector_load %arg7[%get3A_2088] {strides = array<i32>} : memref<12800xf32, #tpu.memory_space<vmem>>, vector<16xf32>,
        %get3A_2090 = vector.shape_cast %get3A_2089 : vector<16xf32> to vector<16xf32>
        %add3A_2091 = arith.addf %get3A_2083, %get3A_2090 : vector<16xf32>
        %mul3A_2092 = arith.constant 64 : i32
        %mul3A_2093 = arith.muli %add3A_2073, %mul3A_2092 : i32
        %add3A_2094 = arith.constant 0 : i32
        %add3A_2095 = arith.addi %mul3A_2093, %add3A_2094 : i32
        %swap3A_2096 = arith.index_cast %add3A_2095 : i32 to index
        %swap3A_2097 = tpu.vector_load %arg13[%swap3A_2096] {strides = array<i32>} : memref<12800xf32, #tpu.memory_space<vmem>>, vector<16xf32>,
        %swap3A_2098 = vector.shape_cast %swap3A_2097 : vector<16xf32> to vector<16xf32>
        %swap3A_2099 = vector.shape_cast %add3A_2091 : vector<16xf32> to vector<16xf32>
        tpu.vector_store %arg13[%swap3A_2096], %swap3A_2099 {strides = array<i32>} : memref<12800xf32, #tpu.memory_space<vmem>>, vector<16xf32>,
        %add3A_2100 = arith.constant 16 : i32
        %add3A_2101 = arith.addi %shift_left3A_2077, %add3A_2100 : i32
        %get3A_2102 = arith.index_cast %add3A_2073 : i32 to index
        %get3A_2103 = arith.index_cast %add3A_2101 : i32 to index
        %get3A_2104 = tpu.vector_load %arg11[%get3A_2102, %get3A_2103] {strides = array<i32>} : memref<200x128xf32, #tpu.memory_space<vmem>>, vector<1x16xf32>,
        %get3A_2105 = vector.shape_cast %get3A_2104 : vector<1x16xf32> to vector<16xf32>
        %mul3A_2106 = arith.constant 64 : i32
        %mul3A_2107 = arith.muli %add3A_2073, %mul3A_2106 : i32
        %add3A_2108 = arith.constant 16 : i32
        %add3A_2109 = arith.addi %mul3A_2107, %add3A_2108 : i32
        %get3A_2110 = arith.index_cast %add3A_2109 : i32 to index
        %get3A_2111 = tpu.vector_load %arg7[%get3A_2110] {strides = array<i32>} : memref<12800xf32, #tpu.memory_space<vmem>>, vector<16xf32>,
        %get3A_2112 = vector.shape_cast %get3A_2111 : vector<16xf32> to vector<16xf32>
        %add3A_2113 = arith.addf %get3A_2105, %get3A_2112 : vector<16xf32>
        %mul3A_2114 = arith.constant 64 : i32
        %mul3A_2115 = arith.muli %add3A_2073, %mul3A_2114 : i32
        %add3A_2116 = arith.constant 16 : i32
        %add3A_2117 = arith.addi %mul3A_2115, %add3A_2116 : i32
        %swap3A_2118 = arith.index_cast %add3A_2117 : i32 to index
        %swap3A_2119 = tpu.vector_load %arg13[%swap3A_2118] {strides = array<i32>} : memref<12800xf32, #tpu.memory_space<vmem>>, vector<16xf32>,
        %swap3A_2120 = vector.shape_cast %swap3A_2119 : vector<16xf32> to vector<16xf32>
        %swap3A_2121 = vector.shape_cast %add3A_2113 : vector<16xf32> to vector<16xf32>
        tpu.vector_store %arg13[%swap3A_2118], %swap3A_2121 {strides = array<i32>} : memref<12800xf32, #tpu.memory_space<vmem>>, vector<16xf32>,
        %add3A_2122 = arith.constant 32 : i32
        %add3A_2123 = arith.addi %shift_left3A_2077, %add3A_2122 : i32
        %get3A_2124 = arith.index_cast %add3A_2073 : i32 to index
        %get3A_2125 = arith.index_cast %add3A_2123 : i32 to index
        %get3A_2126 = tpu.vector_load %arg11[%get3A_2124, %get3A_2125] {strides = array<i32>} : memref<200x128xf32, #tpu.memory_space<vmem>>, vector<1x16xf32>,
        %get3A_2127 = vector.shape_cast %get3A_2126 : vector<1x16xf32> to vector<16xf32>
        %mul3A_2128 = arith.constant 64 : i32
        %mul3A_2129 = arith.muli %add3A_2073, %mul3A_2128 : i32
        %add3A_2130 = arith.constant 32 : i32
        %add3A_2131 = arith.addi %mul3A_2129, %add3A_2130 : i32
        %get3A_2132 = arith.index_cast %add3A_2131 : i32 to index
        %get3A_2133 = tpu.vector_load %arg7[%get3A_2132] {strides = array<i32>} : memref<12800xf32, #tpu.memory_space<vmem>>, vector<16xf32>,
        %get3A_2134 = vector.shape_cast %get3A_2133 : vector<16xf32> to vector<16xf32>
        %add3A_2135 = arith.addf %get3A_2127, %get3A_2134 : vector<16xf32>
        %mul3A_2136 = arith.constant 64 : i32
        %mul3A_2137 = arith.muli %add3A_2073, %mul3A_2136 : i32
        %add3A_2138 = arith.constant 32 : i32
        %add3A_2139 = arith.addi %mul3A_2137, %add3A_2138 : i32
        %swap3A_2140 = arith.index_cast %add3A_2139 : i32 to index
        %swap3A_2141 = tpu.vector_load %arg13[%swap3A_2140] {strides = array<i32>} : memref<12800xf32, #tpu.memory_space<vmem>>, vector<16xf32>,
        %swap3A_2142 = vector.shape_cast %swap3A_2141 : vector<16xf32> to vector<16xf32>
        %swap3A_2143 = vector.shape_cast %add3A_2135 : vector<16xf32> to vector<16xf32>
        tpu.vector_store %arg13[%swap3A_2140], %swap3A_2143 {strides = array<i32>} : memref<12800xf32, #tpu.memory_space<vmem>>, vector<16xf32>,
        %add3A_2144 = arith.constant 48 : i32
        %add3A_2145 = arith.addi %shift_left3A_2077, %add3A_2144 : i32
        %get3A_2146 = arith.index_cast %add3A_2073 : i32 to index
        %get3A_2147 = arith.index_cast %add3A_2145 : i32 to index
        %get3A_2148 = tpu.vector_load %arg11[%get3A_2146, %get3A_2147] {strides = array<i32>} : memref<200x128xf32, #tpu.memory_space<vmem>>, vector<1x16xf32>,
        %get3A_2149 = vector.shape_cast %get3A_2148 : vector<1x16xf32> to vector<16xf32>
        %mul3A_2150 = arith.constant 64 : i32
        %mul3A_2151 = arith.muli %add3A_2073, %mul3A_2150 : i32
        %add3A_2152 = arith.constant 48 : i32
        %add3A_2153 = arith.addi %mul3A_2151, %add3A_2152 : i32
        %get3A_2154 = arith.index_cast %add3A_2153 : i32 to index
        %get3A_2155 = tpu.vector_load %arg7[%get3A_2154] {strides = array<i32>} : memref<12800xf32, #tpu.memory_space<vmem>>, vector<16xf32>,
        %get3A_2156 = vector.shape_cast %get3A_2155 : vector<16xf32> to vector<16xf32>
        %add3A_2157 = arith.addf %get3A_2149, %get3A_2156 : vector<16xf32>
        %mul3A_2158 = arith.constant 64 : i32
        %mul3A_2159 = arith.muli %add3A_2073, %mul3A_2158 : i32
        %add3A_2160 = arith.constant 48 : i32
        %add3A_2161 = arith.addi %mul3A_2159, %add3A_2160 : i32
        %swap3A_2162 = arith.index_cast %add3A_2161 : i32 to index
        %swap3A_2163 = tpu.vector_load %arg13[%swap3A_2162] {strides = array<i32>} : memref<12800xf32, #tpu.memory_space<vmem>>, vector<16xf32>,
        %swap3A_2164 = vector.shape_cast %swap3A_2163 : vector<16xf32> to vector<16xf32>
        %swap3A_2165 = vector.shape_cast %add3A_2157 : vector<16xf32> to vector<16xf32>
        tpu.vector_store %arg13[%swap3A_2162], %swap3A_2165 {strides = array<i32>} : memref<12800xf32, #tpu.memory_space<vmem>>, vector<16xf32>,
        %add3A_2166 = arith.constant 9 : i32
        %add3A_2167 = arith.addi %mul3A_1310, %add3A_2166 : i32
        %slice3A_2168 = vector.extract_strided_slice %and3A_1319 {offsets = [9], sizes = [1], strides = [1]} : vector<16xi32> to vector<1xi32>
        %squeeze3A_2169 = vector.extract %slice3A_2168[0] : i32 from vector<1xi32>
        %shift_left3A_2170 = arith.constant 6 : i32
        %shift_left3A_2171 = arith.shli %squeeze3A_2169, %shift_left3A_2170 : i32
        %add3A_2172 = arith.constant 0 : i32
        %add3A_2173 = arith.addi %shift_left3A_2171, %add3A_2172 : i32
        %get3A_2174 = arith.index_cast %add3A_2167 : i32 to index
        %get3A_2175 = arith.index_cast %add3A_2173 : i32 to index
        %get3A_2176 = tpu.vector_load %arg11[%get3A_2174, %get3A_2175] {strides = array<i32>} : memref<200x128xf32, #tpu.memory_space<vmem>>, vector<1x16xf32>,
        %get3A_2177 = vector.shape_cast %get3A_2176 : vector<1x16xf32> to vector<16xf32>
        %mul3A_2178 = arith.constant 64 : i32
        %mul3A_2179 = arith.muli %add3A_2167, %mul3A_2178 : i32
        %add3A_2180 = arith.constant 0 : i32
        %add3A_2181 = arith.addi %mul3A_2179, %add3A_2180 : i32
        %get3A_2182 = arith.index_cast %add3A_2181 : i32 to index
        %get3A_2183 = tpu.vector_load %arg7[%get3A_2182] {strides = array<i32>} : memref<12800xf32, #tpu.memory_space<vmem>>, vector<16xf32>,
        %get3A_2184 = vector.shape_cast %get3A_2183 : vector<16xf32> to vector<16xf32>
        %add3A_2185 = arith.addf %get3A_2177, %get3A_2184 : vector<16xf32>
        %mul3A_2186 = arith.constant 64 : i32
        %mul3A_2187 = arith.muli %add3A_2167, %mul3A_2186 : i32
        %add3A_2188 = arith.constant 0 : i32
        %add3A_2189 = arith.addi %mul3A_2187, %add3A_2188 : i32
        %swap3A_2190 = arith.index_cast %add3A_2189 : i32 to index
        %swap3A_2191 = tpu.vector_load %arg13[%swap3A_2190] {strides = array<i32>} : memref<12800xf32, #tpu.memory_space<vmem>>, vector<16xf32>,
        %swap3A_2192 = vector.shape_cast %swap3A_2191 : vector<16xf32> to vector<16xf32>
        %swap3A_2193 = vector.shape_cast %add3A_2185 : vector<16xf32> to vector<16xf32>
        tpu.vector_store %arg13[%swap3A_2190], %swap3A_2193 {strides = array<i32>} : memref<12800xf32, #tpu.memory_space<vmem>>, vector<16xf32>,
        %add3A_2194 = arith.constant 16 : i32
        %add3A_2195 = arith.addi %shift_left3A_2171, %add3A_2194 : i32
        %get3A_2196 = arith.index_cast %add3A_2167 : i32 to index
        %get3A_2197 = arith.index_cast %add3A_2195 : i32 to index
        %get3A_2198 = tpu.vector_load %arg11[%get3A_2196, %get3A_2197] {strides = array<i32>} : memref<200x128xf32, #tpu.memory_space<vmem>>, vector<1x16xf32>,
        %get3A_2199 = vector.shape_cast %get3A_2198 : vector<1x16xf32> to vector<16xf32>
        %mul3A_2200 = arith.constant 64 : i32
        %mul3A_2201 = arith.muli %add3A_2167, %mul3A_2200 : i32
        %add3A_2202 = arith.constant 16 : i32
        %add3A_2203 = arith.addi %mul3A_2201, %add3A_2202 : i32
        %get3A_2204 = arith.index_cast %add3A_2203 : i32 to index
        %get3A_2205 = tpu.vector_load %arg7[%get3A_2204] {strides = array<i32>} : memref<12800xf32, #tpu.memory_space<vmem>>, vector<16xf32>,
        %get3A_2206 = vector.shape_cast %get3A_2205 : vector<16xf32> to vector<16xf32>
        %add3A_2207 = arith.addf %get3A_2199, %get3A_2206 : vector<16xf32>
        %mul3A_2208 = arith.constant 64 : i32
        %mul3A_2209 = arith.muli %add3A_2167, %mul3A_2208 : i32
        %add3A_2210 = arith.constant 16 : i32
        %add3A_2211 = arith.addi %mul3A_2209, %add3A_2210 : i32
        %swap3A_2212 = arith.index_cast %add3A_2211 : i32 to index
        %swap3A_2213 = tpu.vector_load %arg13[%swap3A_2212] {strides = array<i32>} : memref<12800xf32, #tpu.memory_space<vmem>>, vector<16xf32>,
        %swap3A_2214 = vector.shape_cast %swap3A_2213 : vector<16xf32> to vector<16xf32>
        %swap3A_2215 = vector.shape_cast %add3A_2207 : vector<16xf32> to vector<16xf32>
        tpu.vector_store %arg13[%swap3A_2212], %swap3A_2215 {strides = array<i32>} : memref<12800xf32, #tpu.memory_space<vmem>>, vector<16xf32>,
        %add3A_2216 = arith.constant 32 : i32
        %add3A_2217 = arith.addi %shift_left3A_2171, %add3A_2216 : i32
        %get3A_2218 = arith.index_cast %add3A_2167 : i32 to index
        %get3A_2219 = arith.index_cast %add3A_2217 : i32 to index
        %get3A_2220 = tpu.vector_load %arg11[%get3A_2218, %get3A_2219] {strides = array<i32>} : memref<200x128xf32, #tpu.memory_space<vmem>>, vector<1x16xf32>,
        %get3A_2221 = vector.shape_cast %get3A_2220 : vector<1x16xf32> to vector<16xf32>
        %mul3A_2222 = arith.constant 64 : i32
        %mul3A_2223 = arith.muli %add3A_2167, %mul3A_2222 : i32
        %add3A_2224 = arith.constant 32 : i32
        %add3A_2225 = arith.addi %mul3A_2223, %add3A_2224 : i32
        %get3A_2226 = arith.index_cast %add3A_2225 : i32 to index
        %get3A_2227 = tpu.vector_load %arg7[%get3A_2226] {strides = array<i32>} : memref<12800xf32, #tpu.memory_space<vmem>>, vector<16xf32>,
        %get3A_2228 = vector.shape_cast %get3A_2227 : vector<16xf32> to vector<16xf32>
        %add3A_2229 = arith.addf %get3A_2221, %get3A_2228 : vector<16xf32>
        %mul3A_2230 = arith.constant 64 : i32
        %mul3A_2231 = arith.muli %add3A_2167, %mul3A_2230 : i32
        %add3A_2232 = arith.constant 32 : i32
        %add3A_2233 = arith.addi %mul3A_2231, %add3A_2232 : i32
        %swap3A_2234 = arith.index_cast %add3A_2233 : i32 to index
        %swap3A_2235 = tpu.vector_load %arg13[%swap3A_2234] {strides = array<i32>} : memref<12800xf32, #tpu.memory_space<vmem>>, vector<16xf32>,
        %swap3A_2236 = vector.shape_cast %swap3A_2235 : vector<16xf32> to vector<16xf32>
        %swap3A_2237 = vector.shape_cast %add3A_2229 : vector<16xf32> to vector<16xf32>
        tpu.vector_store %arg13[%swap3A_2234], %swap3A_2237 {strides = array<i32>} : memref<12800xf32, #tpu.memory_space<vmem>>, vector<16xf32>,
        %add3A_2238 = arith.constant 48 : i32
        %add3A_2239 = arith.addi %shift_left3A_2171, %add3A_2238 : i32
        %get3A_2240 = arith.index_cast %add3A_2167 : i32 to index
        %get3A_2241 = arith.index_cast %add3A_2239 : i32 to index
        %get3A_2242 = tpu.vector_load %arg11[%get3A_2240, %get3A_2241] {strides = array<i32>} : memref<200x128xf32, #tpu.memory_space<vmem>>, vector<1x16xf32>,
        %get3A_2243 = vector.shape_cast %get3A_2242 : vector<1x16xf32> to vector<16xf32>
        %mul3A_2244 = arith.constant 64 : i32
        %mul3A_2245 = arith.muli %add3A_2167, %mul3A_2244 : i32
        %add3A_2246 = arith.constant 48 : i32
        %add3A_2247 = arith.addi %mul3A_2245, %add3A_2246 : i32
        %get3A_2248 = arith.index_cast %add3A_2247 : i32 to index
        %get3A_2249 = tpu.vector_load %arg7[%get3A_2248] {strides = array<i32>} : memref<12800xf32, #tpu.memory_space<vmem>>, vector<16xf32>,
        %get3A_2250 = vector.shape_cast %get3A_2249 : vector<16xf32> to vector<16xf32>
        %add3A_2251 = arith.addf %get3A_2243, %get3A_2250 : vector<16xf32>
        %mul3A_2252 = arith.constant 64 : i32
        %mul3A_2253 = arith.muli %add3A_2167, %mul3A_2252 : i32
        %add3A_2254 = arith.constant 48 : i32
        %add3A_2255 = arith.addi %mul3A_2253, %add3A_2254 : i32
        %swap3A_2256 = arith.index_cast %add3A_2255 : i32 to index
        %swap3A_2257 = tpu.vector_load %arg13[%swap3A_2256] {strides = array<i32>} : memref<12800xf32, #tpu.memory_space<vmem>>, vector<16xf32>,
        %swap3A_2258 = vector.shape_cast %swap3A_2257 : vector<16xf32> to vector<16xf32>
        %swap3A_2259 = vector.shape_cast %add3A_2251 : vector<16xf32> to vector<16xf32>
        tpu.vector_store %arg13[%swap3A_2256], %swap3A_2259 {strides = array<i32>} : memref<12800xf32, #tpu.memory_space<vmem>>, vector<16xf32>,
        %add3A_2260 = arith.constant 10 : i32
        %add3A_2261 = arith.addi %mul3A_1310, %add3A_2260 : i32
        %slice3A_2262 = vector.extract_strided_slice %and3A_1319 {offsets = [10], sizes = [1], strides = [1]} : vector<16xi32> to vector<1xi32>
        %squeeze3A_2263 = vector.extract %slice3A_2262[0] : i32 from vector<1xi32>
        %shift_left3A_2264 = arith.constant 6 : i32
        %shift_left3A_2265 = arith.shli %squeeze3A_2263, %shift_left3A_2264 : i32
        %add3A_2266 = arith.constant 0 : i32
        %add3A_2267 = arith.addi %shift_left3A_2265, %add3A_2266 : i32
        %get3A_2268 = arith.index_cast %add3A_2261 : i32 to index
        %get3A_2269 = arith.index_cast %add3A_2267 : i32 to index
        %get3A_2270 = tpu.vector_load %arg11[%get3A_2268, %get3A_2269] {strides = array<i32>} : memref<200x128xf32, #tpu.memory_space<vmem>>, vector<1x16xf32>,
        %get3A_2271 = vector.shape_cast %get3A_2270 : vector<1x16xf32> to vector<16xf32>
        %mul3A_2272 = arith.constant 64 : i32
        %mul3A_2273 = arith.muli %add3A_2261, %mul3A_2272 : i32
        %add3A_2274 = arith.constant 0 : i32
        %add3A_2275 = arith.addi %mul3A_2273, %add3A_2274 : i32
        %get3A_2276 = arith.index_cast %add3A_2275 : i32 to index
        %get3A_2277 = tpu.vector_load %arg7[%get3A_2276] {strides = array<i32>} : memref<12800xf32, #tpu.memory_space<vmem>>, vector<16xf32>,
        %get3A_2278 = vector.shape_cast %get3A_2277 : vector<16xf32> to vector<16xf32>
        %add3A_2279 = arith.addf %get3A_2271, %get3A_2278 : vector<16xf32>
        %mul3A_2280 = arith.constant 64 : i32
        %mul3A_2281 = arith.muli %add3A_2261, %mul3A_2280 : i32
        %add3A_2282 = arith.constant 0 : i32
        %add3A_2283 = arith.addi %mul3A_2281, %add3A_2282 : i32
        %swap3A_2284 = arith.index_cast %add3A_2283 : i32 to index
        %swap3A_2285 = tpu.vector_load %arg13[%swap3A_2284] {strides = array<i32>} : memref<12800xf32, #tpu.memory_space<vmem>>, vector<16xf32>,
        %swap3A_2286 = vector.shape_cast %swap3A_2285 : vector<16xf32> to vector<16xf32>
        %swap3A_2287 = vector.shape_cast %add3A_2279 : vector<16xf32> to vector<16xf32>
        tpu.vector_store %arg13[%swap3A_2284], %swap3A_2287 {strides = array<i32>} : memref<12800xf32, #tpu.memory_space<vmem>>, vector<16xf32>,
        %add3A_2288 = arith.constant 16 : i32
        %add3A_2289 = arith.addi %shift_left3A_2265, %add3A_2288 : i32
        %get3A_2290 = arith.index_cast %add3A_2261 : i32 to index
        %get3A_2291 = arith.index_cast %add3A_2289 : i32 to index
        %get3A_2292 = tpu.vector_load %arg11[%get3A_2290, %get3A_2291] {strides = array<i32>} : memref<200x128xf32, #tpu.memory_space<vmem>>, vector<1x16xf32>,
        %get3A_2293 = vector.shape_cast %get3A_2292 : vector<1x16xf32> to vector<16xf32>
        %mul3A_2294 = arith.constant 64 : i32
        %mul3A_2295 = arith.muli %add3A_2261, %mul3A_2294 : i32
        %add3A_2296 = arith.constant 16 : i32
        %add3A_2297 = arith.addi %mul3A_2295, %add3A_2296 : i32
        %get3A_2298 = arith.index_cast %add3A_2297 : i32 to index
        %get3A_2299 = tpu.vector_load %arg7[%get3A_2298] {strides = array<i32>} : memref<12800xf32, #tpu.memory_space<vmem>>, vector<16xf32>,
        %get3A_2300 = vector.shape_cast %get3A_2299 : vector<16xf32> to vector<16xf32>
        %add3A_2301 = arith.addf %get3A_2293, %get3A_2300 : vector<16xf32>
        %mul3A_2302 = arith.constant 64 : i32
        %mul3A_2303 = arith.muli %add3A_2261, %mul3A_2302 : i32
        %add3A_2304 = arith.constant 16 : i32
        %add3A_2305 = arith.addi %mul3A_2303, %add3A_2304 : i32
        %swap3A_2306 = arith.index_cast %add3A_2305 : i32 to index
        %swap3A_2307 = tpu.vector_load %arg13[%swap3A_2306] {strides = array<i32>} : memref<12800xf32, #tpu.memory_space<vmem>>, vector<16xf32>,
        %swap3A_2308 = vector.shape_cast %swap3A_2307 : vector<16xf32> to vector<16xf32>
        %swap3A_2309 = vector.shape_cast %add3A_2301 : vector<16xf32> to vector<16xf32>
        tpu.vector_store %arg13[%swap3A_2306], %swap3A_2309 {strides = array<i32>} : memref<12800xf32, #tpu.memory_space<vmem>>, vector<16xf32>,
        %add3A_2310 = arith.constant 32 : i32
        %add3A_2311 = arith.addi %shift_left3A_2265, %add3A_2310 : i32
        %get3A_2312 = arith.index_cast %add3A_2261 : i32 to index
        %get3A_2313 = arith.index_cast %add3A_2311 : i32 to index
        %get3A_2314 = tpu.vector_load %arg11[%get3A_2312, %get3A_2313] {strides = array<i32>} : memref<200x128xf32, #tpu.memory_space<vmem>>, vector<1x16xf32>,
        %get3A_2315 = vector.shape_cast %get3A_2314 : vector<1x16xf32> to vector<16xf32>
        %mul3A_2316 = arith.constant 64 : i32
        %mul3A_2317 = arith.muli %add3A_2261, %mul3A_2316 : i32
        %add3A_2318 = arith.constant 32 : i32
        %add3A_2319 = arith.addi %mul3A_2317, %add3A_2318 : i32
        %get3A_2320 = arith.index_cast %add3A_2319 : i32 to index
        %get3A_2321 = tpu.vector_load %arg7[%get3A_2320] {strides = array<i32>} : memref<12800xf32, #tpu.memory_space<vmem>>, vector<16xf32>,
        %get3A_2322 = vector.shape_cast %get3A_2321 : vector<16xf32> to vector<16xf32>
        %add3A_2323 = arith.addf %get3A_2315, %get3A_2322 : vector<16xf32>
        %mul3A_2324 = arith.constant 64 : i32
        %mul3A_2325 = arith.muli %add3A_2261, %mul3A_2324 : i32
        %add3A_2326 = arith.constant 32 : i32
        %add3A_2327 = arith.addi %mul3A_2325, %add3A_2326 : i32
        %swap3A_2328 = arith.index_cast %add3A_2327 : i32 to index
        %swap3A_2329 = tpu.vector_load %arg13[%swap3A_2328] {strides = array<i32>} : memref<12800xf32, #tpu.memory_space<vmem>>, vector<16xf32>,
        %swap3A_2330 = vector.shape_cast %swap3A_2329 : vector<16xf32> to vector<16xf32>
        %swap3A_2331 = vector.shape_cast %add3A_2323 : vector<16xf32> to vector<16xf32>
        tpu.vector_store %arg13[%swap3A_2328], %swap3A_2331 {strides = array<i32>} : memref<12800xf32, #tpu.memory_space<vmem>>, vector<16xf32>,
        %add3A_2332 = arith.constant 48 : i32
        %add3A_2333 = arith.addi %shift_left3A_2265, %add3A_2332 : i32
        %get3A_2334 = arith.index_cast %add3A_2261 : i32 to index
        %get3A_2335 = arith.index_cast %add3A_2333 : i32 to index
        %get3A_2336 = tpu.vector_load %arg11[%get3A_2334, %get3A_2335] {strides = array<i32>} : memref<200x128xf32, #tpu.memory_space<vmem>>, vector<1x16xf32>,
        %get3A_2337 = vector.shape_cast %get3A_2336 : vector<1x16xf32> to vector<16xf32>
        %mul3A_2338 = arith.constant 64 : i32
        %mul3A_2339 = arith.muli %add3A_2261, %mul3A_2338 : i32
        %add3A_2340 = arith.constant 48 : i32
        %add3A_2341 = arith.addi %mul3A_2339, %add3A_2340 : i32
        %get3A_2342 = arith.index_cast %add3A_2341 : i32 to index
        %get3A_2343 = tpu.vector_load %arg7[%get3A_2342] {strides = array<i32>} : memref<12800xf32, #tpu.memory_space<vmem>>, vector<16xf32>,
        %get3A_2344 = vector.shape_cast %get3A_2343 : vector<16xf32> to vector<16xf32>
        %add3A_2345 = arith.addf %get3A_2337, %get3A_2344 : vector<16xf32>
        %mul3A_2346 = arith.constant 64 : i32
        %mul3A_2347 = arith.muli %add3A_2261, %mul3A_2346 : i32
        %add3A_2348 = arith.constant 48 : i32
        %add3A_2349 = arith.addi %mul3A_2347, %add3A_2348 : i32
        %swap3A_2350 = arith.index_cast %add3A_2349 : i32 to index
        %swap3A_2351 = tpu.vector_load %arg13[%swap3A_2350] {strides = array<i32>} : memref<12800xf32, #tpu.memory_space<vmem>>, vector<16xf32>,
        %swap3A_2352 = vector.shape_cast %swap3A_2351 : vector<16xf32> to vector<16xf32>
        %swap3A_2353 = vector.shape_cast %add3A_2345 : vector<16xf32> to vector<16xf32>
        tpu.vector_store %arg13[%swap3A_2350], %swap3A_2353 {strides = array<i32>} : memref<12800xf32, #tpu.memory_space<vmem>>, vector<16xf32>,
        %add3A_2354 = arith.constant 11 : i32
        %add3A_2355 = arith.addi %mul3A_1310, %add3A_2354 : i32
        %slice3A_2356 = vector.extract_strided_slice %and3A_1319 {offsets = [11], sizes = [1], strides = [1]} : vector<16xi32> to vector<1xi32>
        %squeeze3A_2357 = vector.extract %slice3A_2356[0] : i32 from vector<1xi32>
        %shift_left3A_2358 = arith.constant 6 : i32
        %shift_left3A_2359 = arith.shli %squeeze3A_2357, %shift_left3A_2358 : i32
        %add3A_2360 = arith.constant 0 : i32
        %add3A_2361 = arith.addi %shift_left3A_2359, %add3A_2360 : i32
        %get3A_2362 = arith.index_cast %add3A_2355 : i32 to index
        %get3A_2363 = arith.index_cast %add3A_2361 : i32 to index
        %get3A_2364 = tpu.vector_load %arg11[%get3A_2362, %get3A_2363] {strides = array<i32>} : memref<200x128xf32, #tpu.memory_space<vmem>>, vector<1x16xf32>,
        %get3A_2365 = vector.shape_cast %get3A_2364 : vector<1x16xf32> to vector<16xf32>
        %mul3A_2366 = arith.constant 64 : i32
        %mul3A_2367 = arith.muli %add3A_2355, %mul3A_2366 : i32
        %add3A_2368 = arith.constant 0 : i32
        %add3A_2369 = arith.addi %mul3A_2367, %add3A_2368 : i32
        %get3A_2370 = arith.index_cast %add3A_2369 : i32 to index
        %get3A_2371 = tpu.vector_load %arg7[%get3A_2370] {strides = array<i32>} : memref<12800xf32, #tpu.memory_space<vmem>>, vector<16xf32>,
        %get3A_2372 = vector.shape_cast %get3A_2371 : vector<16xf32> to vector<16xf32>
        %add3A_2373 = arith.addf %get3A_2365, %get3A_2372 : vector<16xf32>
        %mul3A_2374 = arith.constant 64 : i32
        %mul3A_2375 = arith.muli %add3A_2355, %mul3A_2374 : i32
        %add3A_2376 = arith.constant 0 : i32
        %add3A_2377 = arith.addi %mul3A_2375, %add3A_2376 : i32
        %swap3A_2378 = arith.index_cast %add3A_2377 : i32 to index
        %swap3A_2379 = tpu.vector_load %arg13[%swap3A_2378] {strides = array<i32>} : memref<12800xf32, #tpu.memory_space<vmem>>, vector<16xf32>,
        %swap3A_2380 = vector.shape_cast %swap3A_2379 : vector<16xf32> to vector<16xf32>
        %swap3A_2381 = vector.shape_cast %add3A_2373 : vector<16xf32> to vector<16xf32>
        tpu.vector_store %arg13[%swap3A_2378], %swap3A_2381 {strides = array<i32>} : memref<12800xf32, #tpu.memory_space<vmem>>, vector<16xf32>,
        %add3A_2382 = arith.constant 16 : i32
        %add3A_2383 = arith.addi %shift_left3A_2359, %add3A_2382 : i32
        %get3A_2384 = arith.index_cast %add3A_2355 : i32 to index
        %get3A_2385 = arith.index_cast %add3A_2383 : i32 to index
        %get3A_2386 = tpu.vector_load %arg11[%get3A_2384, %get3A_2385] {strides = array<i32>} : memref<200x128xf32, #tpu.memory_space<vmem>>, vector<1x16xf32>,
        %get3A_2387 = vector.shape_cast %get3A_2386 : vector<1x16xf32> to vector<16xf32>
        %mul3A_2388 = arith.constant 64 : i32
        %mul3A_2389 = arith.muli %add3A_2355, %mul3A_2388 : i32
        %add3A_2390 = arith.constant 16 : i32
        %add3A_2391 = arith.addi %mul3A_2389, %add3A_2390 : i32
        %get3A_2392 = arith.index_cast %add3A_2391 : i32 to index
        %get3A_2393 = tpu.vector_load %arg7[%get3A_2392] {strides = array<i32>} : memref<12800xf32, #tpu.memory_space<vmem>>, vector<16xf32>,
        %get3A_2394 = vector.shape_cast %get3A_2393 : vector<16xf32> to vector<16xf32>
        %add3A_2395 = arith.addf %get3A_2387, %get3A_2394 : vector<16xf32>
        %mul3A_2396 = arith.constant 64 : i32
        %mul3A_2397 = arith.muli %add3A_2355, %mul3A_2396 : i32
        %add3A_2398 = arith.constant 16 : i32
        %add3A_2399 = arith.addi %mul3A_2397, %add3A_2398 : i32
        %swap3A_2400 = arith.index_cast %add3A_2399 : i32 to index
        %swap3A_2401 = tpu.vector_load %arg13[%swap3A_2400] {strides = array<i32>} : memref<12800xf32, #tpu.memory_space<vmem>>, vector<16xf32>,
        %swap3A_2402 = vector.shape_cast %swap3A_2401 : vector<16xf32> to vector<16xf32>
        %swap3A_2403 = vector.shape_cast %add3A_2395 : vector<16xf32> to vector<16xf32>
        tpu.vector_store %arg13[%swap3A_2400], %swap3A_2403 {strides = array<i32>} : memref<12800xf32, #tpu.memory_space<vmem>>, vector<16xf32>,
        %add3A_2404 = arith.constant 32 : i32
        %add3A_2405 = arith.addi %shift_left3A_2359, %add3A_2404 : i32
        %get3A_2406 = arith.index_cast %add3A_2355 : i32 to index
        %get3A_2407 = arith.index_cast %add3A_2405 : i32 to index
        %get3A_2408 = tpu.vector_load %arg11[%get3A_2406, %get3A_2407] {strides = array<i32>} : memref<200x128xf32, #tpu.memory_space<vmem>>, vector<1x16xf32>,
        %get3A_2409 = vector.shape_cast %get3A_2408 : vector<1x16xf32> to vector<16xf32>
        %mul3A_2410 = arith.constant 64 : i32
        %mul3A_2411 = arith.muli %add3A_2355, %mul3A_2410 : i32
        %add3A_2412 = arith.constant 32 : i32
        %add3A_2413 = arith.addi %mul3A_2411, %add3A_2412 : i32
        %get3A_2414 = arith.index_cast %add3A_2413 : i32 to index
        %get3A_2415 = tpu.vector_load %arg7[%get3A_2414] {strides = array<i32>} : memref<12800xf32, #tpu.memory_space<vmem>>, vector<16xf32>,
        %get3A_2416 = vector.shape_cast %get3A_2415 : vector<16xf32> to vector<16xf32>
        %add3A_2417 = arith.addf %get3A_2409, %get3A_2416 : vector<16xf32>
        %mul3A_2418 = arith.constant 64 : i32
        %mul3A_2419 = arith.muli %add3A_2355, %mul3A_2418 : i32
        %add3A_2420 = arith.constant 32 : i32
        %add3A_2421 = arith.addi %mul3A_2419, %add3A_2420 : i32
        %swap3A_2422 = arith.index_cast %add3A_2421 : i32 to index
        %swap3A_2423 = tpu.vector_load %arg13[%swap3A_2422] {strides = array<i32>} : memref<12800xf32, #tpu.memory_space<vmem>>, vector<16xf32>,
        %swap3A_2424 = vector.shape_cast %swap3A_2423 : vector<16xf32> to vector<16xf32>
        %swap3A_2425 = vector.shape_cast %add3A_2417 : vector<16xf32> to vector<16xf32>
        tpu.vector_store %arg13[%swap3A_2422], %swap3A_2425 {strides = array<i32>} : memref<12800xf32, #tpu.memory_space<vmem>>, vector<16xf32>,
        %add3A_2426 = arith.constant 48 : i32
        %add3A_2427 = arith.addi %shift_left3A_2359, %add3A_2426 : i32
        %get3A_2428 = arith.index_cast %add3A_2355 : i32 to index
        %get3A_2429 = arith.index_cast %add3A_2427 : i32 to index
        %get3A_2430 = tpu.vector_load %arg11[%get3A_2428, %get3A_2429] {strides = array<i32>} : memref<200x128xf32, #tpu.memory_space<vmem>>, vector<1x16xf32>,
        %get3A_2431 = vector.shape_cast %get3A_2430 : vector<1x16xf32> to vector<16xf32>
        %mul3A_2432 = arith.constant 64 : i32
        %mul3A_2433 = arith.muli %add3A_2355, %mul3A_2432 : i32
        %add3A_2434 = arith.constant 48 : i32
        %add3A_2435 = arith.addi %mul3A_2433, %add3A_2434 : i32
        %get3A_2436 = arith.index_cast %add3A_2435 : i32 to index
        %get3A_2437 = tpu.vector_load %arg7[%get3A_2436] {strides = array<i32>} : memref<12800xf32, #tpu.memory_space<vmem>>, vector<16xf32>,
        %get3A_2438 = vector.shape_cast %get3A_2437 : vector<16xf32> to vector<16xf32>
        %add3A_2439 = arith.addf %get3A_2431, %get3A_2438 : vector<16xf32>
        %mul3A_2440 = arith.constant 64 : i32
        %mul3A_2441 = arith.muli %add3A_2355, %mul3A_2440 : i32
        %add3A_2442 = arith.constant 48 : i32
        %add3A_2443 = arith.addi %mul3A_2441, %add3A_2442 : i32
        %swap3A_2444 = arith.index_cast %add3A_2443 : i32 to index
        %swap3A_2445 = tpu.vector_load %arg13[%swap3A_2444] {strides = array<i32>} : memref<12800xf32, #tpu.memory_space<vmem>>, vector<16xf32>,
        %swap3A_2446 = vector.shape_cast %swap3A_2445 : vector<16xf32> to vector<16xf32>
        %swap3A_2447 = vector.shape_cast %add3A_2439 : vector<16xf32> to vector<16xf32>
        tpu.vector_store %arg13[%swap3A_2444], %swap3A_2447 {strides = array<i32>} : memref<12800xf32, #tpu.memory_space<vmem>>, vector<16xf32>,
        %add3A_2448 = arith.constant 12 : i32
        %add3A_2449 = arith.addi %mul3A_1310, %add3A_2448 : i32
        %slice3A_2450 = vector.extract_strided_slice %and3A_1319 {offsets = [12], sizes = [1], strides = [1]} : vector<16xi32> to vector<1xi32>
        %squeeze3A_2451 = vector.extract %slice3A_2450[0] : i32 from vector<1xi32>
        %shift_left3A_2452 = arith.constant 6 : i32
        %shift_left3A_2453 = arith.shli %squeeze3A_2451, %shift_left3A_2452 : i32
        %add3A_2454 = arith.constant 0 : i32
        %add3A_2455 = arith.addi %shift_left3A_2453, %add3A_2454 : i32
        %get3A_2456 = arith.index_cast %add3A_2449 : i32 to index
        %get3A_2457 = arith.index_cast %add3A_2455 : i32 to index
        %get3A_2458 = tpu.vector_load %arg11[%get3A_2456, %get3A_2457] {strides = array<i32>} : memref<200x128xf32, #tpu.memory_space<vmem>>, vector<1x16xf32>,
        %get3A_2459 = vector.shape_cast %get3A_2458 : vector<1x16xf32> to vector<16xf32>
        %mul3A_2460 = arith.constant 64 : i32
        %mul3A_2461 = arith.muli %add3A_2449, %mul3A_2460 : i32
        %add3A_2462 = arith.constant 0 : i32
        %add3A_2463 = arith.addi %mul3A_2461, %add3A_2462 : i32
        %get3A_2464 = arith.index_cast %add3A_2463 : i32 to index
        %get3A_2465 = tpu.vector_load %arg7[%get3A_2464] {strides = array<i32>} : memref<12800xf32, #tpu.memory_space<vmem>>, vector<16xf32>,
        %get3A_2466 = vector.shape_cast %get3A_2465 : vector<16xf32> to vector<16xf32>
        %add3A_2467 = arith.addf %get3A_2459, %get3A_2466 : vector<16xf32>
        %mul3A_2468 = arith.constant 64 : i32
        %mul3A_2469 = arith.muli %add3A_2449, %mul3A_2468 : i32
        %add3A_2470 = arith.constant 0 : i32
        %add3A_2471 = arith.addi %mul3A_2469, %add3A_2470 : i32
        %swap3A_2472 = arith.index_cast %add3A_2471 : i32 to index
        %swap3A_2473 = tpu.vector_load %arg13[%swap3A_2472] {strides = array<i32>} : memref<12800xf32, #tpu.memory_space<vmem>>, vector<16xf32>,
        %swap3A_2474 = vector.shape_cast %swap3A_2473 : vector<16xf32> to vector<16xf32>
        %swap3A_2475 = vector.shape_cast %add3A_2467 : vector<16xf32> to vector<16xf32>
        tpu.vector_store %arg13[%swap3A_2472], %swap3A_2475 {strides = array<i32>} : memref<12800xf32, #tpu.memory_space<vmem>>, vector<16xf32>,
        %add3A_2476 = arith.constant 16 : i32
        %add3A_2477 = arith.addi %shift_left3A_2453, %add3A_2476 : i32
        %get3A_2478 = arith.index_cast %add3A_2449 : i32 to index
        %get3A_2479 = arith.index_cast %add3A_2477 : i32 to index
        %get3A_2480 = tpu.vector_load %arg11[%get3A_2478, %get3A_2479] {strides = array<i32>} : memref<200x128xf32, #tpu.memory_space<vmem>>, vector<1x16xf32>,
        %get3A_2481 = vector.shape_cast %get3A_2480 : vector<1x16xf32> to vector<16xf32>
        %mul3A_2482 = arith.constant 64 : i32
        %mul3A_2483 = arith.muli %add3A_2449, %mul3A_2482 : i32
        %add3A_2484 = arith.constant 16 : i32
        %add3A_2485 = arith.addi %mul3A_2483, %add3A_2484 : i32
        %get3A_2486 = arith.index_cast %add3A_2485 : i32 to index
        %get3A_2487 = tpu.vector_load %arg7[%get3A_2486] {strides = array<i32>} : memref<12800xf32, #tpu.memory_space<vmem>>, vector<16xf32>,
        %get3A_2488 = vector.shape_cast %get3A_2487 : vector<16xf32> to vector<16xf32>
        %add3A_2489 = arith.addf %get3A_2481, %get3A_2488 : vector<16xf32>
        %mul3A_2490 = arith.constant 64 : i32
        %mul3A_2491 = arith.muli %add3A_2449, %mul3A_2490 : i32
        %add3A_2492 = arith.constant 16 : i32
        %add3A_2493 = arith.addi %mul3A_2491, %add3A_2492 : i32
        %swap3A_2494 = arith.index_cast %add3A_2493 : i32 to index
        %swap3A_2495 = tpu.vector_load %arg13[%swap3A_2494] {strides = array<i32>} : memref<12800xf32, #tpu.memory_space<vmem>>, vector<16xf32>,
        %swap3A_2496 = vector.shape_cast %swap3A_2495 : vector<16xf32> to vector<16xf32>
        %swap3A_2497 = vector.shape_cast %add3A_2489 : vector<16xf32> to vector<16xf32>
        tpu.vector_store %arg13[%swap3A_2494], %swap3A_2497 {strides = array<i32>} : memref<12800xf32, #tpu.memory_space<vmem>>, vector<16xf32>,
        %add3A_2498 = arith.constant 32 : i32
        %add3A_2499 = arith.addi %shift_left3A_2453, %add3A_2498 : i32
        %get3A_2500 = arith.index_cast %add3A_2449 : i32 to index
        %get3A_2501 = arith.index_cast %add3A_2499 : i32 to index
        %get3A_2502 = tpu.vector_load %arg11[%get3A_2500, %get3A_2501] {strides = array<i32>} : memref<200x128xf32, #tpu.memory_space<vmem>>, vector<1x16xf32>,
        %get3A_2503 = vector.shape_cast %get3A_2502 : vector<1x16xf32> to vector<16xf32>
        %mul3A_2504 = arith.constant 64 : i32
        %mul3A_2505 = arith.muli %add3A_2449, %mul3A_2504 : i32
        %add3A_2506 = arith.constant 32 : i32
        %add3A_2507 = arith.addi %mul3A_2505, %add3A_2506 : i32
        %get3A_2508 = arith.index_cast %add3A_2507 : i32 to index
        %get3A_2509 = tpu.vector_load %arg7[%get3A_2508] {strides = array<i32>} : memref<12800xf32, #tpu.memory_space<vmem>>, vector<16xf32>,
        %get3A_2510 = vector.shape_cast %get3A_2509 : vector<16xf32> to vector<16xf32>
        %add3A_2511 = arith.addf %get3A_2503, %get3A_2510 : vector<16xf32>
        %mul3A_2512 = arith.constant 64 : i32
        %mul3A_2513 = arith.muli %add3A_2449, %mul3A_2512 : i32
        %add3A_2514 = arith.constant 32 : i32
        %add3A_2515 = arith.addi %mul3A_2513, %add3A_2514 : i32
        %swap3A_2516 = arith.index_cast %add3A_2515 : i32 to index
        %swap3A_2517 = tpu.vector_load %arg13[%swap3A_2516] {strides = array<i32>} : memref<12800xf32, #tpu.memory_space<vmem>>, vector<16xf32>,
        %swap3A_2518 = vector.shape_cast %swap3A_2517 : vector<16xf32> to vector<16xf32>
        %swap3A_2519 = vector.shape_cast %add3A_2511 : vector<16xf32> to vector<16xf32>
        tpu.vector_store %arg13[%swap3A_2516], %swap3A_2519 {strides = array<i32>} : memref<12800xf32, #tpu.memory_space<vmem>>, vector<16xf32>,
        %add3A_2520 = arith.constant 48 : i32
        %add3A_2521 = arith.addi %shift_left3A_2453, %add3A_2520 : i32
        %get3A_2522 = arith.index_cast %add3A_2449 : i32 to index
        %get3A_2523 = arith.index_cast %add3A_2521 : i32 to index
        %get3A_2524 = tpu.vector_load %arg11[%get3A_2522, %get3A_2523] {strides = array<i32>} : memref<200x128xf32, #tpu.memory_space<vmem>>, vector<1x16xf32>,
        %get3A_2525 = vector.shape_cast %get3A_2524 : vector<1x16xf32> to vector<16xf32>
        %mul3A_2526 = arith.constant 64 : i32
        %mul3A_2527 = arith.muli %add3A_2449, %mul3A_2526 : i32
        %add3A_2528 = arith.constant 48 : i32
        %add3A_2529 = arith.addi %mul3A_2527, %add3A_2528 : i32
        %get3A_2530 = arith.index_cast %add3A_2529 : i32 to index
        %get3A_2531 = tpu.vector_load %arg7[%get3A_2530] {strides = array<i32>} : memref<12800xf32, #tpu.memory_space<vmem>>, vector<16xf32>,
        %get3A_2532 = vector.shape_cast %get3A_2531 : vector<16xf32> to vector<16xf32>
        %add3A_2533 = arith.addf %get3A_2525, %get3A_2532 : vector<16xf32>
        %mul3A_2534 = arith.constant 64 : i32
        %mul3A_2535 = arith.muli %add3A_2449, %mul3A_2534 : i32
        %add3A_2536 = arith.constant 48 : i32
        %add3A_2537 = arith.addi %mul3A_2535, %add3A_2536 : i32
        %swap3A_2538 = arith.index_cast %add3A_2537 : i32 to index
        %swap3A_2539 = tpu.vector_load %arg13[%swap3A_2538] {strides = array<i32>} : memref<12800xf32, #tpu.memory_space<vmem>>, vector<16xf32>,
        %swap3A_2540 = vector.shape_cast %swap3A_2539 : vector<16xf32> to vector<16xf32>
        %swap3A_2541 = vector.shape_cast %add3A_2533 : vector<16xf32> to vector<16xf32>
        tpu.vector_store %arg13[%swap3A_2538], %swap3A_2541 {strides = array<i32>} : memref<12800xf32, #tpu.memory_space<vmem>>, vector<16xf32>,
        %add3A_2542 = arith.constant 13 : i32
        %add3A_2543 = arith.addi %mul3A_1310, %add3A_2542 : i32
        %slice3A_2544 = vector.extract_strided_slice %and3A_1319 {offsets = [13], sizes = [1], strides = [1]} : vector<16xi32> to vector<1xi32>
        %squeeze3A_2545 = vector.extract %slice3A_2544[0] : i32 from vector<1xi32>
        %shift_left3A_2546 = arith.constant 6 : i32
        %shift_left3A_2547 = arith.shli %squeeze3A_2545, %shift_left3A_2546 : i32
        %add3A_2548 = arith.constant 0 : i32
        %add3A_2549 = arith.addi %shift_left3A_2547, %add3A_2548 : i32
        %get3A_2550 = arith.index_cast %add3A_2543 : i32 to index
        %get3A_2551 = arith.index_cast %add3A_2549 : i32 to index
        %get3A_2552 = tpu.vector_load %arg11[%get3A_2550, %get3A_2551] {strides = array<i32>} : memref<200x128xf32, #tpu.memory_space<vmem>>, vector<1x16xf32>,
        %get3A_2553 = vector.shape_cast %get3A_2552 : vector<1x16xf32> to vector<16xf32>
        %mul3A_2554 = arith.constant 64 : i32
        %mul3A_2555 = arith.muli %add3A_2543, %mul3A_2554 : i32
        %add3A_2556 = arith.constant 0 : i32
        %add3A_2557 = arith.addi %mul3A_2555, %add3A_2556 : i32
        %get3A_2558 = arith.index_cast %add3A_2557 : i32 to index
        %get3A_2559 = tpu.vector_load %arg7[%get3A_2558] {strides = array<i32>} : memref<12800xf32, #tpu.memory_space<vmem>>, vector<16xf32>,
        %get3A_2560 = vector.shape_cast %get3A_2559 : vector<16xf32> to vector<16xf32>
        %add3A_2561 = arith.addf %get3A_2553, %get3A_2560 : vector<16xf32>
        %mul3A_2562 = arith.constant 64 : i32
        %mul3A_2563 = arith.muli %add3A_2543, %mul3A_2562 : i32
        %add3A_2564 = arith.constant 0 : i32
        %add3A_2565 = arith.addi %mul3A_2563, %add3A_2564 : i32
        %swap3A_2566 = arith.index_cast %add3A_2565 : i32 to index
        %swap3A_2567 = tpu.vector_load %arg13[%swap3A_2566] {strides = array<i32>} : memref<12800xf32, #tpu.memory_space<vmem>>, vector<16xf32>,
        %swap3A_2568 = vector.shape_cast %swap3A_2567 : vector<16xf32> to vector<16xf32>
        %swap3A_2569 = vector.shape_cast %add3A_2561 : vector<16xf32> to vector<16xf32>
        tpu.vector_store %arg13[%swap3A_2566], %swap3A_2569 {strides = array<i32>} : memref<12800xf32, #tpu.memory_space<vmem>>, vector<16xf32>,
        %add3A_2570 = arith.constant 16 : i32
        %add3A_2571 = arith.addi %shift_left3A_2547, %add3A_2570 : i32
        %get3A_2572 = arith.index_cast %add3A_2543 : i32 to index
        %get3A_2573 = arith.index_cast %add3A_2571 : i32 to index
        %get3A_2574 = tpu.vector_load %arg11[%get3A_2572, %get3A_2573] {strides = array<i32>} : memref<200x128xf32, #tpu.memory_space<vmem>>, vector<1x16xf32>,
        %get3A_2575 = vector.shape_cast %get3A_2574 : vector<1x16xf32> to vector<16xf32>
        %mul3A_2576 = arith.constant 64 : i32
        %mul3A_2577 = arith.muli %add3A_2543, %mul3A_2576 : i32
        %add3A_2578 = arith.constant 16 : i32
        %add3A_2579 = arith.addi %mul3A_2577, %add3A_2578 : i32
        %get3A_2580 = arith.index_cast %add3A_2579 : i32 to index
        %get3A_2581 = tpu.vector_load %arg7[%get3A_2580] {strides = array<i32>} : memref<12800xf32, #tpu.memory_space<vmem>>, vector<16xf32>,
        %get3A_2582 = vector.shape_cast %get3A_2581 : vector<16xf32> to vector<16xf32>
        %add3A_2583 = arith.addf %get3A_2575, %get3A_2582 : vector<16xf32>
        %mul3A_2584 = arith.constant 64 : i32
        %mul3A_2585 = arith.muli %add3A_2543, %mul3A_2584 : i32
        %add3A_2586 = arith.constant 16 : i32
        %add3A_2587 = arith.addi %mul3A_2585, %add3A_2586 : i32
        %swap3A_2588 = arith.index_cast %add3A_2587 : i32 to index
        %swap3A_2589 = tpu.vector_load %arg13[%swap3A_2588] {strides = array<i32>} : memref<12800xf32, #tpu.memory_space<vmem>>, vector<16xf32>,
        %swap3A_2590 = vector.shape_cast %swap3A_2589 : vector<16xf32> to vector<16xf32>
        %swap3A_2591 = vector.shape_cast %add3A_2583 : vector<16xf32> to vector<16xf32>
        tpu.vector_store %arg13[%swap3A_2588], %swap3A_2591 {strides = array<i32>} : memref<12800xf32, #tpu.memory_space<vmem>>, vector<16xf32>,
        %add3A_2592 = arith.constant 32 : i32
        %add3A_2593 = arith.addi %shift_left3A_2547, %add3A_2592 : i32
        %get3A_2594 = arith.index_cast %add3A_2543 : i32 to index
        %get3A_2595 = arith.index_cast %add3A_2593 : i32 to index
        %get3A_2596 = tpu.vector_load %arg11[%get3A_2594, %get3A_2595] {strides = array<i32>} : memref<200x128xf32, #tpu.memory_space<vmem>>, vector<1x16xf32>,
        %get3A_2597 = vector.shape_cast %get3A_2596 : vector<1x16xf32> to vector<16xf32>
        %mul3A_2598 = arith.constant 64 : i32
        %mul3A_2599 = arith.muli %add3A_2543, %mul3A_2598 : i32
        %add3A_2600 = arith.constant 32 : i32
        %add3A_2601 = arith.addi %mul3A_2599, %add3A_2600 : i32
        %get3A_2602 = arith.index_cast %add3A_2601 : i32 to index
        %get3A_2603 = tpu.vector_load %arg7[%get3A_2602] {strides = array<i32>} : memref<12800xf32, #tpu.memory_space<vmem>>, vector<16xf32>,
        %get3A_2604 = vector.shape_cast %get3A_2603 : vector<16xf32> to vector<16xf32>
        %add3A_2605 = arith.addf %get3A_2597, %get3A_2604 : vector<16xf32>
        %mul3A_2606 = arith.constant 64 : i32
        %mul3A_2607 = arith.muli %add3A_2543, %mul3A_2606 : i32
        %add3A_2608 = arith.constant 32 : i32
        %add3A_2609 = arith.addi %mul3A_2607, %add3A_2608 : i32
        %swap3A_2610 = arith.index_cast %add3A_2609 : i32 to index
        %swap3A_2611 = tpu.vector_load %arg13[%swap3A_2610] {strides = array<i32>} : memref<12800xf32, #tpu.memory_space<vmem>>, vector<16xf32>,
        %swap3A_2612 = vector.shape_cast %swap3A_2611 : vector<16xf32> to vector<16xf32>
        %swap3A_2613 = vector.shape_cast %add3A_2605 : vector<16xf32> to vector<16xf32>
        tpu.vector_store %arg13[%swap3A_2610], %swap3A_2613 {strides = array<i32>} : memref<12800xf32, #tpu.memory_space<vmem>>, vector<16xf32>,
        %add3A_2614 = arith.constant 48 : i32
        %add3A_2615 = arith.addi %shift_left3A_2547, %add3A_2614 : i32
        %get3A_2616 = arith.index_cast %add3A_2543 : i32 to index
        %get3A_2617 = arith.index_cast %add3A_2615 : i32 to index
        %get3A_2618 = tpu.vector_load %arg11[%get3A_2616, %get3A_2617] {strides = array<i32>} : memref<200x128xf32, #tpu.memory_space<vmem>>, vector<1x16xf32>,
        %get3A_2619 = vector.shape_cast %get3A_2618 : vector<1x16xf32> to vector<16xf32>
        %mul3A_2620 = arith.constant 64 : i32
        %mul3A_2621 = arith.muli %add3A_2543, %mul3A_2620 : i32
        %add3A_2622 = arith.constant 48 : i32
        %add3A_2623 = arith.addi %mul3A_2621, %add3A_2622 : i32
        %get3A_2624 = arith.index_cast %add3A_2623 : i32 to index
        %get3A_2625 = tpu.vector_load %arg7[%get3A_2624] {strides = array<i32>} : memref<12800xf32, #tpu.memory_space<vmem>>, vector<16xf32>,
        %get3A_2626 = vector.shape_cast %get3A_2625 : vector<16xf32> to vector<16xf32>
        %add3A_2627 = arith.addf %get3A_2619, %get3A_2626 : vector<16xf32>
        %mul3A_2628 = arith.constant 64 : i32
        %mul3A_2629 = arith.muli %add3A_2543, %mul3A_2628 : i32
        %add3A_2630 = arith.constant 48 : i32
        %add3A_2631 = arith.addi %mul3A_2629, %add3A_2630 : i32
        %swap3A_2632 = arith.index_cast %add3A_2631 : i32 to index
        %swap3A_2633 = tpu.vector_load %arg13[%swap3A_2632] {strides = array<i32>} : memref<12800xf32, #tpu.memory_space<vmem>>, vector<16xf32>,
        %swap3A_2634 = vector.shape_cast %swap3A_2633 : vector<16xf32> to vector<16xf32>
        %swap3A_2635 = vector.shape_cast %add3A_2627 : vector<16xf32> to vector<16xf32>
        tpu.vector_store %arg13[%swap3A_2632], %swap3A_2635 {strides = array<i32>} : memref<12800xf32, #tpu.memory_space<vmem>>, vector<16xf32>,
        %add3A_2636 = arith.constant 14 : i32
        %add3A_2637 = arith.addi %mul3A_1310, %add3A_2636 : i32
        %slice3A_2638 = vector.extract_strided_slice %and3A_1319 {offsets = [14], sizes = [1], strides = [1]} : vector<16xi32> to vector<1xi32>
        %squeeze3A_2639 = vector.extract %slice3A_2638[0] : i32 from vector<1xi32>
        %shift_left3A_2640 = arith.constant 6 : i32
        %shift_left3A_2641 = arith.shli %squeeze3A_2639, %shift_left3A_2640 : i32
        %add3A_2642 = arith.constant 0 : i32
        %add3A_2643 = arith.addi %shift_left3A_2641, %add3A_2642 : i32
        %get3A_2644 = arith.index_cast %add3A_2637 : i32 to index
        %get3A_2645 = arith.index_cast %add3A_2643 : i32 to index
        %get3A_2646 = tpu.vector_load %arg11[%get3A_2644, %get3A_2645] {strides = array<i32>} : memref<200x128xf32, #tpu.memory_space<vmem>>, vector<1x16xf32>,
        %get3A_2647 = vector.shape_cast %get3A_2646 : vector<1x16xf32> to vector<16xf32>
        %mul3A_2648 = arith.constant 64 : i32
        %mul3A_2649 = arith.muli %add3A_2637, %mul3A_2648 : i32
        %add3A_2650 = arith.constant 0 : i32
        %add3A_2651 = arith.addi %mul3A_2649, %add3A_2650 : i32
        %get3A_2652 = arith.index_cast %add3A_2651 : i32 to index
        %get3A_2653 = tpu.vector_load %arg7[%get3A_2652] {strides = array<i32>} : memref<12800xf32, #tpu.memory_space<vmem>>, vector<16xf32>,
        %get3A_2654 = vector.shape_cast %get3A_2653 : vector<16xf32> to vector<16xf32>
        %add3A_2655 = arith.addf %get3A_2647, %get3A_2654 : vector<16xf32>
        %mul3A_2656 = arith.constant 64 : i32
        %mul3A_2657 = arith.muli %add3A_2637, %mul3A_2656 : i32
        %add3A_2658 = arith.constant 0 : i32
        %add3A_2659 = arith.addi %mul3A_2657, %add3A_2658 : i32
        %swap3A_2660 = arith.index_cast %add3A_2659 : i32 to index
        %swap3A_2661 = tpu.vector_load %arg13[%swap3A_2660] {strides = array<i32>} : memref<12800xf32, #tpu.memory_space<vmem>>, vector<16xf32>,
        %swap3A_2662 = vector.shape_cast %swap3A_2661 : vector<16xf32> to vector<16xf32>
        %swap3A_2663 = vector.shape_cast %add3A_2655 : vector<16xf32> to vector<16xf32>
        tpu.vector_store %arg13[%swap3A_2660], %swap3A_2663 {strides = array<i32>} : memref<12800xf32, #tpu.memory_space<vmem>>, vector<16xf32>,
        %add3A_2664 = arith.constant 16 : i32
        %add3A_2665 = arith.addi %shift_left3A_2641, %add3A_2664 : i32
        %get3A_2666 = arith.index_cast %add3A_2637 : i32 to index
        %get3A_2667 = arith.index_cast %add3A_2665 : i32 to index
        %get3A_2668 = tpu.vector_load %arg11[%get3A_2666, %get3A_2667] {strides = array<i32>} : memref<200x128xf32, #tpu.memory_space<vmem>>, vector<1x16xf32>,
        %get3A_2669 = vector.shape_cast %get3A_2668 : vector<1x16xf32> to vector<16xf32>
        %mul3A_2670 = arith.constant 64 : i32
        %mul3A_2671 = arith.muli %add3A_2637, %mul3A_2670 : i32
        %add3A_2672 = arith.constant 16 : i32
        %add3A_2673 = arith.addi %mul3A_2671, %add3A_2672 : i32
        %get3A_2674 = arith.index_cast %add3A_2673 : i32 to index
        %get3A_2675 = tpu.vector_load %arg7[%get3A_2674] {strides = array<i32>} : memref<12800xf32, #tpu.memory_space<vmem>>, vector<16xf32>,
        %get3A_2676 = vector.shape_cast %get3A_2675 : vector<16xf32> to vector<16xf32>
        %add3A_2677 = arith.addf %get3A_2669, %get3A_2676 : vector<16xf32>
        %mul3A_2678 = arith.constant 64 : i32
        %mul3A_2679 = arith.muli %add3A_2637, %mul3A_2678 : i32
        %add3A_2680 = arith.constant 16 : i32
        %add3A_2681 = arith.addi %mul3A_2679, %add3A_2680 : i32
        %swap3A_2682 = arith.index_cast %add3A_2681 : i32 to index
        %swap3A_2683 = tpu.vector_load %arg13[%swap3A_2682] {strides = array<i32>} : memref<12800xf32, #tpu.memory_space<vmem>>, vector<16xf32>,
        %swap3A_2684 = vector.shape_cast %swap3A_2683 : vector<16xf32> to vector<16xf32>
        %swap3A_2685 = vector.shape_cast %add3A_2677 : vector<16xf32> to vector<16xf32>
        tpu.vector_store %arg13[%swap3A_2682], %swap3A_2685 {strides = array<i32>} : memref<12800xf32, #tpu.memory_space<vmem>>, vector<16xf32>,
        %add3A_2686 = arith.constant 32 : i32
        %add3A_2687 = arith.addi %shift_left3A_2641, %add3A_2686 : i32
        %get3A_2688 = arith.index_cast %add3A_2637 : i32 to index
        %get3A_2689 = arith.index_cast %add3A_2687 : i32 to index
        %get3A_2690 = tpu.vector_load %arg11[%get3A_2688, %get3A_2689] {strides = array<i32>} : memref<200x128xf32, #tpu.memory_space<vmem>>, vector<1x16xf32>,
        %get3A_2691 = vector.shape_cast %get3A_2690 : vector<1x16xf32> to vector<16xf32>
        %mul3A_2692 = arith.constant 64 : i32
        %mul3A_2693 = arith.muli %add3A_2637, %mul3A_2692 : i32
        %add3A_2694 = arith.constant 32 : i32
        %add3A_2695 = arith.addi %mul3A_2693, %add3A_2694 : i32
        %get3A_2696 = arith.index_cast %add3A_2695 : i32 to index
        %get3A_2697 = tpu.vector_load %arg7[%get3A_2696] {strides = array<i32>} : memref<12800xf32, #tpu.memory_space<vmem>>, vector<16xf32>,
        %get3A_2698 = vector.shape_cast %get3A_2697 : vector<16xf32> to vector<16xf32>
        %add3A_2699 = arith.addf %get3A_2691, %get3A_2698 : vector<16xf32>
        %mul3A_2700 = arith.constant 64 : i32
        %mul3A_2701 = arith.muli %add3A_2637, %mul3A_2700 : i32
        %add3A_2702 = arith.constant 32 : i32
        %add3A_2703 = arith.addi %mul3A_2701, %add3A_2702 : i32
        %swap3A_2704 = arith.index_cast %add3A_2703 : i32 to index
        %swap3A_2705 = tpu.vector_load %arg13[%swap3A_2704] {strides = array<i32>} : memref<12800xf32, #tpu.memory_space<vmem>>, vector<16xf32>,
        %swap3A_2706 = vector.shape_cast %swap3A_2705 : vector<16xf32> to vector<16xf32>
        %swap3A_2707 = vector.shape_cast %add3A_2699 : vector<16xf32> to vector<16xf32>
        tpu.vector_store %arg13[%swap3A_2704], %swap3A_2707 {strides = array<i32>} : memref<12800xf32, #tpu.memory_space<vmem>>, vector<16xf32>,
        %add3A_2708 = arith.constant 48 : i32
        %add3A_2709 = arith.addi %shift_left3A_2641, %add3A_2708 : i32
        %get3A_2710 = arith.index_cast %add3A_2637 : i32 to index
        %get3A_2711 = arith.index_cast %add3A_2709 : i32 to index
        %get3A_2712 = tpu.vector_load %arg11[%get3A_2710, %get3A_2711] {strides = array<i32>} : memref<200x128xf32, #tpu.memory_space<vmem>>, vector<1x16xf32>,
        %get3A_2713 = vector.shape_cast %get3A_2712 : vector<1x16xf32> to vector<16xf32>
        %mul3A_2714 = arith.constant 64 : i32
        %mul3A_2715 = arith.muli %add3A_2637, %mul3A_2714 : i32
        %add3A_2716 = arith.constant 48 : i32
        %add3A_2717 = arith.addi %mul3A_2715, %add3A_2716 : i32
        %get3A_2718 = arith.index_cast %add3A_2717 : i32 to index
        %get3A_2719 = tpu.vector_load %arg7[%get3A_2718] {strides = array<i32>} : memref<12800xf32, #tpu.memory_space<vmem>>, vector<16xf32>,
        %get3A_2720 = vector.shape_cast %get3A_2719 : vector<16xf32> to vector<16xf32>
        %add3A_2721 = arith.addf %get3A_2713, %get3A_2720 : vector<16xf32>
        %mul3A_2722 = arith.constant 64 : i32
        %mul3A_2723 = arith.muli %add3A_2637, %mul3A_2722 : i32
        %add3A_2724 = arith.constant 48 : i32
        %add3A_2725 = arith.addi %mul3A_2723, %add3A_2724 : i32
        %swap3A_2726 = arith.index_cast %add3A_2725 : i32 to index
        %swap3A_2727 = tpu.vector_load %arg13[%swap3A_2726] {strides = array<i32>} : memref<12800xf32, #tpu.memory_space<vmem>>, vector<16xf32>,
        %swap3A_2728 = vector.shape_cast %swap3A_2727 : vector<16xf32> to vector<16xf32>
        %swap3A_2729 = vector.shape_cast %add3A_2721 : vector<16xf32> to vector<16xf32>
        tpu.vector_store %arg13[%swap3A_2726], %swap3A_2729 {strides = array<i32>} : memref<12800xf32, #tpu.memory_space<vmem>>, vector<16xf32>,
        %add3A_2730 = arith.constant 15 : i32
        %add3A_2731 = arith.addi %mul3A_1310, %add3A_2730 : i32
        %slice3A_2732 = vector.extract_strided_slice %and3A_1319 {offsets = [15], sizes = [1], strides = [1]} : vector<16xi32> to vector<1xi32>
        %squeeze3A_2733 = vector.extract %slice3A_2732[0] : i32 from vector<1xi32>
        %shift_left3A_2734 = arith.constant 6 : i32
        %shift_left3A_2735 = arith.shli %squeeze3A_2733, %shift_left3A_2734 : i32
        %add3A_2736 = arith.constant 0 : i32
        %add3A_2737 = arith.addi %shift_left3A_2735, %add3A_2736 : i32
        %get3A_2738 = arith.index_cast %add3A_2731 : i32 to index
        %get3A_2739 = arith.index_cast %add3A_2737 : i32 to index
        %get3A_2740 = tpu.vector_load %arg11[%get3A_2738, %get3A_2739] {strides = array<i32>} : memref<200x128xf32, #tpu.memory_space<vmem>>, vector<1x16xf32>,
        %get3A_2741 = vector.shape_cast %get3A_2740 : vector<1x16xf32> to vector<16xf32>
        %mul3A_2742 = arith.constant 64 : i32
        %mul3A_2743 = arith.muli %add3A_2731, %mul3A_2742 : i32
        %add3A_2744 = arith.constant 0 : i32
        %add3A_2745 = arith.addi %mul3A_2743, %add3A_2744 : i32
        %get3A_2746 = arith.index_cast %add3A_2745 : i32 to index
        %get3A_2747 = tpu.vector_load %arg7[%get3A_2746] {strides = array<i32>} : memref<12800xf32, #tpu.memory_space<vmem>>, vector<16xf32>,
        %get3A_2748 = vector.shape_cast %get3A_2747 : vector<16xf32> to vector<16xf32>
        %add3A_2749 = arith.addf %get3A_2741, %get3A_2748 : vector<16xf32>
        %mul3A_2750 = arith.constant 64 : i32
        %mul3A_2751 = arith.muli %add3A_2731, %mul3A_2750 : i32
        %add3A_2752 = arith.constant 0 : i32
        %add3A_2753 = arith.addi %mul3A_2751, %add3A_2752 : i32
        %swap3A_2754 = arith.index_cast %add3A_2753 : i32 to index
        %swap3A_2755 = tpu.vector_load %arg13[%swap3A_2754] {strides = array<i32>} : memref<12800xf32, #tpu.memory_space<vmem>>, vector<16xf32>,
        %swap3A_2756 = vector.shape_cast %swap3A_2755 : vector<16xf32> to vector<16xf32>
        %swap3A_2757 = vector.shape_cast %add3A_2749 : vector<16xf32> to vector<16xf32>
        tpu.vector_store %arg13[%swap3A_2754], %swap3A_2757 {strides = array<i32>} : memref<12800xf32, #tpu.memory_space<vmem>>, vector<16xf32>,
        %add3A_2758 = arith.constant 16 : i32
        %add3A_2759 = arith.addi %shift_left3A_2735, %add3A_2758 : i32
        %get3A_2760 = arith.index_cast %add3A_2731 : i32 to index
        %get3A_2761 = arith.index_cast %add3A_2759 : i32 to index
        %get3A_2762 = tpu.vector_load %arg11[%get3A_2760, %get3A_2761] {strides = array<i32>} : memref<200x128xf32, #tpu.memory_space<vmem>>, vector<1x16xf32>,
        %get3A_2763 = vector.shape_cast %get3A_2762 : vector<1x16xf32> to vector<16xf32>
        %mul3A_2764 = arith.constant 64 : i32
        %mul3A_2765 = arith.muli %add3A_2731, %mul3A_2764 : i32
        %add3A_2766 = arith.constant 16 : i32
        %add3A_2767 = arith.addi %mul3A_2765, %add3A_2766 : i32
        %get3A_2768 = arith.index_cast %add3A_2767 : i32 to index
        %get3A_2769 = tpu.vector_load %arg7[%get3A_2768] {strides = array<i32>} : memref<12800xf32, #tpu.memory_space<vmem>>, vector<16xf32>,
        %get3A_2770 = vector.shape_cast %get3A_2769 : vector<16xf32> to vector<16xf32>
        %add3A_2771 = arith.addf %get3A_2763, %get3A_2770 : vector<16xf32>
        %mul3A_2772 = arith.constant 64 : i32
        %mul3A_2773 = arith.muli %add3A_2731, %mul3A_2772 : i32
        %add3A_2774 = arith.constant 16 : i32
        %add3A_2775 = arith.addi %mul3A_2773, %add3A_2774 : i32
        %swap3A_2776 = arith.index_cast %add3A_2775 : i32 to index
        %swap3A_2777 = tpu.vector_load %arg13[%swap3A_2776] {strides = array<i32>} : memref<12800xf32, #tpu.memory_space<vmem>>, vector<16xf32>,
        %swap3A_2778 = vector.shape_cast %swap3A_2777 : vector<16xf32> to vector<16xf32>
        %swap3A_2779 = vector.shape_cast %add3A_2771 : vector<16xf32> to vector<16xf32>
        tpu.vector_store %arg13[%swap3A_2776], %swap3A_2779 {strides = array<i32>} : memref<12800xf32, #tpu.memory_space<vmem>>, vector<16xf32>,
        %add3A_2780 = arith.constant 32 : i32
        %add3A_2781 = arith.addi %shift_left3A_2735, %add3A_2780 : i32
        %get3A_2782 = arith.index_cast %add3A_2731 : i32 to index
        %get3A_2783 = arith.index_cast %add3A_2781 : i32 to index
        %get3A_2784 = tpu.vector_load %arg11[%get3A_2782, %get3A_2783] {strides = array<i32>} : memref<200x128xf32, #tpu.memory_space<vmem>>, vector<1x16xf32>,
        %get3A_2785 = vector.shape_cast %get3A_2784 : vector<1x16xf32> to vector<16xf32>
        %mul3A_2786 = arith.constant 64 : i32
        %mul3A_2787 = arith.muli %add3A_2731, %mul3A_2786 : i32
        %add3A_2788 = arith.constant 32 : i32
        %add3A_2789 = arith.addi %mul3A_2787, %add3A_2788 : i32
        %get3A_2790 = arith.index_cast %add3A_2789 : i32 to index
        %get3A_2791 = tpu.vector_load %arg7[%get3A_2790] {strides = array<i32>} : memref<12800xf32, #tpu.memory_space<vmem>>, vector<16xf32>,
        %get3A_2792 = vector.shape_cast %get3A_2791 : vector<16xf32> to vector<16xf32>
        %add3A_2793 = arith.addf %get3A_2785, %get3A_2792 : vector<16xf32>
        %mul3A_2794 = arith.constant 64 : i32
        %mul3A_2795 = arith.muli %add3A_2731, %mul3A_2794 : i32
        %add3A_2796 = arith.constant 32 : i32
        %add3A_2797 = arith.addi %mul3A_2795, %add3A_2796 : i32
        %swap3A_2798 = arith.index_cast %add3A_2797 : i32 to index
        %swap3A_2799 = tpu.vector_load %arg13[%swap3A_2798] {strides = array<i32>} : memref<12800xf32, #tpu.memory_space<vmem>>, vector<16xf32>,
        %swap3A_2800 = vector.shape_cast %swap3A_2799 : vector<16xf32> to vector<16xf32>
        %swap3A_2801 = vector.shape_cast %add3A_2793 : vector<16xf32> to vector<16xf32>
        tpu.vector_store %arg13[%swap3A_2798], %swap3A_2801 {strides = array<i32>} : memref<12800xf32, #tpu.memory_space<vmem>>, vector<16xf32>,
        %add3A_2802 = arith.constant 48 : i32
        %add3A_2803 = arith.addi %shift_left3A_2735, %add3A_2802 : i32
        %get3A_2804 = arith.index_cast %add3A_2731 : i32 to index
        %get3A_2805 = arith.index_cast %add3A_2803 : i32 to index
        %get3A_2806 = tpu.vector_load %arg11[%get3A_2804, %get3A_2805] {strides = array<i32>} : memref<200x128xf32, #tpu.memory_space<vmem>>, vector<1x16xf32>,
        %get3A_2807 = vector.shape_cast %get3A_2806 : vector<1x16xf32> to vector<16xf32>
        %mul3A_2808 = arith.constant 64 : i32
        %mul3A_2809 = arith.muli %add3A_2731, %mul3A_2808 : i32
        %add3A_2810 = arith.constant 48 : i32
        %add3A_2811 = arith.addi %mul3A_2809, %add3A_2810 : i32
        %get3A_2812 = arith.index_cast %add3A_2811 : i32 to index
        %get3A_2813 = tpu.vector_load %arg7[%get3A_2812] {strides = array<i32>} : memref<12800xf32, #tpu.memory_space<vmem>>, vector<16xf32>,
        %get3A_2814 = vector.shape_cast %get3A_2813 : vector<16xf32> to vector<16xf32>
        %add3A_2815 = arith.addf %get3A_2807, %get3A_2814 : vector<16xf32>
        %mul3A_2816 = arith.constant 64 : i32
        %mul3A_2817 = arith.muli %add3A_2731, %mul3A_2816 : i32
        %add3A_2818 = arith.constant 48 : i32
        %add3A_2819 = arith.addi %mul3A_2817, %add3A_2818 : i32
        %swap3A_2820 = arith.index_cast %add3A_2819 : i32 to index
        %swap3A_2821 = tpu.vector_load %arg13[%swap3A_2820] {strides = array<i32>} : memref<12800xf32, #tpu.memory_space<vmem>>, vector<16xf32>,
        %swap3A_2822 = vector.shape_cast %swap3A_2821 : vector<16xf32> to vector<16xf32>
        %swap3A_2823 = vector.shape_cast %add3A_2815 : vector<16xf32> to vector<16xf32>
        tpu.vector_store %arg13[%swap3A_2820], %swap3A_2823 {strides = array<i32>} : memref<12800xf32, #tpu.memory_space<vmem>>, vector<16xf32>,
      }
      %scan3A_778 = arith.constant 12 : i32
      %mul3A_779 = arith.constant 208 : i32
      %mul3A_780 = arith.muli %add3A_736, %mul3A_779 : i32
      %add3A_781 = arith.constant 192 : i32
      %add3A_782 = arith.addi %mul3A_780, %add3A_781 : i32
      %get3A_783 = arith.index_cast %add3A_782 : i32 to index
      %get3A_784 = tpu.vector_load %arg6[%get3A_783] {strides = array<i32>} : memref<26624xi32, #tpu.memory_space<vmem>>, vector<16xi32>,
      %get3A_785 = vector.shape_cast %get3A_784 : vector<16xi32> to vector<16xi32>
      %and3A_786 = arith.constant 1 : i32
      %and3A_787 = vector.broadcast %and3A_786 : i32 to vector<16xi32>
      %and3A_788 = arith.andi %get3A_785, %and3A_787 : vector<16xi32>
      %slice3A_789 = vector.extract_strided_slice %and3A_788 {offsets = [0], sizes = [1], strides = [1]} : vector<16xi32> to vector<1xi32>
      %squeeze3A_790 = vector.extract %slice3A_789[0] : i32 from vector<1xi32>
      %shift_left3A_791 = arith.constant 6 : i32
      %shift_left3A_792 = arith.shli %squeeze3A_790, %shift_left3A_791 : i32
      %add3A_793 = arith.constant 0 : i32
      %add3A_794 = arith.addi %shift_left3A_792, %add3A_793 : i32
      %get3A_795 = arith.constant 192 : i32
      %get3A_796 = arith.index_cast %get3A_795 : i32 to index
      %get3A_797 = arith.index_cast %add3A_794 : i32 to index
      %get3A_798 = tpu.vector_load %arg11[%get3A_796, %get3A_797] {strides = array<i32>} : memref<200x128xf32, #tpu.memory_space<vmem>>, vector<1x16xf32>,
      %get3A_799 = vector.shape_cast %get3A_798 : vector<1x16xf32> to vector<16xf32>
      %get3A_800 = arith.constant 12288 : index
      %get3A_801 = tpu.vector_load %arg7[%get3A_800] {strides = array<i32>} : memref<12800xf32, #tpu.memory_space<vmem>>, vector<16xf32>,
      %get3A_802 = vector.shape_cast %get3A_801 : vector<16xf32> to vector<16xf32>
      %add3A_803 = arith.addf %get3A_799, %get3A_802 : vector<16xf32>
      %swap3A_804 = arith.constant 12288 : index
      %swap3A_805 = tpu.vector_load %arg13[%swap3A_804] {strides = array<i32>} : memref<12800xf32, #tpu.memory_space<vmem>>, vector<16xf32>,
      %swap3A_806 = vector.shape_cast %swap3A_805 : vector<16xf32> to vector<16xf32>
      %swap3A_807 = vector.shape_cast %add3A_803 : vector<16xf32> to vector<16xf32>
      tpu.vector_store %arg13[%swap3A_804], %swap3A_807 {strides = array<i32>} : memref<12800xf32, #tpu.memory_space<vmem>>, vector<16xf32>,
      %add3A_808 = arith.constant 16 : i32
      %add3A_809 = arith.addi %shift_left3A_792, %add3A_808 : i32
      %get3A_810 = arith.constant 192 : i32
      %get3A_811 = arith.index_cast %get3A_810 : i32 to index
      %get3A_812 = arith.index_cast %add3A_809 : i32 to index
      %get3A_813 = tpu.vector_load %arg11[%get3A_811, %get3A_812] {strides = array<i32>} : memref<200x128xf32, #tpu.memory_space<vmem>>, vector<1x16xf32>,
      %get3A_814 = vector.shape_cast %get3A_813 : vector<1x16xf32> to vector<16xf32>
      %get3A_815 = arith.constant 12304 : index
      %get3A_816 = tpu.vector_load %arg7[%get3A_815] {strides = array<i32>} : memref<12800xf32, #tpu.memory_space<vmem>>, vector<16xf32>,
      %get3A_817 = vector.shape_cast %get3A_816 : vector<16xf32> to vector<16xf32>
      %add3A_818 = arith.addf %get3A_814, %get3A_817 : vector<16xf32>
      %swap3A_819 = arith.constant 12304 : index
      %swap3A_820 = tpu.vector_load %arg13[%swap3A_819] {strides = array<i32>} : memref<12800xf32, #tpu.memory_space<vmem>>, vector<16xf32>,
      %swap3A_821 = vector.shape_cast %swap3A_820 : vector<16xf32> to vector<16xf32>
      %swap3A_822 = vector.shape_cast %add3A_818 : vector<16xf32> to vector<16xf32>
      tpu.vector_store %arg13[%swap3A_819], %swap3A_822 {strides = array<i32>} : memref<12800xf32, #tpu.memory_space<vmem>>, vector<16xf32>,
      %add3A_823 = arith.constant 32 : i32
      %add3A_824 = arith.addi %shift_left3A_792, %add3A_823 : i32
      %get3A_825 = arith.constant 192 : i32
      %get3A_826 = arith.index_cast %get3A_825 : i32 to index
      %get3A_827 = arith.index_cast %add3A_824 : i32 to index
      %get3A_828 = tpu.vector_load %arg11[%get3A_826, %get3A_827] {strides = array<i32>} : memref<200x128xf32, #tpu.memory_space<vmem>>, vector<1x16xf32>,
      %get3A_829 = vector.shape_cast %get3A_828 : vector<1x16xf32> to vector<16xf32>
      %get3A_830 = arith.constant 12320 : index
      %get3A_831 = tpu.vector_load %arg7[%get3A_830] {strides = array<i32>} : memref<12800xf32, #tpu.memory_space<vmem>>, vector<16xf32>,
      %get3A_832 = vector.shape_cast %get3A_831 : vector<16xf32> to vector<16xf32>
      %add3A_833 = arith.addf %get3A_829, %get3A_832 : vector<16xf32>
      %swap3A_834 = arith.constant 12320 : index
      %swap3A_835 = tpu.vector_load %arg13[%swap3A_834] {strides = array<i32>} : memref<12800xf32, #tpu.memory_space<vmem>>, vector<16xf32>,
      %swap3A_836 = vector.shape_cast %swap3A_835 : vector<16xf32> to vector<16xf32>
      %swap3A_837 = vector.shape_cast %add3A_833 : vector<16xf32> to vector<16xf32>
      tpu.vector_store %arg13[%swap3A_834], %swap3A_837 {strides = array<i32>} : memref<12800xf32, #tpu.memory_space<vmem>>, vector<16xf32>,
      %add3A_838 = arith.constant 48 : i32
      %add3A_839 = arith.addi %shift_left3A_792, %add3A_838 : i32
      %get3A_840 = arith.constant 192 : i32
      %get3A_841 = arith.index_cast %get3A_840 : i32 to index
      %get3A_842 = arith.index_cast %add3A_839 : i32 to index
      %get3A_843 = tpu.vector_load %arg11[%get3A_841, %get3A_842] {strides = array<i32>} : memref<200x128xf32, #tpu.memory_space<vmem>>, vector<1x16xf32>,
      %get3A_844 = vector.shape_cast %get3A_843 : vector<1x16xf32> to vector<16xf32>
      %get3A_845 = arith.constant 12336 : index
      %get3A_846 = tpu.vector_load %arg7[%get3A_845] {strides = array<i32>} : memref<12800xf32, #tpu.memory_space<vmem>>, vector<16xf32>,
      %get3A_847 = vector.shape_cast %get3A_846 : vector<16xf32> to vector<16xf32>
      %add3A_848 = arith.addf %get3A_844, %get3A_847 : vector<16xf32>
      %swap3A_849 = arith.constant 12336 : index
      %swap3A_850 = tpu.vector_load %arg13[%swap3A_849] {strides = array<i32>} : memref<12800xf32, #tpu.memory_space<vmem>>, vector<16xf32>,
      %swap3A_851 = vector.shape_cast %swap3A_850 : vector<16xf32> to vector<16xf32>
      %swap3A_852 = vector.shape_cast %add3A_848 : vector<16xf32> to vector<16xf32>
      tpu.vector_store %arg13[%swap3A_849], %swap3A_852 {strides = array<i32>} : memref<12800xf32, #tpu.memory_space<vmem>>, vector<16xf32>,
      %slice3A_853 = vector.extract_strided_slice %and3A_788 {offsets = [1], sizes = [1], strides = [1]} : vector<16xi32> to vector<1xi32>
      %squeeze3A_854 = vector.extract %slice3A_853[0] : i32 from vector<1xi32>
      %shift_left3A_855 = arith.constant 6 : i32
      %shift_left3A_856 = arith.shli %squeeze3A_854, %shift_left3A_855 : i32
      %add3A_857 = arith.constant 0 : i32
      %add3A_858 = arith.addi %shift_left3A_856, %add3A_857 : i32
      %get3A_859 = arith.constant 193 : i32
      %get3A_860 = arith.index_cast %get3A_859 : i32 to index
      %get3A_861 = arith.index_cast %add3A_858 : i32 to index
      %get3A_862 = tpu.vector_load %arg11[%get3A_860, %get3A_861] {strides = array<i32>} : memref<200x128xf32, #tpu.memory_space<vmem>>, vector<1x16xf32>,
      %get3A_863 = vector.shape_cast %get3A_862 : vector<1x16xf32> to vector<16xf32>
      %get3A_864 = arith.constant 12352 : index
      %get3A_865 = tpu.vector_load %arg7[%get3A_864] {strides = array<i32>} : memref<12800xf32, #tpu.memory_space<vmem>>, vector<16xf32>,
      %get3A_866 = vector.shape_cast %get3A_865 : vector<16xf32> to vector<16xf32>
      %add3A_867 = arith.addf %get3A_863, %get3A_866 : vector<16xf32>
      %swap3A_868 = arith.constant 12352 : index
      %swap3A_869 = tpu.vector_load %arg13[%swap3A_868] {strides = array<i32>} : memref<12800xf32, #tpu.memory_space<vmem>>, vector<16xf32>,
      %swap3A_870 = vector.shape_cast %swap3A_869 : vector<16xf32> to vector<16xf32>
      %swap3A_871 = vector.shape_cast %add3A_867 : vector<16xf32> to vector<16xf32>
      tpu.vector_store %arg13[%swap3A_868], %swap3A_871 {strides = array<i32>} : memref<12800xf32, #tpu.memory_space<vmem>>, vector<16xf32>,
      %add3A_872 = arith.constant 16 : i32
      %add3A_873 = arith.addi %shift_left3A_856, %add3A_872 : i32
      %get3A_874 = arith.constant 193 : i32
      %get3A_875 = arith.index_cast %get3A_874 : i32 to index
      %get3A_876 = arith.index_cast %add3A_873 : i32 to index
      %get3A_877 = tpu.vector_load %arg11[%get3A_875, %get3A_876] {strides = array<i32>} : memref<200x128xf32, #tpu.memory_space<vmem>>, vector<1x16xf32>,
      %get3A_878 = vector.shape_cast %get3A_877 : vector<1x16xf32> to vector<16xf32>
      %get3A_879 = arith.constant 12368 : index
      %get3A_880 = tpu.vector_load %arg7[%get3A_879] {strides = array<i32>} : memref<12800xf32, #tpu.memory_space<vmem>>, vector<16xf32>,
      %get3A_881 = vector.shape_cast %get3A_880 : vector<16xf32> to vector<16xf32>
      %add3A_882 = arith.addf %get3A_878, %get3A_881 : vector<16xf32>
      %swap3A_883 = arith.constant 12368 : index
      %swap3A_884 = tpu.vector_load %arg13[%swap3A_883] {strides = array<i32>} : memref<12800xf32, #tpu.memory_space<vmem>>, vector<16xf32>,
      %swap3A_885 = vector.shape_cast %swap3A_884 : vector<16xf32> to vector<16xf32>
      %swap3A_886 = vector.shape_cast %add3A_882 : vector<16xf32> to vector<16xf32>
      tpu.vector_store %arg13[%swap3A_883], %swap3A_886 {strides = array<i32>} : memref<12800xf32, #tpu.memory_space<vmem>>, vector<16xf32>,
      %add3A_887 = arith.constant 32 : i32
      %add3A_888 = arith.addi %shift_left3A_856, %add3A_887 : i32
      %get3A_889 = arith.constant 193 : i32
      %get3A_890 = arith.index_cast %get3A_889 : i32 to index
      %get3A_891 = arith.index_cast %add3A_888 : i32 to index
      %get3A_892 = tpu.vector_load %arg11[%get3A_890, %get3A_891] {strides = array<i32>} : memref<200x128xf32, #tpu.memory_space<vmem>>, vector<1x16xf32>,
      %get3A_893 = vector.shape_cast %get3A_892 : vector<1x16xf32> to vector<16xf32>
      %get3A_894 = arith.constant 12384 : index
      %get3A_895 = tpu.vector_load %arg7[%get3A_894] {strides = array<i32>} : memref<12800xf32, #tpu.memory_space<vmem>>, vector<16xf32>,
      %get3A_896 = vector.shape_cast %get3A_895 : vector<16xf32> to vector<16xf32>
      %add3A_897 = arith.addf %get3A_893, %get3A_896 : vector<16xf32>
      %swap3A_898 = arith.constant 12384 : index
      %swap3A_899 = tpu.vector_load %arg13[%swap3A_898] {strides = array<i32>} : memref<12800xf32, #tpu.memory_space<vmem>>, vector<16xf32>,
      %swap3A_900 = vector.shape_cast %swap3A_899 : vector<16xf32> to vector<16xf32>
      %swap3A_901 = vector.shape_cast %add3A_897 : vector<16xf32> to vector<16xf32>
      tpu.vector_store %arg13[%swap3A_898], %swap3A_901 {strides = array<i32>} : memref<12800xf32, #tpu.memory_space<vmem>>, vector<16xf32>,
      %add3A_902 = arith.constant 48 : i32
      %add3A_903 = arith.addi %shift_left3A_856, %add3A_902 : i32
      %get3A_904 = arith.constant 193 : i32
      %get3A_905 = arith.index_cast %get3A_904 : i32 to index
      %get3A_906 = arith.index_cast %add3A_903 : i32 to index
      %get3A_907 = tpu.vector_load %arg11[%get3A_905, %get3A_906] {strides = array<i32>} : memref<200x128xf32, #tpu.memory_space<vmem>>, vector<1x16xf32>,
      %get3A_908 = vector.shape_cast %get3A_907 : vector<1x16xf32> to vector<16xf32>
      %get3A_909 = arith.constant 12400 : index
      %get3A_910 = tpu.vector_load %arg7[%get3A_909] {strides = array<i32>} : memref<12800xf32, #tpu.memory_space<vmem>>, vector<16xf32>,
      %get3A_911 = vector.shape_cast %get3A_910 : vector<16xf32> to vector<16xf32>
      %add3A_912 = arith.addf %get3A_908, %get3A_911 : vector<16xf32>
      %swap3A_913 = arith.constant 12400 : index
      %swap3A_914 = tpu.vector_load %arg13[%swap3A_913] {strides = array<i32>} : memref<12800xf32, #tpu.memory_space<vmem>>, vector<16xf32>,
      %swap3A_915 = vector.shape_cast %swap3A_914 : vector<16xf32> to vector<16xf32>
      %swap3A_916 = vector.shape_cast %add3A_912 : vector<16xf32> to vector<16xf32>
      tpu.vector_store %arg13[%swap3A_913], %swap3A_916 {strides = array<i32>} : memref<12800xf32, #tpu.memory_space<vmem>>, vector<16xf32>,
      %slice3A_917 = vector.extract_strided_slice %and3A_788 {offsets = [2], sizes = [1], strides = [1]} : vector<16xi32> to vector<1xi32>
      %squeeze3A_918 = vector.extract %slice3A_917[0] : i32 from vector<1xi32>
      %shift_left3A_919 = arith.constant 6 : i32
      %shift_left3A_920 = arith.shli %squeeze3A_918, %shift_left3A_919 : i32
      %add3A_921 = arith.constant 0 : i32
      %add3A_922 = arith.addi %shift_left3A_920, %add3A_921 : i32
      %get3A_923 = arith.constant 194 : i32
      %get3A_924 = arith.index_cast %get3A_923 : i32 to index
      %get3A_925 = arith.index_cast %add3A_922 : i32 to index
      %get3A_926 = tpu.vector_load %arg11[%get3A_924, %get3A_925] {strides = array<i32>} : memref<200x128xf32, #tpu.memory_space<vmem>>, vector<1x16xf32>,
      %get3A_927 = vector.shape_cast %get3A_926 : vector<1x16xf32> to vector<16xf32>
      %get3A_928 = arith.constant 12416 : index
      %get3A_929 = tpu.vector_load %arg7[%get3A_928] {strides = array<i32>} : memref<12800xf32, #tpu.memory_space<vmem>>, vector<16xf32>,
      %get3A_930 = vector.shape_cast %get3A_929 : vector<16xf32> to vector<16xf32>
      %add3A_931 = arith.addf %get3A_927, %get3A_930 : vector<16xf32>
      %swap3A_932 = arith.constant 12416 : index
      %swap3A_933 = tpu.vector_load %arg13[%swap3A_932] {strides = array<i32>} : memref<12800xf32, #tpu.memory_space<vmem>>, vector<16xf32>,
      %swap3A_934 = vector.shape_cast %swap3A_933 : vector<16xf32> to vector<16xf32>
      %swap3A_935 = vector.shape_cast %add3A_931 : vector<16xf32> to vector<16xf32>
      tpu.vector_store %arg13[%swap3A_932], %swap3A_935 {strides = array<i32>} : memref<12800xf32, #tpu.memory_space<vmem>>, vector<16xf32>,
      %add3A_936 = arith.constant 16 : i32
      %add3A_937 = arith.addi %shift_left3A_920, %add3A_936 : i32
      %get3A_938 = arith.constant 194 : i32
      %get3A_939 = arith.index_cast %get3A_938 : i32 to index
      %get3A_940 = arith.index_cast %add3A_937 : i32 to index
      %get3A_941 = tpu.vector_load %arg11[%get3A_939, %get3A_940] {strides = array<i32>} : memref<200x128xf32, #tpu.memory_space<vmem>>, vector<1x16xf32>,
      %get3A_942 = vector.shape_cast %get3A_941 : vector<1x16xf32> to vector<16xf32>
      %get3A_943 = arith.constant 12432 : index
      %get3A_944 = tpu.vector_load %arg7[%get3A_943] {strides = array<i32>} : memref<12800xf32, #tpu.memory_space<vmem>>, vector<16xf32>,
      %get3A_945 = vector.shape_cast %get3A_944 : vector<16xf32> to vector<16xf32>
      %add3A_946 = arith.addf %get3A_942, %get3A_945 : vector<16xf32>
      %swap3A_947 = arith.constant 12432 : index
      %swap3A_948 = tpu.vector_load %arg13[%swap3A_947] {strides = array<i32>} : memref<12800xf32, #tpu.memory_space<vmem>>, vector<16xf32>,
      %swap3A_949 = vector.shape_cast %swap3A_948 : vector<16xf32> to vector<16xf32>
      %swap3A_950 = vector.shape_cast %add3A_946 : vector<16xf32> to vector<16xf32>
      tpu.vector_store %arg13[%swap3A_947], %swap3A_950 {strides = array<i32>} : memref<12800xf32, #tpu.memory_space<vmem>>, vector<16xf32>,
      %add3A_951 = arith.constant 32 : i32
      %add3A_952 = arith.addi %shift_left3A_920, %add3A_951 : i32
      %get3A_953 = arith.constant 194 : i32
      %get3A_954 = arith.index_cast %get3A_953 : i32 to index
      %get3A_955 = arith.index_cast %add3A_952 : i32 to index
      %get3A_956 = tpu.vector_load %arg11[%get3A_954, %get3A_955] {strides = array<i32>} : memref<200x128xf32, #tpu.memory_space<vmem>>, vector<1x16xf32>,
      %get3A_957 = vector.shape_cast %get3A_956 : vector<1x16xf32> to vector<16xf32>
      %get3A_958 = arith.constant 12448 : index
      %get3A_959 = tpu.vector_load %arg7[%get3A_958] {strides = array<i32>} : memref<12800xf32, #tpu.memory_space<vmem>>, vector<16xf32>,
      %get3A_960 = vector.shape_cast %get3A_959 : vector<16xf32> to vector<16xf32>
      %add3A_961 = arith.addf %get3A_957, %get3A_960 : vector<16xf32>
      %swap3A_962 = arith.constant 12448 : index
      %swap3A_963 = tpu.vector_load %arg13[%swap3A_962] {strides = array<i32>} : memref<12800xf32, #tpu.memory_space<vmem>>, vector<16xf32>,
      %swap3A_964 = vector.shape_cast %swap3A_963 : vector<16xf32> to vector<16xf32>
      %swap3A_965 = vector.shape_cast %add3A_961 : vector<16xf32> to vector<16xf32>
      tpu.vector_store %arg13[%swap3A_962], %swap3A_965 {strides = array<i32>} : memref<12800xf32, #tpu.memory_space<vmem>>, vector<16xf32>,
      %add3A_966 = arith.constant 48 : i32
      %add3A_967 = arith.addi %shift_left3A_920, %add3A_966 : i32
      %get3A_968 = arith.constant 194 : i32
      %get3A_969 = arith.index_cast %get3A_968 : i32 to index
      %get3A_970 = arith.index_cast %add3A_967 : i32 to index
      %get3A_971 = tpu.vector_load %arg11[%get3A_969, %get3A_970] {strides = array<i32>} : memref<200x128xf32, #tpu.memory_space<vmem>>, vector<1x16xf32>,
      %get3A_972 = vector.shape_cast %get3A_971 : vector<1x16xf32> to vector<16xf32>
      %get3A_973 = arith.constant 12464 : index
      %get3A_974 = tpu.vector_load %arg7[%get3A_973] {strides = array<i32>} : memref<12800xf32, #tpu.memory_space<vmem>>, vector<16xf32>,
      %get3A_975 = vector.shape_cast %get3A_974 : vector<16xf32> to vector<16xf32>
      %add3A_976 = arith.addf %get3A_972, %get3A_975 : vector<16xf32>
      %swap3A_977 = arith.constant 12464 : index
      %swap3A_978 = tpu.vector_load %arg13[%swap3A_977] {strides = array<i32>} : memref<12800xf32, #tpu.memory_space<vmem>>, vector<16xf32>,
      %swap3A_979 = vector.shape_cast %swap3A_978 : vector<16xf32> to vector<16xf32>
      %swap3A_980 = vector.shape_cast %add3A_976 : vector<16xf32> to vector<16xf32>
      tpu.vector_store %arg13[%swap3A_977], %swap3A_980 {strides = array<i32>} : memref<12800xf32, #tpu.memory_space<vmem>>, vector<16xf32>,
      %slice3A_981 = vector.extract_strided_slice %and3A_788 {offsets = [3], sizes = [1], strides = [1]} : vector<16xi32> to vector<1xi32>
      %squeeze3A_982 = vector.extract %slice3A_981[0] : i32 from vector<1xi32>
      %shift_left3A_983 = arith.constant 6 : i32
      %shift_left3A_984 = arith.shli %squeeze3A_982, %shift_left3A_983 : i32
      %add3A_985 = arith.constant 0 : i32
      %add3A_986 = arith.addi %shift_left3A_984, %add3A_985 : i32
      %get3A_987 = arith.constant 195 : i32
      %get3A_988 = arith.index_cast %get3A_987 : i32 to index
      %get3A_989 = arith.index_cast %add3A_986 : i32 to index
      %get3A_990 = tpu.vector_load %arg11[%get3A_988, %get3A_989] {strides = array<i32>} : memref<200x128xf32, #tpu.memory_space<vmem>>, vector<1x16xf32>,
      %get3A_991 = vector.shape_cast %get3A_990 : vector<1x16xf32> to vector<16xf32>
      %get3A_992 = arith.constant 12480 : index
      %get3A_993 = tpu.vector_load %arg7[%get3A_992] {strides = array<i32>} : memref<12800xf32, #tpu.memory_space<vmem>>, vector<16xf32>,
      %get3A_994 = vector.shape_cast %get3A_993 : vector<16xf32> to vector<16xf32>
      %add3A_995 = arith.addf %get3A_991, %get3A_994 : vector<16xf32>
      %swap3A_996 = arith.constant 12480 : index
      %swap3A_997 = tpu.vector_load %arg13[%swap3A_996] {strides = array<i32>} : memref<12800xf32, #tpu.memory_space<vmem>>, vector<16xf32>,
      %swap3A_998 = vector.shape_cast %swap3A_997 : vector<16xf32> to vector<16xf32>
      %swap3A_999 = vector.shape_cast %add3A_995 : vector<16xf32> to vector<16xf32>
      tpu.vector_store %arg13[%swap3A_996], %swap3A_999 {strides = array<i32>} : memref<12800xf32, #tpu.memory_space<vmem>>, vector<16xf32>,
      %add3A_1000 = arith.constant 16 : i32
      %add3A_1001 = arith.addi %shift_left3A_984, %add3A_1000 : i32
      %get3A_1002 = arith.constant 195 : i32
      %get3A_1003 = arith.index_cast %get3A_1002 : i32 to index
      %get3A_1004 = arith.index_cast %add3A_1001 : i32 to index
      %get3A_1005 = tpu.vector_load %arg11[%get3A_1003, %get3A_1004] {strides = array<i32>} : memref<200x128xf32, #tpu.memory_space<vmem>>, vector<1x16xf32>,
      %get3A_1006 = vector.shape_cast %get3A_1005 : vector<1x16xf32> to vector<16xf32>
      %get3A_1007 = arith.constant 12496 : index
      %get3A_1008 = tpu.vector_load %arg7[%get3A_1007] {strides = array<i32>} : memref<12800xf32, #tpu.memory_space<vmem>>, vector<16xf32>,
      %get3A_1009 = vector.shape_cast %get3A_1008 : vector<16xf32> to vector<16xf32>
      %add3A_1010 = arith.addf %get3A_1006, %get3A_1009 : vector<16xf32>
      %swap3A_1011 = arith.constant 12496 : index
      %swap3A_1012 = tpu.vector_load %arg13[%swap3A_1011] {strides = array<i32>} : memref<12800xf32, #tpu.memory_space<vmem>>, vector<16xf32>,
      %swap3A_1013 = vector.shape_cast %swap3A_1012 : vector<16xf32> to vector<16xf32>
      %swap3A_1014 = vector.shape_cast %add3A_1010 : vector<16xf32> to vector<16xf32>
      tpu.vector_store %arg13[%swap3A_1011], %swap3A_1014 {strides = array<i32>} : memref<12800xf32, #tpu.memory_space<vmem>>, vector<16xf32>,
      %add3A_1015 = arith.constant 32 : i32
      %add3A_1016 = arith.addi %shift_left3A_984, %add3A_1015 : i32
      %get3A_1017 = arith.constant 195 : i32
      %get3A_1018 = arith.index_cast %get3A_1017 : i32 to index
      %get3A_1019 = arith.index_cast %add3A_1016 : i32 to index
      %get3A_1020 = tpu.vector_load %arg11[%get3A_1018, %get3A_1019] {strides = array<i32>} : memref<200x128xf32, #tpu.memory_space<vmem>>, vector<1x16xf32>,
      %get3A_1021 = vector.shape_cast %get3A_1020 : vector<1x16xf32> to vector<16xf32>
      %get3A_1022 = arith.constant 12512 : index
      %get3A_1023 = tpu.vector_load %arg7[%get3A_1022] {strides = array<i32>} : memref<12800xf32, #tpu.memory_space<vmem>>, vector<16xf32>,
      %get3A_1024 = vector.shape_cast %get3A_1023 : vector<16xf32> to vector<16xf32>
      %add3A_1025 = arith.addf %get3A_1021, %get3A_1024 : vector<16xf32>
      %swap3A_1026 = arith.constant 12512 : index
      %swap3A_1027 = tpu.vector_load %arg13[%swap3A_1026] {strides = array<i32>} : memref<12800xf32, #tpu.memory_space<vmem>>, vector<16xf32>,
      %swap3A_1028 = vector.shape_cast %swap3A_1027 : vector<16xf32> to vector<16xf32>
      %swap3A_1029 = vector.shape_cast %add3A_1025 : vector<16xf32> to vector<16xf32>
      tpu.vector_store %arg13[%swap3A_1026], %swap3A_1029 {strides = array<i32>} : memref<12800xf32, #tpu.memory_space<vmem>>, vector<16xf32>,
      %add3A_1030 = arith.constant 48 : i32
      %add3A_1031 = arith.addi %shift_left3A_984, %add3A_1030 : i32
      %get3A_1032 = arith.constant 195 : i32
      %get3A_1033 = arith.index_cast %get3A_1032 : i32 to index
      %get3A_1034 = arith.index_cast %add3A_1031 : i32 to index
      %get3A_1035 = tpu.vector_load %arg11[%get3A_1033, %get3A_1034] {strides = array<i32>} : memref<200x128xf32, #tpu.memory_space<vmem>>, vector<1x16xf32>,
      %get3A_1036 = vector.shape_cast %get3A_1035 : vector<1x16xf32> to vector<16xf32>
      %get3A_1037 = arith.constant 12528 : index
      %get3A_1038 = tpu.vector_load %arg7[%get3A_1037] {strides = array<i32>} : memref<12800xf32, #tpu.memory_space<vmem>>, vector<16xf32>,
      %get3A_1039 = vector.shape_cast %get3A_1038 : vector<16xf32> to vector<16xf32>
      %add3A_1040 = arith.addf %get3A_1036, %get3A_1039 : vector<16xf32>
      %swap3A_1041 = arith.constant 12528 : index
      %swap3A_1042 = tpu.vector_load %arg13[%swap3A_1041] {strides = array<i32>} : memref<12800xf32, #tpu.memory_space<vmem>>, vector<16xf32>,
      %swap3A_1043 = vector.shape_cast %swap3A_1042 : vector<16xf32> to vector<16xf32>
      %swap3A_1044 = vector.shape_cast %add3A_1040 : vector<16xf32> to vector<16xf32>
      tpu.vector_store %arg13[%swap3A_1041], %swap3A_1044 {strides = array<i32>} : memref<12800xf32, #tpu.memory_space<vmem>>, vector<16xf32>,
      %slice3A_1045 = vector.extract_strided_slice %and3A_788 {offsets = [4], sizes = [1], strides = [1]} : vector<16xi32> to vector<1xi32>
      %squeeze3A_1046 = vector.extract %slice3A_1045[0] : i32 from vector<1xi32>
      %shift_left3A_1047 = arith.constant 6 : i32
      %shift_left3A_1048 = arith.shli %squeeze3A_1046, %shift_left3A_1047 : i32
      %add3A_1049 = arith.constant 0 : i32
      %add3A_1050 = arith.addi %shift_left3A_1048, %add3A_1049 : i32
      %get3A_1051 = arith.constant 196 : i32
      %get3A_1052 = arith.index_cast %get3A_1051 : i32 to index
      %get3A_1053 = arith.index_cast %add3A_1050 : i32 to index
      %get3A_1054 = tpu.vector_load %arg11[%get3A_1052, %get3A_1053] {strides = array<i32>} : memref<200x128xf32, #tpu.memory_space<vmem>>, vector<1x16xf32>,
      %get3A_1055 = vector.shape_cast %get3A_1054 : vector<1x16xf32> to vector<16xf32>
      %get3A_1056 = arith.constant 12544 : index
      %get3A_1057 = tpu.vector_load %arg7[%get3A_1056] {strides = array<i32>} : memref<12800xf32, #tpu.memory_space<vmem>>, vector<16xf32>,
      %get3A_1058 = vector.shape_cast %get3A_1057 : vector<16xf32> to vector<16xf32>
      %add3A_1059 = arith.addf %get3A_1055, %get3A_1058 : vector<16xf32>
      %swap3A_1060 = arith.constant 12544 : index
      %swap3A_1061 = tpu.vector_load %arg13[%swap3A_1060] {strides = array<i32>} : memref<12800xf32, #tpu.memory_space<vmem>>, vector<16xf32>,
      %swap3A_1062 = vector.shape_cast %swap3A_1061 : vector<16xf32> to vector<16xf32>
      %swap3A_1063 = vector.shape_cast %add3A_1059 : vector<16xf32> to vector<16xf32>
      tpu.vector_store %arg13[%swap3A_1060], %swap3A_1063 {strides = array<i32>} : memref<12800xf32, #tpu.memory_space<vmem>>, vector<16xf32>,
      %add3A_1064 = arith.constant 16 : i32
      %add3A_1065 = arith.addi %shift_left3A_1048, %add3A_1064 : i32
      %get3A_1066 = arith.constant 196 : i32
      %get3A_1067 = arith.index_cast %get3A_1066 : i32 to index
      %get3A_1068 = arith.index_cast %add3A_1065 : i32 to index
      %get3A_1069 = tpu.vector_load %arg11[%get3A_1067, %get3A_1068] {strides = array<i32>} : memref<200x128xf32, #tpu.memory_space<vmem>>, vector<1x16xf32>,
      %get3A_1070 = vector.shape_cast %get3A_1069 : vector<1x16xf32> to vector<16xf32>
      %get3A_1071 = arith.constant 12560 : index
      %get3A_1072 = tpu.vector_load %arg7[%get3A_1071] {strides = array<i32>} : memref<12800xf32, #tpu.memory_space<vmem>>, vector<16xf32>,
      %get3A_1073 = vector.shape_cast %get3A_1072 : vector<16xf32> to vector<16xf32>
      %add3A_1074 = arith.addf %get3A_1070, %get3A_1073 : vector<16xf32>
      %swap3A_1075 = arith.constant 12560 : index
      %swap3A_1076 = tpu.vector_load %arg13[%swap3A_1075] {strides = array<i32>} : memref<12800xf32, #tpu.memory_space<vmem>>, vector<16xf32>,
      %swap3A_1077 = vector.shape_cast %swap3A_1076 : vector<16xf32> to vector<16xf32>
      %swap3A_1078 = vector.shape_cast %add3A_1074 : vector<16xf32> to vector<16xf32>
      tpu.vector_store %arg13[%swap3A_1075], %swap3A_1078 {strides = array<i32>} : memref<12800xf32, #tpu.memory_space<vmem>>, vector<16xf32>,
      %add3A_1079 = arith.constant 32 : i32
      %add3A_1080 = arith.addi %shift_left3A_1048, %add3A_1079 : i32
      %get3A_1081 = arith.constant 196 : i32
      %get3A_1082 = arith.index_cast %get3A_1081 : i32 to index
      %get3A_1083 = arith.index_cast %add3A_1080 : i32 to index
      %get3A_1084 = tpu.vector_load %arg11[%get3A_1082, %get3A_1083] {strides = array<i32>} : memref<200x128xf32, #tpu.memory_space<vmem>>, vector<1x16xf32>,
      %get3A_1085 = vector.shape_cast %get3A_1084 : vector<1x16xf32> to vector<16xf32>
      %get3A_1086 = arith.constant 12576 : index
      %get3A_1087 = tpu.vector_load %arg7[%get3A_1086] {strides = array<i32>} : memref<12800xf32, #tpu.memory_space<vmem>>, vector<16xf32>,
      %get3A_1088 = vector.shape_cast %get3A_1087 : vector<16xf32> to vector<16xf32>
      %add3A_1089 = arith.addf %get3A_1085, %get3A_1088 : vector<16xf32>
      %swap3A_1090 = arith.constant 12576 : index
      %swap3A_1091 = tpu.vector_load %arg13[%swap3A_1090] {strides = array<i32>} : memref<12800xf32, #tpu.memory_space<vmem>>, vector<16xf32>,
      %swap3A_1092 = vector.shape_cast %swap3A_1091 : vector<16xf32> to vector<16xf32>
      %swap3A_1093 = vector.shape_cast %add3A_1089 : vector<16xf32> to vector<16xf32>
      tpu.vector_store %arg13[%swap3A_1090], %swap3A_1093 {strides = array<i32>} : memref<12800xf32, #tpu.memory_space<vmem>>, vector<16xf32>,
      %add3A_1094 = arith.constant 48 : i32
      %add3A_1095 = arith.addi %shift_left3A_1048, %add3A_1094 : i32
      %get3A_1096 = arith.constant 196 : i32
      %get3A_1097 = arith.index_cast %get3A_1096 : i32 to index
      %get3A_1098 = arith.index_cast %add3A_1095 : i32 to index
      %get3A_1099 = tpu.vector_load %arg11[%get3A_1097, %get3A_1098] {strides = array<i32>} : memref<200x128xf32, #tpu.memory_space<vmem>>, vector<1x16xf32>,
      %get3A_1100 = vector.shape_cast %get3A_1099 : vector<1x16xf32> to vector<16xf32>
      %get3A_1101 = arith.constant 12592 : index
      %get3A_1102 = tpu.vector_load %arg7[%get3A_1101] {strides = array<i32>} : memref<12800xf32, #tpu.memory_space<vmem>>, vector<16xf32>,
      %get3A_1103 = vector.shape_cast %get3A_1102 : vector<16xf32> to vector<16xf32>
      %add3A_1104 = arith.addf %get3A_1100, %get3A_1103 : vector<16xf32>
      %swap3A_1105 = arith.constant 12592 : index
      %swap3A_1106 = tpu.vector_load %arg13[%swap3A_1105] {strides = array<i32>} : memref<12800xf32, #tpu.memory_space<vmem>>, vector<16xf32>,
      %swap3A_1107 = vector.shape_cast %swap3A_1106 : vector<16xf32> to vector<16xf32>
      %swap3A_1108 = vector.shape_cast %add3A_1104 : vector<16xf32> to vector<16xf32>
      tpu.vector_store %arg13[%swap3A_1105], %swap3A_1108 {strides = array<i32>} : memref<12800xf32, #tpu.memory_space<vmem>>, vector<16xf32>,
      %slice3A_1109 = vector.extract_strided_slice %and3A_788 {offsets = [5], sizes = [1], strides = [1]} : vector<16xi32> to vector<1xi32>
      %squeeze3A_1110 = vector.extract %slice3A_1109[0] : i32 from vector<1xi32>
      %shift_left3A_1111 = arith.constant 6 : i32
      %shift_left3A_1112 = arith.shli %squeeze3A_1110, %shift_left3A_1111 : i32
      %add3A_1113 = arith.constant 0 : i32
      %add3A_1114 = arith.addi %shift_left3A_1112, %add3A_1113 : i32
      %get3A_1115 = arith.constant 197 : i32
      %get3A_1116 = arith.index_cast %get3A_1115 : i32 to index
      %get3A_1117 = arith.index_cast %add3A_1114 : i32 to index
      %get3A_1118 = tpu.vector_load %arg11[%get3A_1116, %get3A_1117] {strides = array<i32>} : memref<200x128xf32, #tpu.memory_space<vmem>>, vector<1x16xf32>,
      %get3A_1119 = vector.shape_cast %get3A_1118 : vector<1x16xf32> to vector<16xf32>
      %get3A_1120 = arith.constant 12608 : index
      %get3A_1121 = tpu.vector_load %arg7[%get3A_1120] {strides = array<i32>} : memref<12800xf32, #tpu.memory_space<vmem>>, vector<16xf32>,
      %get3A_1122 = vector.shape_cast %get3A_1121 : vector<16xf32> to vector<16xf32>
      %add3A_1123 = arith.addf %get3A_1119, %get3A_1122 : vector<16xf32>
      %swap3A_1124 = arith.constant 12608 : index
      %swap3A_1125 = tpu.vector_load %arg13[%swap3A_1124] {strides = array<i32>} : memref<12800xf32, #tpu.memory_space<vmem>>, vector<16xf32>,
      %swap3A_1126 = vector.shape_cast %swap3A_1125 : vector<16xf32> to vector<16xf32>
      %swap3A_1127 = vector.shape_cast %add3A_1123 : vector<16xf32> to vector<16xf32>
      tpu.vector_store %arg13[%swap3A_1124], %swap3A_1127 {strides = array<i32>} : memref<12800xf32, #tpu.memory_space<vmem>>, vector<16xf32>,
      %add3A_1128 = arith.constant 16 : i32
      %add3A_1129 = arith.addi %shift_left3A_1112, %add3A_1128 : i32
      %get3A_1130 = arith.constant 197 : i32
      %get3A_1131 = arith.index_cast %get3A_1130 : i32 to index
      %get3A_1132 = arith.index_cast %add3A_1129 : i32 to index
      %get3A_1133 = tpu.vector_load %arg11[%get3A_1131, %get3A_1132] {strides = array<i32>} : memref<200x128xf32, #tpu.memory_space<vmem>>, vector<1x16xf32>,
      %get3A_1134 = vector.shape_cast %get3A_1133 : vector<1x16xf32> to vector<16xf32>
      %get3A_1135 = arith.constant 12624 : index
      %get3A_1136 = tpu.vector_load %arg7[%get3A_1135] {strides = array<i32>} : memref<12800xf32, #tpu.memory_space<vmem>>, vector<16xf32>,
      %get3A_1137 = vector.shape_cast %get3A_1136 : vector<16xf32> to vector<16xf32>
      %add3A_1138 = arith.addf %get3A_1134, %get3A_1137 : vector<16xf32>
      %swap3A_1139 = arith.constant 12624 : index
      %swap3A_1140 = tpu.vector_load %arg13[%swap3A_1139] {strides = array<i32>} : memref<12800xf32, #tpu.memory_space<vmem>>, vector<16xf32>,
      %swap3A_1141 = vector.shape_cast %swap3A_1140 : vector<16xf32> to vector<16xf32>
      %swap3A_1142 = vector.shape_cast %add3A_1138 : vector<16xf32> to vector<16xf32>
      tpu.vector_store %arg13[%swap3A_1139], %swap3A_1142 {strides = array<i32>} : memref<12800xf32, #tpu.memory_space<vmem>>, vector<16xf32>,
      %add3A_1143 = arith.constant 32 : i32
      %add3A_1144 = arith.addi %shift_left3A_1112, %add3A_1143 : i32
      %get3A_1145 = arith.constant 197 : i32
      %get3A_1146 = arith.index_cast %get3A_1145 : i32 to index
      %get3A_1147 = arith.index_cast %add3A_1144 : i32 to index
      %get3A_1148 = tpu.vector_load %arg11[%get3A_1146, %get3A_1147] {strides = array<i32>} : memref<200x128xf32, #tpu.memory_space<vmem>>, vector<1x16xf32>,
      %get3A_1149 = vector.shape_cast %get3A_1148 : vector<1x16xf32> to vector<16xf32>
      %get3A_1150 = arith.constant 12640 : index
      %get3A_1151 = tpu.vector_load %arg7[%get3A_1150] {strides = array<i32>} : memref<12800xf32, #tpu.memory_space<vmem>>, vector<16xf32>,
      %get3A_1152 = vector.shape_cast %get3A_1151 : vector<16xf32> to vector<16xf32>
      %add3A_1153 = arith.addf %get3A_1149, %get3A_1152 : vector<16xf32>
      %swap3A_1154 = arith.constant 12640 : index
      %swap3A_1155 = tpu.vector_load %arg13[%swap3A_1154] {strides = array<i32>} : memref<12800xf32, #tpu.memory_space<vmem>>, vector<16xf32>,
      %swap3A_1156 = vector.shape_cast %swap3A_1155 : vector<16xf32> to vector<16xf32>
      %swap3A_1157 = vector.shape_cast %add3A_1153 : vector<16xf32> to vector<16xf32>
      tpu.vector_store %arg13[%swap3A_1154], %swap3A_1157 {strides = array<i32>} : memref<12800xf32, #tpu.memory_space<vmem>>, vector<16xf32>,
      %add3A_1158 = arith.constant 48 : i32
      %add3A_1159 = arith.addi %shift_left3A_1112, %add3A_1158 : i32
      %get3A_1160 = arith.constant 197 : i32
      %get3A_1161 = arith.index_cast %get3A_1160 : i32 to index
      %get3A_1162 = arith.index_cast %add3A_1159 : i32 to index
      %get3A_1163 = tpu.vector_load %arg11[%get3A_1161, %get3A_1162] {strides = array<i32>} : memref<200x128xf32, #tpu.memory_space<vmem>>, vector<1x16xf32>,
      %get3A_1164 = vector.shape_cast %get3A_1163 : vector<1x16xf32> to vector<16xf32>
      %get3A_1165 = arith.constant 12656 : index
      %get3A_1166 = tpu.vector_load %arg7[%get3A_1165] {strides = array<i32>} : memref<12800xf32, #tpu.memory_space<vmem>>, vector<16xf32>,
      %get3A_1167 = vector.shape_cast %get3A_1166 : vector<16xf32> to vector<16xf32>
      %add3A_1168 = arith.addf %get3A_1164, %get3A_1167 : vector<16xf32>
      %swap3A_1169 = arith.constant 12656 : index
      %swap3A_1170 = tpu.vector_load %arg13[%swap3A_1169] {strides = array<i32>} : memref<12800xf32, #tpu.memory_space<vmem>>, vector<16xf32>,
      %swap3A_1171 = vector.shape_cast %swap3A_1170 : vector<16xf32> to vector<16xf32>
      %swap3A_1172 = vector.shape_cast %add3A_1168 : vector<16xf32> to vector<16xf32>
      tpu.vector_store %arg13[%swap3A_1169], %swap3A_1172 {strides = array<i32>} : memref<12800xf32, #tpu.memory_space<vmem>>, vector<16xf32>,
      %slice3A_1173 = vector.extract_strided_slice %and3A_788 {offsets = [6], sizes = [1], strides = [1]} : vector<16xi32> to vector<1xi32>
      %squeeze3A_1174 = vector.extract %slice3A_1173[0] : i32 from vector<1xi32>
      %shift_left3A_1175 = arith.constant 6 : i32
      %shift_left3A_1176 = arith.shli %squeeze3A_1174, %shift_left3A_1175 : i32
      %add3A_1177 = arith.constant 0 : i32
      %add3A_1178 = arith.addi %shift_left3A_1176, %add3A_1177 : i32
      %get3A_1179 = arith.constant 198 : i32
      %get3A_1180 = arith.index_cast %get3A_1179 : i32 to index
      %get3A_1181 = arith.index_cast %add3A_1178 : i32 to index
      %get3A_1182 = tpu.vector_load %arg11[%get3A_1180, %get3A_1181] {strides = array<i32>} : memref<200x128xf32, #tpu.memory_space<vmem>>, vector<1x16xf32>,
      %get3A_1183 = vector.shape_cast %get3A_1182 : vector<1x16xf32> to vector<16xf32>
      %get3A_1184 = arith.constant 12672 : index
      %get3A_1185 = tpu.vector_load %arg7[%get3A_1184] {strides = array<i32>} : memref<12800xf32, #tpu.memory_space<vmem>>, vector<16xf32>,
      %get3A_1186 = vector.shape_cast %get3A_1185 : vector<16xf32> to vector<16xf32>
      %add3A_1187 = arith.addf %get3A_1183, %get3A_1186 : vector<16xf32>
      %swap3A_1188 = arith.constant 12672 : index
      %swap3A_1189 = tpu.vector_load %arg13[%swap3A_1188] {strides = array<i32>} : memref<12800xf32, #tpu.memory_space<vmem>>, vector<16xf32>,
      %swap3A_1190 = vector.shape_cast %swap3A_1189 : vector<16xf32> to vector<16xf32>
      %swap3A_1191 = vector.shape_cast %add3A_1187 : vector<16xf32> to vector<16xf32>
      tpu.vector_store %arg13[%swap3A_1188], %swap3A_1191 {strides = array<i32>} : memref<12800xf32, #tpu.memory_space<vmem>>, vector<16xf32>,
      %add3A_1192 = arith.constant 16 : i32
      %add3A_1193 = arith.addi %shift_left3A_1176, %add3A_1192 : i32
      %get3A_1194 = arith.constant 198 : i32
      %get3A_1195 = arith.index_cast %get3A_1194 : i32 to index
      %get3A_1196 = arith.index_cast %add3A_1193 : i32 to index
      %get3A_1197 = tpu.vector_load %arg11[%get3A_1195, %get3A_1196] {strides = array<i32>} : memref<200x128xf32, #tpu.memory_space<vmem>>, vector<1x16xf32>,
      %get3A_1198 = vector.shape_cast %get3A_1197 : vector<1x16xf32> to vector<16xf32>
      %get3A_1199 = arith.constant 12688 : index
      %get3A_1200 = tpu.vector_load %arg7[%get3A_1199] {strides = array<i32>} : memref<12800xf32, #tpu.memory_space<vmem>>, vector<16xf32>,
      %get3A_1201 = vector.shape_cast %get3A_1200 : vector<16xf32> to vector<16xf32>
      %add3A_1202 = arith.addf %get3A_1198, %get3A_1201 : vector<16xf32>
      %swap3A_1203 = arith.constant 12688 : index
      %swap3A_1204 = tpu.vector_load %arg13[%swap3A_1203] {strides = array<i32>} : memref<12800xf32, #tpu.memory_space<vmem>>, vector<16xf32>,
      %swap3A_1205 = vector.shape_cast %swap3A_1204 : vector<16xf32> to vector<16xf32>
      %swap3A_1206 = vector.shape_cast %add3A_1202 : vector<16xf32> to vector<16xf32>
      tpu.vector_store %arg13[%swap3A_1203], %swap3A_1206 {strides = array<i32>} : memref<12800xf32, #tpu.memory_space<vmem>>, vector<16xf32>,
      %add3A_1207 = arith.constant 32 : i32
      %add3A_1208 = arith.addi %shift_left3A_1176, %add3A_1207 : i32
      %get3A_1209 = arith.constant 198 : i32
      %get3A_1210 = arith.index_cast %get3A_1209 : i32 to index
      %get3A_1211 = arith.index_cast %add3A_1208 : i32 to index
      %get3A_1212 = tpu.vector_load %arg11[%get3A_1210, %get3A_1211] {strides = array<i32>} : memref<200x128xf32, #tpu.memory_space<vmem>>, vector<1x16xf32>,
      %get3A_1213 = vector.shape_cast %get3A_1212 : vector<1x16xf32> to vector<16xf32>
      %get3A_1214 = arith.constant 12704 : index
      %get3A_1215 = tpu.vector_load %arg7[%get3A_1214] {strides = array<i32>} : memref<12800xf32, #tpu.memory_space<vmem>>, vector<16xf32>,
      %get3A_1216 = vector.shape_cast %get3A_1215 : vector<16xf32> to vector<16xf32>
      %add3A_1217 = arith.addf %get3A_1213, %get3A_1216 : vector<16xf32>
      %swap3A_1218 = arith.constant 12704 : index
      %swap3A_1219 = tpu.vector_load %arg13[%swap3A_1218] {strides = array<i32>} : memref<12800xf32, #tpu.memory_space<vmem>>, vector<16xf32>,
      %swap3A_1220 = vector.shape_cast %swap3A_1219 : vector<16xf32> to vector<16xf32>
      %swap3A_1221 = vector.shape_cast %add3A_1217 : vector<16xf32> to vector<16xf32>
      tpu.vector_store %arg13[%swap3A_1218], %swap3A_1221 {strides = array<i32>} : memref<12800xf32, #tpu.memory_space<vmem>>, vector<16xf32>,
      %add3A_1222 = arith.constant 48 : i32
      %add3A_1223 = arith.addi %shift_left3A_1176, %add3A_1222 : i32
      %get3A_1224 = arith.constant 198 : i32
      %get3A_1225 = arith.index_cast %get3A_1224 : i32 to index
      %get3A_1226 = arith.index_cast %add3A_1223 : i32 to index
      %get3A_1227 = tpu.vector_load %arg11[%get3A_1225, %get3A_1226] {strides = array<i32>} : memref<200x128xf32, #tpu.memory_space<vmem>>, vector<1x16xf32>,
      %get3A_1228 = vector.shape_cast %get3A_1227 : vector<1x16xf32> to vector<16xf32>
      %get3A_1229 = arith.constant 12720 : index
      %get3A_1230 = tpu.vector_load %arg7[%get3A_1229] {strides = array<i32>} : memref<12800xf32, #tpu.memory_space<vmem>>, vector<16xf32>,
      %get3A_1231 = vector.shape_cast %get3A_1230 : vector<16xf32> to vector<16xf32>
      %add3A_1232 = arith.addf %get3A_1228, %get3A_1231 : vector<16xf32>
      %swap3A_1233 = arith.constant 12720 : index
      %swap3A_1234 = tpu.vector_load %arg13[%swap3A_1233] {strides = array<i32>} : memref<12800xf32, #tpu.memory_space<vmem>>, vector<16xf32>,
      %swap3A_1235 = vector.shape_cast %swap3A_1234 : vector<16xf32> to vector<16xf32>
      %swap3A_1236 = vector.shape_cast %add3A_1232 : vector<16xf32> to vector<16xf32>
      tpu.vector_store %arg13[%swap3A_1233], %swap3A_1236 {strides = array<i32>} : memref<12800xf32, #tpu.memory_space<vmem>>, vector<16xf32>,
      %slice3A_1237 = vector.extract_strided_slice %and3A_788 {offsets = [7], sizes = [1], strides = [1]} : vector<16xi32> to vector<1xi32>
      %squeeze3A_1238 = vector.extract %slice3A_1237[0] : i32 from vector<1xi32>
      %shift_left3A_1239 = arith.constant 6 : i32
      %shift_left3A_1240 = arith.shli %squeeze3A_1238, %shift_left3A_1239 : i32
      %add3A_1241 = arith.constant 0 : i32
      %add3A_1242 = arith.addi %shift_left3A_1240, %add3A_1241 : i32
      %get3A_1243 = arith.constant 199 : i32
      %get3A_1244 = arith.index_cast %get3A_1243 : i32 to index
      %get3A_1245 = arith.index_cast %add3A_1242 : i32 to index
      %get3A_1246 = tpu.vector_load %arg11[%get3A_1244, %get3A_1245] {strides = array<i32>} : memref<200x128xf32, #tpu.memory_space<vmem>>, vector<1x16xf32>,
      %get3A_1247 = vector.shape_cast %get3A_1246 : vector<1x16xf32> to vector<16xf32>
      %get3A_1248 = arith.constant 12736 : index
      %get3A_1249 = tpu.vector_load %arg7[%get3A_1248] {strides = array<i32>} : memref<12800xf32, #tpu.memory_space<vmem>>, vector<16xf32>,
      %get3A_1250 = vector.shape_cast %get3A_1249 : vector<16xf32> to vector<16xf32>
      %add3A_1251 = arith.addf %get3A_1247, %get3A_1250 : vector<16xf32>
      %swap3A_1252 = arith.constant 12736 : index
      %swap3A_1253 = tpu.vector_load %arg13[%swap3A_1252] {strides = array<i32>} : memref<12800xf32, #tpu.memory_space<vmem>>, vector<16xf32>,
      %swap3A_1254 = vector.shape_cast %swap3A_1253 : vector<16xf32> to vector<16xf32>
      %swap3A_1255 = vector.shape_cast %add3A_1251 : vector<16xf32> to vector<16xf32>
      tpu.vector_store %arg13[%swap3A_1252], %swap3A_1255 {strides = array<i32>} : memref<12800xf32, #tpu.memory_space<vmem>>, vector<16xf32>,
      %add3A_1256 = arith.constant 16 : i32
      %add3A_1257 = arith.addi %shift_left3A_1240, %add3A_1256 : i32
      %get3A_1258 = arith.constant 199 : i32
      %get3A_1259 = arith.index_cast %get3A_1258 : i32 to index
      %get3A_1260 = arith.index_cast %add3A_1257 : i32 to index
      %get3A_1261 = tpu.vector_load %arg11[%get3A_1259, %get3A_1260] {strides = array<i32>} : memref<200x128xf32, #tpu.memory_space<vmem>>, vector<1x16xf32>,
      %get3A_1262 = vector.shape_cast %get3A_1261 : vector<1x16xf32> to vector<16xf32>
      %get3A_1263 = arith.constant 12752 : index
      %get3A_1264 = tpu.vector_load %arg7[%get3A_1263] {strides = array<i32>} : memref<12800xf32, #tpu.memory_space<vmem>>, vector<16xf32>,
      %get3A_1265 = vector.shape_cast %get3A_1264 : vector<16xf32> to vector<16xf32>
      %add3A_1266 = arith.addf %get3A_1262, %get3A_1265 : vector<16xf32>
      %swap3A_1267 = arith.constant 12752 : index
      %swap3A_1268 = tpu.vector_load %arg13[%swap3A_1267] {strides = array<i32>} : memref<12800xf32, #tpu.memory_space<vmem>>, vector<16xf32>,
      %swap3A_1269 = vector.shape_cast %swap3A_1268 : vector<16xf32> to vector<16xf32>
      %swap3A_1270 = vector.shape_cast %add3A_1266 : vector<16xf32> to vector<16xf32>
      tpu.vector_store %arg13[%swap3A_1267], %swap3A_1270 {strides = array<i32>} : memref<12800xf32, #tpu.memory_space<vmem>>, vector<16xf32>,
      %add3A_1271 = arith.constant 32 : i32
      %add3A_1272 = arith.addi %shift_left3A_1240, %add3A_1271 : i32
      %get3A_1273 = arith.constant 199 : i32
      %get3A_1274 = arith.index_cast %get3A_1273 : i32 to index
      %get3A_1275 = arith.index_cast %add3A_1272 : i32 to index
      %get3A_1276 = tpu.vector_load %arg11[%get3A_1274, %get3A_1275] {strides = array<i32>} : memref<200x128xf32, #tpu.memory_space<vmem>>, vector<1x16xf32>,
      %get3A_1277 = vector.shape_cast %get3A_1276 : vector<1x16xf32> to vector<16xf32>
      %get3A_1278 = arith.constant 12768 : index
      %get3A_1279 = tpu.vector_load %arg7[%get3A_1278] {strides = array<i32>} : memref<12800xf32, #tpu.memory_space<vmem>>, vector<16xf32>,
      %get3A_1280 = vector.shape_cast %get3A_1279 : vector<16xf32> to vector<16xf32>
      %add3A_1281 = arith.addf %get3A_1277, %get3A_1280 : vector<16xf32>
      %swap3A_1282 = arith.constant 12768 : index
      %swap3A_1283 = tpu.vector_load %arg13[%swap3A_1282] {strides = array<i32>} : memref<12800xf32, #tpu.memory_space<vmem>>, vector<16xf32>,
      %swap3A_1284 = vector.shape_cast %swap3A_1283 : vector<16xf32> to vector<16xf32>
      %swap3A_1285 = vector.shape_cast %add3A_1281 : vector<16xf32> to vector<16xf32>
      tpu.vector_store %arg13[%swap3A_1282], %swap3A_1285 {strides = array<i32>} : memref<12800xf32, #tpu.memory_space<vmem>>, vector<16xf32>,
      %add3A_1286 = arith.constant 48 : i32
      %add3A_1287 = arith.addi %shift_left3A_1240, %add3A_1286 : i32
      %get3A_1288 = arith.constant 199 : i32
      %get3A_1289 = arith.index_cast %get3A_1288 : i32 to index
      %get3A_1290 = arith.index_cast %add3A_1287 : i32 to index
      %get3A_1291 = tpu.vector_load %arg11[%get3A_1289, %get3A_1290] {strides = array<i32>} : memref<200x128xf32, #tpu.memory_space<vmem>>, vector<1x16xf32>,
      %get3A_1292 = vector.shape_cast %get3A_1291 : vector<1x16xf32> to vector<16xf32>
      %get3A_1293 = arith.constant 12784 : index
      %get3A_1294 = tpu.vector_load %arg7[%get3A_1293] {strides = array<i32>} : memref<12800xf32, #tpu.memory_space<vmem>>, vector<16xf32>,
      %get3A_1295 = vector.shape_cast %get3A_1294 : vector<16xf32> to vector<16xf32>
      %add3A_1296 = arith.addf %get3A_1292, %get3A_1295 : vector<16xf32>
      %swap3A_1297 = arith.constant 12784 : index
      %swap3A_1298 = tpu.vector_load %arg13[%swap3A_1297] {strides = array<i32>} : memref<12800xf32, #tpu.memory_space<vmem>>, vector<16xf32>,
      %swap3A_1299 = vector.shape_cast %swap3A_1298 : vector<16xf32> to vector<16xf32>
      %swap3A_1300 = vector.shape_cast %add3A_1296 : vector<16xf32> to vector<16xf32>
      tpu.vector_store %arg13[%swap3A_1297], %swap3A_1300 {strides = array<i32>} : memref<12800xf32, #tpu.memory_space<vmem>>, vector<16xf32>,
      %add3A_1301 = arith.addi %multiple_of3A, %add3A_736 : i32
      %dma_start3A_1302 = arith.constant 0 : i32
      %dma_start3A_1303 = tpu.memref_slice %arg5[%add3A_1301, %dma_start3A_1302] : memref<4096x12800xf32, #tpu.memory_space<hbm>> -> memref<1x12800xf32, #tpu.memory_space<hbm>>
      %dma_start3A_1304 = tpu.memref_squeeze %dma_start3A_1303 : memref<1x12800xf32, #tpu.memory_space<hbm>> -> memref<12800xf32, #tpu.memory_space<hbm>>
      %dma_start3A_1305 = arith.constant 0 : i32
      %dma_start3A_1306 = tpu.memref_slice %arg5[%add3A_1301, %dma_start3A_1305] : memref<4096x12800xf32, #tpu.memory_space<hbm>> -> memref<1x12800xf32, #tpu.memory_space<hbm>>
      %dma_start3A_1307 = tpu.memref_squeeze %dma_start3A_1306 : memref<1x12800xf32, #tpu.memory_space<hbm>> -> memref<12800xf32, #tpu.memory_space<hbm>>
      tpu.enqueue_dma source(%arg13 : memref<12800xf32, #tpu.memory_space<vmem>>) target(%dma_start3A_1307 : memref<12800xf32, #tpu.memory_space<hbm>>) target_semaphore(%arg17 : memref<!tpu.dma_semaphore, #tpu.memory_space<semaphore_mem>>)
    }
    %scan3A_151 = arith.constant 64 : i32
    %dma_wait3A = arith.constant 0 : i32
    %dma_wait3A_152 = arith.constant 0 : i32
    %dma_wait3A_153 = tpu.memref_slice %arg5[%dma_wait3A, %dma_wait3A_152] : memref<4096x12800xf32, #tpu.memory_space<hbm>> -> memref<1x12800xf32, #tpu.memory_space<hbm>>
    %dma_wait3A_154 = tpu.memref_squeeze %dma_wait3A_153 : memref<1x12800xf32, #tpu.memory_space<hbm>> -> memref<12800xf32, #tpu.memory_space<hbm>>
    %dma_wait3A_155 = arith.constant 0 : i32
    %dma_wait3A_156 = tpu.memref_slice %arg5[%dma_wait3A, %dma_wait3A_155] : memref<4096x12800xf32, #tpu.memory_space<hbm>> -> memref<1x12800xf32, #tpu.memory_space<hbm>>
    %dma_wait3A_157 = tpu.memref_squeeze %dma_wait3A_156 : memref<1x12800xf32, #tpu.memory_space<hbm>> -> memref<12800xf32, #tpu.memory_space<hbm>>
    tpu.wait_dma2 semaphore(%arg16 : memref<!tpu.dma_semaphore, #tpu.memory_space<semaphore_mem>>) src(%arg12 : memref<12800xf32, #tpu.memory_space<vmem>>) dst(%dma_wait3A_157 : memref<12800xf32, #tpu.memory_space<hbm>>)
    %dma_wait3A_158 = arith.constant 0 : i32
    %dma_wait3A_159 = arith.constant 0 : i32
    %dma_wait3A_160 = tpu.memref_slice %arg5[%dma_wait3A_158, %dma_wait3A_159] : memref<4096x12800xf32, #tpu.memory_space<hbm>> -> memref<1x12800xf32, #tpu.memory_space<hbm>>
    %dma_wait3A_161 = tpu.memref_squeeze %dma_wait3A_160 : memref<1x12800xf32, #tpu.memory_space<hbm>> -> memref<12800xf32, #tpu.memory_space<hbm>>
    %dma_wait3A_162 = arith.constant 0 : i32
    %dma_wait3A_163 = tpu.memref_slice %arg5[%dma_wait3A_158, %dma_wait3A_162] : memref<4096x12800xf32, #tpu.memory_space<hbm>> -> memref<1x12800xf32, #tpu.memory_space<hbm>>
    %dma_wait3A_164 = tpu.memref_squeeze %dma_wait3A_163 : memref<1x12800xf32, #tpu.memory_space<hbm>> -> memref<12800xf32, #tpu.memory_space<hbm>>
    tpu.wait_dma2 semaphore(%arg17 : memref<!tpu.dma_semaphore, #tpu.memory_space<semaphore_mem>>) src(%arg13 : memref<12800xf32, #tpu.memory_space<vmem>>) dst(%dma_wait3A_164 : memref<12800xf32, #tpu.memory_space<hbm>>)
    return
  }
}

</mosaic_0001>

<sc_bundles>
// kernel: _run.3.cloned.1.call-start
scs
__scs_entry_jumppad:
0x0: {  	(pc) =	sbr.rel $0x88, $3  }
0x1: {  	(tag) =	ssettag $0x0;
	lr =	simm.s32 $0x1  }
0x2: {  	[smem:$0x3F9E] =	sst lr;
	_ =	strace $0xD0000000  }
0x3: {  	_ = 	snop  }
0x4: {  	_ = 	snop  }
0x5: {  	_ = 	snop  }
0x6: {  	_ = 	snop  }
0x7: {  	_ = 	snop  }
__scs_overlays_trampoline_lowered:
0x8: {  	[smem:$0x3FAD] =	sst s0  }
0x9: {  	[smem:$0x3FAE] =	sst s1  }
0xa: {  	[smem:$0x3FAF] =	sst s2  }
0xb: {  	[smem:$0x3FB0] =	sst s3  }
0xc: {  	[smem:$0x3FB1] =	sst s4  }
0xd: {  	[smem:$0x3FB2] =	sst s5  }
0xe: {  	[smem:$0x3FB3] =	sst s6  }
0xf: {  	[smem:$0x3FB4] =	sst s7  }
0x10: {  	[smem:$0x3FB5] =	sst s8  }
0x11: {  	[smem:$0x3FB6] =	sst s9;
	s0 =	simm.s32 @!p0 $0x0  }
0x12: {  	s1 =	sld [smem:$0x3F9C];
	s0 =	simm.s32 @p0 $0x1  }
0x13: {  	[smem:$0x3FB7] =	sst s0;
	s0 =	simm.s32 @!p1 $0x0  }
0x14: {  	s2 =	sld [smem:$0x3F9B];
	s0 =	simm.s32 @p1 $0x1  }
0x15: {  	[smem:$0x3FB8] =	sst s0;
	s0 =	simm.s32 @!p2 $0x0  }
0x16: {  	s3 =	sld [smem:$0x3FDB];
	s0 =	simm.s32 @p2 $0x1  }
0x17: {  	s4 =	simm.s32 $0x1BF5;
	[smem:$0x3FBA] =	sst s0  }
0x18: {  	s0 =	sld [smem:$0x3F9D];
	_ =	swait.ge [sflag:s4], $0x0  }
0x19: {  	s7 =	sld [smem:$0x3F9E]  }
0x1a: {  	s8 =	sadd.s32 $0xFFFFE003, lr  }
0x1b: {  	s9 =	sadd.s32 $0xFFFFFEF7, lr;
	s5 =	simm.s32 $0xFFFFFFFF;
	p2 =	slt.u32 s8, $0xFFFFF086  }
0x1c: {  	p1 =	slt.u32 s9, $0xF7A;
	s5 =	simm.s32 @!p2 $0x0  }
0x1d: {  	s5 =	simm.s32 @p1 $0x1;
	p0 =	seq.s32 s7, s2  }
0x1e: {  	s7 =	smul.u32 @!p0 $0xF7A, s2;
	p2 =	seq.s32 @!p0 s5, $0x0  }
0x1f: {  	s9 =	smul.u32 $0xF7A, s1;
	s8 =	simm.s32 @!p0 $0x1BF5;
	p2 =	por !p2, p0  }
0x20: {  	[sflag:s8] =	ssyncset.s32 @!p0 $0xFFFFF086;
	s6 =	sadd.s32 @!p0 s3, s7;
	s7 =	simm.s32 @!p0 $0x108  }
0x21: {  	s3 =	sadd.s32 s3, s9;
	s6 =	sadd.s32 @!p0 $0x88, s6;
	s7 =	simm.s32 @p2 $0x1082  }
0x22: {  	[simem:s7], [sflag:s8] =	dma.local @!p0 [hbm:s6], $0xF7A  }
0x23: {  	s9 =	sor.u32 $0xD0000000, s2;
	s6 =	simm.s32 $0x108;
	_ =	swait.ge @!p0 [sflag:s8], $0x0  }
0x24: {  	s3 =	sadd.s32 $0x88, s3;
	s6 =	simm.s32 @!p1 $0x1082;
	[sflag:s4] =	ssyncset.s32 $0xFFFFF086  }
0x25: {  	[simem:s6], [sflag:s4] =	dma.local [hbm:s3], $0xF7A  }
0x26: {  	[smem:$0x3F9E] =	sst s1;
	(tag) =	ssettag s2;
	_ =	strace s9  }
0x27: {  	s1 =	sld [smem:$0x3FAE]  }
0x28: {  	s2 =	sld [smem:$0x3FAF]  }
0x29: {  	s4 =	sld [smem:$0x3FB1]  }
0x2a: {  	p0 =	seq.s32 s5, $0x0;
	s5 =	sld [smem:$0x3FB2]  }
0x2b: {  	s6 =	sld [smem:$0x3FB3]  }
0x2c: {  	s7 =	sld [smem:$0x3FB4]  }
0x2d: {  	s3 =	simm.s32 $0x108;
	s8 =	sld [smem:$0x3FB5]  }
0x2e: {  	s3 =	simm.s32 @!p0 $0x1082;
	s9 =	sld [smem:$0x3FB6]  }
0x2f: {  	lr =	sadd.s32 s0, s3;
	s0 =	sld [smem:$0x3FAD]  }
0x30: {  	s3 =	sld [smem:$0x3FB0]  }
0x31: {  	[smem:$0x3FB9] =	sst s10  }
0x32: {  	s10 =	sld [smem:$0x3FB7];
	_ =	sdelay $0x3  }
0x33: {  	p0 =	seq.s32 s10, $0x1;
	s10 =	sld [smem:$0x3FB9];
	_ =	sdelay $0x3  }
0x34: {  	[smem:$0x3FB9] =	sst s10  }
0x35: {  	s10 =	sld [smem:$0x3FB8];
	_ =	sdelay $0x3  }
0x36: {  	p1 =	seq.s32 s10, $0x1;
	s10 =	sld [smem:$0x3FB9];
	_ =	sdelay $0x3  }
0x37: {  	[smem:$0x3FB9] =	sst s10  }
0x38: {  	s10 =	sld [smem:$0x3FBA]  }
0x39: {  	_ = 	snop;
	(pc) =	sbr.ind lr, $3  }
0x3a: {  	_ = 	snop  }
0x3b: {  	_ = 	snop  }
0x3c: {  	p2 =	seq.s32 s10, $0x1;
	s10 =	sld [smem:$0x3FB9]  }
0x3d: {  	_ =	shalt  }
0x3e: {  	_ =	shalt  }
0x3f: {  	_ =	shalt  }
0x40: {  	_ =	shalt  }
0x41: {  	_ =	shalt  }
0x42: {  	_ =	shalt  }
0x43: {  	_ =	shalt  }
0x44: {  	_ =	shalt  }
0x45: {  	_ =	shalt  }
0x46: {  	_ =	shalt  }
0x47: {  	_ =	shalt  }
0x48: {  	_ =	shalt  }
0x49: {  	_ =	shalt  }
0x4a: {  	_ =	shalt  }
0x4b: {  	_ =	shalt  }
0x4c: {  	_ =	shalt  }
0x4d: {  	_ =	shalt  }
0x4e: {  	_ =	shalt  }
0x4f: {  	_ =	shalt  }
0x50: {  	_ =	shalt  }
0x51: {  	_ =	shalt  }
0x52: {  	_ =	shalt  }
0x53: {  	_ =	shalt  }
0x54: {  	_ =	shalt  }
0x55: {  	_ =	shalt  }
0x56: {  	_ =	shalt  }
0x57: {  	_ =	shalt  }
0x58: {  	_ =	shalt  }
0x59: {  	_ =	shalt  }
0x5a: {  	_ =	shalt  }
0x5b: {  	_ =	shalt  }
0x5c: {  	_ =	shalt  }
0x5d: {  	_ =	shalt  }
0x5e: {  	_ =	shalt  }
0x5f: {  	_ =	shalt  }
0x60: {  	_ =	shalt  }
0x61: {  	_ =	shalt  }
0x62: {  	_ =	shalt  }
0x63: {  	_ =	shalt  }
0x64: {  	_ =	shalt  }
0x65: {  	_ =	shalt  }
0x66: {  	_ =	shalt  }
0x67: {  	_ =	shalt  }
0x68: {  	_ =	shalt  }
0x69: {  	_ =	shalt  }
0x6a: {  	_ =	shalt  }
0x6b: {  	_ =	shalt  }
0x6c: {  	_ =	shalt  }
0x6d: {  	_ =	shalt  }
0x6e: {  	_ =	shalt  }
0x6f: {  	_ =	shalt  }
0x70: {  	_ =	shalt  }
0x71: {  	_ =	shalt  }
0x72: {  	_ =	shalt  }
0x73: {  	_ =	shalt  }
0x74: {  	_ =	shalt  }
0x75: {  	_ =	shalt  }
0x76: {  	_ =	shalt  }
0x77: {  	_ =	shalt  }
0x78: {  	_ =	shalt  }
0x79: {  	_ =	shalt  }
0x7a: {  	_ =	shalt  }
0x7b: {  	_ =	shalt  }
0x7c: {  	_ =	shalt  }
0x7d: {  	_ =	shalt  }
0x7e: {  	_ =	shalt  }
0x7f: {  	_ =	shalt  }
0x80: {  	_ =	shalt  }
0x81: {  	_ =	shalt  }
0x82: {  	_ =	shalt  }
0x83: {  	_ =	shalt  }
0x84: {  	_ =	shalt  }
0x85: {  	_ =	shalt  }
0x86: {  	_ =	shalt  }
0x87: {  	_ =	shalt  }
.Lfunc_end0:
.L_simem_size_0:
called_computation_lowered:
.L_overlay_start_0:
0x88: {  	s2 =	sld [smem:$0x3FD9]  }
0x89: {  	s3 =	sld [smem:$0x3FFE];
	_ =	sdelay $0x1  }
0x8a: {  	s1 =	srdreg.scid  }
0x8b: {  	s0 =	sand.u32 $0x1, s1  }
0x8c: {  	s18 =	sshll.u32 s0, $0xA;
	s2 =	sadd.s32 s3, s2  }
0x8d: {  	s2 =	sadd.s32 s2, s18  }
0x8e: {  	[smem:$0x3FC5] =	sst s2  }
0x8f: {  	_ = 	snop  }
0x90: {  	s2 =	sld [smem:$0x3FC9]  }
0x91: {  	s19 =	sld [smem:$0x3FC8]  }
0x92: {  	s4 =	sld [smem:$0x3FC7]  }
0x93: {  	s5 =	sld [smem:$0x3FD0];
	(tm) =	ssettm $0x1  }
0x94: {  	s6 =	sld [smem:$0x3FFB];
	_ =	sdelay $0x3  }
0x95: {  	_ =	strace s6  }
0x96: {  	s6 =	sld [smem:$0x3FFC];
	_ =	sdelay $0x3  }
0x97: {  	_ =	strace s6  }
0x98: {  	s6 =	sld [smem:$0x3FFD];
	_ =	sdelay $0x3  }
0x99: {  	_ =	strace s6  }
0x9a: {  	_ =	strace $0x8FFFFFFF  }
0x9b: {  	s20 =	sld [smem:$0x3FDB];
	_ =	sdelay $0x1  }
0x9c: {  	s7 =	simm.s32 $_scs_section_size  }
0x9d: {  	s8 =	simm.s32 $_size__tile_overlayer_lowered;
	s9 =	simm.s32 $_tile_overlayer_lowered  }
0x9e: {  	s23 =	simm.s32 $0x1BFF;
	s22 =	sshll.u32 s9, $0x1;
	s6 =	sadd.s32 s7, s20  }
0x9f: {  	s10 =	simm.s32 $0x0;
	s21 =	sshll.u32 s8, $0x1;
	s8 =	sadd.s32 s22, s6  }
0xa0: {  	[timem:s10], [sflag:s23] =	dma.local [hbm:s8], s21  }
0xa1: {  	_ =	swait.ge [sflag:s23], s21  }
0xa2: {  	s7 =	ssub.s32 $0x0, s21;
	[sflag:s23] =	ssyncset.done $0x0  }
0xa3: {  	[sflag:s23] =	ssyncadd.s32 s7;
	_ =	sdelay $0x1  }
0xa4: {  	s24 =	simm.s32 $0x1B8B  }
0xa5: {  	_ =	swait.ge [sflag:s24], $0x1  }
0xa6: {  	[sflag:s24] =	ssyncset.done $0x0  }
0xa7: {  	s25 =	simm.s32 $0x1B8E;
	[sflag:s24] =	ssyncadd.s32 $0xFFFFFFFF  }
0xa8: {  	s26 =	simm.s32 $execute0_lowered;
	[smem:$0x3FD2] =	sst s25  }
0xa9: {  	s7 =	sshll.u32 s26, $0x1;
	_ =	strace $0x80000046;
	[dreg:$0x1] =	wrdreg $0xFFFFFFFF  }
0xaa: {  	s28 =	simm.s32 $_size_execute0_lowered;
	s6 =	sadd.s32 s6, s7;
	[dreg:$0x0] =	wrdreg $0x0  }
0xab: {  	s7 =	sshll.u32 s28, $0x1;
	[dreg:$0x2] =	wrdreg s6  }
0xac: {  	[dreg:$0x3] =	wrdreg s7  }
0xad: {  	[dreg:$0x4] =	wrdreg $0xC0  }
0xae: {  	_ =	task [dreg:s10], $0x5FFFF  }
0xaf: {  	[dreg:$0x1] =	wrdreg $0xFFFFFFFF  }
0xb0: {  	[dreg:$0x0] =	wrdreg $0x60  }
0xb1: {  	[dreg:$0x2] =	wrdreg s2  }
0xb2: {  	[dreg:$0x3] =	wrdreg s19  }
0xb3: {  	[dreg:$0x4] =	wrdreg s4  }
0xb4: {  	[dreg:$0x5] =	wrdreg s5  }
0xb5: {  	[dreg:$0x6] =	wrdreg $0x9  }
0xb6: {  	_ =	task.clear_ibuf [dreg:s10], $0x7FFFF;
	_ =	strace $0x90000046  }
0xb7: {  	s29 =	simm.s32 $0x9;
	_ =	strace $0x80000048  }
0xb8: {  	_ =	swait.ge [sflag:s29], $0x1  }
0xb9: {  	[sflag:s29] =	ssyncadd.s32 $0xFFFFFFFF  }
0xba: {  	_ =	strace $0x90000048  }
0xbb: {  	_ =	sfence  }
0xbc: {  	s30 =	sld [smem:$0x0];
	_ =	sdelay $0x2  }
0xbd: {  	s31 =	sshll.u32 s1, $0xD;
	s1 =	sshrl.u32 s1, $0x2  }
0xbe: {  	s3 =	sand.u32 $0x4000, s31;
	s1 =	sadd.s32 s1, s30  }
0xbf: {  	s0 =	sor.u32 s3, s0;
	s1 =	sshll.u32 s1, $0x11  }
0xc0: {  	s0 =	sor.u32 s1, s0  }
0xc1: {  	s0 =	sadd.s32 $0x8F2B, s0  }
0xc2: {  	[sflag:s0] =	ssyncadd.remote.s32 $0x1  }
0xc3: {  	_ =	sfence.sel $0xFFFF  }
0xc4: {  	[dreg:$0x0] =	wrdreg $0xFFFFFFFF;
	(pc) =	sbr.abs _section_cstart, $3  }
0xc5: {  	[dreg:$0x1] =	wrdreg $0xFFFFFFFF  }
0xc6: {  	_ =	task.clear_ibuf [dreg:s10], $0x2FFFF;
	_ =	strace $0x9FFFFFFF  }
0xc7: {  	(tm) =	ssettm $0x7FFFFFFF  }
tec
execute0_lowered:
.L_overlay_start_1:
0x0: {  	(tag) =	ssettag $0x1  }
0x1: {  	s0 =	rddreg [dreg:$0x0]  }
0x2: {  	s1 =	rddreg [dreg:$0x1]  }
0x3: {  	s2 =	srdreg.scid;
	s5 =	stileid.u32  }
0x4: {  	s4 =	rddreg [dreg:$0x3];
	s6 =	simm.s32 $0x0;
	s9 =	simm.s32 $0x5  }
0x5: {  	s11 =	simm.s32 $0x80;
	s14 =	simm.s32 $0x48;
	s17 =	simm.s32 $0x9B00  }
0x6: {  	s18 =	simm.s32 $0x10000;
	s19 =	simm.s32 $0x9B80;
	s20 =	simm.s32 $0x14000  }
0x7: {  	s21 =	simm.s32 $0x1;
	s22 =	simm.s32 $0x400;
	s2 =	sand.u32 $0x1, s2  }
0x8: {  	s5 =	sshll.u32 s5, $0x7;
	s3 =	sshll.u32 s2, $0xB;
	s2 =	ssub.s32 $0x2, s2  }
0x9: {  	s23 =	simm.s32 $0x16400;
	s5 =	sor.u32 s5, s3;
	s30 =	sshrl.u32 s2, $0x1  }
0xa: {  	s24 =	simm.s32 $0x2;
	s3 =	smul.u32 $0x1A, s5;
	s2 =	ssub.s32 s2, s30  }
0xb: {  	s25 =	simm.s32 $0x19600;
	[smem:$0x7FF] =	sst s6;
	s31 =	smax.u32 s2, $0x1  }
0xc: {  	_ =	strace $0x80000047;
	s0 =	sadd.s32 s0, s3;
	[dreg:$0x6] =	wrdreg s31  }
0xd: {  	s28 =	simm.s32 $0x4;
	s29 =	simm.s32 $0x0;
	[dreg:$0x5] =	wrdreg s0  }
.LBB2_1:
0xe: {  	s2 =	simm.s32 $0x0;
	s0 =	rddreg [dreg:$0x5]  }
0xf: {  	[tilespmem:s2], [sflag:$0x5] =	stream.linear.gather [hbm4b:s0+s2], $0x6800, $0x38;
	[tilespmem:$0x1C800] =	vst v63  }
0x10: {  	_ =	swait.ge [sflag:s9], $0x6800  }
0x11: {  	[sflag:s9] =	ssyncset.done $0x0  }
0x12: {  	[sflag:s9] =	ssyncadd.s32 $0xFFFF9800  }
0x13: {  	s3 =	simm.s32 $0x6800;
	s13 =	rddreg [dreg:$0x2]  }
0x14: {  	[tilespmem:s3], [sflag:$0x5] =	stream.linear.gather [hbm4b:s13+s2], $0x3200, $0x38;
	[tilespmem:$0x1C800] =	vst v63  }
0x15: {  	_ =	swait.ge [sflag:s9], $0x3200  }
0x16: {  	[sflag:s9] =	ssyncset.done $0x0  }
0x17: {  	[sflag:s9] =	ssyncadd.s32 $0xFFFFCE00  }
0x18: {  	v0 =	vld [tilespmem:$0x0]  }
0x19: {  	v1 =	vld [tilespmem:$0x10]  }
0x1a: {  	v2 =	vld [tilespmem:$0x20]  }
0x1b: {  	v3 =	vld [tilespmem:$0x30]  }
0x1c: {  	v4 =	vld [tilespmem:$0x40]  }
0x1d: {  	v5 =	vld [tilespmem:$0x50];
	v0 =	vshrl.u32 v0, $0x1  }
0x1e: {  	v46 =	vld [tilespmem:$0x60];
	v45 =	vshrl.u32 v1, $0x1;
	[tilespmem:$0x9A00] =	vst v0  }
0x1f: {  	v48 =	vld [tilespmem:$0x70];
	v47 =	vshrl.u32 v2, $0x1;
	[tilespmem:$0x9A10] =	vst v45  }
0x20: {  	v50 =	vld [tilespmem:$0x80];
	v49 =	vshrl.u32 v3, $0x1;
	[tilespmem:$0x9A20] =	vst v47  }
0x21: {  	v52 =	vld [tilespmem:$0x90];
	v51 =	vshrl.u32 v4, $0x1;
	[tilespmem:$0x9A30] =	vst v49  }
0x22: {  	v54 =	vld [tilespmem:$0xA0];
	v53 =	vshrl.u32 v5, $0x1;
	[tilespmem:$0x9A40] =	vst v51  }
0x23: {  	v56 =	vld [tilespmem:$0xB0];
	v55 =	vshrl.u32 v46, $0x1;
	[tilespmem:$0x9A50] =	vst v53  }
0x24: {  	v58 =	vld [tilespmem:$0xC0];
	v57 =	vshrl.u32 v48, $0x1;
	[tilespmem:$0x9A60] =	vst v55  }
0x25: {  	v59 =	vshrl.u32 v50, $0x1;
	[tilespmem:$0x9A70] =	vst v57  }
0x26: {  	v60 =	vshrl.u32 v52, $0x1;
	[tilespmem:$0x9A80] =	vst v59  }
0x27: {  	v61 =	vshrl.u32 v54, $0x1;
	[tilespmem:$0x9A90] =	vst v60  }
0x28: {  	v62 =	vshrl.u32 v56, $0x1;
	[tilespmem:$0x9AA0] =	vst v61  }
0x29: {  	s15 =	simm.s32 $0x9A00;
	v63 =	vshrl.u32 v58, $0x1;
	[tilespmem:$0x9AB0] =	vst v62  }
0x2a: {  	s16 =	simm.s32 $0x9C00;
	s26 =	simm.s32 $0x9A80;
	s30 =	simm.s32 $0xDC00;
	[tilespmem:$0x9AC0] =	vst v63  }
0x2b: {  	[tilespmem:s16], [sflag:$0x1] =	stream.indirect.gather [hbm4b:s1+s11], $0x80, s15, s11, $0xb8;
	[tilespmem:$0x1C800] =	vst v63  }
0x2c: {  	s6 =	simm.s32 $0xD0;
	s31 =	simm.s32 $0x0;
	s2 =	simm.s32 $0x0  }
0x2d: {  	[tilespmem:s30], [sflag:$0x1] =	stream.indirect.gather [hbm4b:s1+s14], $0x80, s26, s14, $0xb8;
	[tilespmem:$0x1C800] =	vst v63  }
.LBB2_2:
0x2e: {  	s0 =	sshllo.u32 s2, $0x1  }
0x2f: {  	s3 =	smul.u32 $0xD0, s0;
	_ =	sdelay $0x1  }
0x30: {  	v0 =	vld [tilespmem:s3+$0x0];
	_ =	sdelay $0x4  }
0x31: {  	v0 =	vshrl.u32 v0, $0x1  }
0x32: {  	[tilespmem:$0x9B00] =	vst v0  }
0x33: {  	v0 =	vld [tilespmem:s3+$0x10];
	_ =	sdelay $0x4  }
0x34: {  	v0 =	vshrl.u32 v0, $0x1  }
0x35: {  	[tilespmem:$0x9B10] =	vst v0  }
0x36: {  	v0 =	vld [tilespmem:s3+$0x20];
	_ =	sdelay $0x4  }
0x37: {  	v0 =	vshrl.u32 v0, $0x1  }
0x38: {  	[tilespmem:$0x9B20] =	vst v0  }
0x39: {  	v0 =	vld [tilespmem:s3+$0x30];
	_ =	sdelay $0x4  }
0x3a: {  	v0 =	vshrl.u32 v0, $0x1  }
0x3b: {  	[tilespmem:$0x9B30] =	vst v0  }
0x3c: {  	v0 =	vld [tilespmem:s3+$0x40];
	_ =	sdelay $0x4  }
0x3d: {  	v0 =	vshrl.u32 v0, $0x1  }
0x3e: {  	[tilespmem:$0x9B40] =	vst v0  }
0x3f: {  	v0 =	vld [tilespmem:s3+$0x50];
	_ =	sdelay $0x4  }
0x40: {  	v0 =	vshrl.u32 v0, $0x1  }
0x41: {  	[tilespmem:$0x9B50] =	vst v0  }
0x42: {  	v0 =	vld [tilespmem:s3+$0x60];
	_ =	sdelay $0x4  }
0x43: {  	v0 =	vshrl.u32 v0, $0x1  }
0x44: {  	[tilespmem:$0x9B60] =	vst v0  }
0x45: {  	v0 =	vld [tilespmem:s3+$0x70];
	_ =	sdelay $0x4  }
0x46: {  	v0 =	vshrl.u32 v0, $0x1  }
0x47: {  	s10 =	sand.u32 $0x7FF0, s3;
	[tilespmem:$0x9B70] =	vst v0  }
0x48: {  	v0 =	vld [tilespmem:s10+$0x80];
	_ =	sdelay $0x4  }
0x49: {  	v0 =	vshrl.u32 v0, $0x1  }
0x4a: {  	[tilespmem:$0x9B80] =	vst v0  }
0x4b: {  	v0 =	vld [tilespmem:s3+$0x90];
	_ =	sdelay $0x4  }
0x4c: {  	v0 =	vshrl.u32 v0, $0x1  }
0x4d: {  	[tilespmem:$0x9B90] =	vst v0  }
0x4e: {  	v0 =	vld [tilespmem:s3+$0xA0];
	_ =	sdelay $0x4  }
0x4f: {  	v0 =	vshrl.u32 v0, $0x1  }
0x50: {  	[tilespmem:$0x9BA0] =	vst v0  }
0x51: {  	v0 =	vld [tilespmem:s3+$0xB0];
	_ =	sdelay $0x4  }
0x52: {  	v0 =	vshrl.u32 v0, $0x1  }
0x53: {  	[tilespmem:$0x9BB0] =	vst v0  }
0x54: {  	v0 =	vld [tilespmem:s3+$0xC0];
	_ =	sdelay $0x4  }
0x55: {  	v0 =	vshrl.u32 v0, $0x1  }
0x56: {  	[tilespmem:$0x9BC0] =	vst v0  }
0x57: {  	[tilespmem:s18], [sflag:$0x2] =	stream.indirect.gather [hbm4b:s1+s11], $0x80, s17, s11, $0xb8;
	[tilespmem:$0x1C800] =	vst v63  }
0x58: {  	_ = 	snop  }
0x59: {  	[tilespmem:s20], [sflag:$0x2] =	stream.indirect.gather [hbm4b:s1+s14], $0x80, s19, s14, $0xb8;
	[tilespmem:$0x1C800] =	vst v63  }
0x5a: {  	_ =	swait.ge [sflag:s21], $0x4000  }
0x5b: {  	[sflag:s21] =	ssyncset.done $0x0  }
0x5c: {  	[sflag:s21] =	ssyncadd.s32 $0xFFFFC000  }
0x5d: {  	_ =	swait.ge [sflag:s21], $0x2400  }
0x5e: {  	p0 =	seq.s32 s2, $0x0;
	s12 =	smul.u32 $0x680, s2;
	[sflag:s21] =	ssyncset.done $0x0  }
0x5f: {  	s13 =	simm.s32 $0x3C0;
	s10 =	simm.s32 @!p0 $0x3;
	[sflag:s21] =	ssyncadd.s32 $0xFFFFDC00  }
0x60: {  	s15 =	simm.s32 $0x16600;
	s16 =	simm.s32 $0x6A00;
	_ =	swait.ge @!p0 [sflag:s10], $0x3200  }
0x61: {  	s30 =	smov.u32 s31;
	s3 =	sshll.u32 s2, $0x1;
	[sflag:s10] =	ssyncset.done @!p0 $0x0  }
0x62: {  	[sflag:s10] =	ssyncadd.s32 @!p0 $0xFFFFCE00;
	s10 =	sshra.s32 s12, $0x2;
	s12 =	simm.s32 $0x0  }
.LBB2_3:
0x63: {  	v0 =	vld [tilespmem:s30+$0x0];
	_ =	sdelay $0x4  }
0x64: {  	v0 =	vand.u32 $0x1, v0  }
0x65: {  	s7 =	sshra.s32 s12, $0x2;
	v0 =	vshll.u32 v0, $0x6  }
0x66: {  	v0 =	vadd.s32 s7, v0  }
0x67: {  	(v2sf) =	vpush v0, $0x0;
	_ =	sdelay $0xe  }
0x68: {  	v2 =	vld [tilespmem:s16+$0xFFFFFE00];
	s8 =	spop (v2sf)  }
0x69: {  	v1 =	vld [tilespmem:s8+$0x9C00];
	_ =	sdelay $0x4  }
0x6a: {  	v1 =	vadd.f32 v2, v1;
	_ =	sdelay $0x1  }
0x6b: {  	[tilespmem:s15+$0xFFFFFE00] =	vst v1  }
0x6c: {  	v1 =	vld [tilespmem:s8+$0x9C10]  }
0x6d: {  	v60 =	vld [tilespmem:s16+$0xFFFFFE10];
	_ =	sdelay $0x4  }
0x6e: {  	v1 =	vadd.f32 v60, v1;
	_ =	sdelay $0x1  }
0x6f: {  	[tilespmem:s15+$0xFFFFFE10] =	vst v1  }
0x70: {  	v1 =	vld [tilespmem:s8+$0x9C20]  }
0x71: {  	v61 =	vld [tilespmem:s16+$0xFFFFFE20]  }
0x72: {  	(v2sf) =	vpush v0, $0x1;
	_ =	sdelay $0x3  }
0x73: {  	v1 =	vadd.f32 v61, v1;
	_ =	sdelay $0x1  }
0x74: {  	[tilespmem:s15+$0xFFFFFE20] =	vst v1  }
0x75: {  	v1 =	vld [tilespmem:s8+$0x9C30]  }
0x76: {  	v62 =	vld [tilespmem:s16+$0xFFFFFE30];
	_ =	sdelay $0x4  }
0x77: {  	v1 =	vadd.f32 v62, v1;
	_ =	sdelay $0x1  }
0x78: {  	s7 =	spop (v2sf);
	[tilespmem:s15+$0xFFFFFE30] =	vst v1  }
0x79: {  	v1 =	vld [tilespmem:s7+$0x9C80]  }
0x7a: {  	v63 =	vld [tilespmem:s16+$0xFFFFFE40];
	_ =	sdelay $0x4  }
0x7b: {  	v1 =	vadd.f32 v63, v1;
	_ =	sdelay $0x1  }
0x7c: {  	s8 =	sadd.s32 $0xFFFFFC80, s13;
	[tilespmem:s15+$0xFFFFFE40] =	vst v1  }
0x7d: {  	s26 =	sor.u32 $0x50, s8;
	v1 =	vld [tilespmem:s7+$0x9C90]  }
0x7e: {  	v4 =	vld [tilespmem:s26+$0x6800];
	_ =	sdelay $0x4  }
0x7f: {  	v1 =	vadd.f32 v4, v1;
	_ =	sdelay $0x1  }
0x80: {  	[tilespmem:s26+$0x16400] =	vst v1  }
0x81: {  	s26 =	sor.u32 $0x60, s8;
	v1 =	vld [tilespmem:s7+$0x9CA0]  }
0x82: {  	v5 =	vld [tilespmem:s26+$0x6800]  }
0x83: {  	(v2sf) =	vpush v0, $0x2;
	_ =	sdelay $0x3  }
0x84: {  	v1 =	vadd.f32 v5, v1;
	_ =	sdelay $0x1  }
0x85: {  	[tilespmem:s26+$0x16400] =	vst v1  }
0x86: {  	s26 =	sor.u32 $0x70, s8;
	v1 =	vld [tilespmem:s7+$0x9CB0]  }
0x87: {  	v6 =	vld [tilespmem:s26+$0x6800];
	_ =	sdelay $0x4  }
0x88: {  	v1 =	vadd.f32 v6, v1;
	_ =	sdelay $0x1  }
0x89: {  	s8 =	spop (v2sf);
	[tilespmem:s26+$0x16400] =	vst v1  }
0x8a: {  	v1 =	vld [tilespmem:s8+$0x9D00]  }
0x8b: {  	v7 =	vld [tilespmem:s16+$0xFFFFFE80];
	_ =	sdelay $0x4  }
0x8c: {  	v1 =	vadd.f32 v7, v1;
	_ =	sdelay $0x1  }
0x8d: {  	[tilespmem:s15+$0xFFFFFE80] =	vst v1  }
0x8e: {  	v1 =	vld [tilespmem:s8+$0x9D10]  }
0x8f: {  	v8 =	vld [tilespmem:s16+$0xFFFFFE90];
	_ =	sdelay $0x4  }
0x90: {  	v1 =	vadd.f32 v8, v1;
	_ =	sdelay $0x1  }
0x91: {  	[tilespmem:s15+$0xFFFFFE90] =	vst v1  }
0x92: {  	v1 =	vld [tilespmem:s8+$0x9D20]  }
0x93: {  	v9 =	vld [tilespmem:s16+$0xFFFFFEA0]  }
0x94: {  	(v2sf) =	vpush v0, $0x3;
	_ =	sdelay $0x3  }
0x95: {  	v1 =	vadd.f32 v9, v1;
	_ =	sdelay $0x1  }
0x96: {  	[tilespmem:s15+$0xFFFFFEA0] =	vst v1  }
0x97: {  	v1 =	vld [tilespmem:s8+$0x9D30]  }
0x98: {  	v10 =	vld [tilespmem:s16+$0xFFFFFEB0];
	_ =	sdelay $0x4  }
0x99: {  	v1 =	vadd.f32 v10, v1;
	_ =	sdelay $0x1  }
0x9a: {  	s7 =	spop (v2sf);
	[tilespmem:s15+$0xFFFFFEB0] =	vst v1  }
0x9b: {  	v1 =	vld [tilespmem:s7+$0x9D80]  }
0x9c: {  	v11 =	vld [tilespmem:s16+$0xFFFFFEC0];
	_ =	sdelay $0x4  }
0x9d: {  	v1 =	vadd.f32 v11, v1;
	_ =	sdelay $0x1  }
0x9e: {  	s8 =	sadd.s32 $0xFFFFFD00, s13;
	[tilespmem:s15+$0xFFFFFEC0] =	vst v1  }
0x9f: {  	s26 =	sor.u32 $0x50, s8;
	v1 =	vld [tilespmem:s7+$0x9D90]  }
0xa0: {  	v12 =	vld [tilespmem:s26+$0x6800];
	_ =	sdelay $0x4  }
0xa1: {  	v1 =	vadd.f32 v12, v1;
	_ =	sdelay $0x1  }
0xa2: {  	[tilespmem:s26+$0x16400] =	vst v1  }
0xa3: {  	s26 =	sor.u32 $0x60, s8;
	v1 =	vld [tilespmem:s7+$0x9DA0]  }
0xa4: {  	v13 =	vld [tilespmem:s26+$0x6800]  }
0xa5: {  	(v2sf) =	vpush v0, $0x4;
	_ =	sdelay $0x3  }
0xa6: {  	v1 =	vadd.f32 v13, v1;
	_ =	sdelay $0x1  }
0xa7: {  	[tilespmem:s26+$0x16400] =	vst v1  }
0xa8: {  	s26 =	sor.u32 $0x70, s8;
	v1 =	vld [tilespmem:s7+$0x9DB0]  }
0xa9: {  	v14 =	vld [tilespmem:s26+$0x6800];
	_ =	sdelay $0x4  }
0xaa: {  	v1 =	vadd.f32 v14, v1;
	_ =	sdelay $0x1  }
0xab: {  	s8 =	spop (v2sf);
	[tilespmem:s26+$0x16400] =	vst v1  }
0xac: {  	v1 =	vld [tilespmem:s8+$0x9E00]  }
0xad: {  	v15 =	vld [tilespmem:s16+$0xFFFFFF00];
	_ =	sdelay $0x4  }
0xae: {  	v1 =	vadd.f32 v15, v1;
	_ =	sdelay $0x1  }
0xaf: {  	[tilespmem:s15+$0xFFFFFF00] =	vst v1  }
0xb0: {  	v1 =	vld [tilespmem:s8+$0x9E10]  }
0xb1: {  	v16 =	vld [tilespmem:s16+$0xFFFFFF10];
	_ =	sdelay $0x4  }
0xb2: {  	v1 =	vadd.f32 v16, v1;
	_ =	sdelay $0x1  }
0xb3: {  	[tilespmem:s15+$0xFFFFFF10] =	vst v1  }
0xb4: {  	v1 =	vld [tilespmem:s8+$0x9E20]  }
0xb5: {  	v17 =	vld [tilespmem:s16+$0xFFFFFF20]  }
0xb6: {  	(v2sf) =	vpush v0, $0x5;
	_ =	sdelay $0x3  }
0xb7: {  	v1 =	vadd.f32 v17, v1;
	_ =	sdelay $0x1  }
0xb8: {  	[tilespmem:s15+$0xFFFFFF20] =	vst v1  }
0xb9: {  	v1 =	vld [tilespmem:s8+$0x9E30]  }
0xba: {  	v18 =	vld [tilespmem:s16+$0xFFFFFF30];
	_ =	sdelay $0x4  }
0xbb: {  	v1 =	vadd.f32 v18, v1;
	_ =	sdelay $0x1  }
0xbc: {  	s7 =	spop (v2sf);
	[tilespmem:s15+$0xFFFFFF30] =	vst v1  }
0xbd: {  	v1 =	vld [tilespmem:s7+$0x9E80]  }
0xbe: {  	v19 =	vld [tilespmem:s16+$0xFFFFFF40];
	_ =	sdelay $0x4  }
0xbf: {  	v1 =	vadd.f32 v19, v1;
	_ =	sdelay $0x1  }
0xc0: {  	s8 =	sadd.s32 $0xFFFFFD80, s13;
	[tilespmem:s15+$0xFFFFFF40] =	vst v1  }
0xc1: {  	s26 =	sor.u32 $0x50, s8;
	v1 =	vld [tilespmem:s7+$0x9E90]  }
0xc2: {  	v20 =	vld [tilespmem:s26+$0x6800];
	_ =	sdelay $0x4  }
0xc3: {  	v1 =	vadd.f32 v20, v1;
	_ =	sdelay $0x1  }
0xc4: {  	[tilespmem:s26+$0x16400] =	vst v1  }
0xc5: {  	s26 =	sor.u32 $0x60, s8;
	v1 =	vld [tilespmem:s7+$0x9EA0]  }
0xc6: {  	v21 =	vld [tilespmem:s26+$0x6800]  }
0xc7: {  	(v2sf) =	vpush v0, $0x6;
	_ =	sdelay $0x3  }
0xc8: {  	v1 =	vadd.f32 v21, v1;
	_ =	sdelay $0x1  }
0xc9: {  	[tilespmem:s26+$0x16400] =	vst v1  }
0xca: {  	s26 =	sor.u32 $0x70, s8;
	v1 =	vld [tilespmem:s7+$0x9EB0]  }
0xcb: {  	v22 =	vld [tilespmem:s26+$0x6800];
	_ =	sdelay $0x4  }
0xcc: {  	v1 =	vadd.f32 v22, v1;
	_ =	sdelay $0x1  }
0xcd: {  	s8 =	spop (v2sf);
	[tilespmem:s26+$0x16400] =	vst v1  }
0xce: {  	v1 =	vld [tilespmem:s8+$0x9F00]  }
0xcf: {  	v23 =	vld [tilespmem:s16+$0xFFFFFF80];
	_ =	sdelay $0x4  }
0xd0: {  	v1 =	vadd.f32 v23, v1;
	_ =	sdelay $0x1  }
0xd1: {  	[tilespmem:s15+$0xFFFFFF80] =	vst v1  }
0xd2: {  	v1 =	vld [tilespmem:s8+$0x9F10]  }
0xd3: {  	v24 =	vld [tilespmem:s16+$0xFFFFFF90];
	_ =	sdelay $0x4  }
0xd4: {  	v1 =	vadd.f32 v24, v1;
	_ =	sdelay $0x1  }
0xd5: {  	[tilespmem:s15+$0xFFFFFF90] =	vst v1  }
0xd6: {  	v1 =	vld [tilespmem:s8+$0x9F20]  }
0xd7: {  	v25 =	vld [tilespmem:s16+$0xFFFFFFA0]  }
0xd8: {  	(v2sf) =	vpush v0, $0x7;
	_ =	sdelay $0x3  }
0xd9: {  	v1 =	vadd.f32 v25, v1;
	_ =	sdelay $0x1  }
0xda: {  	[tilespmem:s15+$0xFFFFFFA0] =	vst v1  }
0xdb: {  	v1 =	vld [tilespmem:s8+$0x9F30]  }
0xdc: {  	v26 =	vld [tilespmem:s16+$0xFFFFFFB0];
	_ =	sdelay $0x4  }
0xdd: {  	v1 =	vadd.f32 v26, v1;
	_ =	sdelay $0x1  }
0xde: {  	s7 =	spop (v2sf);
	[tilespmem:s15+$0xFFFFFFB0] =	vst v1  }
0xdf: {  	v1 =	vld [tilespmem:s7+$0x9F80]  }
0xe0: {  	v27 =	vld [tilespmem:s16+$0xFFFFFFC0];
	_ =	sdelay $0x4  }
0xe1: {  	v1 =	vadd.f32 v27, v1;
	_ =	sdelay $0x1  }
0xe2: {  	s8 =	sadd.s32 $0xFFFFFE00, s13;
	[tilespmem:s15+$0xFFFFFFC0] =	vst v1  }
0xe3: {  	s26 =	sor.u32 $0x50, s8;
	v1 =	vld [tilespmem:s7+$0x9F90]  }
0xe4: {  	v28 =	vld [tilespmem:s26+$0x6800];
	_ =	sdelay $0x4  }
0xe5: {  	v1 =	vadd.f32 v28, v1;
	_ =	sdelay $0x1  }
0xe6: {  	[tilespmem:s26+$0x16400] =	vst v1  }
0xe7: {  	s26 =	sor.u32 $0x60, s8;
	v1 =	vld [tilespmem:s7+$0x9FA0]  }
0xe8: {  	v29 =	vld [tilespmem:s26+$0x6800]  }
0xe9: {  	(v2sf) =	vpush v0, $0x8;
	_ =	sdelay $0x3  }
0xea: {  	v1 =	vadd.f32 v29, v1;
	_ =	sdelay $0x1  }
0xeb: {  	[tilespmem:s26+$0x16400] =	vst v1  }
0xec: {  	s26 =	sor.u32 $0x70, s8;
	v1 =	vld [tilespmem:s7+$0x9FB0]  }
0xed: {  	v30 =	vld [tilespmem:s26+$0x6800];
	_ =	sdelay $0x4  }
0xee: {  	v1 =	vadd.f32 v30, v1;
	_ =	sdelay $0x1  }
0xef: {  	s8 =	spop (v2sf);
	[tilespmem:s26+$0x16400] =	vst v1  }
0xf0: {  	v1 =	vld [tilespmem:s8+$0xA000]  }
0xf1: {  	v31 =	vld [tilespmem:s16+$0x0];
	_ =	sdelay $0x4  }
0xf2: {  	v1 =	vadd.f32 v31, v1;
	_ =	sdelay $0x1  }
0xf3: {  	[tilespmem:s15+$0x0] =	vst v1  }
0xf4: {  	v1 =	vld [tilespmem:s8+$0xA010]  }
0xf5: {  	v32 =	vld [tilespmem:s16+$0x10];
	_ =	sdelay $0x4  }
0xf6: {  	v1 =	vadd.f32 v32, v1;
	_ =	sdelay $0x1  }
0xf7: {  	[tilespmem:s15+$0x10] =	vst v1  }
0xf8: {  	v1 =	vld [tilespmem:s8+$0xA020]  }
0xf9: {  	v33 =	vld [tilespmem:s16+$0x20]  }
0xfa: {  	(v2sf) =	vpush v0, $0x9;
	_ =	sdelay $0x3  }
0xfb: {  	v1 =	vadd.f32 v33, v1;
	_ =	sdelay $0x1  }
0xfc: {  	[tilespmem:s15+$0x20] =	vst v1  }
0xfd: {  	v1 =	vld [tilespmem:s8+$0xA030]  }
0xfe: {  	v34 =	vld [tilespmem:s16+$0x30];
	_ =	sdelay $0x4  }
0xff: {  	v1 =	vadd.f32 v34, v1;
	_ =	sdelay $0x1  }
0x100: {  	s7 =	spop (v2sf);
	[tilespmem:s15+$0x30] =	vst v1  }
0x101: {  	v1 =	vld [tilespmem:s7+$0xA080]  }
0x102: {  	v35 =	vld [tilespmem:s16+$0x40];
	_ =	sdelay $0x4  }
0x103: {  	v1 =	vadd.f32 v35, v1;
	_ =	sdelay $0x1  }
0x104: {  	s8 =	sadd.s32 $0xFFFFFE80, s13;
	[tilespmem:s15+$0x40] =	vst v1  }
0x105: {  	s26 =	sor.u32 $0x50, s8;
	v1 =	vld [tilespmem:s7+$0xA090]  }
0x106: {  	v36 =	vld [tilespmem:s26+$0x6800];
	_ =	sdelay $0x4  }
0x107: {  	v1 =	vadd.f32 v36, v1;
	_ =	sdelay $0x1  }
0x108: {  	[tilespmem:s26+$0x16400] =	vst v1  }
0x109: {  	s26 =	sor.u32 $0x60, s8;
	v1 =	vld [tilespmem:s7+$0xA0A0]  }
0x10a: {  	v37 =	vld [tilespmem:s26+$0x6800]  }
0x10b: {  	(v2sf) =	vpush v0, $0xA;
	_ =	sdelay $0x3  }
0x10c: {  	v1 =	vadd.f32 v37, v1;
	_ =	sdelay $0x1  }
0x10d: {  	[tilespmem:s26+$0x16400] =	vst v1  }
0x10e: {  	s26 =	sor.u32 $0x70, s8;
	v1 =	vld [tilespmem:s7+$0xA0B0]  }
0x10f: {  	v38 =	vld [tilespmem:s26+$0x6800];
	_ =	sdelay $0x4  }
0x110: {  	v1 =	vadd.f32 v38, v1;
	_ =	sdelay $0x1  }
0x111: {  	s8 =	spop (v2sf);
	[tilespmem:s26+$0x16400] =	vst v1  }
0x112: {  	v1 =	vld [tilespmem:s8+$0xA100]  }
0x113: {  	v39 =	vld [tilespmem:s16+$0x80];
	_ =	sdelay $0x4  }
0x114: {  	v1 =	vadd.f32 v39, v1;
	_ =	sdelay $0x1  }
0x115: {  	[tilespmem:s15+$0x80] =	vst v1  }
0x116: {  	v1 =	vld [tilespmem:s8+$0xA110]  }
0x117: {  	v40 =	vld [tilespmem:s16+$0x90];
	_ =	sdelay $0x4  }
0x118: {  	v1 =	vadd.f32 v40, v1;
	_ =	sdelay $0x1  }
0x119: {  	[tilespmem:s15+$0x90] =	vst v1  }
0x11a: {  	v1 =	vld [tilespmem:s8+$0xA120]  }
0x11b: {  	v41 =	vld [tilespmem:s16+$0xA0]  }
0x11c: {  	(v2sf) =	vpush v0, $0xB;
	_ =	sdelay $0x3  }
0x11d: {  	v1 =	vadd.f32 v41, v1;
	_ =	sdelay $0x1  }
0x11e: {  	[tilespmem:s15+$0xA0] =	vst v1  }
0x11f: {  	v1 =	vld [tilespmem:s8+$0xA130]  }
0x120: {  	v42 =	vld [tilespmem:s16+$0xB0];
	_ =	sdelay $0x4  }
0x121: {  	v1 =	vadd.f32 v42, v1;
	_ =	sdelay $0x1  }
0x122: {  	s7 =	spop (v2sf);
	[tilespmem:s15+$0xB0] =	vst v1  }
0x123: {  	v1 =	vld [tilespmem:s7+$0xA180]  }
0x124: {  	v43 =	vld [tilespmem:s16+$0xC0];
	_ =	sdelay $0x4  }
0x125: {  	v1 =	vadd.f32 v43, v1;
	_ =	sdelay $0x1  }
0x126: {  	s8 =	sadd.s32 $0xFFFFFF00, s13;
	[tilespmem:s15+$0xC0] =	vst v1  }
0x127: {  	s26 =	sor.u32 $0x50, s8;
	v1 =	vld [tilespmem:s7+$0xA190]  }
0x128: {  	v44 =	vld [tilespmem:s26+$0x6800];
	_ =	sdelay $0x4  }
0x129: {  	v1 =	vadd.f32 v44, v1;
	_ =	sdelay $0x1  }
0x12a: {  	[tilespmem:s26+$0x16400] =	vst v1  }
0x12b: {  	s26 =	sor.u32 $0x60, s8;
	v1 =	vld [tilespmem:s7+$0xA1A0]  }
0x12c: {  	v45 =	vld [tilespmem:s26+$0x6800]  }
0x12d: {  	(v2sf) =	vpush v0, $0xC;
	_ =	sdelay $0x3  }
0x12e: {  	v1 =	vadd.f32 v45, v1;
	_ =	sdelay $0x1  }
0x12f: {  	[tilespmem:s26+$0x16400] =	vst v1  }
0x130: {  	s26 =	sor.u32 $0x70, s8;
	v1 =	vld [tilespmem:s7+$0xA1B0]  }
0x131: {  	v46 =	vld [tilespmem:s26+$0x6800];
	_ =	sdelay $0x4  }
0x132: {  	v1 =	vadd.f32 v46, v1;
	_ =	sdelay $0x1  }
0x133: {  	s8 =	spop (v2sf);
	[tilespmem:s26+$0x16400] =	vst v1  }
0x134: {  	v1 =	vld [tilespmem:s8+$0xA200]  }
0x135: {  	v47 =	vld [tilespmem:s16+$0x100];
	_ =	sdelay $0x4  }
0x136: {  	v1 =	vadd.f32 v47, v1;
	_ =	sdelay $0x1  }
0x137: {  	[tilespmem:s15+$0x100] =	vst v1  }
0x138: {  	v1 =	vld [tilespmem:s8+$0xA210]  }
0x139: {  	v48 =	vld [tilespmem:s16+$0x110];
	_ =	sdelay $0x4  }
0x13a: {  	v1 =	vadd.f32 v48, v1;
	_ =	sdelay $0x1  }
0x13b: {  	[tilespmem:s15+$0x110] =	vst v1  }
0x13c: {  	v1 =	vld [tilespmem:s8+$0xA220]  }
0x13d: {  	v49 =	vld [tilespmem:s16+$0x120]  }
0x13e: {  	(v2sf) =	vpush v0, $0xD;
	_ =	sdelay $0x3  }
0x13f: {  	v1 =	vadd.f32 v49, v1;
	_ =	sdelay $0x1  }
0x140: {  	[tilespmem:s15+$0x120] =	vst v1  }
0x141: {  	v1 =	vld [tilespmem:s8+$0xA230]  }
0x142: {  	v50 =	vld [tilespmem:s16+$0x130];
	_ =	sdelay $0x4  }
0x143: {  	v1 =	vadd.f32 v50, v1;
	_ =	sdelay $0x1  }
0x144: {  	s7 =	spop (v2sf);
	[tilespmem:s15+$0x130] =	vst v1  }
0x145: {  	v1 =	vld [tilespmem:s7+$0xA280]  }
0x146: {  	v51 =	vld [tilespmem:s16+$0x140];
	_ =	sdelay $0x4  }
0x147: {  	v1 =	vadd.f32 v51, v1;
	_ =	sdelay $0x1  }
0x148: {  	s8 =	sadd.s32 $0xFFFFFF80, s13;
	[tilespmem:s15+$0x140] =	vst v1  }
0x149: {  	s26 =	sor.u32 $0x50, s8;
	v1 =	vld [tilespmem:s7+$0xA290]  }
0x14a: {  	v52 =	vld [tilespmem:s26+$0x6800];
	_ =	sdelay $0x4  }
0x14b: {  	v1 =	vadd.f32 v52, v1;
	_ =	sdelay $0x1  }
0x14c: {  	[tilespmem:s26+$0x16400] =	vst v1  }
0x14d: {  	s26 =	sor.u32 $0x60, s8;
	v1 =	vld [tilespmem:s7+$0xA2A0]  }
0x14e: {  	v53 =	vld [tilespmem:s26+$0x6800]  }
0x14f: {  	(v2sf) =	vpush v0, $0xE;
	_ =	sdelay $0x3  }
0x150: {  	v1 =	vadd.f32 v53, v1;
	_ =	sdelay $0x1  }
0x151: {  	[tilespmem:s26+$0x16400] =	vst v1  }
0x152: {  	s26 =	sor.u32 $0x70, s8;
	v1 =	vld [tilespmem:s7+$0xA2B0]  }
0x153: {  	v54 =	vld [tilespmem:s26+$0x6800];
	_ =	sdelay $0x4  }
0x154: {  	v1 =	vadd.f32 v54, v1;
	_ =	sdelay $0x1  }
0x155: {  	s8 =	spop (v2sf);
	[tilespmem:s26+$0x16400] =	vst v1  }
0x156: {  	v1 =	vld [tilespmem:s8+$0xA300]  }
0x157: {  	v55 =	vld [tilespmem:s16+$0x180];
	_ =	sdelay $0x4  }
0x158: {  	v1 =	vadd.f32 v55, v1;
	_ =	sdelay $0x1  }
0x159: {  	[tilespmem:s15+$0x180] =	vst v1  }
0x15a: {  	v1 =	vld [tilespmem:s8+$0xA310]  }
0x15b: {  	v56 =	vld [tilespmem:s16+$0x190];
	_ =	sdelay $0x4  }
0x15c: {  	v1 =	vadd.f32 v56, v1;
	_ =	sdelay $0x1  }
0x15d: {  	[tilespmem:s15+$0x190] =	vst v1  }
0x15e: {  	v1 =	vld [tilespmem:s8+$0xA320]  }
0x15f: {  	v57 =	vld [tilespmem:s16+$0x1A0]  }
0x160: {  	(v2sf) =	vpush v0, $0xF;
	_ =	sdelay $0x3  }
0x161: {  	v58 =	vadd.f32 v57, v1;
	_ =	sdelay $0x1  }
0x162: {  	[tilespmem:s15+$0x1A0] =	vst v58  }
0x163: {  	v0 =	vld [tilespmem:s8+$0xA330]  }
0x164: {  	v59 =	vld [tilespmem:s16+$0x1B0];
	_ =	sdelay $0x4  }
0x165: {  	v0 =	vadd.f32 v59, v0;
	_ =	sdelay $0x1  }
0x166: {  	s7 =	spop (v2sf);
	[tilespmem:s15+$0x1B0] =	vst v0  }
0x167: {  	v0 =	vld [tilespmem:s7+$0xA380]  }
0x168: {  	v60 =	vld [tilespmem:s16+$0x1C0];
	_ =	sdelay $0x4  }
0x169: {  	v0 =	vadd.f32 v60, v0;
	_ =	sdelay $0x1  }
0x16a: {  	[tilespmem:s15+$0x1C0] =	vst v0  }
0x16b: {  	s26 =	sor.u32 $0x50, s13;
	v0 =	vld [tilespmem:s7+$0xA390]  }
0x16c: {  	v61 =	vld [tilespmem:s26+$0x6800];
	_ =	sdelay $0x4  }
0x16d: {  	v0 =	vadd.f32 v61, v0;
	_ =	sdelay $0x1  }
0x16e: {  	[tilespmem:s26+$0x16400] =	vst v0  }
0x16f: {  	s26 =	sor.u32 $0x60, s13;
	v0 =	vld [tilespmem:s7+$0xA3A0]  }
0x170: {  	v62 =	vld [tilespmem:s26+$0x6800];
	_ =	sdelay $0x4  }
0x171: {  	v0 =	vadd.f32 v62, v0;
	_ =	sdelay $0x1  }
0x172: {  	[tilespmem:s26+$0x16400] =	vst v0  }
0x173: {  	s26 =	sor.u32 $0x70, s13;
	v0 =	vld [tilespmem:s7+$0xA3B0]  }
0x174: {  	v63 =	vld [tilespmem:s26+$0x6800];
	_ =	sdelay $0x1  }
0x175: {  	p1 =	sne.s32 s12, $0x16000  }
.Ltmp0:
0x176: {  	_ = 	snop;
	(pc) =	sbr.rel @p1 .LBB2_3-.Ltmp0, $4  }
0x177: {  	_ = 	snop  }
0x178: {  	v0 =	vadd.f32 v63, v0  }
0x179: {  	s30 =	sadd.s32 $0x10, s30;
	s12 =	sadd.s32 $0x2000, s12  }
0x17a: {  	s16 =	sadd.s32 $0x400, s16;
	s15 =	sadd.s32 $0x400, s15;
	s13 =	sadd.s32 $0x400, s13;
	[tilespmem:s26+$0x16400] =	vst v0  }
0x17b: {  	v0 =	vld [tilespmem:s10+$0xC0];
	_ =	sdelay $0x4  }
0x17c: {  	v0 =	vand.u32 $0x1, v0  }
0x17d: {  	v0 =	vshll.u32 v0, $0x6  }
0x17e: {  	(v2sf) =	vpush v0, $0x1  }
0x17f: {  	(v2sf) =	vpush v0, $0x0;
	_ =	sdelay $0xd  }
0x180: {  	s7 =	spop (v2sf)  }
0x181: {  	v2 =	vld [tilespmem:$0x9800];
	s8 =	spop (v2sf)  }
0x182: {  	v1 =	vld [tilespmem:s8+$0xFC00];
	_ =	sdelay $0x4  }
0x183: {  	v1 =	vadd.f32 v2, v1;
	_ =	sdelay $0x1  }
0x184: {  	v32 =	vld [tilespmem:$0x9810];
	[tilespmem:$0x19400] =	vst v1  }
0x185: {  	v1 =	vld [tilespmem:s8+$0xFC10];
	_ =	sdelay $0x4  }
0x186: {  	v1 =	vadd.f32 v32, v1;
	_ =	sdelay $0x1  }
0x187: {  	v33 =	vld [tilespmem:$0x9820];
	[tilespmem:$0x19410] =	vst v1  }
0x188: {  	v1 =	vld [tilespmem:s8+$0xFC20];
	_ =	sdelay $0x4  }
0x189: {  	v1 =	vadd.f32 v33, v1;
	_ =	sdelay $0x1  }
0x18a: {  	v34 =	vld [tilespmem:$0x9830];
	[tilespmem:$0x19420] =	vst v1  }
0x18b: {  	v1 =	vld [tilespmem:s8+$0xFC30];
	_ =	sdelay $0x4  }
0x18c: {  	v1 =	vadd.f32 v34, v1;
	_ =	sdelay $0x1  }
0x18d: {  	v35 =	vld [tilespmem:$0x9840];
	[tilespmem:$0x19430] =	vst v1  }
0x18e: {  	v1 =	vld [tilespmem:s7+$0xFC80];
	_ =	sdelay $0x4  }
0x18f: {  	v1 =	vadd.f32 v35, v1;
	_ =	sdelay $0x1  }
0x190: {  	v36 =	vld [tilespmem:$0x9850];
	[tilespmem:$0x19440] =	vst v1  }
0x191: {  	v1 =	vld [tilespmem:s7+$0xFC90];
	_ =	sdelay $0x4  }
0x192: {  	v1 =	vadd.f32 v36, v1;
	_ =	sdelay $0x1  }
0x193: {  	v37 =	vld [tilespmem:$0x9860];
	(v2sf) =	vpush v0, $0x3;
	[tilespmem:$0x19450] =	vst v1  }
0x194: {  	(v2sf) =	vpush v0, $0x2;
	v1 =	vld [tilespmem:s7+$0xFCA0];
	_ =	sdelay $0x4  }
0x195: {  	v1 =	vadd.f32 v37, v1;
	_ =	sdelay $0x1  }
0x196: {  	v38 =	vld [tilespmem:$0x9870];
	[tilespmem:$0x19460] =	vst v1  }
0x197: {  	v1 =	vld [tilespmem:s7+$0xFCB0];
	_ =	sdelay $0x4  }
0x198: {  	v1 =	vadd.f32 v38, v1  }
0x199: {  	s16 =	spop (v2sf)  }
0x19a: {  	v39 =	vld [tilespmem:$0x9880];
	s26 =	spop (v2sf);
	[tilespmem:$0x19470] =	vst v1  }
0x19b: {  	v1 =	vld [tilespmem:s26+$0xFD00];
	_ =	sdelay $0x4  }
0x19c: {  	v1 =	vadd.f32 v39, v1;
	_ =	sdelay $0x1  }
0x19d: {  	v40 =	vld [tilespmem:$0x9890];
	[tilespmem:$0x19480] =	vst v1  }
0x19e: {  	v1 =	vld [tilespmem:s26+$0xFD10];
	_ =	sdelay $0x4  }
0x19f: {  	v1 =	vadd.f32 v40, v1;
	_ =	sdelay $0x1  }
0x1a0: {  	v41 =	vld [tilespmem:$0x98A0];
	[tilespmem:$0x19490] =	vst v1  }
0x1a1: {  	v1 =	vld [tilespmem:s26+$0xFD20];
	_ =	sdelay $0x4  }
0x1a2: {  	v1 =	vadd.f32 v41, v1;
	_ =	sdelay $0x1  }
0x1a3: {  	v42 =	vld [tilespmem:$0x98B0];
	[tilespmem:$0x194A0] =	vst v1  }
0x1a4: {  	v1 =	vld [tilespmem:s26+$0xFD30];
	_ =	sdelay $0x4  }
0x1a5: {  	v1 =	vadd.f32 v42, v1;
	_ =	sdelay $0x1  }
0x1a6: {  	v43 =	vld [tilespmem:$0x98C0];
	[tilespmem:$0x194B0] =	vst v1  }
0x1a7: {  	v1 =	vld [tilespmem:s16+$0xFD80];
	_ =	sdelay $0x4  }
0x1a8: {  	v1 =	vadd.f32 v43, v1;
	_ =	sdelay $0x1  }
0x1a9: {  	v44 =	vld [tilespmem:$0x98D0];
	[tilespmem:$0x194C0] =	vst v1  }
0x1aa: {  	v1 =	vld [tilespmem:s16+$0xFD90];
	_ =	sdelay $0x4  }
0x1ab: {  	v1 =	vadd.f32 v44, v1;
	_ =	sdelay $0x1  }
0x1ac: {  	v45 =	vld [tilespmem:$0x98E0];
	(v2sf) =	vpush v0, $0x5;
	[tilespmem:$0x194D0] =	vst v1  }
0x1ad: {  	(v2sf) =	vpush v0, $0x4;
	v1 =	vld [tilespmem:s16+$0xFDA0];
	_ =	sdelay $0x4  }
0x1ae: {  	v1 =	vadd.f32 v45, v1;
	_ =	sdelay $0x1  }
0x1af: {  	v46 =	vld [tilespmem:$0x98F0];
	[tilespmem:$0x194E0] =	vst v1  }
0x1b0: {  	v1 =	vld [tilespmem:s16+$0xFDB0];
	_ =	sdelay $0x4  }
0x1b1: {  	v1 =	vadd.f32 v46, v1  }
0x1b2: {  	s10 =	spop (v2sf)  }
0x1b3: {  	v47 =	vld [tilespmem:$0x9900];
	s12 =	spop (v2sf);
	[tilespmem:$0x194F0] =	vst v1  }
0x1b4: {  	v1 =	vld [tilespmem:s12+$0xFE00];
	_ =	sdelay $0x4  }
0x1b5: {  	v1 =	vadd.f32 v47, v1;
	_ =	sdelay $0x1  }
0x1b6: {  	v48 =	vld [tilespmem:$0x9910];
	[tilespmem:$0x19500] =	vst v1  }
0x1b7: {  	v1 =	vld [tilespmem:s12+$0xFE10];
	_ =	sdelay $0x4  }
0x1b8: {  	v1 =	vadd.f32 v48, v1;
	_ =	sdelay $0x1  }
0x1b9: {  	v49 =	vld [tilespmem:$0x9920];
	[tilespmem:$0x19510] =	vst v1  }
0x1ba: {  	v1 =	vld [tilespmem:s12+$0xFE20];
	_ =	sdelay $0x4  }
0x1bb: {  	v1 =	vadd.f32 v49, v1;
	_ =	sdelay $0x1  }
0x1bc: {  	v50 =	vld [tilespmem:$0x9930];
	[tilespmem:$0x19520] =	vst v1  }
0x1bd: {  	v1 =	vld [tilespmem:s12+$0xFE30];
	_ =	sdelay $0x4  }
0x1be: {  	v1 =	vadd.f32 v50, v1;
	_ =	sdelay $0x1  }
0x1bf: {  	v51 =	vld [tilespmem:$0x9940];
	[tilespmem:$0x19530] =	vst v1  }
0x1c0: {  	v1 =	vld [tilespmem:s10+$0xFE80];
	_ =	sdelay $0x4  }
0x1c1: {  	v1 =	vadd.f32 v51, v1;
	_ =	sdelay $0x1  }
0x1c2: {  	v52 =	vld [tilespmem:$0x9950];
	[tilespmem:$0x19540] =	vst v1  }
0x1c3: {  	v1 =	vld [tilespmem:s10+$0xFE90];
	_ =	sdelay $0x4  }
0x1c4: {  	v1 =	vadd.f32 v52, v1;
	_ =	sdelay $0x1  }
0x1c5: {  	v53 =	vld [tilespmem:$0x9960];
	(v2sf) =	vpush v0, $0x7;
	[tilespmem:$0x19550] =	vst v1  }
0x1c6: {  	(v2sf) =	vpush v0, $0x6;
	v1 =	vld [tilespmem:s10+$0xFEA0];
	_ =	sdelay $0x4  }
0x1c7: {  	v54 =	vadd.f32 v53, v1;
	_ =	sdelay $0x1  }
0x1c8: {  	v55 =	vld [tilespmem:$0x9970];
	[tilespmem:$0x19560] =	vst v54  }
0x1c9: {  	v0 =	vld [tilespmem:s10+$0xFEB0];
	_ =	sdelay $0x4  }
0x1ca: {  	v0 =	vadd.f32 v55, v0  }
0x1cb: {  	s13 =	spop (v2sf)  }
0x1cc: {  	v56 =	vld [tilespmem:$0x9980];
	s15 =	spop (v2sf);
	[tilespmem:$0x19570] =	vst v0  }
0x1cd: {  	v0 =	vld [tilespmem:s15+$0xFF00];
	_ =	sdelay $0x4  }
0x1ce: {  	v0 =	vadd.f32 v56, v0;
	_ =	sdelay $0x1  }
0x1cf: {  	v57 =	vld [tilespmem:$0x9990];
	[tilespmem:$0x19580] =	vst v0  }
0x1d0: {  	v0 =	vld [tilespmem:s15+$0xFF10];
	_ =	sdelay $0x4  }
0x1d1: {  	v0 =	vadd.f32 v57, v0;
	_ =	sdelay $0x1  }
0x1d2: {  	v58 =	vld [tilespmem:$0x99A0];
	[tilespmem:$0x19590] =	vst v0  }
0x1d3: {  	v0 =	vld [tilespmem:s15+$0xFF20];
	_ =	sdelay $0x4  }
0x1d4: {  	v0 =	vadd.f32 v58, v0;
	_ =	sdelay $0x1  }
0x1d5: {  	v59 =	vld [tilespmem:$0x99B0];
	[tilespmem:$0x195A0] =	vst v0  }
0x1d6: {  	v0 =	vld [tilespmem:s15+$0xFF30];
	_ =	sdelay $0x4  }
0x1d7: {  	v0 =	vadd.f32 v59, v0;
	_ =	sdelay $0x1  }
0x1d8: {  	v60 =	vld [tilespmem:$0x99C0];
	[tilespmem:$0x195B0] =	vst v0  }
0x1d9: {  	v0 =	vld [tilespmem:s13+$0xFF80];
	_ =	sdelay $0x4  }
0x1da: {  	v0 =	vadd.f32 v60, v0;
	_ =	sdelay $0x1  }
0x1db: {  	v61 =	vld [tilespmem:$0x99D0];
	[tilespmem:$0x195C0] =	vst v0  }
0x1dc: {  	v0 =	vld [tilespmem:s13+$0xFF90];
	_ =	sdelay $0x4  }
0x1dd: {  	v0 =	vadd.f32 v61, v0;
	_ =	sdelay $0x1  }
0x1de: {  	v62 =	vld [tilespmem:$0x99E0];
	[tilespmem:$0x195D0] =	vst v0  }
0x1df: {  	v0 =	vld [tilespmem:s13+$0xFFA0];
	_ =	sdelay $0x4  }
0x1e0: {  	v0 =	vadd.f32 v62, v0;
	_ =	sdelay $0x1  }
0x1e1: {  	v63 =	vld [tilespmem:$0x99F0];
	[tilespmem:$0x195E0] =	vst v0  }
0x1e2: {  	v0 =	vld [tilespmem:s13+$0xFFB0]  }
0x1e3: {  	s3 =	sor.u32 s5, s3  }
0x1e4: {  	s3 =	sshrl.u32 s3, $0x3  }
0x1e5: {  	s3 =	smul.u32 $0x19000, s3;
	s16 =	sshll.u32 s2, $0x8  }
0x1e6: {  	s7 =	sand.u32 $0x300, s16  }
0x1e7: {  	s7 =	sor.u32 s7, s3;
	v0 =	vadd.f32 v63, v0  }
0x1e8: {  	p1 =	seq.s32 s2, $0x3F;
	s7 =	sshrl.u32 s7, $0x3  }
0x1e9: {  	s8 =	smul.u32 @!p1 $0x1A0, s2;
	s7 =	sadd.s32 s4, s7;
	[tilespmem:$0x195F0] =	vst v0  }
0x1ea: {  	[hbm4b:s7+s11] =	stream.strided.scatter [tilespmem:s23], [sflag:$0x3], $0x3200, s22, s11, $0x38;
	[tilespmem:$0x1C800] =	vst v63  }
0x1eb: {  	v0 =	vld @!p1 [tilespmem:s8+$0x1A0];
	_ =	sdelay $0x4  }
0x1ec: {  	v0 =	vshrl.u32 @!p1 v0, $0x1  }
0x1ed: {  	[tilespmem:$0x9A00] =	vst @!p1 v0  }
0x1ee: {  	v0 =	vld @!p1 [tilespmem:s8+$0x1B0];
	_ =	sdelay $0x4  }
0x1ef: {  	v0 =	vshrl.u32 @!p1 v0, $0x1  }
0x1f0: {  	[tilespmem:$0x9A10] =	vst @!p1 v0  }
0x1f1: {  	v0 =	vld @!p1 [tilespmem:s8+$0x1C0];
	_ =	sdelay $0x4  }
0x1f2: {  	v0 =	vshrl.u32 @!p1 v0, $0x1  }
0x1f3: {  	[tilespmem:$0x9A20] =	vst @!p1 v0  }
0x1f4: {  	v0 =	vld @!p1 [tilespmem:s8+$0x1D0];
	_ =	sdelay $0x4  }
0x1f5: {  	v0 =	vshrl.u32 @!p1 v0, $0x1  }
0x1f6: {  	[tilespmem:$0x9A30] =	vst @!p1 v0  }
0x1f7: {  	v0 =	vld @!p1 [tilespmem:s8+$0x1E0];
	_ =	sdelay $0x4  }
0x1f8: {  	v0 =	vshrl.u32 @!p1 v0, $0x1  }
0x1f9: {  	[tilespmem:$0x9A40] =	vst @!p1 v0  }
0x1fa: {  	v0 =	vld @!p1 [tilespmem:s8+$0x1F0];
	_ =	sdelay $0x4  }
0x1fb: {  	v0 =	vshrl.u32 @!p1 v0, $0x1  }
0x1fc: {  	[tilespmem:$0x9A50] =	vst @!p1 v0  }
0x1fd: {  	v0 =	vld @!p1 [tilespmem:s8+$0x200];
	_ =	sdelay $0x4  }
0x1fe: {  	v0 =	vshrl.u32 @!p1 v0, $0x1  }
0x1ff: {  	[tilespmem:$0x9A60] =	vst @!p1 v0  }
0x200: {  	v0 =	vld @!p1 [tilespmem:s8+$0x210];
	_ =	sdelay $0x4  }
0x201: {  	s7 =	sadd.s32 @!p1 $0x1A0, s8;
	v0 =	vshrl.u32 @!p1 v0, $0x1  }
0x202: {  	s7 =	sand.u32 @!p1 $0xFFE0, s7;
	[tilespmem:$0x9A70] =	vst @!p1 v0  }
0x203: {  	v0 =	vld @!p1 [tilespmem:s7+$0x80];
	_ =	sdelay $0x4  }
0x204: {  	v0 =	vshrl.u32 @!p1 v0, $0x1  }
0x205: {  	[tilespmem:$0x9A80] =	vst @!p1 v0  }
0x206: {  	v0 =	vld @!p1 [tilespmem:s8+$0x230];
	_ =	sdelay $0x4  }
0x207: {  	v0 =	vshrl.u32 @!p1 v0, $0x1  }
0x208: {  	[tilespmem:$0x9A90] =	vst @!p1 v0  }
0x209: {  	v0 =	vld @!p1 [tilespmem:s8+$0x240];
	_ =	sdelay $0x4  }
0x20a: {  	v0 =	vshrl.u32 @!p1 v0, $0x1  }
0x20b: {  	[tilespmem:$0x9AA0] =	vst @!p1 v0  }
0x20c: {  	v0 =	vld @!p1 [tilespmem:s8+$0x250];
	_ =	sdelay $0x4  }
0x20d: {  	v0 =	vshrl.u32 @!p1 v0, $0x1  }
0x20e: {  	[tilespmem:$0x9AB0] =	vst @!p1 v0  }
0x20f: {  	v0 =	vld @!p1 [tilespmem:s8+$0x260];
	_ =	sdelay $0x4  }
0x210: {  	v0 =	vshrl.u32 @!p1 v0, $0x1  }
0x211: {  	s10 =	simm.s32 @!p1 $0x9C00;
	s7 =	simm.s32 @!p1 $0x80;
	s8 =	simm.s32 @!p1 $0x9A00;
	[tilespmem:$0x9AC0] =	vst @!p1 v0  }
0x212: {  	[tilespmem:s10], [sflag:$0x1] =	stream.indirect.gather @!p1 [hbm4b:s1+s7], $0x80, s8, s7, $0xb8;
	[tilespmem:$0x1C800] =	vst v63  }
0x213: {  	s7 =	simm.s32 @!p1 $0x48;
	s8 =	simm.s32 @!p1 $0x9A80;
	s10 =	simm.s32 @!p1 $0xDC00  }
0x214: {  	[tilespmem:s10], [sflag:$0x1] =	stream.indirect.gather @!p1 [hbm4b:s1+s7], $0x80, s8, s7, $0xb8;
	[tilespmem:$0x1C800] =	vst v63  }
0x215: {  	_ =	swait.ge [sflag:s24], $0x4000  }
0x216: {  	[sflag:s24] =	ssyncset.done $0x0  }
0x217: {  	[sflag:s24] =	ssyncadd.s32 $0xFFFFC000  }
0x218: {  	_ =	swait.ge [sflag:s24], $0x2400  }
0x219: {  	[sflag:s24] =	ssyncset.done $0x0  }
0x21a: {  	s30 =	smov.u32 s6;
	s7 =	simm.s32 @!p0 $0x4;
	[sflag:s24] =	ssyncadd.s32 $0xFFFFDC00  }
0x21b: {  	s26 =	smul.u32 $0x340, s0;
	s16 =	simm.s32 $0x6A00;
	_ =	swait.ge @!p0 [sflag:s7], $0x3200  }
0x21c: {  	s12 =	simm.s32 $0x0;
	s15 =	simm.s32 $0x19800;
	[sflag:s7] =	ssyncset.done @!p0 $0x0  }
0x21d: {  	s13 =	simm.s32 $0x3C0;
	s10 =	sshra.s32 s26, $0x2;
	[sflag:s7] =	ssyncadd.s32 @!p0 $0xFFFFCE00  }
.LBB2_5:
0x21e: {  	v0 =	vld [tilespmem:s30+$0x0];
	_ =	sdelay $0x4  }
0x21f: {  	v0 =	vand.u32 $0x1, v0  }
0x220: {  	s7 =	sshra.s32 s12, $0x2;
	v0 =	vshll.u32 v0, $0x6  }
0x221: {  	v0 =	vadd.s32 s7, v0  }
0x222: {  	v0 =	vadd.s32 $0x10000, v0  }
0x223: {  	(v2sf) =	vpush v0, $0x0;
	_ =	sdelay $0xe  }
0x224: {  	v2 =	vld [tilespmem:s16+$0xFFFFFE00];
	s8 =	spop (v2sf)  }
0x225: {  	v1 =	vld [tilespmem:s8+$0x0];
	_ =	sdelay $0x4  }
0x226: {  	v1 =	vadd.f32 v2, v1;
	_ =	sdelay $0x1  }
0x227: {  	[tilespmem:s15+$0xFFFFFE00] =	vst v1  }
0x228: {  	v1 =	vld [tilespmem:s8+$0x10]  }
0x229: {  	v60 =	vld [tilespmem:s16+$0xFFFFFE10];
	_ =	sdelay $0x4  }
0x22a: {  	v1 =	vadd.f32 v60, v1;
	_ =	sdelay $0x1  }
0x22b: {  	[tilespmem:s15+$0xFFFFFE10] =	vst v1  }
0x22c: {  	v1 =	vld [tilespmem:s8+$0x20]  }
0x22d: {  	v61 =	vld [tilespmem:s16+$0xFFFFFE20]  }
0x22e: {  	(v2sf) =	vpush v0, $0x1;
	_ =	sdelay $0x3  }
0x22f: {  	v1 =	vadd.f32 v61, v1;
	_ =	sdelay $0x1  }
0x230: {  	[tilespmem:s15+$0xFFFFFE20] =	vst v1  }
0x231: {  	v1 =	vld [tilespmem:s8+$0x30]  }
0x232: {  	v62 =	vld [tilespmem:s16+$0xFFFFFE30];
	_ =	sdelay $0x4  }
0x233: {  	v1 =	vadd.f32 v62, v1;
	_ =	sdelay $0x1  }
0x234: {  	s7 =	spop (v2sf);
	[tilespmem:s15+$0xFFFFFE30] =	vst v1  }
0x235: {  	v1 =	vld [tilespmem:s7+$0x80]  }
0x236: {  	v63 =	vld [tilespmem:s16+$0xFFFFFE40];
	_ =	sdelay $0x4  }
0x237: {  	v1 =	vadd.f32 v63, v1;
	_ =	sdelay $0x1  }
0x238: {  	s8 =	sadd.s32 $0xFFFFFC80, s13;
	[tilespmem:s15+$0xFFFFFE40] =	vst v1  }
0x239: {  	s26 =	sor.u32 $0x50, s8;
	v1 =	vld [tilespmem:s7+$0x90]  }
0x23a: {  	v4 =	vld [tilespmem:s26+$0x6800];
	_ =	sdelay $0x4  }
0x23b: {  	v1 =	vadd.f32 v4, v1;
	_ =	sdelay $0x1  }
0x23c: {  	[tilespmem:s26+$0x19600] =	vst v1  }
0x23d: {  	s26 =	sor.u32 $0x60, s8;
	v1 =	vld [tilespmem:s7+$0xA0]  }
0x23e: {  	v5 =	vld [tilespmem:s26+$0x6800]  }
0x23f: {  	(v2sf) =	vpush v0, $0x2;
	_ =	sdelay $0x3  }
0x240: {  	v1 =	vadd.f32 v5, v1;
	_ =	sdelay $0x1  }
0x241: {  	[tilespmem:s26+$0x19600] =	vst v1  }
0x242: {  	s26 =	sor.u32 $0x70, s8;
	v1 =	vld [tilespmem:s7+$0xB0]  }
0x243: {  	v6 =	vld [tilespmem:s26+$0x6800];
	_ =	sdelay $0x4  }
0x244: {  	v1 =	vadd.f32 v6, v1;
	_ =	sdelay $0x1  }
0x245: {  	s8 =	spop (v2sf);
	[tilespmem:s26+$0x19600] =	vst v1  }
0x246: {  	v1 =	vld [tilespmem:s8+$0x100]  }
0x247: {  	v7 =	vld [tilespmem:s16+$0xFFFFFE80];
	_ =	sdelay $0x4  }
0x248: {  	v1 =	vadd.f32 v7, v1;
	_ =	sdelay $0x1  }
0x249: {  	[tilespmem:s15+$0xFFFFFE80] =	vst v1  }
0x24a: {  	v1 =	vld [tilespmem:s8+$0x110]  }
0x24b: {  	v8 =	vld [tilespmem:s16+$0xFFFFFE90];
	_ =	sdelay $0x4  }
0x24c: {  	v1 =	vadd.f32 v8, v1;
	_ =	sdelay $0x1  }
0x24d: {  	[tilespmem:s15+$0xFFFFFE90] =	vst v1  }
0x24e: {  	v1 =	vld [tilespmem:s8+$0x120]  }
0x24f: {  	v9 =	vld [tilespmem:s16+$0xFFFFFEA0]  }
0x250: {  	(v2sf) =	vpush v0, $0x3;
	_ =	sdelay $0x3  }
0x251: {  	v1 =	vadd.f32 v9, v1;
	_ =	sdelay $0x1  }
0x252: {  	[tilespmem:s15+$0xFFFFFEA0] =	vst v1  }
0x253: {  	v1 =	vld [tilespmem:s8+$0x130]  }
0x254: {  	v10 =	vld [tilespmem:s16+$0xFFFFFEB0];
	_ =	sdelay $0x4  }
0x255: {  	v1 =	vadd.f32 v10, v1;
	_ =	sdelay $0x1  }
0x256: {  	s7 =	spop (v2sf);
	[tilespmem:s15+$0xFFFFFEB0] =	vst v1  }
0x257: {  	v1 =	vld [tilespmem:s7+$0x180]  }
0x258: {  	v11 =	vld [tilespmem:s16+$0xFFFFFEC0];
	_ =	sdelay $0x4  }
0x259: {  	v1 =	vadd.f32 v11, v1;
	_ =	sdelay $0x1  }
0x25a: {  	s8 =	sadd.s32 $0xFFFFFD00, s13;
	[tilespmem:s15+$0xFFFFFEC0] =	vst v1  }
0x25b: {  	s26 =	sor.u32 $0x50, s8;
	v1 =	vld [tilespmem:s7+$0x190]  }
0x25c: {  	v12 =	vld [tilespmem:s26+$0x6800];
	_ =	sdelay $0x4  }
0x25d: {  	v1 =	vadd.f32 v12, v1;
	_ =	sdelay $0x1  }
0x25e: {  	[tilespmem:s26+$0x19600] =	vst v1  }
0x25f: {  	s26 =	sor.u32 $0x60, s8;
	v1 =	vld [tilespmem:s7+$0x1A0]  }
0x260: {  	v13 =	vld [tilespmem:s26+$0x6800]  }
0x261: {  	(v2sf) =	vpush v0, $0x4;
	_ =	sdelay $0x3  }
0x262: {  	v1 =	vadd.f32 v13, v1;
	_ =	sdelay $0x1  }
0x263: {  	[tilespmem:s26+$0x19600] =	vst v1  }
0x264: {  	s26 =	sor.u32 $0x70, s8;
	v1 =	vld [tilespmem:s7+$0x1B0]  }
0x265: {  	v14 =	vld [tilespmem:s26+$0x6800];
	_ =	sdelay $0x4  }
0x266: {  	v1 =	vadd.f32 v14, v1;
	_ =	sdelay $0x1  }
0x267: {  	s8 =	spop (v2sf);
	[tilespmem:s26+$0x19600] =	vst v1  }
0x268: {  	v1 =	vld [tilespmem:s8+$0x200]  }
0x269: {  	v15 =	vld [tilespmem:s16+$0xFFFFFF00];
	_ =	sdelay $0x4  }
0x26a: {  	v1 =	vadd.f32 v15, v1;
	_ =	sdelay $0x1  }
0x26b: {  	[tilespmem:s15+$0xFFFFFF00] =	vst v1  }
0x26c: {  	v1 =	vld [tilespmem:s8+$0x210]  }
0x26d: {  	v16 =	vld [tilespmem:s16+$0xFFFFFF10];
	_ =	sdelay $0x4  }
0x26e: {  	v1 =	vadd.f32 v16, v1;
	_ =	sdelay $0x1  }
0x26f: {  	[tilespmem:s15+$0xFFFFFF10] =	vst v1  }
0x270: {  	v1 =	vld [tilespmem:s8+$0x220]  }
0x271: {  	v17 =	vld [tilespmem:s16+$0xFFFFFF20]  }
0x272: {  	(v2sf) =	vpush v0, $0x5;
	_ =	sdelay $0x3  }
0x273: {  	v1 =	vadd.f32 v17, v1;
	_ =	sdelay $0x1  }
0x274: {  	[tilespmem:s15+$0xFFFFFF20] =	vst v1  }
0x275: {  	v1 =	vld [tilespmem:s8+$0x230]  }
0x276: {  	v18 =	vld [tilespmem:s16+$0xFFFFFF30];
	_ =	sdelay $0x4  }
0x277: {  	v1 =	vadd.f32 v18, v1;
	_ =	sdelay $0x1  }
0x278: {  	s7 =	spop (v2sf);
	[tilespmem:s15+$0xFFFFFF30] =	vst v1  }
0x279: {  	v1 =	vld [tilespmem:s7+$0x280]  }
0x27a: {  	v19 =	vld [tilespmem:s16+$0xFFFFFF40];
	_ =	sdelay $0x4  }
0x27b: {  	v1 =	vadd.f32 v19, v1;
	_ =	sdelay $0x1  }
0x27c: {  	s8 =	sadd.s32 $0xFFFFFD80, s13;
	[tilespmem:s15+$0xFFFFFF40] =	vst v1  }
0x27d: {  	s26 =	sor.u32 $0x50, s8;
	v1 =	vld [tilespmem:s7+$0x290]  }
0x27e: {  	v20 =	vld [tilespmem:s26+$0x6800];
	_ =	sdelay $0x4  }
0x27f: {  	v1 =	vadd.f32 v20, v1;
	_ =	sdelay $0x1  }
0x280: {  	[tilespmem:s26+$0x19600] =	vst v1  }
0x281: {  	s26 =	sor.u32 $0x60, s8;
	v1 =	vld [tilespmem:s7+$0x2A0]  }
0x282: {  	v21 =	vld [tilespmem:s26+$0x6800]  }
0x283: {  	(v2sf) =	vpush v0, $0x6;
	_ =	sdelay $0x3  }
0x284: {  	v1 =	vadd.f32 v21, v1;
	_ =	sdelay $0x1  }
0x285: {  	[tilespmem:s26+$0x19600] =	vst v1  }
0x286: {  	s26 =	sor.u32 $0x70, s8;
	v1 =	vld [tilespmem:s7+$0x2B0]  }
0x287: {  	v22 =	vld [tilespmem:s26+$0x6800];
	_ =	sdelay $0x4  }
0x288: {  	v1 =	vadd.f32 v22, v1;
	_ =	sdelay $0x1  }
0x289: {  	s8 =	spop (v2sf);
	[tilespmem:s26+$0x19600] =	vst v1  }
0x28a: {  	v1 =	vld [tilespmem:s8+$0x300]  }
0x28b: {  	v23 =	vld [tilespmem:s16+$0xFFFFFF80];
	_ =	sdelay $0x4  }
0x28c: {  	v1 =	vadd.f32 v23, v1;
	_ =	sdelay $0x1  }
0x28d: {  	[tilespmem:s15+$0xFFFFFF80] =	vst v1  }
0x28e: {  	v1 =	vld [tilespmem:s8+$0x310]  }
0x28f: {  	v24 =	vld [tilespmem:s16+$0xFFFFFF90];
	_ =	sdelay $0x4  }
0x290: {  	v1 =	vadd.f32 v24, v1;
	_ =	sdelay $0x1  }
0x291: {  	[tilespmem:s15+$0xFFFFFF90] =	vst v1  }
0x292: {  	v1 =	vld [tilespmem:s8+$0x320]  }
0x293: {  	v25 =	vld [tilespmem:s16+$0xFFFFFFA0]  }
0x294: {  	(v2sf) =	vpush v0, $0x7;
	_ =	sdelay $0x3  }
0x295: {  	v1 =	vadd.f32 v25, v1;
	_ =	sdelay $0x1  }
0x296: {  	[tilespmem:s15+$0xFFFFFFA0] =	vst v1  }
0x297: {  	v1 =	vld [tilespmem:s8+$0x330]  }
0x298: {  	v26 =	vld [tilespmem:s16+$0xFFFFFFB0];
	_ =	sdelay $0x4  }
0x299: {  	v1 =	vadd.f32 v26, v1;
	_ =	sdelay $0x1  }
0x29a: {  	s7 =	spop (v2sf);
	[tilespmem:s15+$0xFFFFFFB0] =	vst v1  }
0x29b: {  	v1 =	vld [tilespmem:s7+$0x380]  }
0x29c: {  	v27 =	vld [tilespmem:s16+$0xFFFFFFC0];
	_ =	sdelay $0x4  }
0x29d: {  	v1 =	vadd.f32 v27, v1;
	_ =	sdelay $0x1  }
0x29e: {  	s8 =	sadd.s32 $0xFFFFFE00, s13;
	[tilespmem:s15+$0xFFFFFFC0] =	vst v1  }
0x29f: {  	s26 =	sor.u32 $0x50, s8;
	v1 =	vld [tilespmem:s7+$0x390]  }
0x2a0: {  	v28 =	vld [tilespmem:s26+$0x6800];
	_ =	sdelay $0x4  }
0x2a1: {  	v1 =	vadd.f32 v28, v1;
	_ =	sdelay $0x1  }
0x2a2: {  	[tilespmem:s26+$0x19600] =	vst v1  }
0x2a3: {  	s26 =	sor.u32 $0x60, s8;
	v1 =	vld [tilespmem:s7+$0x3A0]  }
0x2a4: {  	v29 =	vld [tilespmem:s26+$0x6800]  }
0x2a5: {  	(v2sf) =	vpush v0, $0x8;
	_ =	sdelay $0x3  }
0x2a6: {  	v1 =	vadd.f32 v29, v1;
	_ =	sdelay $0x1  }
0x2a7: {  	[tilespmem:s26+$0x19600] =	vst v1  }
0x2a8: {  	s26 =	sor.u32 $0x70, s8;
	v1 =	vld [tilespmem:s7+$0x3B0]  }
0x2a9: {  	v30 =	vld [tilespmem:s26+$0x6800];
	_ =	sdelay $0x4  }
0x2aa: {  	v1 =	vadd.f32 v30, v1;
	_ =	sdelay $0x1  }
0x2ab: {  	s8 =	spop (v2sf);
	[tilespmem:s26+$0x19600] =	vst v1  }
0x2ac: {  	v1 =	vld [tilespmem:s8+$0x400]  }
0x2ad: {  	v31 =	vld [tilespmem:s16+$0x0];
	_ =	sdelay $0x4  }
0x2ae: {  	v1 =	vadd.f32 v31, v1;
	_ =	sdelay $0x1  }
0x2af: {  	[tilespmem:s15+$0x0] =	vst v1  }
0x2b0: {  	v1 =	vld [tilespmem:s8+$0x410]  }
0x2b1: {  	v32 =	vld [tilespmem:s16+$0x10];
	_ =	sdelay $0x4  }
0x2b2: {  	v1 =	vadd.f32 v32, v1;
	_ =	sdelay $0x1  }
0x2b3: {  	[tilespmem:s15+$0x10] =	vst v1  }
0x2b4: {  	v1 =	vld [tilespmem:s8+$0x420]  }
0x2b5: {  	v33 =	vld [tilespmem:s16+$0x20]  }
0x2b6: {  	(v2sf) =	vpush v0, $0x9;
	_ =	sdelay $0x3  }
0x2b7: {  	v1 =	vadd.f32 v33, v1;
	_ =	sdelay $0x1  }
0x2b8: {  	[tilespmem:s15+$0x20] =	vst v1  }
0x2b9: {  	v1 =	vld [tilespmem:s8+$0x430]  }
0x2ba: {  	v34 =	vld [tilespmem:s16+$0x30];
	_ =	sdelay $0x4  }
0x2bb: {  	v1 =	vadd.f32 v34, v1;
	_ =	sdelay $0x1  }
0x2bc: {  	s7 =	spop (v2sf);
	[tilespmem:s15+$0x30] =	vst v1  }
0x2bd: {  	v1 =	vld [tilespmem:s7+$0x480]  }
0x2be: {  	v35 =	vld [tilespmem:s16+$0x40];
	_ =	sdelay $0x4  }
0x2bf: {  	v1 =	vadd.f32 v35, v1;
	_ =	sdelay $0x1  }
0x2c0: {  	s8 =	sadd.s32 $0xFFFFFE80, s13;
	[tilespmem:s15+$0x40] =	vst v1  }
0x2c1: {  	s26 =	sor.u32 $0x50, s8;
	v1 =	vld [tilespmem:s7+$0x490]  }
0x2c2: {  	v36 =	vld [tilespmem:s26+$0x6800];
	_ =	sdelay $0x4  }
0x2c3: {  	v1 =	vadd.f32 v36, v1;
	_ =	sdelay $0x1  }
0x2c4: {  	[tilespmem:s26+$0x19600] =	vst v1  }
0x2c5: {  	s26 =	sor.u32 $0x60, s8;
	v1 =	vld [tilespmem:s7+$0x4A0]  }
0x2c6: {  	v37 =	vld [tilespmem:s26+$0x6800]  }
0x2c7: {  	(v2sf) =	vpush v0, $0xA;
	_ =	sdelay $0x3  }
0x2c8: {  	v1 =	vadd.f32 v37, v1;
	_ =	sdelay $0x1  }
0x2c9: {  	[tilespmem:s26+$0x19600] =	vst v1  }
0x2ca: {  	s26 =	sor.u32 $0x70, s8;
	v1 =	vld [tilespmem:s7+$0x4B0]  }
0x2cb: {  	v38 =	vld [tilespmem:s26+$0x6800];
	_ =	sdelay $0x4  }
0x2cc: {  	v1 =	vadd.f32 v38, v1;
	_ =	sdelay $0x1  }
0x2cd: {  	s8 =	spop (v2sf);
	[tilespmem:s26+$0x19600] =	vst v1  }
0x2ce: {  	v1 =	vld [tilespmem:s8+$0x500]  }
0x2cf: {  	v39 =	vld [tilespmem:s16+$0x80];
	_ =	sdelay $0x4  }
0x2d0: {  	v1 =	vadd.f32 v39, v1;
	_ =	sdelay $0x1  }
0x2d1: {  	[tilespmem:s15+$0x80] =	vst v1  }
0x2d2: {  	v1 =	vld [tilespmem:s8+$0x510]  }
0x2d3: {  	v40 =	vld [tilespmem:s16+$0x90];
	_ =	sdelay $0x4  }
0x2d4: {  	v1 =	vadd.f32 v40, v1;
	_ =	sdelay $0x1  }
0x2d5: {  	[tilespmem:s15+$0x90] =	vst v1  }
0x2d6: {  	v1 =	vld [tilespmem:s8+$0x520]  }
0x2d7: {  	v41 =	vld [tilespmem:s16+$0xA0]  }
0x2d8: {  	(v2sf) =	vpush v0, $0xB;
	_ =	sdelay $0x3  }
0x2d9: {  	v1 =	vadd.f32 v41, v1;
	_ =	sdelay $0x1  }
0x2da: {  	[tilespmem:s15+$0xA0] =	vst v1  }
0x2db: {  	v1 =	vld [tilespmem:s8+$0x530]  }
0x2dc: {  	v42 =	vld [tilespmem:s16+$0xB0];
	_ =	sdelay $0x4  }
0x2dd: {  	v1 =	vadd.f32 v42, v1;
	_ =	sdelay $0x1  }
0x2de: {  	s7 =	spop (v2sf);
	[tilespmem:s15+$0xB0] =	vst v1  }
0x2df: {  	v1 =	vld [tilespmem:s7+$0x580]  }
0x2e0: {  	v43 =	vld [tilespmem:s16+$0xC0];
	_ =	sdelay $0x4  }
0x2e1: {  	v1 =	vadd.f32 v43, v1;
	_ =	sdelay $0x1  }
0x2e2: {  	s8 =	sadd.s32 $0xFFFFFF00, s13;
	[tilespmem:s15+$0xC0] =	vst v1  }
0x2e3: {  	s26 =	sor.u32 $0x50, s8;
	v1 =	vld [tilespmem:s7+$0x590]  }
0x2e4: {  	v44 =	vld [tilespmem:s26+$0x6800];
	_ =	sdelay $0x4  }
0x2e5: {  	v1 =	vadd.f32 v44, v1;
	_ =	sdelay $0x1  }
0x2e6: {  	[tilespmem:s26+$0x19600] =	vst v1  }
0x2e7: {  	s26 =	sor.u32 $0x60, s8;
	v1 =	vld [tilespmem:s7+$0x5A0]  }
0x2e8: {  	v45 =	vld [tilespmem:s26+$0x6800]  }
0x2e9: {  	(v2sf) =	vpush v0, $0xC;
	_ =	sdelay $0x3  }
0x2ea: {  	v1 =	vadd.f32 v45, v1;
	_ =	sdelay $0x1  }
0x2eb: {  	[tilespmem:s26+$0x19600] =	vst v1  }
0x2ec: {  	s26 =	sor.u32 $0x70, s8;
	v1 =	vld [tilespmem:s7+$0x5B0]  }
0x2ed: {  	v46 =	vld [tilespmem:s26+$0x6800];
	_ =	sdelay $0x4  }
0x2ee: {  	v1 =	vadd.f32 v46, v1;
	_ =	sdelay $0x1  }
0x2ef: {  	s8 =	spop (v2sf);
	[tilespmem:s26+$0x19600] =	vst v1  }
0x2f0: {  	v1 =	vld [tilespmem:s8+$0x600]  }
0x2f1: {  	v47 =	vld [tilespmem:s16+$0x100];
	_ =	sdelay $0x4  }
0x2f2: {  	v1 =	vadd.f32 v47, v1;
	_ =	sdelay $0x1  }
0x2f3: {  	[tilespmem:s15+$0x100] =	vst v1  }
0x2f4: {  	v1 =	vld [tilespmem:s8+$0x610]  }
0x2f5: {  	v48 =	vld [tilespmem:s16+$0x110];
	_ =	sdelay $0x4  }
0x2f6: {  	v1 =	vadd.f32 v48, v1;
	_ =	sdelay $0x1  }
0x2f7: {  	[tilespmem:s15+$0x110] =	vst v1  }
0x2f8: {  	v1 =	vld [tilespmem:s8+$0x620]  }
0x2f9: {  	v49 =	vld [tilespmem:s16+$0x120]  }
0x2fa: {  	(v2sf) =	vpush v0, $0xD;
	_ =	sdelay $0x3  }
0x2fb: {  	v1 =	vadd.f32 v49, v1;
	_ =	sdelay $0x1  }
0x2fc: {  	[tilespmem:s15+$0x120] =	vst v1  }
0x2fd: {  	v1 =	vld [tilespmem:s8+$0x630]  }
0x2fe: {  	v50 =	vld [tilespmem:s16+$0x130];
	_ =	sdelay $0x4  }
0x2ff: {  	v1 =	vadd.f32 v50, v1;
	_ =	sdelay $0x1  }
0x300: {  	s7 =	spop (v2sf);
	[tilespmem:s15+$0x130] =	vst v1  }
0x301: {  	v1 =	vld [tilespmem:s7+$0x680]  }
0x302: {  	v51 =	vld [tilespmem:s16+$0x140];
	_ =	sdelay $0x4  }
0x303: {  	v1 =	vadd.f32 v51, v1;
	_ =	sdelay $0x1  }
0x304: {  	s8 =	sadd.s32 $0xFFFFFF80, s13;
	[tilespmem:s15+$0x140] =	vst v1  }
0x305: {  	s26 =	sor.u32 $0x50, s8;
	v1 =	vld [tilespmem:s7+$0x690]  }
0x306: {  	v52 =	vld [tilespmem:s26+$0x6800];
	_ =	sdelay $0x4  }
0x307: {  	v1 =	vadd.f32 v52, v1;
	_ =	sdelay $0x1  }
0x308: {  	[tilespmem:s26+$0x19600] =	vst v1  }
0x309: {  	s26 =	sor.u32 $0x60, s8;
	v1 =	vld [tilespmem:s7+$0x6A0]  }
0x30a: {  	v53 =	vld [tilespmem:s26+$0x6800]  }
0x30b: {  	(v2sf) =	vpush v0, $0xE;
	_ =	sdelay $0x3  }
0x30c: {  	v1 =	vadd.f32 v53, v1;
	_ =	sdelay $0x1  }
0x30d: {  	[tilespmem:s26+$0x19600] =	vst v1  }
0x30e: {  	s26 =	sor.u32 $0x70, s8;
	v1 =	vld [tilespmem:s7+$0x6B0]  }
0x30f: {  	v54 =	vld [tilespmem:s26+$0x6800];
	_ =	sdelay $0x4  }
0x310: {  	v1 =	vadd.f32 v54, v1;
	_ =	sdelay $0x1  }
0x311: {  	s8 =	spop (v2sf);
	[tilespmem:s26+$0x19600] =	vst v1  }
0x312: {  	v1 =	vld [tilespmem:s8+$0x700]  }
0x313: {  	v55 =	vld [tilespmem:s16+$0x180];
	_ =	sdelay $0x4  }
0x314: {  	v1 =	vadd.f32 v55, v1;
	_ =	sdelay $0x1  }
0x315: {  	[tilespmem:s15+$0x180] =	vst v1  }
0x316: {  	v1 =	vld [tilespmem:s8+$0x710]  }
0x317: {  	v56 =	vld [tilespmem:s16+$0x190];
	_ =	sdelay $0x4  }
0x318: {  	v1 =	vadd.f32 v56, v1;
	_ =	sdelay $0x1  }
0x319: {  	[tilespmem:s15+$0x190] =	vst v1  }
0x31a: {  	v1 =	vld [tilespmem:s8+$0x720]  }
0x31b: {  	v57 =	vld [tilespmem:s16+$0x1A0]  }
0x31c: {  	(v2sf) =	vpush v0, $0xF;
	_ =	sdelay $0x3  }
0x31d: {  	v58 =	vadd.f32 v57, v1;
	_ =	sdelay $0x1  }
0x31e: {  	[tilespmem:s15+$0x1A0] =	vst v58  }
0x31f: {  	v0 =	vld [tilespmem:s8+$0x730]  }
0x320: {  	v59 =	vld [tilespmem:s16+$0x1B0];
	_ =	sdelay $0x4  }
0x321: {  	v0 =	vadd.f32 v59, v0;
	_ =	sdelay $0x1  }
0x322: {  	s7 =	spop (v2sf);
	[tilespmem:s15+$0x1B0] =	vst v0  }
0x323: {  	v0 =	vld [tilespmem:s7+$0x780]  }
0x324: {  	v60 =	vld [tilespmem:s16+$0x1C0];
	_ =	sdelay $0x4  }
0x325: {  	v0 =	vadd.f32 v60, v0;
	_ =	sdelay $0x1  }
0x326: {  	[tilespmem:s15+$0x1C0] =	vst v0  }
0x327: {  	s26 =	sor.u32 $0x50, s13;
	v0 =	vld [tilespmem:s7+$0x790]  }
0x328: {  	v61 =	vld [tilespmem:s26+$0x6800];
	_ =	sdelay $0x4  }
0x329: {  	v0 =	vadd.f32 v61, v0;
	_ =	sdelay $0x1  }
0x32a: {  	[tilespmem:s26+$0x19600] =	vst v0  }
0x32b: {  	s26 =	sor.u32 $0x60, s13;
	v0 =	vld [tilespmem:s7+$0x7A0]  }
0x32c: {  	v62 =	vld [tilespmem:s26+$0x6800];
	_ =	sdelay $0x4  }
0x32d: {  	v0 =	vadd.f32 v62, v0;
	_ =	sdelay $0x1  }
0x32e: {  	[tilespmem:s26+$0x19600] =	vst v0  }
0x32f: {  	s26 =	sor.u32 $0x70, s13;
	v0 =	vld [tilespmem:s7+$0x7B0]  }
0x330: {  	v63 =	vld [tilespmem:s26+$0x6800];
	_ =	sdelay $0x1  }
0x331: {  	p0 =	sne.s32 s12, $0x16000  }
.Ltmp1:
0x332: {  	_ = 	snop;
	(pc) =	sbr.rel @p0 .LBB2_5-.Ltmp1, $4  }
0x333: {  	_ = 	snop  }
0x334: {  	v0 =	vadd.f32 v63, v0  }
0x335: {  	s30 =	sadd.s32 $0x10, s30;
	s12 =	sadd.s32 $0x2000, s12  }
0x336: {  	s16 =	sadd.s32 $0x400, s16;
	s15 =	sadd.s32 $0x400, s15;
	s13 =	sadd.s32 $0x400, s13;
	[tilespmem:s26+$0x19600] =	vst v0  }
0x337: {  	v0 =	vld [tilespmem:s10+$0xC0];
	_ =	sdelay $0x4  }
0x338: {  	v0 =	vand.u32 $0x1, v0  }
0x339: {  	v0 =	vshll.u32 v0, $0x6  }
0x33a: {  	(v2sf) =	vpush v0, $0x1  }
0x33b: {  	(v2sf) =	vpush v0, $0x0;
	_ =	sdelay $0xd  }
0x33c: {  	s7 =	spop (v2sf)  }
0x33d: {  	v2 =	vld [tilespmem:$0x9800];
	s8 =	spop (v2sf)  }
0x33e: {  	v1 =	vld [tilespmem:s8+$0x16000];
	_ =	sdelay $0x4  }
0x33f: {  	v1 =	vadd.f32 v2, v1;
	_ =	sdelay $0x1  }
0x340: {  	v32 =	vld [tilespmem:$0x9810];
	[tilespmem:$0x1C600] =	vst v1  }
0x341: {  	v1 =	vld [tilespmem:s8+$0x16010];
	_ =	sdelay $0x4  }
0x342: {  	v1 =	vadd.f32 v32, v1;
	_ =	sdelay $0x1  }
0x343: {  	v33 =	vld [tilespmem:$0x9820];
	[tilespmem:$0x1C610] =	vst v1  }
0x344: {  	v1 =	vld [tilespmem:s8+$0x16020];
	_ =	sdelay $0x4  }
0x345: {  	v1 =	vadd.f32 v33, v1;
	_ =	sdelay $0x1  }
0x346: {  	v34 =	vld [tilespmem:$0x9830];
	[tilespmem:$0x1C620] =	vst v1  }
0x347: {  	v1 =	vld [tilespmem:s8+$0x16030];
	_ =	sdelay $0x4  }
0x348: {  	v1 =	vadd.f32 v34, v1;
	_ =	sdelay $0x1  }
0x349: {  	v35 =	vld [tilespmem:$0x9840];
	[tilespmem:$0x1C630] =	vst v1  }
0x34a: {  	v1 =	vld [tilespmem:s7+$0x16080];
	_ =	sdelay $0x4  }
0x34b: {  	v1 =	vadd.f32 v35, v1;
	_ =	sdelay $0x1  }
0x34c: {  	v36 =	vld [tilespmem:$0x9850];
	[tilespmem:$0x1C640] =	vst v1  }
0x34d: {  	v1 =	vld [tilespmem:s7+$0x16090];
	_ =	sdelay $0x4  }
0x34e: {  	v1 =	vadd.f32 v36, v1;
	_ =	sdelay $0x1  }
0x34f: {  	v37 =	vld [tilespmem:$0x9860];
	(v2sf) =	vpush v0, $0x3;
	[tilespmem:$0x1C650] =	vst v1  }
0x350: {  	(v2sf) =	vpush v0, $0x2;
	v1 =	vld [tilespmem:s7+$0x160A0];
	_ =	sdelay $0x4  }
0x351: {  	v1 =	vadd.f32 v37, v1;
	_ =	sdelay $0x1  }
0x352: {  	v38 =	vld [tilespmem:$0x9870];
	[tilespmem:$0x1C660] =	vst v1  }
0x353: {  	v1 =	vld [tilespmem:s7+$0x160B0];
	_ =	sdelay $0x4  }
0x354: {  	v1 =	vadd.f32 v38, v1  }
0x355: {  	s12 =	spop (v2sf)  }
0x356: {  	v39 =	vld [tilespmem:$0x9880];
	s13 =	spop (v2sf);
	[tilespmem:$0x1C670] =	vst v1  }
0x357: {  	v1 =	vld [tilespmem:s13+$0x16100];
	_ =	sdelay $0x4  }
0x358: {  	v1 =	vadd.f32 v39, v1;
	_ =	sdelay $0x1  }
0x359: {  	v40 =	vld [tilespmem:$0x9890];
	[tilespmem:$0x1C680] =	vst v1  }
0x35a: {  	v1 =	vld [tilespmem:s13+$0x16110];
	_ =	sdelay $0x4  }
0x35b: {  	v1 =	vadd.f32 v40, v1;
	_ =	sdelay $0x1  }
0x35c: {  	v41 =	vld [tilespmem:$0x98A0];
	[tilespmem:$0x1C690] =	vst v1  }
0x35d: {  	v1 =	vld [tilespmem:s13+$0x16120];
	_ =	sdelay $0x4  }
0x35e: {  	v1 =	vadd.f32 v41, v1;
	_ =	sdelay $0x1  }
0x35f: {  	v42 =	vld [tilespmem:$0x98B0];
	[tilespmem:$0x1C6A0] =	vst v1  }
0x360: {  	v1 =	vld [tilespmem:s13+$0x16130];
	_ =	sdelay $0x4  }
0x361: {  	v1 =	vadd.f32 v42, v1;
	_ =	sdelay $0x1  }
0x362: {  	v43 =	vld [tilespmem:$0x98C0];
	[tilespmem:$0x1C6B0] =	vst v1  }
0x363: {  	v1 =	vld [tilespmem:s12+$0x16180];
	_ =	sdelay $0x4  }
0x364: {  	v1 =	vadd.f32 v43, v1;
	_ =	sdelay $0x1  }
0x365: {  	v44 =	vld [tilespmem:$0x98D0];
	[tilespmem:$0x1C6C0] =	vst v1  }
0x366: {  	v1 =	vld [tilespmem:s12+$0x16190];
	_ =	sdelay $0x4  }
0x367: {  	v1 =	vadd.f32 v44, v1;
	_ =	sdelay $0x1  }
0x368: {  	v45 =	vld [tilespmem:$0x98E0];
	(v2sf) =	vpush v0, $0x5;
	[tilespmem:$0x1C6D0] =	vst v1  }
0x369: {  	(v2sf) =	vpush v0, $0x4;
	v1 =	vld [tilespmem:s12+$0x161A0];
	_ =	sdelay $0x4  }
0x36a: {  	v1 =	vadd.f32 v45, v1;
	_ =	sdelay $0x1  }
0x36b: {  	v46 =	vld [tilespmem:$0x98F0];
	[tilespmem:$0x1C6E0] =	vst v1  }
0x36c: {  	v1 =	vld [tilespmem:s12+$0x161B0];
	_ =	sdelay $0x4  }
0x36d: {  	v1 =	vadd.f32 v46, v1  }
0x36e: {  	s15 =	spop (v2sf)  }
0x36f: {  	v47 =	vld [tilespmem:$0x9900];
	s16 =	spop (v2sf);
	[tilespmem:$0x1C6F0] =	vst v1  }
0x370: {  	v1 =	vld [tilespmem:s16+$0x16200];
	_ =	sdelay $0x4  }
0x371: {  	v1 =	vadd.f32 v47, v1;
	_ =	sdelay $0x1  }
0x372: {  	v48 =	vld [tilespmem:$0x9910];
	[tilespmem:$0x1C700] =	vst v1  }
0x373: {  	v1 =	vld [tilespmem:s16+$0x16210];
	_ =	sdelay $0x4  }
0x374: {  	v1 =	vadd.f32 v48, v1;
	_ =	sdelay $0x1  }
0x375: {  	v49 =	vld [tilespmem:$0x9920];
	[tilespmem:$0x1C710] =	vst v1  }
0x376: {  	v1 =	vld [tilespmem:s16+$0x16220];
	_ =	sdelay $0x4  }
0x377: {  	v1 =	vadd.f32 v49, v1;
	_ =	sdelay $0x1  }
0x378: {  	v50 =	vld [tilespmem:$0x9930];
	[tilespmem:$0x1C720] =	vst v1  }
0x379: {  	v1 =	vld [tilespmem:s16+$0x16230];
	_ =	sdelay $0x4  }
0x37a: {  	v1 =	vadd.f32 v50, v1;
	_ =	sdelay $0x1  }
0x37b: {  	v51 =	vld [tilespmem:$0x9940];
	[tilespmem:$0x1C730] =	vst v1  }
0x37c: {  	v1 =	vld [tilespmem:s15+$0x16280];
	_ =	sdelay $0x4  }
0x37d: {  	v1 =	vadd.f32 v51, v1;
	_ =	sdelay $0x1  }
0x37e: {  	v52 =	vld [tilespmem:$0x9950];
	[tilespmem:$0x1C740] =	vst v1  }
0x37f: {  	v1 =	vld [tilespmem:s15+$0x16290];
	_ =	sdelay $0x4  }
0x380: {  	v1 =	vadd.f32 v52, v1;
	_ =	sdelay $0x1  }
0x381: {  	v53 =	vld [tilespmem:$0x9960];
	(v2sf) =	vpush v0, $0x7;
	[tilespmem:$0x1C750] =	vst v1  }
0x382: {  	(v2sf) =	vpush v0, $0x6;
	v1 =	vld [tilespmem:s15+$0x162A0];
	_ =	sdelay $0x4  }
0x383: {  	v54 =	vadd.f32 v53, v1;
	_ =	sdelay $0x1  }
0x384: {  	v55 =	vld [tilespmem:$0x9970];
	[tilespmem:$0x1C760] =	vst v54  }
0x385: {  	v0 =	vld [tilespmem:s15+$0x162B0];
	_ =	sdelay $0x4  }
0x386: {  	v0 =	vadd.f32 v55, v0  }
0x387: {  	s26 =	spop (v2sf)  }
0x388: {  	v56 =	vld [tilespmem:$0x9980];
	s30 =	spop (v2sf);
	[tilespmem:$0x1C770] =	vst v0  }
0x389: {  	v0 =	vld [tilespmem:s30+$0x16300];
	_ =	sdelay $0x4  }
0x38a: {  	v0 =	vadd.f32 v56, v0;
	_ =	sdelay $0x1  }
0x38b: {  	v57 =	vld [tilespmem:$0x9990];
	[tilespmem:$0x1C780] =	vst v0  }
0x38c: {  	v0 =	vld [tilespmem:s30+$0x16310];
	_ =	sdelay $0x4  }
0x38d: {  	v0 =	vadd.f32 v57, v0;
	_ =	sdelay $0x1  }
0x38e: {  	v58 =	vld [tilespmem:$0x99A0];
	[tilespmem:$0x1C790] =	vst v0  }
0x38f: {  	v0 =	vld [tilespmem:s30+$0x16320];
	_ =	sdelay $0x4  }
0x390: {  	v0 =	vadd.f32 v58, v0;
	_ =	sdelay $0x1  }
0x391: {  	v59 =	vld [tilespmem:$0x99B0];
	[tilespmem:$0x1C7A0] =	vst v0  }
0x392: {  	v0 =	vld [tilespmem:s30+$0x16330];
	_ =	sdelay $0x4  }
0x393: {  	v0 =	vadd.f32 v59, v0;
	_ =	sdelay $0x1  }
0x394: {  	v60 =	vld [tilespmem:$0x99C0];
	[tilespmem:$0x1C7B0] =	vst v0  }
0x395: {  	v0 =	vld [tilespmem:s26+$0x16380];
	_ =	sdelay $0x4  }
0x396: {  	v0 =	vadd.f32 v60, v0;
	_ =	sdelay $0x1  }
0x397: {  	v61 =	vld [tilespmem:$0x99D0];
	[tilespmem:$0x1C7C0] =	vst v0  }
0x398: {  	v0 =	vld [tilespmem:s26+$0x16390];
	_ =	sdelay $0x4  }
0x399: {  	v0 =	vadd.f32 v61, v0;
	_ =	sdelay $0x1  }
0x39a: {  	v62 =	vld [tilespmem:$0x99E0];
	[tilespmem:$0x1C7D0] =	vst v0  }
0x39b: {  	v0 =	vld [tilespmem:s26+$0x163A0];
	_ =	sdelay $0x4  }
0x39c: {  	v0 =	vadd.f32 v62, v0;
	_ =	sdelay $0x1  }
0x39d: {  	v63 =	vld [tilespmem:$0x99F0];
	[tilespmem:$0x1C7E0] =	vst v0  }
0x39e: {  	v0 =	vld [tilespmem:s26+$0x163B0];
	_ =	sdelay $0x1  }
0x39f: {  	s2 =	sadd.s32 $0x1, s2  }
0x3a0: {  	s0 =	sshll.u32 s0, $0x7;
	p0 =	sne.s32 s2, $0x40  }
.Ltmp2:
0x3a1: {  	s0 =	sand.u32 $0x380, s0;
	(pc) =	sbr.rel @p0 .LBB2_2-.Ltmp2, $4  }
0x3a2: {  	s0 =	sor.u32 s0, s3;
	v0 =	vadd.f32 v63, v0  }
0x3a3: {  	s0 =	sshrl.u32 s0, $0x3  }
0x3a4: {  	s31 =	sadd.s32 $0x1A0, s31;
	s6 =	sadd.s32 $0x1A0, s6;
	s0 =	sadd.s32 s4, s0;
	[tilespmem:$0x1C7F0] =	vst v0  }
0x3a5: {  	[hbm4b:s0+s11] =	stream.strided.scatter [tilespmem:s25], [sflag:$0x4], $0x3200, s22, s11, $0x38;
	[tilespmem:$0x1C800] =	vst v63  }
0x3a6: {  	s0 =	simm.s32 $0x3  }
0x3a7: {  	_ =	swait.ge [sflag:s0], $0x3200  }
0x3a8: {  	[sflag:s0] =	ssyncset.done $0x0  }
0x3a9: {  	[sflag:s0] =	ssyncadd.s32 $0xFFFFCE00  }
0x3aa: {  	_ =	swait.ge [sflag:s28], $0x3200  }
0x3ab: {  	s29 =	sadd.s32 $0x1, s29;
	s31 =	rddreg [dreg:$0x6]  }
0x3ac: {  	p0 =	sne.s32 s29, s31  }
.Ltmp3:
0x3ad: {  	_ = 	snop;
	(pc) =	sbr.rel @p0 .LBB2_1-.Ltmp3, $3  }
0x3ae: {  	_ =	sdelay $0x1  }
0x3af: {  	[sflag:s28] =	ssyncset.done $0x0  }
0x3b0: {  	[sflag:s28] =	ssyncadd.s32 $0xFFFFCE00  }
0x3b1: {  	_ =	sfence.sel $0x180000  }
0x3b2: {  	[bflag:$0x0] =	sbarrier.arrive $0xFFFF  }
0x3b3: {  	_ =	strace $0x90000047  }
0x3b4: {  	s0 =	stileid.u32;
	[bflag:$0x2] =	sbarrier.arrive $0xFFFF  }
0x3b5: {  	p0 =	sne.s32 s0, $0x0;
	s0 =	rddreg [dreg:$0x4]  }
0x3b6: {  	s0 =	sadd.s32 @!p0 $0x100000, s0  }
0x3b7: {  	[sflag:s0] =	ssyncadd.tile.s32 @!p0 $0x1;
	_ =	shalt  }
.Lfunc_end2:
_tile_overlayer_lowered:
.L_overlay_start_2:
0x3b8: {  	(tag) =	ssettag $0x2  }
0x3b9: {  	s0 =	rddreg [dreg:$0x0];
	s2 =	stileid.u32  }
0x3ba: {  	s1 =	rddreg [dreg:$0x1];
	p0 =	sne.s32 s2, $0x0  }
0x3bb: {  	s3 =	rddreg [dreg:$0x2];
	[bflag:$0x3] =	sbarrier.arrive $0xFFFF;
	s2 =	simm.s32 @!p0 $0x1C05  }
0x3bc: {  	[timem:s3], [sflag:s2] =	dma.local @!p0 [hbm:s0], s1  }
0x3bd: {  	s0 =	simm.s32 @!p0 $0x5  }
0x3be: {  	_ =	swait.ge @!p0 [sflag:s0], s1  }
0x3bf: {  	s1 =	ssub.s32 @!p0 $0x0, s1;
	[sflag:s0] =	ssyncset.done @!p0 $0x0  }
0x3c0: {  	[sflag:s0] =	ssyncadd.s32 @!p0 s1  }
0x3c1: {  	[bflag:$0x3] =	sbarrier.arrive $0xFFFF  }
0x3c2: {  	_ =	shalt  }

</sc_bundles>
